<compile_context>
chip_gen: v7x
topology: tpu7x:2x2x1
jax: 0.10.2.dev20260603
libtpu: 0.0.44.dev20260713+nightly
codegen_flags: <defaults>
</compile_context>

<pallas_src>
import functools

import jax
import jax.numpy as jnp
from jax import lax
from jax.experimental import pallas as pl
from jax.experimental.pallas import tpu as pltpu
from jax.experimental.pallas import tpu_sc as plsc

D_MODEL = 1024
NUM_CORES = 2
NUM_SUBCORES = 16
NW = NUM_CORES * NUM_SUBCORES

K = 16
NBUF = 6


def _make_gather(n_idx):
    per_w = n_idx // NW
    chunks = []
    off = 0
    while off < per_w:
        c = min(K, per_w - off)
        chunks.append((off, c))
        off += c
    nch = len(chunks)
    mesh = plsc.VectorSubcoreMesh(core_axis_name="c", subcore_axis_name="s")

    @functools.partial(
        pl.kernel,
        mesh=mesh,
        out_type=jax.ShapeDtypeStruct((n_idx, D_MODEL), jnp.float32),
        scratch_types=[
            pltpu.VMEM((per_w,), jnp.int32),
            [pltpu.VMEM((K, D_MODEL), jnp.float32) for _ in range(NBUF)],
            [pltpu.SemaphoreType.DMA for _ in range(NBUF)],
            [pltpu.SemaphoreType.DMA for _ in range(NBUF)],
        ],
    )
    def gather_kernel(idx_hbm, table_hbm, out_hbm, idx_v, bufs, gsems, ssems):
        wid = lax.axis_index("s") * NUM_CORES + lax.axis_index("c")
        base = wid * per_w
        pltpu.sync_copy(idx_hbm.at[pl.ds(base, per_w)], idx_v)

        def gath(g):
            p = g % NBUF
            off, c = chunks[g]
            dst = bufs[p] if c == K else bufs[p].at[pl.ds(0, c)]
            return pltpu.make_async_copy(
                table_hbm.at[idx_v.at[pl.ds(off, c)]], dst, gsems[p]
            )

        def scat(g):
            p = g % NBUF
            off, c = chunks[g]
            src = bufs[p] if c == K else bufs[p].at[pl.ds(0, c)]
            return pltpu.make_async_copy(
                src, out_hbm.at[pl.ds(base + off, c)], ssems[p]
            )

        for g in range(min(NBUF - 1, nch)):
            gath(g).start()
        for g in range(nch):
            gath(g).wait()
            scat(g).start()
            nxt = g + NBUF - 1
            if nxt < nch:
                if nxt - NBUF >= 0:
                    scat(nxt - NBUF).wait()
                gath(nxt).start()
        for g in range(max(nch - NBUF, 0), nch):
            scat(g).wait()

    return gather_kernel


def kernel(timesteps, pe, index_select):
    del index_select
    b, l = timesteps.shape
    flat = timesteps.reshape(-1).astype(jnp.int32)
    out = _make_gather(flat.shape[0])(flat, pe)
    return out.reshape(b, l, pe.shape[-1])

# --- scband reference (transcript-rebuilt; emitter-appended) ---
"""Pipeline reference for scband-transformer-position-encoding-14087492731566 (READ-ONLY COPY).

The authoritative reference and input builder live on the scoring server;
editing this copy changes nothing except your own understanding.
"""

import jax, jax.numpy as jnp
import numpy as np
import math

MAX_LEN = 8192
D_MODEL = 1024
B, L = 4, 8192


def _make_pe():
    position = jnp.arange(MAX_LEN, dtype=jnp.float32)
    half_dim = D_MODEL // 2
    emb = jnp.exp(jnp.arange(half_dim, dtype=jnp.float32) * -(math.log(10000.0) / half_dim))
    ang = position[:, None] * emb[None, :]
    pe = jnp.concatenate([jnp.sin(ang), jnp.cos(ang)], axis=1)
    return pe


def setup_inputs(seed: int = 0) -> dict:
    key = jax.random.key(seed)
    timesteps = jax.random.randint(key, (B, L), 0, MAX_LEN, dtype=jnp.int32)
    pe = _make_pe()
    return {"timesteps": timesteps, "pe": pe, "index_select": 1}


def reference(timesteps, pe, index_select):
    t = (timesteps + index_select * 0).astype(jnp.int32)
    if t.ndim == 3:
        Bb, Ll, K = t.shape
        return jnp.take(pe, t.reshape(-1), axis=0).reshape(Bb, Ll, K, pe.shape[-1])
    else:
        Bb, Ll = t.shape
        return jnp.take(pe, t.reshape(-1), axis=0).reshape(Bb, Ll, pe.shape[-1])

if __name__ == "__main__":
    import jax
    _d = setup_inputs()
    print(jax.jit(kernel)(*tuple(_d.values())))

</pallas_src>

<mosaic_0001>
#map = affine_map<(d0, d1) -> (0)>
#map1 = affine_map<(d0, d1) -> (0, 0)>
module attributes {stable_mosaic.version = 14 : i64} {
  func.func @gather_kernel(%arg0: i32, %arg1: i32, %arg2: memref<32768xi32, #tpu.memory_space<hbm>>, %arg3: memref<8192x1024xf32, #tpu.memory_space<hbm>>, %arg4: memref<32768x1024xf32, #tpu.memory_space<hbm>>, %arg5: memref<1024xi32, #tpu.memory_space<vmem>>, %arg6: memref<16x1024xf32, #tpu.memory_space<vmem>>, %arg7: memref<16x1024xf32, #tpu.memory_space<vmem>>, %arg8: memref<16x1024xf32, #tpu.memory_space<vmem>>, %arg9: memref<16x1024xf32, #tpu.memory_space<vmem>>, %arg10: memref<16x1024xf32, #tpu.memory_space<vmem>>, %arg11: memref<16x1024xf32, #tpu.memory_space<vmem>>, %arg12: memref<!tpu.dma_semaphore, #tpu.memory_space<semaphore_mem>>, %arg13: memref<!tpu.dma_semaphore, #tpu.memory_space<semaphore_mem>>, %arg14: memref<!tpu.dma_semaphore, #tpu.memory_space<semaphore_mem>>, %arg15: memref<!tpu.dma_semaphore, #tpu.memory_space<semaphore_mem>>, %arg16: memref<!tpu.dma_semaphore, #tpu.memory_space<semaphore_mem>>, %arg17: memref<!tpu.dma_semaphore, #tpu.memory_space<semaphore_mem>>, %arg18: memref<!tpu.dma_semaphore, #tpu.memory_space<semaphore_mem>>, %arg19: memref<!tpu.dma_semaphore, #tpu.memory_space<semaphore_mem>>, %arg20: memref<!tpu.dma_semaphore, #tpu.memory_space<semaphore_mem>>, %arg21: memref<!tpu.dma_semaphore, #tpu.memory_space<semaphore_mem>>, %arg22: memref<!tpu.dma_semaphore, #tpu.memory_space<semaphore_mem>>, %arg23: memref<!tpu.dma_semaphore, #tpu.memory_space<semaphore_mem>>) attributes {dimension_semantics = [#tpu.dimension_semantics<core_parallel>, #tpu.dimension_semantics<subcore_parallel>], iteration_bounds = array<i64: 2, 16>, scalar_prefetch = 0 : i64, scratch_operands = 19 : i64, tpu.core_type = #tpu.core_type<sc_vector_subcore>, window_params = [{transform_indices = #map}, {transform_indices = #map1}, {transform_indices = #map1}]} {
    %mul3A = arith.constant 2 : i32
    %mul3A_0 = arith.muli %arg1, %mul3A : i32
    %add3A = arith.addi %mul3A_0, %arg0 : i32
    %mul3A_1 = arith.constant 1024 : i32
    %mul3A_2 = arith.muli %add3A, %mul3A_1 : i32
    "tpu.region"() ({
      %run_scoped3A = tpu.sem_alloc : memref<!tpu.dma_semaphore, #tpu.memory_space<semaphore_mem>>
      %dma_start3A_1409 = tpu.memref_slice %arg2[%mul3A_2] : memref<32768xi32, #tpu.memory_space<hbm>> -> memref<1024xi32, #tpu.memory_space<hbm>>
      %dma_start3A_1410 = tpu.memref_slice %arg2[%mul3A_2] : memref<32768xi32, #tpu.memory_space<hbm>> -> memref<1024xi32, #tpu.memory_space<hbm>>
      tpu.enqueue_dma source(%dma_start3A_1410 : memref<1024xi32, #tpu.memory_space<hbm>>) target(%arg5 : memref<1024xi32, #tpu.memory_space<vmem>>) target_semaphore(%run_scoped3A : memref<!tpu.dma_semaphore, #tpu.memory_space<semaphore_mem>>)
      %dma_wait3A_1411 = tpu.memref_slice %arg2[%mul3A_2] : memref<32768xi32, #tpu.memory_space<hbm>> -> memref<1024xi32, #tpu.memory_space<hbm>>
      %dma_wait3A_1412 = tpu.memref_slice %arg2[%mul3A_2] : memref<32768xi32, #tpu.memory_space<hbm>> -> memref<1024xi32, #tpu.memory_space<hbm>>
      tpu.wait_dma2 semaphore(%run_scoped3A : memref<!tpu.dma_semaphore, #tpu.memory_space<semaphore_mem>>) src(%dma_wait3A_1412 : memref<1024xi32, #tpu.memory_space<hbm>>) dst(%arg5 : memref<1024xi32, #tpu.memory_space<vmem>>)
      tpu.yield
    }) : () -> ()
    %dma_start3A = arith.constant 0 : i32
    %dma_start3A_3 = tpu.memref_slice %arg5[%dma_start3A] : memref<1024xi32, #tpu.memory_space<vmem>> -> memref<16xi32, #tpu.memory_space<vmem>>
    %dma_start3A_4 = arith.constant 0 : i32
    %dma_start3A_5 = arith.constant 0 : i32
    %dma_start3A_6 = tpu.memref_slice %arg3[%dma_start3A_4, %dma_start3A_5] : memref<8192x1024xf32, #tpu.memory_space<hbm>> -> memref<8192x1024xf32, #tpu.memory_space<hbm>>
    tpu.enqueue_indirect_dma source(%dma_start3A_6 : memref<8192x1024xf32, #tpu.memory_space<hbm>>) target(%arg6 : memref<16x1024xf32, #tpu.memory_space<vmem>>) offsets(%dma_start3A_3 : memref<16xi32, #tpu.memory_space<vmem>>) semaphore(%arg12 : memref<!tpu.dma_semaphore, #tpu.memory_space<semaphore_mem>>)
    %dma_start3A_7 = arith.constant 16 : i32
    %dma_start3A_8 = tpu.memref_slice %arg5[%dma_start3A_7] : memref<1024xi32, #tpu.memory_space<vmem>> -> memref<16xi32, #tpu.memory_space<vmem>>
    %dma_start3A_9 = arith.constant 0 : i32
    %dma_start3A_10 = arith.constant 0 : i32
    %dma_start3A_11 = tpu.memref_slice %arg3[%dma_start3A_9, %dma_start3A_10] : memref<8192x1024xf32, #tpu.memory_space<hbm>> -> memref<8192x1024xf32, #tpu.memory_space<hbm>>
    tpu.enqueue_indirect_dma source(%dma_start3A_11 : memref<8192x1024xf32, #tpu.memory_space<hbm>>) target(%arg7 : memref<16x1024xf32, #tpu.memory_space<vmem>>) offsets(%dma_start3A_8 : memref<16xi32, #tpu.memory_space<vmem>>) semaphore(%arg13 : memref<!tpu.dma_semaphore, #tpu.memory_space<semaphore_mem>>)
    %dma_start3A_12 = arith.constant 32 : i32
    %dma_start3A_13 = tpu.memref_slice %arg5[%dma_start3A_12] : memref<1024xi32, #tpu.memory_space<vmem>> -> memref<16xi32, #tpu.memory_space<vmem>>
    %dma_start3A_14 = arith.constant 0 : i32
    %dma_start3A_15 = arith.constant 0 : i32
    %dma_start3A_16 = tpu.memref_slice %arg3[%dma_start3A_14, %dma_start3A_15] : memref<8192x1024xf32, #tpu.memory_space<hbm>> -> memref<8192x1024xf32, #tpu.memory_space<hbm>>
    tpu.enqueue_indirect_dma source(%dma_start3A_16 : memref<8192x1024xf32, #tpu.memory_space<hbm>>) target(%arg8 : memref<16x1024xf32, #tpu.memory_space<vmem>>) offsets(%dma_start3A_13 : memref<16xi32, #tpu.memory_space<vmem>>) semaphore(%arg14 : memref<!tpu.dma_semaphore, #tpu.memory_space<semaphore_mem>>)
    %dma_start3A_17 = arith.constant 48 : i32
    %dma_start3A_18 = tpu.memref_slice %arg5[%dma_start3A_17] : memref<1024xi32, #tpu.memory_space<vmem>> -> memref<16xi32, #tpu.memory_space<vmem>>
    %dma_start3A_19 = arith.constant 0 : i32
    %dma_start3A_20 = arith.constant 0 : i32
    %dma_start3A_21 = tpu.memref_slice %arg3[%dma_start3A_19, %dma_start3A_20] : memref<8192x1024xf32, #tpu.memory_space<hbm>> -> memref<8192x1024xf32, #tpu.memory_space<hbm>>
    tpu.enqueue_indirect_dma source(%dma_start3A_21 : memref<8192x1024xf32, #tpu.memory_space<hbm>>) target(%arg9 : memref<16x1024xf32, #tpu.memory_space<vmem>>) offsets(%dma_start3A_18 : memref<16xi32, #tpu.memory_space<vmem>>) semaphore(%arg15 : memref<!tpu.dma_semaphore, #tpu.memory_space<semaphore_mem>>)
    %dma_start3A_22 = arith.constant 64 : i32
    %dma_start3A_23 = tpu.memref_slice %arg5[%dma_start3A_22] : memref<1024xi32, #tpu.memory_space<vmem>> -> memref<16xi32, #tpu.memory_space<vmem>>
    %dma_start3A_24 = arith.constant 0 : i32
    %dma_start3A_25 = arith.constant 0 : i32
    %dma_start3A_26 = tpu.memref_slice %arg3[%dma_start3A_24, %dma_start3A_25] : memref<8192x1024xf32, #tpu.memory_space<hbm>> -> memref<8192x1024xf32, #tpu.memory_space<hbm>>
    tpu.enqueue_indirect_dma source(%dma_start3A_26 : memref<8192x1024xf32, #tpu.memory_space<hbm>>) target(%arg10 : memref<16x1024xf32, #tpu.memory_space<vmem>>) offsets(%dma_start3A_23 : memref<16xi32, #tpu.memory_space<vmem>>) semaphore(%arg16 : memref<!tpu.dma_semaphore, #tpu.memory_space<semaphore_mem>>)
    %dma_wait3A = arith.constant 0 : i32
    %dma_wait3A_27 = tpu.memref_slice %arg5[%dma_wait3A] : memref<1024xi32, #tpu.memory_space<vmem>> -> memref<16xi32, #tpu.memory_space<vmem>>
    %dma_wait3A_28 = arith.constant 0 : i32
    %dma_wait3A_29 = arith.constant 0 : i32
    %dma_wait3A_30 = tpu.memref_slice %arg3[%dma_wait3A_28, %dma_wait3A_29] : memref<8192x1024xf32, #tpu.memory_space<hbm>> -> memref<8192x1024xf32, #tpu.memory_space<hbm>>
    tpu.wait_indirect_dma semaphore(%arg12 : memref<!tpu.dma_semaphore, #tpu.memory_space<semaphore_mem>>) src(%dma_wait3A_30 : memref<8192x1024xf32, #tpu.memory_space<hbm>>) dst(%arg6 : memref<16x1024xf32, #tpu.memory_space<vmem>>)
    %add3A_31 = arith.constant 0 : i32
    %add3A_32 = arith.addi %mul3A_2, %add3A_31 : i32
    %dma_start3A_33 = arith.constant 0 : i32
    %dma_start3A_34 = tpu.memref_slice %arg4[%add3A_32, %dma_start3A_33] : memref<32768x1024xf32, #tpu.memory_space<hbm>> -> memref<16x1024xf32, #tpu.memory_space<hbm>>
    %dma_start3A_35 = arith.constant 0 : i32
    %dma_start3A_36 = tpu.memref_slice %arg4[%add3A_32, %dma_start3A_35] : memref<32768x1024xf32, #tpu.memory_space<hbm>> -> memref<16x1024xf32, #tpu.memory_space<hbm>>
    tpu.enqueue_dma source(%arg6 : memref<16x1024xf32, #tpu.memory_space<vmem>>) target(%dma_start3A_36 : memref<16x1024xf32, #tpu.memory_space<hbm>>) target_semaphore(%arg18 : memref<!tpu.dma_semaphore, #tpu.memory_space<semaphore_mem>>)
    %dma_start3A_37 = arith.constant 80 : i32
    %dma_start3A_38 = tpu.memref_slice %arg5[%dma_start3A_37] : memref<1024xi32, #tpu.memory_space<vmem>> -> memref<16xi32, #tpu.memory_space<vmem>>
    %dma_start3A_39 = arith.constant 0 : i32
    %dma_start3A_40 = arith.constant 0 : i32
    %dma_start3A_41 = tpu.memref_slice %arg3[%dma_start3A_39, %dma_start3A_40] : memref<8192x1024xf32, #tpu.memory_space<hbm>> -> memref<8192x1024xf32, #tpu.memory_space<hbm>>
    tpu.enqueue_indirect_dma source(%dma_start3A_41 : memref<8192x1024xf32, #tpu.memory_space<hbm>>) target(%arg11 : memref<16x1024xf32, #tpu.memory_space<vmem>>) offsets(%dma_start3A_38 : memref<16xi32, #tpu.memory_space<vmem>>) semaphore(%arg17 : memref<!tpu.dma_semaphore, #tpu.memory_space<semaphore_mem>>)
    %dma_wait3A_42 = arith.constant 16 : i32
    %dma_wait3A_43 = tpu.memref_slice %arg5[%dma_wait3A_42] : memref<1024xi32, #tpu.memory_space<vmem>> -> memref<16xi32, #tpu.memory_space<vmem>>
    %dma_wait3A_44 = arith.constant 0 : i32
    %dma_wait3A_45 = arith.constant 0 : i32
    %dma_wait3A_46 = tpu.memref_slice %arg3[%dma_wait3A_44, %dma_wait3A_45] : memref<8192x1024xf32, #tpu.memory_space<hbm>> -> memref<8192x1024xf32, #tpu.memory_space<hbm>>
    tpu.wait_indirect_dma semaphore(%arg13 : memref<!tpu.dma_semaphore, #tpu.memory_space<semaphore_mem>>) src(%dma_wait3A_46 : memref<8192x1024xf32, #tpu.memory_space<hbm>>) dst(%arg7 : memref<16x1024xf32, #tpu.memory_space<vmem>>)
    %add3A_47 = arith.constant 16 : i32
    %add3A_48 = arith.addi %mul3A_2, %add3A_47 : i32
    %dma_start3A_49 = arith.constant 0 : i32
    %dma_start3A_50 = tpu.memref_slice %arg4[%add3A_48, %dma_start3A_49] : memref<32768x1024xf32, #tpu.memory_space<hbm>> -> memref<16x1024xf32, #tpu.memory_space<hbm>>
    %dma_start3A_51 = arith.constant 0 : i32
    %dma_start3A_52 = tpu.memref_slice %arg4[%add3A_48, %dma_start3A_51] : memref<32768x1024xf32, #tpu.memory_space<hbm>> -> memref<16x1024xf32, #tpu.memory_space<hbm>>
    tpu.enqueue_dma source(%arg7 : memref<16x1024xf32, #tpu.memory_space<vmem>>) target(%dma_start3A_52 : memref<16x1024xf32, #tpu.memory_space<hbm>>) target_semaphore(%arg19 : memref<!tpu.dma_semaphore, #tpu.memory_space<semaphore_mem>>)
    %add3A_53 = arith.constant 0 : i32
    %add3A_54 = arith.addi %mul3A_2, %add3A_53 : i32
    %dma_wait3A_55 = arith.constant 0 : i32
    %dma_wait3A_56 = tpu.memref_slice %arg4[%add3A_54, %dma_wait3A_55] : memref<32768x1024xf32, #tpu.memory_space<hbm>> -> memref<16x1024xf32, #tpu.memory_space<hbm>>
    %dma_wait3A_57 = arith.constant 0 : i32
    %dma_wait3A_58 = tpu.memref_slice %arg4[%add3A_54, %dma_wait3A_57] : memref<32768x1024xf32, #tpu.memory_space<hbm>> -> memref<16x1024xf32, #tpu.memory_space<hbm>>
    tpu.wait_dma2 semaphore(%arg18 : memref<!tpu.dma_semaphore, #tpu.memory_space<semaphore_mem>>) src(%arg6 : memref<16x1024xf32, #tpu.memory_space<vmem>>) dst(%dma_wait3A_58 : memref<16x1024xf32, #tpu.memory_space<hbm>>)
    %dma_start3A_59 = arith.constant 96 : i32
    %dma_start3A_60 = tpu.memref_slice %arg5[%dma_start3A_59] : memref<1024xi32, #tpu.memory_space<vmem>> -> memref<16xi32, #tpu.memory_space<vmem>>
    %dma_start3A_61 = arith.constant 0 : i32
    %dma_start3A_62 = arith.constant 0 : i32
    %dma_start3A_63 = tpu.memref_slice %arg3[%dma_start3A_61, %dma_start3A_62] : memref<8192x1024xf32, #tpu.memory_space<hbm>> -> memref<8192x1024xf32, #tpu.memory_space<hbm>>
    tpu.enqueue_indirect_dma source(%dma_start3A_63 : memref<8192x1024xf32, #tpu.memory_space<hbm>>) target(%arg6 : memref<16x1024xf32, #tpu.memory_space<vmem>>) offsets(%dma_start3A_60 : memref<16xi32, #tpu.memory_space<vmem>>) semaphore(%arg12 : memref<!tpu.dma_semaphore, #tpu.memory_space<semaphore_mem>>)
    %dma_wait3A_64 = arith.constant 32 : i32
    %dma_wait3A_65 = tpu.memref_slice %arg5[%dma_wait3A_64] : memref<1024xi32, #tpu.memory_space<vmem>> -> memref<16xi32, #tpu.memory_space<vmem>>
    %dma_wait3A_66 = arith.constant 0 : i32
    %dma_wait3A_67 = arith.constant 0 : i32
    %dma_wait3A_68 = tpu.memref_slice %arg3[%dma_wait3A_66, %dma_wait3A_67] : memref<8192x1024xf32, #tpu.memory_space<hbm>> -> memref<8192x1024xf32, #tpu.memory_space<hbm>>
    tpu.wait_indirect_dma semaphore(%arg14 : memref<!tpu.dma_semaphore, #tpu.memory_space<semaphore_mem>>) src(%dma_wait3A_68 : memref<8192x1024xf32, #tpu.memory_space<hbm>>) dst(%arg8 : memref<16x1024xf32, #tpu.memory_space<vmem>>)
    %add3A_69 = arith.constant 32 : i32
    %add3A_70 = arith.addi %mul3A_2, %add3A_69 : i32
    %dma_start3A_71 = arith.constant 0 : i32
    %dma_start3A_72 = tpu.memref_slice %arg4[%add3A_70, %dma_start3A_71] : memref<32768x1024xf32, #tpu.memory_space<hbm>> -> memref<16x1024xf32, #tpu.memory_space<hbm>>
    %dma_start3A_73 = arith.constant 0 : i32
    %dma_start3A_74 = tpu.memref_slice %arg4[%add3A_70, %dma_start3A_73] : memref<32768x1024xf32, #tpu.memory_space<hbm>> -> memref<16x1024xf32, #tpu.memory_space<hbm>>
    tpu.enqueue_dma source(%arg8 : memref<16x1024xf32, #tpu.memory_space<vmem>>) target(%dma_start3A_74 : memref<16x1024xf32, #tpu.memory_space<hbm>>) target_semaphore(%arg20 : memref<!tpu.dma_semaphore, #tpu.memory_space<semaphore_mem>>)
    %add3A_75 = arith.constant 16 : i32
    %add3A_76 = arith.addi %mul3A_2, %add3A_75 : i32
    %dma_wait3A_77 = arith.constant 0 : i32
    %dma_wait3A_78 = tpu.memref_slice %arg4[%add3A_76, %dma_wait3A_77] : memref<32768x1024xf32, #tpu.memory_space<hbm>> -> memref<16x1024xf32, #tpu.memory_space<hbm>>
    %dma_wait3A_79 = arith.constant 0 : i32
    %dma_wait3A_80 = tpu.memref_slice %arg4[%add3A_76, %dma_wait3A_79] : memref<32768x1024xf32, #tpu.memory_space<hbm>> -> memref<16x1024xf32, #tpu.memory_space<hbm>>
    tpu.wait_dma2 semaphore(%arg19 : memref<!tpu.dma_semaphore, #tpu.memory_space<semaphore_mem>>) src(%arg7 : memref<16x1024xf32, #tpu.memory_space<vmem>>) dst(%dma_wait3A_80 : memref<16x1024xf32, #tpu.memory_space<hbm>>)
    %dma_start3A_81 = arith.constant 112 : i32
    %dma_start3A_82 = tpu.memref_slice %arg5[%dma_start3A_81] : memref<1024xi32, #tpu.memory_space<vmem>> -> memref<16xi32, #tpu.memory_space<vmem>>
    %dma_start3A_83 = arith.constant 0 : i32
    %dma_start3A_84 = arith.constant 0 : i32
    %dma_start3A_85 = tpu.memref_slice %arg3[%dma_start3A_83, %dma_start3A_84] : memref<8192x1024xf32, #tpu.memory_space<hbm>> -> memref<8192x1024xf32, #tpu.memory_space<hbm>>
    tpu.enqueue_indirect_dma source(%dma_start3A_85 : memref<8192x1024xf32, #tpu.memory_space<hbm>>) target(%arg7 : memref<16x1024xf32, #tpu.memory_space<vmem>>) offsets(%dma_start3A_82 : memref<16xi32, #tpu.memory_space<vmem>>) semaphore(%arg13 : memref<!tpu.dma_semaphore, #tpu.memory_space<semaphore_mem>>)
    %dma_wait3A_86 = arith.constant 48 : i32
    %dma_wait3A_87 = tpu.memref_slice %arg5[%dma_wait3A_86] : memref<1024xi32, #tpu.memory_space<vmem>> -> memref<16xi32, #tpu.memory_space<vmem>>
    %dma_wait3A_88 = arith.constant 0 : i32
    %dma_wait3A_89 = arith.constant 0 : i32
    %dma_wait3A_90 = tpu.memref_slice %arg3[%dma_wait3A_88, %dma_wait3A_89] : memref<8192x1024xf32, #tpu.memory_space<hbm>> -> memref<8192x1024xf32, #tpu.memory_space<hbm>>
    tpu.wait_indirect_dma semaphore(%arg15 : memref<!tpu.dma_semaphore, #tpu.memory_space<semaphore_mem>>) src(%dma_wait3A_90 : memref<8192x1024xf32, #tpu.memory_space<hbm>>) dst(%arg9 : memref<16x1024xf32, #tpu.memory_space<vmem>>)
    %add3A_91 = arith.constant 48 : i32
    %add3A_92 = arith.addi %mul3A_2, %add3A_91 : i32
    %dma_start3A_93 = arith.constant 0 : i32
    %dma_start3A_94 = tpu.memref_slice %arg4[%add3A_92, %dma_start3A_93] : memref<32768x1024xf32, #tpu.memory_space<hbm>> -> memref<16x1024xf32, #tpu.memory_space<hbm>>
    %dma_start3A_95 = arith.constant 0 : i32
    %dma_start3A_96 = tpu.memref_slice %arg4[%add3A_92, %dma_start3A_95] : memref<32768x1024xf32, #tpu.memory_space<hbm>> -> memref<16x1024xf32, #tpu.memory_space<hbm>>
    tpu.enqueue_dma source(%arg9 : memref<16x1024xf32, #tpu.memory_space<vmem>>) target(%dma_start3A_96 : memref<16x1024xf32, #tpu.memory_space<hbm>>) target_semaphore(%arg21 : memref<!tpu.dma_semaphore, #tpu.memory_space<semaphore_mem>>)
    %add3A_97 = arith.constant 32 : i32
    %add3A_98 = arith.addi %mul3A_2, %add3A_97 : i32
    %dma_wait3A_99 = arith.constant 0 : i32
    %dma_wait3A_100 = tpu.memref_slice %arg4[%add3A_98, %dma_wait3A_99] : memref<32768x1024xf32, #tpu.memory_space<hbm>> -> memref<16x1024xf32, #tpu.memory_space<hbm>>
    %dma_wait3A_101 = arith.constant 0 : i32
    %dma_wait3A_102 = tpu.memref_slice %arg4[%add3A_98, %dma_wait3A_101] : memref<32768x1024xf32, #tpu.memory_space<hbm>> -> memref<16x1024xf32, #tpu.memory_space<hbm>>
    tpu.wait_dma2 semaphore(%arg20 : memref<!tpu.dma_semaphore, #tpu.memory_space<semaphore_mem>>) src(%arg8 : memref<16x1024xf32, #tpu.memory_space<vmem>>) dst(%dma_wait3A_102 : memref<16x1024xf32, #tpu.memory_space<hbm>>)
    %dma_start3A_103 = arith.constant 128 : i32
    %dma_start3A_104 = tpu.memref_slice %arg5[%dma_start3A_103] : memref<1024xi32, #tpu.memory_space<vmem>> -> memref<16xi32, #tpu.memory_space<vmem>>
    %dma_start3A_105 = arith.constant 0 : i32
    %dma_start3A_106 = arith.constant 0 : i32
    %dma_start3A_107 = tpu.memref_slice %arg3[%dma_start3A_105, %dma_start3A_106] : memref<8192x1024xf32, #tpu.memory_space<hbm>> -> memref<8192x1024xf32, #tpu.memory_space<hbm>>
    tpu.enqueue_indirect_dma source(%dma_start3A_107 : memref<8192x1024xf32, #tpu.memory_space<hbm>>) target(%arg8 : memref<16x1024xf32, #tpu.memory_space<vmem>>) offsets(%dma_start3A_104 : memref<16xi32, #tpu.memory_space<vmem>>) semaphore(%arg14 : memref<!tpu.dma_semaphore, #tpu.memory_space<semaphore_mem>>)
    %dma_wait3A_108 = arith.constant 64 : i32
    %dma_wait3A_109 = tpu.memref_slice %arg5[%dma_wait3A_108] : memref<1024xi32, #tpu.memory_space<vmem>> -> memref<16xi32, #tpu.memory_space<vmem>>
    %dma_wait3A_110 = arith.constant 0 : i32
    %dma_wait3A_111 = arith.constant 0 : i32
    %dma_wait3A_112 = tpu.memref_slice %arg3[%dma_wait3A_110, %dma_wait3A_111] : memref<8192x1024xf32, #tpu.memory_space<hbm>> -> memref<8192x1024xf32, #tpu.memory_space<hbm>>
    tpu.wait_indirect_dma semaphore(%arg16 : memref<!tpu.dma_semaphore, #tpu.memory_space<semaphore_mem>>) src(%dma_wait3A_112 : memref<8192x1024xf32, #tpu.memory_space<hbm>>) dst(%arg10 : memref<16x1024xf32, #tpu.memory_space<vmem>>)
    %add3A_113 = arith.constant 64 : i32
    %add3A_114 = arith.addi %mul3A_2, %add3A_113 : i32
    %dma_start3A_115 = arith.constant 0 : i32
    %dma_start3A_116 = tpu.memref_slice %arg4[%add3A_114, %dma_start3A_115] : memref<32768x1024xf32, #tpu.memory_space<hbm>> -> memref<16x1024xf32, #tpu.memory_space<hbm>>
    %dma_start3A_117 = arith.constant 0 : i32
    %dma_start3A_118 = tpu.memref_slice %arg4[%add3A_114, %dma_start3A_117] : memref<32768x1024xf32, #tpu.memory_space<hbm>> -> memref<16x1024xf32, #tpu.memory_space<hbm>>
    tpu.enqueue_dma source(%arg10 : memref<16x1024xf32, #tpu.memory_space<vmem>>) target(%dma_start3A_118 : memref<16x1024xf32, #tpu.memory_space<hbm>>) target_semaphore(%arg22 : memref<!tpu.dma_semaphore, #tpu.memory_space<semaphore_mem>>)
    %add3A_119 = arith.constant 48 : i32
    %add3A_120 = arith.addi %mul3A_2, %add3A_119 : i32
    %dma_wait3A_121 = arith.constant 0 : i32
    %dma_wait3A_122 = tpu.memref_slice %arg4[%add3A_120, %dma_wait3A_121] : memref<32768x1024xf32, #tpu.memory_space<hbm>> -> memref<16x1024xf32, #tpu.memory_space<hbm>>
    %dma_wait3A_123 = arith.constant 0 : i32
    %dma_wait3A_124 = tpu.memref_slice %arg4[%add3A_120, %dma_wait3A_123] : memref<32768x1024xf32, #tpu.memory_space<hbm>> -> memref<16x1024xf32, #tpu.memory_space<hbm>>
    tpu.wait_dma2 semaphore(%arg21 : memref<!tpu.dma_semaphore, #tpu.memory_space<semaphore_mem>>) src(%arg9 : memref<16x1024xf32, #tpu.memory_space<vmem>>) dst(%dma_wait3A_124 : memref<16x1024xf32, #tpu.memory_space<hbm>>)
    %dma_start3A_125 = arith.constant 144 : i32
    %dma_start3A_126 = tpu.memref_slice %arg5[%dma_start3A_125] : memref<1024xi32, #tpu.memory_space<vmem>> -> memref<16xi32, #tpu.memory_space<vmem>>
    %dma_start3A_127 = arith.constant 0 : i32
    %dma_start3A_128 = arith.constant 0 : i32
    %dma_start3A_129 = tpu.memref_slice %arg3[%dma_start3A_127, %dma_start3A_128] : memref<8192x1024xf32, #tpu.memory_space<hbm>> -> memref<8192x1024xf32, #tpu.memory_space<hbm>>
    tpu.enqueue_indirect_dma source(%dma_start3A_129 : memref<8192x1024xf32, #tpu.memory_space<hbm>>) target(%arg9 : memref<16x1024xf32, #tpu.memory_space<vmem>>) offsets(%dma_start3A_126 : memref<16xi32, #tpu.memory_space<vmem>>) semaphore(%arg15 : memref<!tpu.dma_semaphore, #tpu.memory_space<semaphore_mem>>)
    %dma_wait3A_130 = arith.constant 80 : i32
    %dma_wait3A_131 = tpu.memref_slice %arg5[%dma_wait3A_130] : memref<1024xi32, #tpu.memory_space<vmem>> -> memref<16xi32, #tpu.memory_space<vmem>>
    %dma_wait3A_132 = arith.constant 0 : i32
    %dma_wait3A_133 = arith.constant 0 : i32
    %dma_wait3A_134 = tpu.memref_slice %arg3[%dma_wait3A_132, %dma_wait3A_133] : memref<8192x1024xf32, #tpu.memory_space<hbm>> -> memref<8192x1024xf32, #tpu.memory_space<hbm>>
    tpu.wait_indirect_dma semaphore(%arg17 : memref<!tpu.dma_semaphore, #tpu.memory_space<semaphore_mem>>) src(%dma_wait3A_134 : memref<8192x1024xf32, #tpu.memory_space<hbm>>) dst(%arg11 : memref<16x1024xf32, #tpu.memory_space<vmem>>)
    %add3A_135 = arith.constant 80 : i32
    %add3A_136 = arith.addi %mul3A_2, %add3A_135 : i32
    %dma_start3A_137 = arith.constant 0 : i32
    %dma_start3A_138 = tpu.memref_slice %arg4[%add3A_136, %dma_start3A_137] : memref<32768x1024xf32, #tpu.memory_space<hbm>> -> memref<16x1024xf32, #tpu.memory_space<hbm>>
    %dma_start3A_139 = arith.constant 0 : i32
    %dma_start3A_140 = tpu.memref_slice %arg4[%add3A_136, %dma_start3A_139] : memref<32768x1024xf32, #tpu.memory_space<hbm>> -> memref<16x1024xf32, #tpu.memory_space<hbm>>
    tpu.enqueue_dma source(%arg11 : memref<16x1024xf32, #tpu.memory_space<vmem>>) target(%dma_start3A_140 : memref<16x1024xf32, #tpu.memory_space<hbm>>) target_semaphore(%arg23 : memref<!tpu.dma_semaphore, #tpu.memory_space<semaphore_mem>>)
    %add3A_141 = arith.constant 64 : i32
    %add3A_142 = arith.addi %mul3A_2, %add3A_141 : i32
    %dma_wait3A_143 = arith.constant 0 : i32
    %dma_wait3A_144 = tpu.memref_slice %arg4[%add3A_142, %dma_wait3A_143] : memref<32768x1024xf32, #tpu.memory_space<hbm>> -> memref<16x1024xf32, #tpu.memory_space<hbm>>
    %dma_wait3A_145 = arith.constant 0 : i32
    %dma_wait3A_146 = tpu.memref_slice %arg4[%add3A_142, %dma_wait3A_145] : memref<32768x1024xf32, #tpu.memory_space<hbm>> -> memref<16x1024xf32, #tpu.memory_space<hbm>>
    tpu.wait_dma2 semaphore(%arg22 : memref<!tpu.dma_semaphore, #tpu.memory_space<semaphore_mem>>) src(%arg10 : memref<16x1024xf32, #tpu.memory_space<vmem>>) dst(%dma_wait3A_146 : memref<16x1024xf32, #tpu.memory_space<hbm>>)
    %dma_start3A_147 = arith.constant 160 : i32
    %dma_start3A_148 = tpu.memref_slice %arg5[%dma_start3A_147] : memref<1024xi32, #tpu.memory_space<vmem>> -> memref<16xi32, #tpu.memory_space<vmem>>
    %dma_start3A_149 = arith.constant 0 : i32
    %dma_start3A_150 = arith.constant 0 : i32
    %dma_start3A_151 = tpu.memref_slice %arg3[%dma_start3A_149, %dma_start3A_150] : memref<8192x1024xf32, #tpu.memory_space<hbm>> -> memref<8192x1024xf32, #tpu.memory_space<hbm>>
    tpu.enqueue_indirect_dma source(%dma_start3A_151 : memref<8192x1024xf32, #tpu.memory_space<hbm>>) target(%arg10 : memref<16x1024xf32, #tpu.memory_space<vmem>>) offsets(%dma_start3A_148 : memref<16xi32, #tpu.memory_space<vmem>>) semaphore(%arg16 : memref<!tpu.dma_semaphore, #tpu.memory_space<semaphore_mem>>)
    %dma_wait3A_152 = arith.constant 96 : i32
    %dma_wait3A_153 = tpu.memref_slice %arg5[%dma_wait3A_152] : memref<1024xi32, #tpu.memory_space<vmem>> -> memref<16xi32, #tpu.memory_space<vmem>>
    %dma_wait3A_154 = arith.constant 0 : i32
    %dma_wait3A_155 = arith.constant 0 : i32
    %dma_wait3A_156 = tpu.memref_slice %arg3[%dma_wait3A_154, %dma_wait3A_155] : memref<8192x1024xf32, #tpu.memory_space<hbm>> -> memref<8192x1024xf32, #tpu.memory_space<hbm>>
    tpu.wait_indirect_dma semaphore(%arg12 : memref<!tpu.dma_semaphore, #tpu.memory_space<semaphore_mem>>) src(%dma_wait3A_156 : memref<8192x1024xf32, #tpu.memory_space<hbm>>) dst(%arg6 : memref<16x1024xf32, #tpu.memory_space<vmem>>)
    %add3A_157 = arith.constant 96 : i32
    %add3A_158 = arith.addi %mul3A_2, %add3A_157 : i32
    %dma_start3A_159 = arith.constant 0 : i32
    %dma_start3A_160 = tpu.memref_slice %arg4[%add3A_158, %dma_start3A_159] : memref<32768x1024xf32, #tpu.memory_space<hbm>> -> memref<16x1024xf32, #tpu.memory_space<hbm>>
    %dma_start3A_161 = arith.constant 0 : i32
    %dma_start3A_162 = tpu.memref_slice %arg4[%add3A_158, %dma_start3A_161] : memref<32768x1024xf32, #tpu.memory_space<hbm>> -> memref<16x1024xf32, #tpu.memory_space<hbm>>
    tpu.enqueue_dma source(%arg6 : memref<16x1024xf32, #tpu.memory_space<vmem>>) target(%dma_start3A_162 : memref<16x1024xf32, #tpu.memory_space<hbm>>) target_semaphore(%arg18 : memref<!tpu.dma_semaphore, #tpu.memory_space<semaphore_mem>>)
    %add3A_163 = arith.constant 80 : i32
    %add3A_164 = arith.addi %mul3A_2, %add3A_163 : i32
    %dma_wait3A_165 = arith.constant 0 : i32
    %dma_wait3A_166 = tpu.memref_slice %arg4[%add3A_164, %dma_wait3A_165] : memref<32768x1024xf32, #tpu.memory_space<hbm>> -> memref<16x1024xf32, #tpu.memory_space<hbm>>
    %dma_wait3A_167 = arith.constant 0 : i32
    %dma_wait3A_168 = tpu.memref_slice %arg4[%add3A_164, %dma_wait3A_167] : memref<32768x1024xf32, #tpu.memory_space<hbm>> -> memref<16x1024xf32, #tpu.memory_space<hbm>>
    tpu.wait_dma2 semaphore(%arg23 : memref<!tpu.dma_semaphore, #tpu.memory_space<semaphore_mem>>) src(%arg11 : memref<16x1024xf32, #tpu.memory_space<vmem>>) dst(%dma_wait3A_168 : memref<16x1024xf32, #tpu.memory_space<hbm>>)
    %dma_start3A_169 = arith.constant 176 : i32
    %dma_start3A_170 = tpu.memref_slice %arg5[%dma_start3A_169] : memref<1024xi32, #tpu.memory_space<vmem>> -> memref<16xi32, #tpu.memory_space<vmem>>
    %dma_start3A_171 = arith.constant 0 : i32
    %dma_start3A_172 = arith.constant 0 : i32
    %dma_start3A_173 = tpu.memref_slice %arg3[%dma_start3A_171, %dma_start3A_172] : memref<8192x1024xf32, #tpu.memory_space<hbm>> -> memref<8192x1024xf32, #tpu.memory_space<hbm>>
    tpu.enqueue_indirect_dma source(%dma_start3A_173 : memref<8192x1024xf32, #tpu.memory_space<hbm>>) target(%arg11 : memref<16x1024xf32, #tpu.memory_space<vmem>>) offsets(%dma_start3A_170 : memref<16xi32, #tpu.memory_space<vmem>>) semaphore(%arg17 : memref<!tpu.dma_semaphore, #tpu.memory_space<semaphore_mem>>)
    %dma_wait3A_174 = arith.constant 112 : i32
    %dma_wait3A_175 = tpu.memref_slice %arg5[%dma_wait3A_174] : memref<1024xi32, #tpu.memory_space<vmem>> -> memref<16xi32, #tpu.memory_space<vmem>>
    %dma_wait3A_176 = arith.constant 0 : i32
    %dma_wait3A_177 = arith.constant 0 : i32
    %dma_wait3A_178 = tpu.memref_slice %arg3[%dma_wait3A_176, %dma_wait3A_177] : memref<8192x1024xf32, #tpu.memory_space<hbm>> -> memref<8192x1024xf32, #tpu.memory_space<hbm>>
    tpu.wait_indirect_dma semaphore(%arg13 : memref<!tpu.dma_semaphore, #tpu.memory_space<semaphore_mem>>) src(%dma_wait3A_178 : memref<8192x1024xf32, #tpu.memory_space<hbm>>) dst(%arg7 : memref<16x1024xf32, #tpu.memory_space<vmem>>)
    %add3A_179 = arith.constant 112 : i32
    %add3A_180 = arith.addi %mul3A_2, %add3A_179 : i32
    %dma_start3A_181 = arith.constant 0 : i32
    %dma_start3A_182 = tpu.memref_slice %arg4[%add3A_180, %dma_start3A_181] : memref<32768x1024xf32, #tpu.memory_space<hbm>> -> memref<16x1024xf32, #tpu.memory_space<hbm>>
    %dma_start3A_183 = arith.constant 0 : i32
    %dma_start3A_184 = tpu.memref_slice %arg4[%add3A_180, %dma_start3A_183] : memref<32768x1024xf32, #tpu.memory_space<hbm>> -> memref<16x1024xf32, #tpu.memory_space<hbm>>
    tpu.enqueue_dma source(%arg7 : memref<16x1024xf32, #tpu.memory_space<vmem>>) target(%dma_start3A_184 : memref<16x1024xf32, #tpu.memory_space<hbm>>) target_semaphore(%arg19 : memref<!tpu.dma_semaphore, #tpu.memory_space<semaphore_mem>>)
    %add3A_185 = arith.constant 96 : i32
    %add3A_186 = arith.addi %mul3A_2, %add3A_185 : i32
    %dma_wait3A_187 = arith.constant 0 : i32
    %dma_wait3A_188 = tpu.memref_slice %arg4[%add3A_186, %dma_wait3A_187] : memref<32768x1024xf32, #tpu.memory_space<hbm>> -> memref<16x1024xf32, #tpu.memory_space<hbm>>
    %dma_wait3A_189 = arith.constant 0 : i32
    %dma_wait3A_190 = tpu.memref_slice %arg4[%add3A_186, %dma_wait3A_189] : memref<32768x1024xf32, #tpu.memory_space<hbm>> -> memref<16x1024xf32, #tpu.memory_space<hbm>>
    tpu.wait_dma2 semaphore(%arg18 : memref<!tpu.dma_semaphore, #tpu.memory_space<semaphore_mem>>) src(%arg6 : memref<16x1024xf32, #tpu.memory_space<vmem>>) dst(%dma_wait3A_190 : memref<16x1024xf32, #tpu.memory_space<hbm>>)
    %dma_start3A_191 = arith.constant 192 : i32
    %dma_start3A_192 = tpu.memref_slice %arg5[%dma_start3A_191] : memref<1024xi32, #tpu.memory_space<vmem>> -> memref<16xi32, #tpu.memory_space<vmem>>
    %dma_start3A_193 = arith.constant 0 : i32
    %dma_start3A_194 = arith.constant 0 : i32
    %dma_start3A_195 = tpu.memref_slice %arg3[%dma_start3A_193, %dma_start3A_194] : memref<8192x1024xf32, #tpu.memory_space<hbm>> -> memref<8192x1024xf32, #tpu.memory_space<hbm>>
    tpu.enqueue_indirect_dma source(%dma_start3A_195 : memref<8192x1024xf32, #tpu.memory_space<hbm>>) target(%arg6 : memref<16x1024xf32, #tpu.memory_space<vmem>>) offsets(%dma_start3A_192 : memref<16xi32, #tpu.memory_space<vmem>>) semaphore(%arg12 : memref<!tpu.dma_semaphore, #tpu.memory_space<semaphore_mem>>)
    %dma_wait3A_196 = arith.constant 128 : i32
    %dma_wait3A_197 = tpu.memref_slice %arg5[%dma_wait3A_196] : memref<1024xi32, #tpu.memory_space<vmem>> -> memref<16xi32, #tpu.memory_space<vmem>>
    %dma_wait3A_198 = arith.constant 0 : i32
    %dma_wait3A_199 = arith.constant 0 : i32
    %dma_wait3A_200 = tpu.memref_slice %arg3[%dma_wait3A_198, %dma_wait3A_199] : memref<8192x1024xf32, #tpu.memory_space<hbm>> -> memref<8192x1024xf32, #tpu.memory_space<hbm>>
    tpu.wait_indirect_dma semaphore(%arg14 : memref<!tpu.dma_semaphore, #tpu.memory_space<semaphore_mem>>) src(%dma_wait3A_200 : memref<8192x1024xf32, #tpu.memory_space<hbm>>) dst(%arg8 : memref<16x1024xf32, #tpu.memory_space<vmem>>)
    %add3A_201 = arith.constant 128 : i32
    %add3A_202 = arith.addi %mul3A_2, %add3A_201 : i32
    %dma_start3A_203 = arith.constant 0 : i32
    %dma_start3A_204 = tpu.memref_slice %arg4[%add3A_202, %dma_start3A_203] : memref<32768x1024xf32, #tpu.memory_space<hbm>> -> memref<16x1024xf32, #tpu.memory_space<hbm>>
    %dma_start3A_205 = arith.constant 0 : i32
    %dma_start3A_206 = tpu.memref_slice %arg4[%add3A_202, %dma_start3A_205] : memref<32768x1024xf32, #tpu.memory_space<hbm>> -> memref<16x1024xf32, #tpu.memory_space<hbm>>
    tpu.enqueue_dma source(%arg8 : memref<16x1024xf32, #tpu.memory_space<vmem>>) target(%dma_start3A_206 : memref<16x1024xf32, #tpu.memory_space<hbm>>) target_semaphore(%arg20 : memref<!tpu.dma_semaphore, #tpu.memory_space<semaphore_mem>>)
    %add3A_207 = arith.constant 112 : i32
    %add3A_208 = arith.addi %mul3A_2, %add3A_207 : i32
    %dma_wait3A_209 = arith.constant 0 : i32
    %dma_wait3A_210 = tpu.memref_slice %arg4[%add3A_208, %dma_wait3A_209] : memref<32768x1024xf32, #tpu.memory_space<hbm>> -> memref<16x1024xf32, #tpu.memory_space<hbm>>
    %dma_wait3A_211 = arith.constant 0 : i32
    %dma_wait3A_212 = tpu.memref_slice %arg4[%add3A_208, %dma_wait3A_211] : memref<32768x1024xf32, #tpu.memory_space<hbm>> -> memref<16x1024xf32, #tpu.memory_space<hbm>>
    tpu.wait_dma2 semaphore(%arg19 : memref<!tpu.dma_semaphore, #tpu.memory_space<semaphore_mem>>) src(%arg7 : memref<16x1024xf32, #tpu.memory_space<vmem>>) dst(%dma_wait3A_212 : memref<16x1024xf32, #tpu.memory_space<hbm>>)
    %dma_start3A_213 = arith.constant 208 : i32
    %dma_start3A_214 = tpu.memref_slice %arg5[%dma_start3A_213] : memref<1024xi32, #tpu.memory_space<vmem>> -> memref<16xi32, #tpu.memory_space<vmem>>
    %dma_start3A_215 = arith.constant 0 : i32
    %dma_start3A_216 = arith.constant 0 : i32
    %dma_start3A_217 = tpu.memref_slice %arg3[%dma_start3A_215, %dma_start3A_216] : memref<8192x1024xf32, #tpu.memory_space<hbm>> -> memref<8192x1024xf32, #tpu.memory_space<hbm>>
    tpu.enqueue_indirect_dma source(%dma_start3A_217 : memref<8192x1024xf32, #tpu.memory_space<hbm>>) target(%arg7 : memref<16x1024xf32, #tpu.memory_space<vmem>>) offsets(%dma_start3A_214 : memref<16xi32, #tpu.memory_space<vmem>>) semaphore(%arg13 : memref<!tpu.dma_semaphore, #tpu.memory_space<semaphore_mem>>)
    %dma_wait3A_218 = arith.constant 144 : i32
    %dma_wait3A_219 = tpu.memref_slice %arg5[%dma_wait3A_218] : memref<1024xi32, #tpu.memory_space<vmem>> -> memref<16xi32, #tpu.memory_space<vmem>>
    %dma_wait3A_220 = arith.constant 0 : i32
    %dma_wait3A_221 = arith.constant 0 : i32
    %dma_wait3A_222 = tpu.memref_slice %arg3[%dma_wait3A_220, %dma_wait3A_221] : memref<8192x1024xf32, #tpu.memory_space<hbm>> -> memref<8192x1024xf32, #tpu.memory_space<hbm>>
    tpu.wait_indirect_dma semaphore(%arg15 : memref<!tpu.dma_semaphore, #tpu.memory_space<semaphore_mem>>) src(%dma_wait3A_222 : memref<8192x1024xf32, #tpu.memory_space<hbm>>) dst(%arg9 : memref<16x1024xf32, #tpu.memory_space<vmem>>)
    %add3A_223 = arith.constant 144 : i32
    %add3A_224 = arith.addi %mul3A_2, %add3A_223 : i32
    %dma_start3A_225 = arith.constant 0 : i32
    %dma_start3A_226 = tpu.memref_slice %arg4[%add3A_224, %dma_start3A_225] : memref<32768x1024xf32, #tpu.memory_space<hbm>> -> memref<16x1024xf32, #tpu.memory_space<hbm>>
    %dma_start3A_227 = arith.constant 0 : i32
    %dma_start3A_228 = tpu.memref_slice %arg4[%add3A_224, %dma_start3A_227] : memref<32768x1024xf32, #tpu.memory_space<hbm>> -> memref<16x1024xf32, #tpu.memory_space<hbm>>
    tpu.enqueue_dma source(%arg9 : memref<16x1024xf32, #tpu.memory_space<vmem>>) target(%dma_start3A_228 : memref<16x1024xf32, #tpu.memory_space<hbm>>) target_semaphore(%arg21 : memref<!tpu.dma_semaphore, #tpu.memory_space<semaphore_mem>>)
    %add3A_229 = arith.constant 128 : i32
    %add3A_230 = arith.addi %mul3A_2, %add3A_229 : i32
    %dma_wait3A_231 = arith.constant 0 : i32
    %dma_wait3A_232 = tpu.memref_slice %arg4[%add3A_230, %dma_wait3A_231] : memref<32768x1024xf32, #tpu.memory_space<hbm>> -> memref<16x1024xf32, #tpu.memory_space<hbm>>
    %dma_wait3A_233 = arith.constant 0 : i32
    %dma_wait3A_234 = tpu.memref_slice %arg4[%add3A_230, %dma_wait3A_233] : memref<32768x1024xf32, #tpu.memory_space<hbm>> -> memref<16x1024xf32, #tpu.memory_space<hbm>>
    tpu.wait_dma2 semaphore(%arg20 : memref<!tpu.dma_semaphore, #tpu.memory_space<semaphore_mem>>) src(%arg8 : memref<16x1024xf32, #tpu.memory_space<vmem>>) dst(%dma_wait3A_234 : memref<16x1024xf32, #tpu.memory_space<hbm>>)
    %dma_start3A_235 = arith.constant 224 : i32
    %dma_start3A_236 = tpu.memref_slice %arg5[%dma_start3A_235] : memref<1024xi32, #tpu.memory_space<vmem>> -> memref<16xi32, #tpu.memory_space<vmem>>
    %dma_start3A_237 = arith.constant 0 : i32
    %dma_start3A_238 = arith.constant 0 : i32
    %dma_start3A_239 = tpu.memref_slice %arg3[%dma_start3A_237, %dma_start3A_238] : memref<8192x1024xf32, #tpu.memory_space<hbm>> -> memref<8192x1024xf32, #tpu.memory_space<hbm>>
    tpu.enqueue_indirect_dma source(%dma_start3A_239 : memref<8192x1024xf32, #tpu.memory_space<hbm>>) target(%arg8 : memref<16x1024xf32, #tpu.memory_space<vmem>>) offsets(%dma_start3A_236 : memref<16xi32, #tpu.memory_space<vmem>>) semaphore(%arg14 : memref<!tpu.dma_semaphore, #tpu.memory_space<semaphore_mem>>)
    %dma_wait3A_240 = arith.constant 160 : i32
    %dma_wait3A_241 = tpu.memref_slice %arg5[%dma_wait3A_240] : memref<1024xi32, #tpu.memory_space<vmem>> -> memref<16xi32, #tpu.memory_space<vmem>>
    %dma_wait3A_242 = arith.constant 0 : i32
    %dma_wait3A_243 = arith.constant 0 : i32
    %dma_wait3A_244 = tpu.memref_slice %arg3[%dma_wait3A_242, %dma_wait3A_243] : memref<8192x1024xf32, #tpu.memory_space<hbm>> -> memref<8192x1024xf32, #tpu.memory_space<hbm>>
    tpu.wait_indirect_dma semaphore(%arg16 : memref<!tpu.dma_semaphore, #tpu.memory_space<semaphore_mem>>) src(%dma_wait3A_244 : memref<8192x1024xf32, #tpu.memory_space<hbm>>) dst(%arg10 : memref<16x1024xf32, #tpu.memory_space<vmem>>)
    %add3A_245 = arith.constant 160 : i32
    %add3A_246 = arith.addi %mul3A_2, %add3A_245 : i32
    %dma_start3A_247 = arith.constant 0 : i32
    %dma_start3A_248 = tpu.memref_slice %arg4[%add3A_246, %dma_start3A_247] : memref<32768x1024xf32, #tpu.memory_space<hbm>> -> memref<16x1024xf32, #tpu.memory_space<hbm>>
    %dma_start3A_249 = arith.constant 0 : i32
    %dma_start3A_250 = tpu.memref_slice %arg4[%add3A_246, %dma_start3A_249] : memref<32768x1024xf32, #tpu.memory_space<hbm>> -> memref<16x1024xf32, #tpu.memory_space<hbm>>
    tpu.enqueue_dma source(%arg10 : memref<16x1024xf32, #tpu.memory_space<vmem>>) target(%dma_start3A_250 : memref<16x1024xf32, #tpu.memory_space<hbm>>) target_semaphore(%arg22 : memref<!tpu.dma_semaphore, #tpu.memory_space<semaphore_mem>>)
    %add3A_251 = arith.constant 144 : i32
    %add3A_252 = arith.addi %mul3A_2, %add3A_251 : i32
    %dma_wait3A_253 = arith.constant 0 : i32
    %dma_wait3A_254 = tpu.memref_slice %arg4[%add3A_252, %dma_wait3A_253] : memref<32768x1024xf32, #tpu.memory_space<hbm>> -> memref<16x1024xf32, #tpu.memory_space<hbm>>
    %dma_wait3A_255 = arith.constant 0 : i32
    %dma_wait3A_256 = tpu.memref_slice %arg4[%add3A_252, %dma_wait3A_255] : memref<32768x1024xf32, #tpu.memory_space<hbm>> -> memref<16x1024xf32, #tpu.memory_space<hbm>>
    tpu.wait_dma2 semaphore(%arg21 : memref<!tpu.dma_semaphore, #tpu.memory_space<semaphore_mem>>) src(%arg9 : memref<16x1024xf32, #tpu.memory_space<vmem>>) dst(%dma_wait3A_256 : memref<16x1024xf32, #tpu.memory_space<hbm>>)
    %dma_start3A_257 = arith.constant 240 : i32
    %dma_start3A_258 = tpu.memref_slice %arg5[%dma_start3A_257] : memref<1024xi32, #tpu.memory_space<vmem>> -> memref<16xi32, #tpu.memory_space<vmem>>
    %dma_start3A_259 = arith.constant 0 : i32
    %dma_start3A_260 = arith.constant 0 : i32
    %dma_start3A_261 = tpu.memref_slice %arg3[%dma_start3A_259, %dma_start3A_260] : memref<8192x1024xf32, #tpu.memory_space<hbm>> -> memref<8192x1024xf32, #tpu.memory_space<hbm>>
    tpu.enqueue_indirect_dma source(%dma_start3A_261 : memref<8192x1024xf32, #tpu.memory_space<hbm>>) target(%arg9 : memref<16x1024xf32, #tpu.memory_space<vmem>>) offsets(%dma_start3A_258 : memref<16xi32, #tpu.memory_space<vmem>>) semaphore(%arg15 : memref<!tpu.dma_semaphore, #tpu.memory_space<semaphore_mem>>)
    %dma_wait3A_262 = arith.constant 176 : i32
    %dma_wait3A_263 = tpu.memref_slice %arg5[%dma_wait3A_262] : memref<1024xi32, #tpu.memory_space<vmem>> -> memref<16xi32, #tpu.memory_space<vmem>>
    %dma_wait3A_264 = arith.constant 0 : i32
    %dma_wait3A_265 = arith.constant 0 : i32
    %dma_wait3A_266 = tpu.memref_slice %arg3[%dma_wait3A_264, %dma_wait3A_265] : memref<8192x1024xf32, #tpu.memory_space<hbm>> -> memref<8192x1024xf32, #tpu.memory_space<hbm>>
    tpu.wait_indirect_dma semaphore(%arg17 : memref<!tpu.dma_semaphore, #tpu.memory_space<semaphore_mem>>) src(%dma_wait3A_266 : memref<8192x1024xf32, #tpu.memory_space<hbm>>) dst(%arg11 : memref<16x1024xf32, #tpu.memory_space<vmem>>)
    %add3A_267 = arith.constant 176 : i32
    %add3A_268 = arith.addi %mul3A_2, %add3A_267 : i32
    %dma_start3A_269 = arith.constant 0 : i32
    %dma_start3A_270 = tpu.memref_slice %arg4[%add3A_268, %dma_start3A_269] : memref<32768x1024xf32, #tpu.memory_space<hbm>> -> memref<16x1024xf32, #tpu.memory_space<hbm>>
    %dma_start3A_271 = arith.constant 0 : i32
    %dma_start3A_272 = tpu.memref_slice %arg4[%add3A_268, %dma_start3A_271] : memref<32768x1024xf32, #tpu.memory_space<hbm>> -> memref<16x1024xf32, #tpu.memory_space<hbm>>
    tpu.enqueue_dma source(%arg11 : memref<16x1024xf32, #tpu.memory_space<vmem>>) target(%dma_start3A_272 : memref<16x1024xf32, #tpu.memory_space<hbm>>) target_semaphore(%arg23 : memref<!tpu.dma_semaphore, #tpu.memory_space<semaphore_mem>>)
    %add3A_273 = arith.constant 160 : i32
    %add3A_274 = arith.addi %mul3A_2, %add3A_273 : i32
    %dma_wait3A_275 = arith.constant 0 : i32
    %dma_wait3A_276 = tpu.memref_slice %arg4[%add3A_274, %dma_wait3A_275] : memref<32768x1024xf32, #tpu.memory_space<hbm>> -> memref<16x1024xf32, #tpu.memory_space<hbm>>
    %dma_wait3A_277 = arith.constant 0 : i32
    %dma_wait3A_278 = tpu.memref_slice %arg4[%add3A_274, %dma_wait3A_277] : memref<32768x1024xf32, #tpu.memory_space<hbm>> -> memref<16x1024xf32, #tpu.memory_space<hbm>>
    tpu.wait_dma2 semaphore(%arg22 : memref<!tpu.dma_semaphore, #tpu.memory_space<semaphore_mem>>) src(%arg10 : memref<16x1024xf32, #tpu.memory_space<vmem>>) dst(%dma_wait3A_278 : memref<16x1024xf32, #tpu.memory_space<hbm>>)
    %dma_start3A_279 = arith.constant 256 : i32
    %dma_start3A_280 = tpu.memref_slice %arg5[%dma_start3A_279] : memref<1024xi32, #tpu.memory_space<vmem>> -> memref<16xi32, #tpu.memory_space<vmem>>
    %dma_start3A_281 = arith.constant 0 : i32
    %dma_start3A_282 = arith.constant 0 : i32
    %dma_start3A_283 = tpu.memref_slice %arg3[%dma_start3A_281, %dma_start3A_282] : memref<8192x1024xf32, #tpu.memory_space<hbm>> -> memref<8192x1024xf32, #tpu.memory_space<hbm>>
    tpu.enqueue_indirect_dma source(%dma_start3A_283 : memref<8192x1024xf32, #tpu.memory_space<hbm>>) target(%arg10 : memref<16x1024xf32, #tpu.memory_space<vmem>>) offsets(%dma_start3A_280 : memref<16xi32, #tpu.memory_space<vmem>>) semaphore(%arg16 : memref<!tpu.dma_semaphore, #tpu.memory_space<semaphore_mem>>)
    %dma_wait3A_284 = arith.constant 192 : i32
    %dma_wait3A_285 = tpu.memref_slice %arg5[%dma_wait3A_284] : memref<1024xi32, #tpu.memory_space<vmem>> -> memref<16xi32, #tpu.memory_space<vmem>>
    %dma_wait3A_286 = arith.constant 0 : i32
    %dma_wait3A_287 = arith.constant 0 : i32
    %dma_wait3A_288 = tpu.memref_slice %arg3[%dma_wait3A_286, %dma_wait3A_287] : memref<8192x1024xf32, #tpu.memory_space<hbm>> -> memref<8192x1024xf32, #tpu.memory_space<hbm>>
    tpu.wait_indirect_dma semaphore(%arg12 : memref<!tpu.dma_semaphore, #tpu.memory_space<semaphore_mem>>) src(%dma_wait3A_288 : memref<8192x1024xf32, #tpu.memory_space<hbm>>) dst(%arg6 : memref<16x1024xf32, #tpu.memory_space<vmem>>)
    %add3A_289 = arith.constant 192 : i32
    %add3A_290 = arith.addi %mul3A_2, %add3A_289 : i32
    %dma_start3A_291 = arith.constant 0 : i32
    %dma_start3A_292 = tpu.memref_slice %arg4[%add3A_290, %dma_start3A_291] : memref<32768x1024xf32, #tpu.memory_space<hbm>> -> memref<16x1024xf32, #tpu.memory_space<hbm>>
    %dma_start3A_293 = arith.constant 0 : i32
    %dma_start3A_294 = tpu.memref_slice %arg4[%add3A_290, %dma_start3A_293] : memref<32768x1024xf32, #tpu.memory_space<hbm>> -> memref<16x1024xf32, #tpu.memory_space<hbm>>
    tpu.enqueue_dma source(%arg6 : memref<16x1024xf32, #tpu.memory_space<vmem>>) target(%dma_start3A_294 : memref<16x1024xf32, #tpu.memory_space<hbm>>) target_semaphore(%arg18 : memref<!tpu.dma_semaphore, #tpu.memory_space<semaphore_mem>>)
    %add3A_295 = arith.constant 176 : i32
    %add3A_296 = arith.addi %mul3A_2, %add3A_295 : i32
    %dma_wait3A_297 = arith.constant 0 : i32
    %dma_wait3A_298 = tpu.memref_slice %arg4[%add3A_296, %dma_wait3A_297] : memref<32768x1024xf32, #tpu.memory_space<hbm>> -> memref<16x1024xf32, #tpu.memory_space<hbm>>
    %dma_wait3A_299 = arith.constant 0 : i32
    %dma_wait3A_300 = tpu.memref_slice %arg4[%add3A_296, %dma_wait3A_299] : memref<32768x1024xf32, #tpu.memory_space<hbm>> -> memref<16x1024xf32, #tpu.memory_space<hbm>>
    tpu.wait_dma2 semaphore(%arg23 : memref<!tpu.dma_semaphore, #tpu.memory_space<semaphore_mem>>) src(%arg11 : memref<16x1024xf32, #tpu.memory_space<vmem>>) dst(%dma_wait3A_300 : memref<16x1024xf32, #tpu.memory_space<hbm>>)
    %dma_start3A_301 = arith.constant 272 : i32
    %dma_start3A_302 = tpu.memref_slice %arg5[%dma_start3A_301] : memref<1024xi32, #tpu.memory_space<vmem>> -> memref<16xi32, #tpu.memory_space<vmem>>
    %dma_start3A_303 = arith.constant 0 : i32
    %dma_start3A_304 = arith.constant 0 : i32
    %dma_start3A_305 = tpu.memref_slice %arg3[%dma_start3A_303, %dma_start3A_304] : memref<8192x1024xf32, #tpu.memory_space<hbm>> -> memref<8192x1024xf32, #tpu.memory_space<hbm>>
    tpu.enqueue_indirect_dma source(%dma_start3A_305 : memref<8192x1024xf32, #tpu.memory_space<hbm>>) target(%arg11 : memref<16x1024xf32, #tpu.memory_space<vmem>>) offsets(%dma_start3A_302 : memref<16xi32, #tpu.memory_space<vmem>>) semaphore(%arg17 : memref<!tpu.dma_semaphore, #tpu.memory_space<semaphore_mem>>)
    %dma_wait3A_306 = arith.constant 208 : i32
    %dma_wait3A_307 = tpu.memref_slice %arg5[%dma_wait3A_306] : memref<1024xi32, #tpu.memory_space<vmem>> -> memref<16xi32, #tpu.memory_space<vmem>>
    %dma_wait3A_308 = arith.constant 0 : i32
    %dma_wait3A_309 = arith.constant 0 : i32
    %dma_wait3A_310 = tpu.memref_slice %arg3[%dma_wait3A_308, %dma_wait3A_309] : memref<8192x1024xf32, #tpu.memory_space<hbm>> -> memref<8192x1024xf32, #tpu.memory_space<hbm>>
    tpu.wait_indirect_dma semaphore(%arg13 : memref<!tpu.dma_semaphore, #tpu.memory_space<semaphore_mem>>) src(%dma_wait3A_310 : memref<8192x1024xf32, #tpu.memory_space<hbm>>) dst(%arg7 : memref<16x1024xf32, #tpu.memory_space<vmem>>)
    %add3A_311 = arith.constant 208 : i32
    %add3A_312 = arith.addi %mul3A_2, %add3A_311 : i32
    %dma_start3A_313 = arith.constant 0 : i32
    %dma_start3A_314 = tpu.memref_slice %arg4[%add3A_312, %dma_start3A_313] : memref<32768x1024xf32, #tpu.memory_space<hbm>> -> memref<16x1024xf32, #tpu.memory_space<hbm>>
    %dma_start3A_315 = arith.constant 0 : i32
    %dma_start3A_316 = tpu.memref_slice %arg4[%add3A_312, %dma_start3A_315] : memref<32768x1024xf32, #tpu.memory_space<hbm>> -> memref<16x1024xf32, #tpu.memory_space<hbm>>
    tpu.enqueue_dma source(%arg7 : memref<16x1024xf32, #tpu.memory_space<vmem>>) target(%dma_start3A_316 : memref<16x1024xf32, #tpu.memory_space<hbm>>) target_semaphore(%arg19 : memref<!tpu.dma_semaphore, #tpu.memory_space<semaphore_mem>>)
    %add3A_317 = arith.constant 192 : i32
    %add3A_318 = arith.addi %mul3A_2, %add3A_317 : i32
    %dma_wait3A_319 = arith.constant 0 : i32
    %dma_wait3A_320 = tpu.memref_slice %arg4[%add3A_318, %dma_wait3A_319] : memref<32768x1024xf32, #tpu.memory_space<hbm>> -> memref<16x1024xf32, #tpu.memory_space<hbm>>
    %dma_wait3A_321 = arith.constant 0 : i32
    %dma_wait3A_322 = tpu.memref_slice %arg4[%add3A_318, %dma_wait3A_321] : memref<32768x1024xf32, #tpu.memory_space<hbm>> -> memref<16x1024xf32, #tpu.memory_space<hbm>>
    tpu.wait_dma2 semaphore(%arg18 : memref<!tpu.dma_semaphore, #tpu.memory_space<semaphore_mem>>) src(%arg6 : memref<16x1024xf32, #tpu.memory_space<vmem>>) dst(%dma_wait3A_322 : memref<16x1024xf32, #tpu.memory_space<hbm>>)
    %dma_start3A_323 = arith.constant 288 : i32
    %dma_start3A_324 = tpu.memref_slice %arg5[%dma_start3A_323] : memref<1024xi32, #tpu.memory_space<vmem>> -> memref<16xi32, #tpu.memory_space<vmem>>
    %dma_start3A_325 = arith.constant 0 : i32
    %dma_start3A_326 = arith.constant 0 : i32
    %dma_start3A_327 = tpu.memref_slice %arg3[%dma_start3A_325, %dma_start3A_326] : memref<8192x1024xf32, #tpu.memory_space<hbm>> -> memref<8192x1024xf32, #tpu.memory_space<hbm>>
    tpu.enqueue_indirect_dma source(%dma_start3A_327 : memref<8192x1024xf32, #tpu.memory_space<hbm>>) target(%arg6 : memref<16x1024xf32, #tpu.memory_space<vmem>>) offsets(%dma_start3A_324 : memref<16xi32, #tpu.memory_space<vmem>>) semaphore(%arg12 : memref<!tpu.dma_semaphore, #tpu.memory_space<semaphore_mem>>)
    %dma_wait3A_328 = arith.constant 224 : i32
    %dma_wait3A_329 = tpu.memref_slice %arg5[%dma_wait3A_328] : memref<1024xi32, #tpu.memory_space<vmem>> -> memref<16xi32, #tpu.memory_space<vmem>>
    %dma_wait3A_330 = arith.constant 0 : i32
    %dma_wait3A_331 = arith.constant 0 : i32
    %dma_wait3A_332 = tpu.memref_slice %arg3[%dma_wait3A_330, %dma_wait3A_331] : memref<8192x1024xf32, #tpu.memory_space<hbm>> -> memref<8192x1024xf32, #tpu.memory_space<hbm>>
    tpu.wait_indirect_dma semaphore(%arg14 : memref<!tpu.dma_semaphore, #tpu.memory_space<semaphore_mem>>) src(%dma_wait3A_332 : memref<8192x1024xf32, #tpu.memory_space<hbm>>) dst(%arg8 : memref<16x1024xf32, #tpu.memory_space<vmem>>)
    %add3A_333 = arith.constant 224 : i32
    %add3A_334 = arith.addi %mul3A_2, %add3A_333 : i32
    %dma_start3A_335 = arith.constant 0 : i32
    %dma_start3A_336 = tpu.memref_slice %arg4[%add3A_334, %dma_start3A_335] : memref<32768x1024xf32, #tpu.memory_space<hbm>> -> memref<16x1024xf32, #tpu.memory_space<hbm>>
    %dma_start3A_337 = arith.constant 0 : i32
    %dma_start3A_338 = tpu.memref_slice %arg4[%add3A_334, %dma_start3A_337] : memref<32768x1024xf32, #tpu.memory_space<hbm>> -> memref<16x1024xf32, #tpu.memory_space<hbm>>
    tpu.enqueue_dma source(%arg8 : memref<16x1024xf32, #tpu.memory_space<vmem>>) target(%dma_start3A_338 : memref<16x1024xf32, #tpu.memory_space<hbm>>) target_semaphore(%arg20 : memref<!tpu.dma_semaphore, #tpu.memory_space<semaphore_mem>>)
    %add3A_339 = arith.constant 208 : i32
    %add3A_340 = arith.addi %mul3A_2, %add3A_339 : i32
    %dma_wait3A_341 = arith.constant 0 : i32
    %dma_wait3A_342 = tpu.memref_slice %arg4[%add3A_340, %dma_wait3A_341] : memref<32768x1024xf32, #tpu.memory_space<hbm>> -> memref<16x1024xf32, #tpu.memory_space<hbm>>
    %dma_wait3A_343 = arith.constant 0 : i32
    %dma_wait3A_344 = tpu.memref_slice %arg4[%add3A_340, %dma_wait3A_343] : memref<32768x1024xf32, #tpu.memory_space<hbm>> -> memref<16x1024xf32, #tpu.memory_space<hbm>>
    tpu.wait_dma2 semaphore(%arg19 : memref<!tpu.dma_semaphore, #tpu.memory_space<semaphore_mem>>) src(%arg7 : memref<16x1024xf32, #tpu.memory_space<vmem>>) dst(%dma_wait3A_344 : memref<16x1024xf32, #tpu.memory_space<hbm>>)
    %dma_start3A_345 = arith.constant 304 : i32
    %dma_start3A_346 = tpu.memref_slice %arg5[%dma_start3A_345] : memref<1024xi32, #tpu.memory_space<vmem>> -> memref<16xi32, #tpu.memory_space<vmem>>
    %dma_start3A_347 = arith.constant 0 : i32
    %dma_start3A_348 = arith.constant 0 : i32
    %dma_start3A_349 = tpu.memref_slice %arg3[%dma_start3A_347, %dma_start3A_348] : memref<8192x1024xf32, #tpu.memory_space<hbm>> -> memref<8192x1024xf32, #tpu.memory_space<hbm>>
    tpu.enqueue_indirect_dma source(%dma_start3A_349 : memref<8192x1024xf32, #tpu.memory_space<hbm>>) target(%arg7 : memref<16x1024xf32, #tpu.memory_space<vmem>>) offsets(%dma_start3A_346 : memref<16xi32, #tpu.memory_space<vmem>>) semaphore(%arg13 : memref<!tpu.dma_semaphore, #tpu.memory_space<semaphore_mem>>)
    %dma_wait3A_350 = arith.constant 240 : i32
    %dma_wait3A_351 = tpu.memref_slice %arg5[%dma_wait3A_350] : memref<1024xi32, #tpu.memory_space<vmem>> -> memref<16xi32, #tpu.memory_space<vmem>>
    %dma_wait3A_352 = arith.constant 0 : i32
    %dma_wait3A_353 = arith.constant 0 : i32
    %dma_wait3A_354 = tpu.memref_slice %arg3[%dma_wait3A_352, %dma_wait3A_353] : memref<8192x1024xf32, #tpu.memory_space<hbm>> -> memref<8192x1024xf32, #tpu.memory_space<hbm>>
    tpu.wait_indirect_dma semaphore(%arg15 : memref<!tpu.dma_semaphore, #tpu.memory_space<semaphore_mem>>) src(%dma_wait3A_354 : memref<8192x1024xf32, #tpu.memory_space<hbm>>) dst(%arg9 : memref<16x1024xf32, #tpu.memory_space<vmem>>)
    %add3A_355 = arith.constant 240 : i32
    %add3A_356 = arith.addi %mul3A_2, %add3A_355 : i32
    %dma_start3A_357 = arith.constant 0 : i32
    %dma_start3A_358 = tpu.memref_slice %arg4[%add3A_356, %dma_start3A_357] : memref<32768x1024xf32, #tpu.memory_space<hbm>> -> memref<16x1024xf32, #tpu.memory_space<hbm>>
    %dma_start3A_359 = arith.constant 0 : i32
    %dma_start3A_360 = tpu.memref_slice %arg4[%add3A_356, %dma_start3A_359] : memref<32768x1024xf32, #tpu.memory_space<hbm>> -> memref<16x1024xf32, #tpu.memory_space<hbm>>
    tpu.enqueue_dma source(%arg9 : memref<16x1024xf32, #tpu.memory_space<vmem>>) target(%dma_start3A_360 : memref<16x1024xf32, #tpu.memory_space<hbm>>) target_semaphore(%arg21 : memref<!tpu.dma_semaphore, #tpu.memory_space<semaphore_mem>>)
    %add3A_361 = arith.constant 224 : i32
    %add3A_362 = arith.addi %mul3A_2, %add3A_361 : i32
    %dma_wait3A_363 = arith.constant 0 : i32
    %dma_wait3A_364 = tpu.memref_slice %arg4[%add3A_362, %dma_wait3A_363] : memref<32768x1024xf32, #tpu.memory_space<hbm>> -> memref<16x1024xf32, #tpu.memory_space<hbm>>
    %dma_wait3A_365 = arith.constant 0 : i32
    %dma_wait3A_366 = tpu.memref_slice %arg4[%add3A_362, %dma_wait3A_365] : memref<32768x1024xf32, #tpu.memory_space<hbm>> -> memref<16x1024xf32, #tpu.memory_space<hbm>>
    tpu.wait_dma2 semaphore(%arg20 : memref<!tpu.dma_semaphore, #tpu.memory_space<semaphore_mem>>) src(%arg8 : memref<16x1024xf32, #tpu.memory_space<vmem>>) dst(%dma_wait3A_366 : memref<16x1024xf32, #tpu.memory_space<hbm>>)
    %dma_start3A_367 = arith.constant 320 : i32
    %dma_start3A_368 = tpu.memref_slice %arg5[%dma_start3A_367] : memref<1024xi32, #tpu.memory_space<vmem>> -> memref<16xi32, #tpu.memory_space<vmem>>
    %dma_start3A_369 = arith.constant 0 : i32
    %dma_start3A_370 = arith.constant 0 : i32
    %dma_start3A_371 = tpu.memref_slice %arg3[%dma_start3A_369, %dma_start3A_370] : memref<8192x1024xf32, #tpu.memory_space<hbm>> -> memref<8192x1024xf32, #tpu.memory_space<hbm>>
    tpu.enqueue_indirect_dma source(%dma_start3A_371 : memref<8192x1024xf32, #tpu.memory_space<hbm>>) target(%arg8 : memref<16x1024xf32, #tpu.memory_space<vmem>>) offsets(%dma_start3A_368 : memref<16xi32, #tpu.memory_space<vmem>>) semaphore(%arg14 : memref<!tpu.dma_semaphore, #tpu.memory_space<semaphore_mem>>)
    %dma_wait3A_372 = arith.constant 256 : i32
    %dma_wait3A_373 = tpu.memref_slice %arg5[%dma_wait3A_372] : memref<1024xi32, #tpu.memory_space<vmem>> -> memref<16xi32, #tpu.memory_space<vmem>>
    %dma_wait3A_374 = arith.constant 0 : i32
    %dma_wait3A_375 = arith.constant 0 : i32
    %dma_wait3A_376 = tpu.memref_slice %arg3[%dma_wait3A_374, %dma_wait3A_375] : memref<8192x1024xf32, #tpu.memory_space<hbm>> -> memref<8192x1024xf32, #tpu.memory_space<hbm>>
    tpu.wait_indirect_dma semaphore(%arg16 : memref<!tpu.dma_semaphore, #tpu.memory_space<semaphore_mem>>) src(%dma_wait3A_376 : memref<8192x1024xf32, #tpu.memory_space<hbm>>) dst(%arg10 : memref<16x1024xf32, #tpu.memory_space<vmem>>)
    %add3A_377 = arith.constant 256 : i32
    %add3A_378 = arith.addi %mul3A_2, %add3A_377 : i32
    %dma_start3A_379 = arith.constant 0 : i32
    %dma_start3A_380 = tpu.memref_slice %arg4[%add3A_378, %dma_start3A_379] : memref<32768x1024xf32, #tpu.memory_space<hbm>> -> memref<16x1024xf32, #tpu.memory_space<hbm>>
    %dma_start3A_381 = arith.constant 0 : i32
    %dma_start3A_382 = tpu.memref_slice %arg4[%add3A_378, %dma_start3A_381] : memref<32768x1024xf32, #tpu.memory_space<hbm>> -> memref<16x1024xf32, #tpu.memory_space<hbm>>
    tpu.enqueue_dma source(%arg10 : memref<16x1024xf32, #tpu.memory_space<vmem>>) target(%dma_start3A_382 : memref<16x1024xf32, #tpu.memory_space<hbm>>) target_semaphore(%arg22 : memref<!tpu.dma_semaphore, #tpu.memory_space<semaphore_mem>>)
    %add3A_383 = arith.constant 240 : i32
    %add3A_384 = arith.addi %mul3A_2, %add3A_383 : i32
    %dma_wait3A_385 = arith.constant 0 : i32
    %dma_wait3A_386 = tpu.memref_slice %arg4[%add3A_384, %dma_wait3A_385] : memref<32768x1024xf32, #tpu.memory_space<hbm>> -> memref<16x1024xf32, #tpu.memory_space<hbm>>
    %dma_wait3A_387 = arith.constant 0 : i32
    %dma_wait3A_388 = tpu.memref_slice %arg4[%add3A_384, %dma_wait3A_387] : memref<32768x1024xf32, #tpu.memory_space<hbm>> -> memref<16x1024xf32, #tpu.memory_space<hbm>>
    tpu.wait_dma2 semaphore(%arg21 : memref<!tpu.dma_semaphore, #tpu.memory_space<semaphore_mem>>) src(%arg9 : memref<16x1024xf32, #tpu.memory_space<vmem>>) dst(%dma_wait3A_388 : memref<16x1024xf32, #tpu.memory_space<hbm>>)
    %dma_start3A_389 = arith.constant 336 : i32
    %dma_start3A_390 = tpu.memref_slice %arg5[%dma_start3A_389] : memref<1024xi32, #tpu.memory_space<vmem>> -> memref<16xi32, #tpu.memory_space<vmem>>
    %dma_start3A_391 = arith.constant 0 : i32
    %dma_start3A_392 = arith.constant 0 : i32
    %dma_start3A_393 = tpu.memref_slice %arg3[%dma_start3A_391, %dma_start3A_392] : memref<8192x1024xf32, #tpu.memory_space<hbm>> -> memref<8192x1024xf32, #tpu.memory_space<hbm>>
    tpu.enqueue_indirect_dma source(%dma_start3A_393 : memref<8192x1024xf32, #tpu.memory_space<hbm>>) target(%arg9 : memref<16x1024xf32, #tpu.memory_space<vmem>>) offsets(%dma_start3A_390 : memref<16xi32, #tpu.memory_space<vmem>>) semaphore(%arg15 : memref<!tpu.dma_semaphore, #tpu.memory_space<semaphore_mem>>)
    %dma_wait3A_394 = arith.constant 272 : i32
    %dma_wait3A_395 = tpu.memref_slice %arg5[%dma_wait3A_394] : memref<1024xi32, #tpu.memory_space<vmem>> -> memref<16xi32, #tpu.memory_space<vmem>>
    %dma_wait3A_396 = arith.constant 0 : i32
    %dma_wait3A_397 = arith.constant 0 : i32
    %dma_wait3A_398 = tpu.memref_slice %arg3[%dma_wait3A_396, %dma_wait3A_397] : memref<8192x1024xf32, #tpu.memory_space<hbm>> -> memref<8192x1024xf32, #tpu.memory_space<hbm>>
    tpu.wait_indirect_dma semaphore(%arg17 : memref<!tpu.dma_semaphore, #tpu.memory_space<semaphore_mem>>) src(%dma_wait3A_398 : memref<8192x1024xf32, #tpu.memory_space<hbm>>) dst(%arg11 : memref<16x1024xf32, #tpu.memory_space<vmem>>)
    %add3A_399 = arith.constant 272 : i32
    %add3A_400 = arith.addi %mul3A_2, %add3A_399 : i32
    %dma_start3A_401 = arith.constant 0 : i32
    %dma_start3A_402 = tpu.memref_slice %arg4[%add3A_400, %dma_start3A_401] : memref<32768x1024xf32, #tpu.memory_space<hbm>> -> memref<16x1024xf32, #tpu.memory_space<hbm>>
    %dma_start3A_403 = arith.constant 0 : i32
    %dma_start3A_404 = tpu.memref_slice %arg4[%add3A_400, %dma_start3A_403] : memref<32768x1024xf32, #tpu.memory_space<hbm>> -> memref<16x1024xf32, #tpu.memory_space<hbm>>
    tpu.enqueue_dma source(%arg11 : memref<16x1024xf32, #tpu.memory_space<vmem>>) target(%dma_start3A_404 : memref<16x1024xf32, #tpu.memory_space<hbm>>) target_semaphore(%arg23 : memref<!tpu.dma_semaphore, #tpu.memory_space<semaphore_mem>>)
    %add3A_405 = arith.constant 256 : i32
    %add3A_406 = arith.addi %mul3A_2, %add3A_405 : i32
    %dma_wait3A_407 = arith.constant 0 : i32
    %dma_wait3A_408 = tpu.memref_slice %arg4[%add3A_406, %dma_wait3A_407] : memref<32768x1024xf32, #tpu.memory_space<hbm>> -> memref<16x1024xf32, #tpu.memory_space<hbm>>
    %dma_wait3A_409 = arith.constant 0 : i32
    %dma_wait3A_410 = tpu.memref_slice %arg4[%add3A_406, %dma_wait3A_409] : memref<32768x1024xf32, #tpu.memory_space<hbm>> -> memref<16x1024xf32, #tpu.memory_space<hbm>>
    tpu.wait_dma2 semaphore(%arg22 : memref<!tpu.dma_semaphore, #tpu.memory_space<semaphore_mem>>) src(%arg10 : memref<16x1024xf32, #tpu.memory_space<vmem>>) dst(%dma_wait3A_410 : memref<16x1024xf32, #tpu.memory_space<hbm>>)
    %dma_start3A_411 = arith.constant 352 : i32
    %dma_start3A_412 = tpu.memref_slice %arg5[%dma_start3A_411] : memref<1024xi32, #tpu.memory_space<vmem>> -> memref<16xi32, #tpu.memory_space<vmem>>
    %dma_start3A_413 = arith.constant 0 : i32
    %dma_start3A_414 = arith.constant 0 : i32
    %dma_start3A_415 = tpu.memref_slice %arg3[%dma_start3A_413, %dma_start3A_414] : memref<8192x1024xf32, #tpu.memory_space<hbm>> -> memref<8192x1024xf32, #tpu.memory_space<hbm>>
    tpu.enqueue_indirect_dma source(%dma_start3A_415 : memref<8192x1024xf32, #tpu.memory_space<hbm>>) target(%arg10 : memref<16x1024xf32, #tpu.memory_space<vmem>>) offsets(%dma_start3A_412 : memref<16xi32, #tpu.memory_space<vmem>>) semaphore(%arg16 : memref<!tpu.dma_semaphore, #tpu.memory_space<semaphore_mem>>)
    %dma_wait3A_416 = arith.constant 288 : i32
    %dma_wait3A_417 = tpu.memref_slice %arg5[%dma_wait3A_416] : memref<1024xi32, #tpu.memory_space<vmem>> -> memref<16xi32, #tpu.memory_space<vmem>>
    %dma_wait3A_418 = arith.constant 0 : i32
    %dma_wait3A_419 = arith.constant 0 : i32
    %dma_wait3A_420 = tpu.memref_slice %arg3[%dma_wait3A_418, %dma_wait3A_419] : memref<8192x1024xf32, #tpu.memory_space<hbm>> -> memref<8192x1024xf32, #tpu.memory_space<hbm>>
    tpu.wait_indirect_dma semaphore(%arg12 : memref<!tpu.dma_semaphore, #tpu.memory_space<semaphore_mem>>) src(%dma_wait3A_420 : memref<8192x1024xf32, #tpu.memory_space<hbm>>) dst(%arg6 : memref<16x1024xf32, #tpu.memory_space<vmem>>)
    %add3A_421 = arith.constant 288 : i32
    %add3A_422 = arith.addi %mul3A_2, %add3A_421 : i32
    %dma_start3A_423 = arith.constant 0 : i32
    %dma_start3A_424 = tpu.memref_slice %arg4[%add3A_422, %dma_start3A_423] : memref<32768x1024xf32, #tpu.memory_space<hbm>> -> memref<16x1024xf32, #tpu.memory_space<hbm>>
    %dma_start3A_425 = arith.constant 0 : i32
    %dma_start3A_426 = tpu.memref_slice %arg4[%add3A_422, %dma_start3A_425] : memref<32768x1024xf32, #tpu.memory_space<hbm>> -> memref<16x1024xf32, #tpu.memory_space<hbm>>
    tpu.enqueue_dma source(%arg6 : memref<16x1024xf32, #tpu.memory_space<vmem>>) target(%dma_start3A_426 : memref<16x1024xf32, #tpu.memory_space<hbm>>) target_semaphore(%arg18 : memref<!tpu.dma_semaphore, #tpu.memory_space<semaphore_mem>>)
    %add3A_427 = arith.constant 272 : i32
    %add3A_428 = arith.addi %mul3A_2, %add3A_427 : i32
    %dma_wait3A_429 = arith.constant 0 : i32
    %dma_wait3A_430 = tpu.memref_slice %arg4[%add3A_428, %dma_wait3A_429] : memref<32768x1024xf32, #tpu.memory_space<hbm>> -> memref<16x1024xf32, #tpu.memory_space<hbm>>
    %dma_wait3A_431 = arith.constant 0 : i32
    %dma_wait3A_432 = tpu.memref_slice %arg4[%add3A_428, %dma_wait3A_431] : memref<32768x1024xf32, #tpu.memory_space<hbm>> -> memref<16x1024xf32, #tpu.memory_space<hbm>>
    tpu.wait_dma2 semaphore(%arg23 : memref<!tpu.dma_semaphore, #tpu.memory_space<semaphore_mem>>) src(%arg11 : memref<16x1024xf32, #tpu.memory_space<vmem>>) dst(%dma_wait3A_432 : memref<16x1024xf32, #tpu.memory_space<hbm>>)
    %dma_start3A_433 = arith.constant 368 : i32
    %dma_start3A_434 = tpu.memref_slice %arg5[%dma_start3A_433] : memref<1024xi32, #tpu.memory_space<vmem>> -> memref<16xi32, #tpu.memory_space<vmem>>
    %dma_start3A_435 = arith.constant 0 : i32
    %dma_start3A_436 = arith.constant 0 : i32
    %dma_start3A_437 = tpu.memref_slice %arg3[%dma_start3A_435, %dma_start3A_436] : memref<8192x1024xf32, #tpu.memory_space<hbm>> -> memref<8192x1024xf32, #tpu.memory_space<hbm>>
    tpu.enqueue_indirect_dma source(%dma_start3A_437 : memref<8192x1024xf32, #tpu.memory_space<hbm>>) target(%arg11 : memref<16x1024xf32, #tpu.memory_space<vmem>>) offsets(%dma_start3A_434 : memref<16xi32, #tpu.memory_space<vmem>>) semaphore(%arg17 : memref<!tpu.dma_semaphore, #tpu.memory_space<semaphore_mem>>)
    %dma_wait3A_438 = arith.constant 304 : i32
    %dma_wait3A_439 = tpu.memref_slice %arg5[%dma_wait3A_438] : memref<1024xi32, #tpu.memory_space<vmem>> -> memref<16xi32, #tpu.memory_space<vmem>>
    %dma_wait3A_440 = arith.constant 0 : i32
    %dma_wait3A_441 = arith.constant 0 : i32
    %dma_wait3A_442 = tpu.memref_slice %arg3[%dma_wait3A_440, %dma_wait3A_441] : memref<8192x1024xf32, #tpu.memory_space<hbm>> -> memref<8192x1024xf32, #tpu.memory_space<hbm>>
    tpu.wait_indirect_dma semaphore(%arg13 : memref<!tpu.dma_semaphore, #tpu.memory_space<semaphore_mem>>) src(%dma_wait3A_442 : memref<8192x1024xf32, #tpu.memory_space<hbm>>) dst(%arg7 : memref<16x1024xf32, #tpu.memory_space<vmem>>)
    %add3A_443 = arith.constant 304 : i32
    %add3A_444 = arith.addi %mul3A_2, %add3A_443 : i32
    %dma_start3A_445 = arith.constant 0 : i32
    %dma_start3A_446 = tpu.memref_slice %arg4[%add3A_444, %dma_start3A_445] : memref<32768x1024xf32, #tpu.memory_space<hbm>> -> memref<16x1024xf32, #tpu.memory_space<hbm>>
    %dma_start3A_447 = arith.constant 0 : i32
    %dma_start3A_448 = tpu.memref_slice %arg4[%add3A_444, %dma_start3A_447] : memref<32768x1024xf32, #tpu.memory_space<hbm>> -> memref<16x1024xf32, #tpu.memory_space<hbm>>
    tpu.enqueue_dma source(%arg7 : memref<16x1024xf32, #tpu.memory_space<vmem>>) target(%dma_start3A_448 : memref<16x1024xf32, #tpu.memory_space<hbm>>) target_semaphore(%arg19 : memref<!tpu.dma_semaphore, #tpu.memory_space<semaphore_mem>>)
    %add3A_449 = arith.constant 288 : i32
    %add3A_450 = arith.addi %mul3A_2, %add3A_449 : i32
    %dma_wait3A_451 = arith.constant 0 : i32
    %dma_wait3A_452 = tpu.memref_slice %arg4[%add3A_450, %dma_wait3A_451] : memref<32768x1024xf32, #tpu.memory_space<hbm>> -> memref<16x1024xf32, #tpu.memory_space<hbm>>
    %dma_wait3A_453 = arith.constant 0 : i32
    %dma_wait3A_454 = tpu.memref_slice %arg4[%add3A_450, %dma_wait3A_453] : memref<32768x1024xf32, #tpu.memory_space<hbm>> -> memref<16x1024xf32, #tpu.memory_space<hbm>>
    tpu.wait_dma2 semaphore(%arg18 : memref<!tpu.dma_semaphore, #tpu.memory_space<semaphore_mem>>) src(%arg6 : memref<16x1024xf32, #tpu.memory_space<vmem>>) dst(%dma_wait3A_454 : memref<16x1024xf32, #tpu.memory_space<hbm>>)
    %dma_start3A_455 = arith.constant 384 : i32
    %dma_start3A_456 = tpu.memref_slice %arg5[%dma_start3A_455] : memref<1024xi32, #tpu.memory_space<vmem>> -> memref<16xi32, #tpu.memory_space<vmem>>
    %dma_start3A_457 = arith.constant 0 : i32
    %dma_start3A_458 = arith.constant 0 : i32
    %dma_start3A_459 = tpu.memref_slice %arg3[%dma_start3A_457, %dma_start3A_458] : memref<8192x1024xf32, #tpu.memory_space<hbm>> -> memref<8192x1024xf32, #tpu.memory_space<hbm>>
    tpu.enqueue_indirect_dma source(%dma_start3A_459 : memref<8192x1024xf32, #tpu.memory_space<hbm>>) target(%arg6 : memref<16x1024xf32, #tpu.memory_space<vmem>>) offsets(%dma_start3A_456 : memref<16xi32, #tpu.memory_space<vmem>>) semaphore(%arg12 : memref<!tpu.dma_semaphore, #tpu.memory_space<semaphore_mem>>)
    %dma_wait3A_460 = arith.constant 320 : i32
    %dma_wait3A_461 = tpu.memref_slice %arg5[%dma_wait3A_460] : memref<1024xi32, #tpu.memory_space<vmem>> -> memref<16xi32, #tpu.memory_space<vmem>>
    %dma_wait3A_462 = arith.constant 0 : i32
    %dma_wait3A_463 = arith.constant 0 : i32
    %dma_wait3A_464 = tpu.memref_slice %arg3[%dma_wait3A_462, %dma_wait3A_463] : memref<8192x1024xf32, #tpu.memory_space<hbm>> -> memref<8192x1024xf32, #tpu.memory_space<hbm>>
    tpu.wait_indirect_dma semaphore(%arg14 : memref<!tpu.dma_semaphore, #tpu.memory_space<semaphore_mem>>) src(%dma_wait3A_464 : memref<8192x1024xf32, #tpu.memory_space<hbm>>) dst(%arg8 : memref<16x1024xf32, #tpu.memory_space<vmem>>)
    %add3A_465 = arith.constant 320 : i32
    %add3A_466 = arith.addi %mul3A_2, %add3A_465 : i32
    %dma_start3A_467 = arith.constant 0 : i32
    %dma_start3A_468 = tpu.memref_slice %arg4[%add3A_466, %dma_start3A_467] : memref<32768x1024xf32, #tpu.memory_space<hbm>> -> memref<16x1024xf32, #tpu.memory_space<hbm>>
    %dma_start3A_469 = arith.constant 0 : i32
    %dma_start3A_470 = tpu.memref_slice %arg4[%add3A_466, %dma_start3A_469] : memref<32768x1024xf32, #tpu.memory_space<hbm>> -> memref<16x1024xf32, #tpu.memory_space<hbm>>
    tpu.enqueue_dma source(%arg8 : memref<16x1024xf32, #tpu.memory_space<vmem>>) target(%dma_start3A_470 : memref<16x1024xf32, #tpu.memory_space<hbm>>) target_semaphore(%arg20 : memref<!tpu.dma_semaphore, #tpu.memory_space<semaphore_mem>>)
    %add3A_471 = arith.constant 304 : i32
    %add3A_472 = arith.addi %mul3A_2, %add3A_471 : i32
    %dma_wait3A_473 = arith.constant 0 : i32
    %dma_wait3A_474 = tpu.memref_slice %arg4[%add3A_472, %dma_wait3A_473] : memref<32768x1024xf32, #tpu.memory_space<hbm>> -> memref<16x1024xf32, #tpu.memory_space<hbm>>
    %dma_wait3A_475 = arith.constant 0 : i32
    %dma_wait3A_476 = tpu.memref_slice %arg4[%add3A_472, %dma_wait3A_475] : memref<32768x1024xf32, #tpu.memory_space<hbm>> -> memref<16x1024xf32, #tpu.memory_space<hbm>>
    tpu.wait_dma2 semaphore(%arg19 : memref<!tpu.dma_semaphore, #tpu.memory_space<semaphore_mem>>) src(%arg7 : memref<16x1024xf32, #tpu.memory_space<vmem>>) dst(%dma_wait3A_476 : memref<16x1024xf32, #tpu.memory_space<hbm>>)
    %dma_start3A_477 = arith.constant 400 : i32
    %dma_start3A_478 = tpu.memref_slice %arg5[%dma_start3A_477] : memref<1024xi32, #tpu.memory_space<vmem>> -> memref<16xi32, #tpu.memory_space<vmem>>
    %dma_start3A_479 = arith.constant 0 : i32
    %dma_start3A_480 = arith.constant 0 : i32
    %dma_start3A_481 = tpu.memref_slice %arg3[%dma_start3A_479, %dma_start3A_480] : memref<8192x1024xf32, #tpu.memory_space<hbm>> -> memref<8192x1024xf32, #tpu.memory_space<hbm>>
    tpu.enqueue_indirect_dma source(%dma_start3A_481 : memref<8192x1024xf32, #tpu.memory_space<hbm>>) target(%arg7 : memref<16x1024xf32, #tpu.memory_space<vmem>>) offsets(%dma_start3A_478 : memref<16xi32, #tpu.memory_space<vmem>>) semaphore(%arg13 : memref<!tpu.dma_semaphore, #tpu.memory_space<semaphore_mem>>)
    %dma_wait3A_482 = arith.constant 336 : i32
    %dma_wait3A_483 = tpu.memref_slice %arg5[%dma_wait3A_482] : memref<1024xi32, #tpu.memory_space<vmem>> -> memref<16xi32, #tpu.memory_space<vmem>>
    %dma_wait3A_484 = arith.constant 0 : i32
    %dma_wait3A_485 = arith.constant 0 : i32
    %dma_wait3A_486 = tpu.memref_slice %arg3[%dma_wait3A_484, %dma_wait3A_485] : memref<8192x1024xf32, #tpu.memory_space<hbm>> -> memref<8192x1024xf32, #tpu.memory_space<hbm>>
    tpu.wait_indirect_dma semaphore(%arg15 : memref<!tpu.dma_semaphore, #tpu.memory_space<semaphore_mem>>) src(%dma_wait3A_486 : memref<8192x1024xf32, #tpu.memory_space<hbm>>) dst(%arg9 : memref<16x1024xf32, #tpu.memory_space<vmem>>)
    %add3A_487 = arith.constant 336 : i32
    %add3A_488 = arith.addi %mul3A_2, %add3A_487 : i32
    %dma_start3A_489 = arith.constant 0 : i32
    %dma_start3A_490 = tpu.memref_slice %arg4[%add3A_488, %dma_start3A_489] : memref<32768x1024xf32, #tpu.memory_space<hbm>> -> memref<16x1024xf32, #tpu.memory_space<hbm>>
    %dma_start3A_491 = arith.constant 0 : i32
    %dma_start3A_492 = tpu.memref_slice %arg4[%add3A_488, %dma_start3A_491] : memref<32768x1024xf32, #tpu.memory_space<hbm>> -> memref<16x1024xf32, #tpu.memory_space<hbm>>
    tpu.enqueue_dma source(%arg9 : memref<16x1024xf32, #tpu.memory_space<vmem>>) target(%dma_start3A_492 : memref<16x1024xf32, #tpu.memory_space<hbm>>) target_semaphore(%arg21 : memref<!tpu.dma_semaphore, #tpu.memory_space<semaphore_mem>>)
    %add3A_493 = arith.constant 320 : i32
    %add3A_494 = arith.addi %mul3A_2, %add3A_493 : i32
    %dma_wait3A_495 = arith.constant 0 : i32
    %dma_wait3A_496 = tpu.memref_slice %arg4[%add3A_494, %dma_wait3A_495] : memref<32768x1024xf32, #tpu.memory_space<hbm>> -> memref<16x1024xf32, #tpu.memory_space<hbm>>
    %dma_wait3A_497 = arith.constant 0 : i32
    %dma_wait3A_498 = tpu.memref_slice %arg4[%add3A_494, %dma_wait3A_497] : memref<32768x1024xf32, #tpu.memory_space<hbm>> -> memref<16x1024xf32, #tpu.memory_space<hbm>>
    tpu.wait_dma2 semaphore(%arg20 : memref<!tpu.dma_semaphore, #tpu.memory_space<semaphore_mem>>) src(%arg8 : memref<16x1024xf32, #tpu.memory_space<vmem>>) dst(%dma_wait3A_498 : memref<16x1024xf32, #tpu.memory_space<hbm>>)
    %dma_start3A_499 = arith.constant 416 : i32
    %dma_start3A_500 = tpu.memref_slice %arg5[%dma_start3A_499] : memref<1024xi32, #tpu.memory_space<vmem>> -> memref<16xi32, #tpu.memory_space<vmem>>
    %dma_start3A_501 = arith.constant 0 : i32
    %dma_start3A_502 = arith.constant 0 : i32
    %dma_start3A_503 = tpu.memref_slice %arg3[%dma_start3A_501, %dma_start3A_502] : memref<8192x1024xf32, #tpu.memory_space<hbm>> -> memref<8192x1024xf32, #tpu.memory_space<hbm>>
    tpu.enqueue_indirect_dma source(%dma_start3A_503 : memref<8192x1024xf32, #tpu.memory_space<hbm>>) target(%arg8 : memref<16x1024xf32, #tpu.memory_space<vmem>>) offsets(%dma_start3A_500 : memref<16xi32, #tpu.memory_space<vmem>>) semaphore(%arg14 : memref<!tpu.dma_semaphore, #tpu.memory_space<semaphore_mem>>)
    %dma_wait3A_504 = arith.constant 352 : i32
    %dma_wait3A_505 = tpu.memref_slice %arg5[%dma_wait3A_504] : memref<1024xi32, #tpu.memory_space<vmem>> -> memref<16xi32, #tpu.memory_space<vmem>>
    %dma_wait3A_506 = arith.constant 0 : i32
    %dma_wait3A_507 = arith.constant 0 : i32
    %dma_wait3A_508 = tpu.memref_slice %arg3[%dma_wait3A_506, %dma_wait3A_507] : memref<8192x1024xf32, #tpu.memory_space<hbm>> -> memref<8192x1024xf32, #tpu.memory_space<hbm>>
    tpu.wait_indirect_dma semaphore(%arg16 : memref<!tpu.dma_semaphore, #tpu.memory_space<semaphore_mem>>) src(%dma_wait3A_508 : memref<8192x1024xf32, #tpu.memory_space<hbm>>) dst(%arg10 : memref<16x1024xf32, #tpu.memory_space<vmem>>)
    %add3A_509 = arith.constant 352 : i32
    %add3A_510 = arith.addi %mul3A_2, %add3A_509 : i32
    %dma_start3A_511 = arith.constant 0 : i32
    %dma_start3A_512 = tpu.memref_slice %arg4[%add3A_510, %dma_start3A_511] : memref<32768x1024xf32, #tpu.memory_space<hbm>> -> memref<16x1024xf32, #tpu.memory_space<hbm>>
    %dma_start3A_513 = arith.constant 0 : i32
    %dma_start3A_514 = tpu.memref_slice %arg4[%add3A_510, %dma_start3A_513] : memref<32768x1024xf32, #tpu.memory_space<hbm>> -> memref<16x1024xf32, #tpu.memory_space<hbm>>
    tpu.enqueue_dma source(%arg10 : memref<16x1024xf32, #tpu.memory_space<vmem>>) target(%dma_start3A_514 : memref<16x1024xf32, #tpu.memory_space<hbm>>) target_semaphore(%arg22 : memref<!tpu.dma_semaphore, #tpu.memory_space<semaphore_mem>>)
    %add3A_515 = arith.constant 336 : i32
    %add3A_516 = arith.addi %mul3A_2, %add3A_515 : i32
    %dma_wait3A_517 = arith.constant 0 : i32
    %dma_wait3A_518 = tpu.memref_slice %arg4[%add3A_516, %dma_wait3A_517] : memref<32768x1024xf32, #tpu.memory_space<hbm>> -> memref<16x1024xf32, #tpu.memory_space<hbm>>
    %dma_wait3A_519 = arith.constant 0 : i32
    %dma_wait3A_520 = tpu.memref_slice %arg4[%add3A_516, %dma_wait3A_519] : memref<32768x1024xf32, #tpu.memory_space<hbm>> -> memref<16x1024xf32, #tpu.memory_space<hbm>>
    tpu.wait_dma2 semaphore(%arg21 : memref<!tpu.dma_semaphore, #tpu.memory_space<semaphore_mem>>) src(%arg9 : memref<16x1024xf32, #tpu.memory_space<vmem>>) dst(%dma_wait3A_520 : memref<16x1024xf32, #tpu.memory_space<hbm>>)
    %dma_start3A_521 = arith.constant 432 : i32
    %dma_start3A_522 = tpu.memref_slice %arg5[%dma_start3A_521] : memref<1024xi32, #tpu.memory_space<vmem>> -> memref<16xi32, #tpu.memory_space<vmem>>
    %dma_start3A_523 = arith.constant 0 : i32
    %dma_start3A_524 = arith.constant 0 : i32
    %dma_start3A_525 = tpu.memref_slice %arg3[%dma_start3A_523, %dma_start3A_524] : memref<8192x1024xf32, #tpu.memory_space<hbm>> -> memref<8192x1024xf32, #tpu.memory_space<hbm>>
    tpu.enqueue_indirect_dma source(%dma_start3A_525 : memref<8192x1024xf32, #tpu.memory_space<hbm>>) target(%arg9 : memref<16x1024xf32, #tpu.memory_space<vmem>>) offsets(%dma_start3A_522 : memref<16xi32, #tpu.memory_space<vmem>>) semaphore(%arg15 : memref<!tpu.dma_semaphore, #tpu.memory_space<semaphore_mem>>)
    %dma_wait3A_526 = arith.constant 368 : i32
    %dma_wait3A_527 = tpu.memref_slice %arg5[%dma_wait3A_526] : memref<1024xi32, #tpu.memory_space<vmem>> -> memref<16xi32, #tpu.memory_space<vmem>>
    %dma_wait3A_528 = arith.constant 0 : i32
    %dma_wait3A_529 = arith.constant 0 : i32
    %dma_wait3A_530 = tpu.memref_slice %arg3[%dma_wait3A_528, %dma_wait3A_529] : memref<8192x1024xf32, #tpu.memory_space<hbm>> -> memref<8192x1024xf32, #tpu.memory_space<hbm>>
    tpu.wait_indirect_dma semaphore(%arg17 : memref<!tpu.dma_semaphore, #tpu.memory_space<semaphore_mem>>) src(%dma_wait3A_530 : memref<8192x1024xf32, #tpu.memory_space<hbm>>) dst(%arg11 : memref<16x1024xf32, #tpu.memory_space<vmem>>)
    %add3A_531 = arith.constant 368 : i32
    %add3A_532 = arith.addi %mul3A_2, %add3A_531 : i32
    %dma_start3A_533 = arith.constant 0 : i32
    %dma_start3A_534 = tpu.memref_slice %arg4[%add3A_532, %dma_start3A_533] : memref<32768x1024xf32, #tpu.memory_space<hbm>> -> memref<16x1024xf32, #tpu.memory_space<hbm>>
    %dma_start3A_535 = arith.constant 0 : i32
    %dma_start3A_536 = tpu.memref_slice %arg4[%add3A_532, %dma_start3A_535] : memref<32768x1024xf32, #tpu.memory_space<hbm>> -> memref<16x1024xf32, #tpu.memory_space<hbm>>
    tpu.enqueue_dma source(%arg11 : memref<16x1024xf32, #tpu.memory_space<vmem>>) target(%dma_start3A_536 : memref<16x1024xf32, #tpu.memory_space<hbm>>) target_semaphore(%arg23 : memref<!tpu.dma_semaphore, #tpu.memory_space<semaphore_mem>>)
    %add3A_537 = arith.constant 352 : i32
    %add3A_538 = arith.addi %mul3A_2, %add3A_537 : i32
    %dma_wait3A_539 = arith.constant 0 : i32
    %dma_wait3A_540 = tpu.memref_slice %arg4[%add3A_538, %dma_wait3A_539] : memref<32768x1024xf32, #tpu.memory_space<hbm>> -> memref<16x1024xf32, #tpu.memory_space<hbm>>
    %dma_wait3A_541 = arith.constant 0 : i32
    %dma_wait3A_542 = tpu.memref_slice %arg4[%add3A_538, %dma_wait3A_541] : memref<32768x1024xf32, #tpu.memory_space<hbm>> -> memref<16x1024xf32, #tpu.memory_space<hbm>>
    tpu.wait_dma2 semaphore(%arg22 : memref<!tpu.dma_semaphore, #tpu.memory_space<semaphore_mem>>) src(%arg10 : memref<16x1024xf32, #tpu.memory_space<vmem>>) dst(%dma_wait3A_542 : memref<16x1024xf32, #tpu.memory_space<hbm>>)
    %dma_start3A_543 = arith.constant 448 : i32
    %dma_start3A_544 = tpu.memref_slice %arg5[%dma_start3A_543] : memref<1024xi32, #tpu.memory_space<vmem>> -> memref<16xi32, #tpu.memory_space<vmem>>
    %dma_start3A_545 = arith.constant 0 : i32
    %dma_start3A_546 = arith.constant 0 : i32
    %dma_start3A_547 = tpu.memref_slice %arg3[%dma_start3A_545, %dma_start3A_546] : memref<8192x1024xf32, #tpu.memory_space<hbm>> -> memref<8192x1024xf32, #tpu.memory_space<hbm>>
    tpu.enqueue_indirect_dma source(%dma_start3A_547 : memref<8192x1024xf32, #tpu.memory_space<hbm>>) target(%arg10 : memref<16x1024xf32, #tpu.memory_space<vmem>>) offsets(%dma_start3A_544 : memref<16xi32, #tpu.memory_space<vmem>>) semaphore(%arg16 : memref<!tpu.dma_semaphore, #tpu.memory_space<semaphore_mem>>)
    %dma_wait3A_548 = arith.constant 384 : i32
    %dma_wait3A_549 = tpu.memref_slice %arg5[%dma_wait3A_548] : memref<1024xi32, #tpu.memory_space<vmem>> -> memref<16xi32, #tpu.memory_space<vmem>>
    %dma_wait3A_550 = arith.constant 0 : i32
    %dma_wait3A_551 = arith.constant 0 : i32
    %dma_wait3A_552 = tpu.memref_slice %arg3[%dma_wait3A_550, %dma_wait3A_551] : memref<8192x1024xf32, #tpu.memory_space<hbm>> -> memref<8192x1024xf32, #tpu.memory_space<hbm>>
    tpu.wait_indirect_dma semaphore(%arg12 : memref<!tpu.dma_semaphore, #tpu.memory_space<semaphore_mem>>) src(%dma_wait3A_552 : memref<8192x1024xf32, #tpu.memory_space<hbm>>) dst(%arg6 : memref<16x1024xf32, #tpu.memory_space<vmem>>)
    %add3A_553 = arith.constant 384 : i32
    %add3A_554 = arith.addi %mul3A_2, %add3A_553 : i32
    %dma_start3A_555 = arith.constant 0 : i32
    %dma_start3A_556 = tpu.memref_slice %arg4[%add3A_554, %dma_start3A_555] : memref<32768x1024xf32, #tpu.memory_space<hbm>> -> memref<16x1024xf32, #tpu.memory_space<hbm>>
    %dma_start3A_557 = arith.constant 0 : i32
    %dma_start3A_558 = tpu.memref_slice %arg4[%add3A_554, %dma_start3A_557] : memref<32768x1024xf32, #tpu.memory_space<hbm>> -> memref<16x1024xf32, #tpu.memory_space<hbm>>
    tpu.enqueue_dma source(%arg6 : memref<16x1024xf32, #tpu.memory_space<vmem>>) target(%dma_start3A_558 : memref<16x1024xf32, #tpu.memory_space<hbm>>) target_semaphore(%arg18 : memref<!tpu.dma_semaphore, #tpu.memory_space<semaphore_mem>>)
    %add3A_559 = arith.constant 368 : i32
    %add3A_560 = arith.addi %mul3A_2, %add3A_559 : i32
    %dma_wait3A_561 = arith.constant 0 : i32
    %dma_wait3A_562 = tpu.memref_slice %arg4[%add3A_560, %dma_wait3A_561] : memref<32768x1024xf32, #tpu.memory_space<hbm>> -> memref<16x1024xf32, #tpu.memory_space<hbm>>
    %dma_wait3A_563 = arith.constant 0 : i32
    %dma_wait3A_564 = tpu.memref_slice %arg4[%add3A_560, %dma_wait3A_563] : memref<32768x1024xf32, #tpu.memory_space<hbm>> -> memref<16x1024xf32, #tpu.memory_space<hbm>>
    tpu.wait_dma2 semaphore(%arg23 : memref<!tpu.dma_semaphore, #tpu.memory_space<semaphore_mem>>) src(%arg11 : memref<16x1024xf32, #tpu.memory_space<vmem>>) dst(%dma_wait3A_564 : memref<16x1024xf32, #tpu.memory_space<hbm>>)
    %dma_start3A_565 = arith.constant 464 : i32
    %dma_start3A_566 = tpu.memref_slice %arg5[%dma_start3A_565] : memref<1024xi32, #tpu.memory_space<vmem>> -> memref<16xi32, #tpu.memory_space<vmem>>
    %dma_start3A_567 = arith.constant 0 : i32
    %dma_start3A_568 = arith.constant 0 : i32
    %dma_start3A_569 = tpu.memref_slice %arg3[%dma_start3A_567, %dma_start3A_568] : memref<8192x1024xf32, #tpu.memory_space<hbm>> -> memref<8192x1024xf32, #tpu.memory_space<hbm>>
    tpu.enqueue_indirect_dma source(%dma_start3A_569 : memref<8192x1024xf32, #tpu.memory_space<hbm>>) target(%arg11 : memref<16x1024xf32, #tpu.memory_space<vmem>>) offsets(%dma_start3A_566 : memref<16xi32, #tpu.memory_space<vmem>>) semaphore(%arg17 : memref<!tpu.dma_semaphore, #tpu.memory_space<semaphore_mem>>)
    %dma_wait3A_570 = arith.constant 400 : i32
    %dma_wait3A_571 = tpu.memref_slice %arg5[%dma_wait3A_570] : memref<1024xi32, #tpu.memory_space<vmem>> -> memref<16xi32, #tpu.memory_space<vmem>>
    %dma_wait3A_572 = arith.constant 0 : i32
    %dma_wait3A_573 = arith.constant 0 : i32
    %dma_wait3A_574 = tpu.memref_slice %arg3[%dma_wait3A_572, %dma_wait3A_573] : memref<8192x1024xf32, #tpu.memory_space<hbm>> -> memref<8192x1024xf32, #tpu.memory_space<hbm>>
    tpu.wait_indirect_dma semaphore(%arg13 : memref<!tpu.dma_semaphore, #tpu.memory_space<semaphore_mem>>) src(%dma_wait3A_574 : memref<8192x1024xf32, #tpu.memory_space<hbm>>) dst(%arg7 : memref<16x1024xf32, #tpu.memory_space<vmem>>)
    %add3A_575 = arith.constant 400 : i32
    %add3A_576 = arith.addi %mul3A_2, %add3A_575 : i32
    %dma_start3A_577 = arith.constant 0 : i32
    %dma_start3A_578 = tpu.memref_slice %arg4[%add3A_576, %dma_start3A_577] : memref<32768x1024xf32, #tpu.memory_space<hbm>> -> memref<16x1024xf32, #tpu.memory_space<hbm>>
    %dma_start3A_579 = arith.constant 0 : i32
    %dma_start3A_580 = tpu.memref_slice %arg4[%add3A_576, %dma_start3A_579] : memref<32768x1024xf32, #tpu.memory_space<hbm>> -> memref<16x1024xf32, #tpu.memory_space<hbm>>
    tpu.enqueue_dma source(%arg7 : memref<16x1024xf32, #tpu.memory_space<vmem>>) target(%dma_start3A_580 : memref<16x1024xf32, #tpu.memory_space<hbm>>) target_semaphore(%arg19 : memref<!tpu.dma_semaphore, #tpu.memory_space<semaphore_mem>>)
    %add3A_581 = arith.constant 384 : i32
    %add3A_582 = arith.addi %mul3A_2, %add3A_581 : i32
    %dma_wait3A_583 = arith.constant 0 : i32
    %dma_wait3A_584 = tpu.memref_slice %arg4[%add3A_582, %dma_wait3A_583] : memref<32768x1024xf32, #tpu.memory_space<hbm>> -> memref<16x1024xf32, #tpu.memory_space<hbm>>
    %dma_wait3A_585 = arith.constant 0 : i32
    %dma_wait3A_586 = tpu.memref_slice %arg4[%add3A_582, %dma_wait3A_585] : memref<32768x1024xf32, #tpu.memory_space<hbm>> -> memref<16x1024xf32, #tpu.memory_space<hbm>>
    tpu.wait_dma2 semaphore(%arg18 : memref<!tpu.dma_semaphore, #tpu.memory_space<semaphore_mem>>) src(%arg6 : memref<16x1024xf32, #tpu.memory_space<vmem>>) dst(%dma_wait3A_586 : memref<16x1024xf32, #tpu.memory_space<hbm>>)
    %dma_start3A_587 = arith.constant 480 : i32
    %dma_start3A_588 = tpu.memref_slice %arg5[%dma_start3A_587] : memref<1024xi32, #tpu.memory_space<vmem>> -> memref<16xi32, #tpu.memory_space<vmem>>
    %dma_start3A_589 = arith.constant 0 : i32
    %dma_start3A_590 = arith.constant 0 : i32
    %dma_start3A_591 = tpu.memref_slice %arg3[%dma_start3A_589, %dma_start3A_590] : memref<8192x1024xf32, #tpu.memory_space<hbm>> -> memref<8192x1024xf32, #tpu.memory_space<hbm>>
    tpu.enqueue_indirect_dma source(%dma_start3A_591 : memref<8192x1024xf32, #tpu.memory_space<hbm>>) target(%arg6 : memref<16x1024xf32, #tpu.memory_space<vmem>>) offsets(%dma_start3A_588 : memref<16xi32, #tpu.memory_space<vmem>>) semaphore(%arg12 : memref<!tpu.dma_semaphore, #tpu.memory_space<semaphore_mem>>)
    %dma_wait3A_592 = arith.constant 416 : i32
    %dma_wait3A_593 = tpu.memref_slice %arg5[%dma_wait3A_592] : memref<1024xi32, #tpu.memory_space<vmem>> -> memref<16xi32, #tpu.memory_space<vmem>>
    %dma_wait3A_594 = arith.constant 0 : i32
    %dma_wait3A_595 = arith.constant 0 : i32
    %dma_wait3A_596 = tpu.memref_slice %arg3[%dma_wait3A_594, %dma_wait3A_595] : memref<8192x1024xf32, #tpu.memory_space<hbm>> -> memref<8192x1024xf32, #tpu.memory_space<hbm>>
    tpu.wait_indirect_dma semaphore(%arg14 : memref<!tpu.dma_semaphore, #tpu.memory_space<semaphore_mem>>) src(%dma_wait3A_596 : memref<8192x1024xf32, #tpu.memory_space<hbm>>) dst(%arg8 : memref<16x1024xf32, #tpu.memory_space<vmem>>)
    %add3A_597 = arith.constant 416 : i32
    %add3A_598 = arith.addi %mul3A_2, %add3A_597 : i32
    %dma_start3A_599 = arith.constant 0 : i32
    %dma_start3A_600 = tpu.memref_slice %arg4[%add3A_598, %dma_start3A_599] : memref<32768x1024xf32, #tpu.memory_space<hbm>> -> memref<16x1024xf32, #tpu.memory_space<hbm>>
    %dma_start3A_601 = arith.constant 0 : i32
    %dma_start3A_602 = tpu.memref_slice %arg4[%add3A_598, %dma_start3A_601] : memref<32768x1024xf32, #tpu.memory_space<hbm>> -> memref<16x1024xf32, #tpu.memory_space<hbm>>
    tpu.enqueue_dma source(%arg8 : memref<16x1024xf32, #tpu.memory_space<vmem>>) target(%dma_start3A_602 : memref<16x1024xf32, #tpu.memory_space<hbm>>) target_semaphore(%arg20 : memref<!tpu.dma_semaphore, #tpu.memory_space<semaphore_mem>>)
    %add3A_603 = arith.constant 400 : i32
    %add3A_604 = arith.addi %mul3A_2, %add3A_603 : i32
    %dma_wait3A_605 = arith.constant 0 : i32
    %dma_wait3A_606 = tpu.memref_slice %arg4[%add3A_604, %dma_wait3A_605] : memref<32768x1024xf32, #tpu.memory_space<hbm>> -> memref<16x1024xf32, #tpu.memory_space<hbm>>
    %dma_wait3A_607 = arith.constant 0 : i32
    %dma_wait3A_608 = tpu.memref_slice %arg4[%add3A_604, %dma_wait3A_607] : memref<32768x1024xf32, #tpu.memory_space<hbm>> -> memref<16x1024xf32, #tpu.memory_space<hbm>>
    tpu.wait_dma2 semaphore(%arg19 : memref<!tpu.dma_semaphore, #tpu.memory_space<semaphore_mem>>) src(%arg7 : memref<16x1024xf32, #tpu.memory_space<vmem>>) dst(%dma_wait3A_608 : memref<16x1024xf32, #tpu.memory_space<hbm>>)
    %dma_start3A_609 = arith.constant 496 : i32
    %dma_start3A_610 = tpu.memref_slice %arg5[%dma_start3A_609] : memref<1024xi32, #tpu.memory_space<vmem>> -> memref<16xi32, #tpu.memory_space<vmem>>
    %dma_start3A_611 = arith.constant 0 : i32
    %dma_start3A_612 = arith.constant 0 : i32
    %dma_start3A_613 = tpu.memref_slice %arg3[%dma_start3A_611, %dma_start3A_612] : memref<8192x1024xf32, #tpu.memory_space<hbm>> -> memref<8192x1024xf32, #tpu.memory_space<hbm>>
    tpu.enqueue_indirect_dma source(%dma_start3A_613 : memref<8192x1024xf32, #tpu.memory_space<hbm>>) target(%arg7 : memref<16x1024xf32, #tpu.memory_space<vmem>>) offsets(%dma_start3A_610 : memref<16xi32, #tpu.memory_space<vmem>>) semaphore(%arg13 : memref<!tpu.dma_semaphore, #tpu.memory_space<semaphore_mem>>)
    %dma_wait3A_614 = arith.constant 432 : i32
    %dma_wait3A_615 = tpu.memref_slice %arg5[%dma_wait3A_614] : memref<1024xi32, #tpu.memory_space<vmem>> -> memref<16xi32, #tpu.memory_space<vmem>>
    %dma_wait3A_616 = arith.constant 0 : i32
    %dma_wait3A_617 = arith.constant 0 : i32
    %dma_wait3A_618 = tpu.memref_slice %arg3[%dma_wait3A_616, %dma_wait3A_617] : memref<8192x1024xf32, #tpu.memory_space<hbm>> -> memref<8192x1024xf32, #tpu.memory_space<hbm>>
    tpu.wait_indirect_dma semaphore(%arg15 : memref<!tpu.dma_semaphore, #tpu.memory_space<semaphore_mem>>) src(%dma_wait3A_618 : memref<8192x1024xf32, #tpu.memory_space<hbm>>) dst(%arg9 : memref<16x1024xf32, #tpu.memory_space<vmem>>)
    %add3A_619 = arith.constant 432 : i32
    %add3A_620 = arith.addi %mul3A_2, %add3A_619 : i32
    %dma_start3A_621 = arith.constant 0 : i32
    %dma_start3A_622 = tpu.memref_slice %arg4[%add3A_620, %dma_start3A_621] : memref<32768x1024xf32, #tpu.memory_space<hbm>> -> memref<16x1024xf32, #tpu.memory_space<hbm>>
    %dma_start3A_623 = arith.constant 0 : i32
    %dma_start3A_624 = tpu.memref_slice %arg4[%add3A_620, %dma_start3A_623] : memref<32768x1024xf32, #tpu.memory_space<hbm>> -> memref<16x1024xf32, #tpu.memory_space<hbm>>
    tpu.enqueue_dma source(%arg9 : memref<16x1024xf32, #tpu.memory_space<vmem>>) target(%dma_start3A_624 : memref<16x1024xf32, #tpu.memory_space<hbm>>) target_semaphore(%arg21 : memref<!tpu.dma_semaphore, #tpu.memory_space<semaphore_mem>>)
    %add3A_625 = arith.constant 416 : i32
    %add3A_626 = arith.addi %mul3A_2, %add3A_625 : i32
    %dma_wait3A_627 = arith.constant 0 : i32
    %dma_wait3A_628 = tpu.memref_slice %arg4[%add3A_626, %dma_wait3A_627] : memref<32768x1024xf32, #tpu.memory_space<hbm>> -> memref<16x1024xf32, #tpu.memory_space<hbm>>
    %dma_wait3A_629 = arith.constant 0 : i32
    %dma_wait3A_630 = tpu.memref_slice %arg4[%add3A_626, %dma_wait3A_629] : memref<32768x1024xf32, #tpu.memory_space<hbm>> -> memref<16x1024xf32, #tpu.memory_space<hbm>>
    tpu.wait_dma2 semaphore(%arg20 : memref<!tpu.dma_semaphore, #tpu.memory_space<semaphore_mem>>) src(%arg8 : memref<16x1024xf32, #tpu.memory_space<vmem>>) dst(%dma_wait3A_630 : memref<16x1024xf32, #tpu.memory_space<hbm>>)
    %dma_start3A_631 = arith.constant 512 : i32
    %dma_start3A_632 = tpu.memref_slice %arg5[%dma_start3A_631] : memref<1024xi32, #tpu.memory_space<vmem>> -> memref<16xi32, #tpu.memory_space<vmem>>
    %dma_start3A_633 = arith.constant 0 : i32
    %dma_start3A_634 = arith.constant 0 : i32
    %dma_start3A_635 = tpu.memref_slice %arg3[%dma_start3A_633, %dma_start3A_634] : memref<8192x1024xf32, #tpu.memory_space<hbm>> -> memref<8192x1024xf32, #tpu.memory_space<hbm>>
    tpu.enqueue_indirect_dma source(%dma_start3A_635 : memref<8192x1024xf32, #tpu.memory_space<hbm>>) target(%arg8 : memref<16x1024xf32, #tpu.memory_space<vmem>>) offsets(%dma_start3A_632 : memref<16xi32, #tpu.memory_space<vmem>>) semaphore(%arg14 : memref<!tpu.dma_semaphore, #tpu.memory_space<semaphore_mem>>)
    %dma_wait3A_636 = arith.constant 448 : i32
    %dma_wait3A_637 = tpu.memref_slice %arg5[%dma_wait3A_636] : memref<1024xi32, #tpu.memory_space<vmem>> -> memref<16xi32, #tpu.memory_space<vmem>>
    %dma_wait3A_638 = arith.constant 0 : i32
    %dma_wait3A_639 = arith.constant 0 : i32
    %dma_wait3A_640 = tpu.memref_slice %arg3[%dma_wait3A_638, %dma_wait3A_639] : memref<8192x1024xf32, #tpu.memory_space<hbm>> -> memref<8192x1024xf32, #tpu.memory_space<hbm>>
    tpu.wait_indirect_dma semaphore(%arg16 : memref<!tpu.dma_semaphore, #tpu.memory_space<semaphore_mem>>) src(%dma_wait3A_640 : memref<8192x1024xf32, #tpu.memory_space<hbm>>) dst(%arg10 : memref<16x1024xf32, #tpu.memory_space<vmem>>)
    %add3A_641 = arith.constant 448 : i32
    %add3A_642 = arith.addi %mul3A_2, %add3A_641 : i32
    %dma_start3A_643 = arith.constant 0 : i32
    %dma_start3A_644 = tpu.memref_slice %arg4[%add3A_642, %dma_start3A_643] : memref<32768x1024xf32, #tpu.memory_space<hbm>> -> memref<16x1024xf32, #tpu.memory_space<hbm>>
    %dma_start3A_645 = arith.constant 0 : i32
    %dma_start3A_646 = tpu.memref_slice %arg4[%add3A_642, %dma_start3A_645] : memref<32768x1024xf32, #tpu.memory_space<hbm>> -> memref<16x1024xf32, #tpu.memory_space<hbm>>
    tpu.enqueue_dma source(%arg10 : memref<16x1024xf32, #tpu.memory_space<vmem>>) target(%dma_start3A_646 : memref<16x1024xf32, #tpu.memory_space<hbm>>) target_semaphore(%arg22 : memref<!tpu.dma_semaphore, #tpu.memory_space<semaphore_mem>>)
    %add3A_647 = arith.constant 432 : i32
    %add3A_648 = arith.addi %mul3A_2, %add3A_647 : i32
    %dma_wait3A_649 = arith.constant 0 : i32
    %dma_wait3A_650 = tpu.memref_slice %arg4[%add3A_648, %dma_wait3A_649] : memref<32768x1024xf32, #tpu.memory_space<hbm>> -> memref<16x1024xf32, #tpu.memory_space<hbm>>
    %dma_wait3A_651 = arith.constant 0 : i32
    %dma_wait3A_652 = tpu.memref_slice %arg4[%add3A_648, %dma_wait3A_651] : memref<32768x1024xf32, #tpu.memory_space<hbm>> -> memref<16x1024xf32, #tpu.memory_space<hbm>>
    tpu.wait_dma2 semaphore(%arg21 : memref<!tpu.dma_semaphore, #tpu.memory_space<semaphore_mem>>) src(%arg9 : memref<16x1024xf32, #tpu.memory_space<vmem>>) dst(%dma_wait3A_652 : memref<16x1024xf32, #tpu.memory_space<hbm>>)
    %dma_start3A_653 = arith.constant 528 : i32
    %dma_start3A_654 = tpu.memref_slice %arg5[%dma_start3A_653] : memref<1024xi32, #tpu.memory_space<vmem>> -> memref<16xi32, #tpu.memory_space<vmem>>
    %dma_start3A_655 = arith.constant 0 : i32
    %dma_start3A_656 = arith.constant 0 : i32
    %dma_start3A_657 = tpu.memref_slice %arg3[%dma_start3A_655, %dma_start3A_656] : memref<8192x1024xf32, #tpu.memory_space<hbm>> -> memref<8192x1024xf32, #tpu.memory_space<hbm>>
    tpu.enqueue_indirect_dma source(%dma_start3A_657 : memref<8192x1024xf32, #tpu.memory_space<hbm>>) target(%arg9 : memref<16x1024xf32, #tpu.memory_space<vmem>>) offsets(%dma_start3A_654 : memref<16xi32, #tpu.memory_space<vmem>>) semaphore(%arg15 : memref<!tpu.dma_semaphore, #tpu.memory_space<semaphore_mem>>)
    %dma_wait3A_658 = arith.constant 464 : i32
    %dma_wait3A_659 = tpu.memref_slice %arg5[%dma_wait3A_658] : memref<1024xi32, #tpu.memory_space<vmem>> -> memref<16xi32, #tpu.memory_space<vmem>>
    %dma_wait3A_660 = arith.constant 0 : i32
    %dma_wait3A_661 = arith.constant 0 : i32
    %dma_wait3A_662 = tpu.memref_slice %arg3[%dma_wait3A_660, %dma_wait3A_661] : memref<8192x1024xf32, #tpu.memory_space<hbm>> -> memref<8192x1024xf32, #tpu.memory_space<hbm>>
    tpu.wait_indirect_dma semaphore(%arg17 : memref<!tpu.dma_semaphore, #tpu.memory_space<semaphore_mem>>) src(%dma_wait3A_662 : memref<8192x1024xf32, #tpu.memory_space<hbm>>) dst(%arg11 : memref<16x1024xf32, #tpu.memory_space<vmem>>)
    %add3A_663 = arith.constant 464 : i32
    %add3A_664 = arith.addi %mul3A_2, %add3A_663 : i32
    %dma_start3A_665 = arith.constant 0 : i32
    %dma_start3A_666 = tpu.memref_slice %arg4[%add3A_664, %dma_start3A_665] : memref<32768x1024xf32, #tpu.memory_space<hbm>> -> memref<16x1024xf32, #tpu.memory_space<hbm>>
    %dma_start3A_667 = arith.constant 0 : i32
    %dma_start3A_668 = tpu.memref_slice %arg4[%add3A_664, %dma_start3A_667] : memref<32768x1024xf32, #tpu.memory_space<hbm>> -> memref<16x1024xf32, #tpu.memory_space<hbm>>
    tpu.enqueue_dma source(%arg11 : memref<16x1024xf32, #tpu.memory_space<vmem>>) target(%dma_start3A_668 : memref<16x1024xf32, #tpu.memory_space<hbm>>) target_semaphore(%arg23 : memref<!tpu.dma_semaphore, #tpu.memory_space<semaphore_mem>>)
    %add3A_669 = arith.constant 448 : i32
    %add3A_670 = arith.addi %mul3A_2, %add3A_669 : i32
    %dma_wait3A_671 = arith.constant 0 : i32
    %dma_wait3A_672 = tpu.memref_slice %arg4[%add3A_670, %dma_wait3A_671] : memref<32768x1024xf32, #tpu.memory_space<hbm>> -> memref<16x1024xf32, #tpu.memory_space<hbm>>
    %dma_wait3A_673 = arith.constant 0 : i32
    %dma_wait3A_674 = tpu.memref_slice %arg4[%add3A_670, %dma_wait3A_673] : memref<32768x1024xf32, #tpu.memory_space<hbm>> -> memref<16x1024xf32, #tpu.memory_space<hbm>>
    tpu.wait_dma2 semaphore(%arg22 : memref<!tpu.dma_semaphore, #tpu.memory_space<semaphore_mem>>) src(%arg10 : memref<16x1024xf32, #tpu.memory_space<vmem>>) dst(%dma_wait3A_674 : memref<16x1024xf32, #tpu.memory_space<hbm>>)
    %dma_start3A_675 = arith.constant 544 : i32
    %dma_start3A_676 = tpu.memref_slice %arg5[%dma_start3A_675] : memref<1024xi32, #tpu.memory_space<vmem>> -> memref<16xi32, #tpu.memory_space<vmem>>
    %dma_start3A_677 = arith.constant 0 : i32
    %dma_start3A_678 = arith.constant 0 : i32
    %dma_start3A_679 = tpu.memref_slice %arg3[%dma_start3A_677, %dma_start3A_678] : memref<8192x1024xf32, #tpu.memory_space<hbm>> -> memref<8192x1024xf32, #tpu.memory_space<hbm>>
    tpu.enqueue_indirect_dma source(%dma_start3A_679 : memref<8192x1024xf32, #tpu.memory_space<hbm>>) target(%arg10 : memref<16x1024xf32, #tpu.memory_space<vmem>>) offsets(%dma_start3A_676 : memref<16xi32, #tpu.memory_space<vmem>>) semaphore(%arg16 : memref<!tpu.dma_semaphore, #tpu.memory_space<semaphore_mem>>)
    %dma_wait3A_680 = arith.constant 480 : i32
    %dma_wait3A_681 = tpu.memref_slice %arg5[%dma_wait3A_680] : memref<1024xi32, #tpu.memory_space<vmem>> -> memref<16xi32, #tpu.memory_space<vmem>>
    %dma_wait3A_682 = arith.constant 0 : i32
    %dma_wait3A_683 = arith.constant 0 : i32
    %dma_wait3A_684 = tpu.memref_slice %arg3[%dma_wait3A_682, %dma_wait3A_683] : memref<8192x1024xf32, #tpu.memory_space<hbm>> -> memref<8192x1024xf32, #tpu.memory_space<hbm>>
    tpu.wait_indirect_dma semaphore(%arg12 : memref<!tpu.dma_semaphore, #tpu.memory_space<semaphore_mem>>) src(%dma_wait3A_684 : memref<8192x1024xf32, #tpu.memory_space<hbm>>) dst(%arg6 : memref<16x1024xf32, #tpu.memory_space<vmem>>)
    %add3A_685 = arith.constant 480 : i32
    %add3A_686 = arith.addi %mul3A_2, %add3A_685 : i32
    %dma_start3A_687 = arith.constant 0 : i32
    %dma_start3A_688 = tpu.memref_slice %arg4[%add3A_686, %dma_start3A_687] : memref<32768x1024xf32, #tpu.memory_space<hbm>> -> memref<16x1024xf32, #tpu.memory_space<hbm>>
    %dma_start3A_689 = arith.constant 0 : i32
    %dma_start3A_690 = tpu.memref_slice %arg4[%add3A_686, %dma_start3A_689] : memref<32768x1024xf32, #tpu.memory_space<hbm>> -> memref<16x1024xf32, #tpu.memory_space<hbm>>
    tpu.enqueue_dma source(%arg6 : memref<16x1024xf32, #tpu.memory_space<vmem>>) target(%dma_start3A_690 : memref<16x1024xf32, #tpu.memory_space<hbm>>) target_semaphore(%arg18 : memref<!tpu.dma_semaphore, #tpu.memory_space<semaphore_mem>>)
    %add3A_691 = arith.constant 464 : i32
    %add3A_692 = arith.addi %mul3A_2, %add3A_691 : i32
    %dma_wait3A_693 = arith.constant 0 : i32
    %dma_wait3A_694 = tpu.memref_slice %arg4[%add3A_692, %dma_wait3A_693] : memref<32768x1024xf32, #tpu.memory_space<hbm>> -> memref<16x1024xf32, #tpu.memory_space<hbm>>
    %dma_wait3A_695 = arith.constant 0 : i32
    %dma_wait3A_696 = tpu.memref_slice %arg4[%add3A_692, %dma_wait3A_695] : memref<32768x1024xf32, #tpu.memory_space<hbm>> -> memref<16x1024xf32, #tpu.memory_space<hbm>>
    tpu.wait_dma2 semaphore(%arg23 : memref<!tpu.dma_semaphore, #tpu.memory_space<semaphore_mem>>) src(%arg11 : memref<16x1024xf32, #tpu.memory_space<vmem>>) dst(%dma_wait3A_696 : memref<16x1024xf32, #tpu.memory_space<hbm>>)
    %dma_start3A_697 = arith.constant 560 : i32
    %dma_start3A_698 = tpu.memref_slice %arg5[%dma_start3A_697] : memref<1024xi32, #tpu.memory_space<vmem>> -> memref<16xi32, #tpu.memory_space<vmem>>
    %dma_start3A_699 = arith.constant 0 : i32
    %dma_start3A_700 = arith.constant 0 : i32
    %dma_start3A_701 = tpu.memref_slice %arg3[%dma_start3A_699, %dma_start3A_700] : memref<8192x1024xf32, #tpu.memory_space<hbm>> -> memref<8192x1024xf32, #tpu.memory_space<hbm>>
    tpu.enqueue_indirect_dma source(%dma_start3A_701 : memref<8192x1024xf32, #tpu.memory_space<hbm>>) target(%arg11 : memref<16x1024xf32, #tpu.memory_space<vmem>>) offsets(%dma_start3A_698 : memref<16xi32, #tpu.memory_space<vmem>>) semaphore(%arg17 : memref<!tpu.dma_semaphore, #tpu.memory_space<semaphore_mem>>)
    %dma_wait3A_702 = arith.constant 496 : i32
    %dma_wait3A_703 = tpu.memref_slice %arg5[%dma_wait3A_702] : memref<1024xi32, #tpu.memory_space<vmem>> -> memref<16xi32, #tpu.memory_space<vmem>>
    %dma_wait3A_704 = arith.constant 0 : i32
    %dma_wait3A_705 = arith.constant 0 : i32
    %dma_wait3A_706 = tpu.memref_slice %arg3[%dma_wait3A_704, %dma_wait3A_705] : memref<8192x1024xf32, #tpu.memory_space<hbm>> -> memref<8192x1024xf32, #tpu.memory_space<hbm>>
    tpu.wait_indirect_dma semaphore(%arg13 : memref<!tpu.dma_semaphore, #tpu.memory_space<semaphore_mem>>) src(%dma_wait3A_706 : memref<8192x1024xf32, #tpu.memory_space<hbm>>) dst(%arg7 : memref<16x1024xf32, #tpu.memory_space<vmem>>)
    %add3A_707 = arith.constant 496 : i32
    %add3A_708 = arith.addi %mul3A_2, %add3A_707 : i32
    %dma_start3A_709 = arith.constant 0 : i32
    %dma_start3A_710 = tpu.memref_slice %arg4[%add3A_708, %dma_start3A_709] : memref<32768x1024xf32, #tpu.memory_space<hbm>> -> memref<16x1024xf32, #tpu.memory_space<hbm>>
    %dma_start3A_711 = arith.constant 0 : i32
    %dma_start3A_712 = tpu.memref_slice %arg4[%add3A_708, %dma_start3A_711] : memref<32768x1024xf32, #tpu.memory_space<hbm>> -> memref<16x1024xf32, #tpu.memory_space<hbm>>
    tpu.enqueue_dma source(%arg7 : memref<16x1024xf32, #tpu.memory_space<vmem>>) target(%dma_start3A_712 : memref<16x1024xf32, #tpu.memory_space<hbm>>) target_semaphore(%arg19 : memref<!tpu.dma_semaphore, #tpu.memory_space<semaphore_mem>>)
    %add3A_713 = arith.constant 480 : i32
    %add3A_714 = arith.addi %mul3A_2, %add3A_713 : i32
    %dma_wait3A_715 = arith.constant 0 : i32
    %dma_wait3A_716 = tpu.memref_slice %arg4[%add3A_714, %dma_wait3A_715] : memref<32768x1024xf32, #tpu.memory_space<hbm>> -> memref<16x1024xf32, #tpu.memory_space<hbm>>
    %dma_wait3A_717 = arith.constant 0 : i32
    %dma_wait3A_718 = tpu.memref_slice %arg4[%add3A_714, %dma_wait3A_717] : memref<32768x1024xf32, #tpu.memory_space<hbm>> -> memref<16x1024xf32, #tpu.memory_space<hbm>>
    tpu.wait_dma2 semaphore(%arg18 : memref<!tpu.dma_semaphore, #tpu.memory_space<semaphore_mem>>) src(%arg6 : memref<16x1024xf32, #tpu.memory_space<vmem>>) dst(%dma_wait3A_718 : memref<16x1024xf32, #tpu.memory_space<hbm>>)
    %dma_start3A_719 = arith.constant 576 : i32
    %dma_start3A_720 = tpu.memref_slice %arg5[%dma_start3A_719] : memref<1024xi32, #tpu.memory_space<vmem>> -> memref<16xi32, #tpu.memory_space<vmem>>
    %dma_start3A_721 = arith.constant 0 : i32
    %dma_start3A_722 = arith.constant 0 : i32
    %dma_start3A_723 = tpu.memref_slice %arg3[%dma_start3A_721, %dma_start3A_722] : memref<8192x1024xf32, #tpu.memory_space<hbm>> -> memref<8192x1024xf32, #tpu.memory_space<hbm>>
    tpu.enqueue_indirect_dma source(%dma_start3A_723 : memref<8192x1024xf32, #tpu.memory_space<hbm>>) target(%arg6 : memref<16x1024xf32, #tpu.memory_space<vmem>>) offsets(%dma_start3A_720 : memref<16xi32, #tpu.memory_space<vmem>>) semaphore(%arg12 : memref<!tpu.dma_semaphore, #tpu.memory_space<semaphore_mem>>)
    %dma_wait3A_724 = arith.constant 512 : i32
    %dma_wait3A_725 = tpu.memref_slice %arg5[%dma_wait3A_724] : memref<1024xi32, #tpu.memory_space<vmem>> -> memref<16xi32, #tpu.memory_space<vmem>>
    %dma_wait3A_726 = arith.constant 0 : i32
    %dma_wait3A_727 = arith.constant 0 : i32
    %dma_wait3A_728 = tpu.memref_slice %arg3[%dma_wait3A_726, %dma_wait3A_727] : memref<8192x1024xf32, #tpu.memory_space<hbm>> -> memref<8192x1024xf32, #tpu.memory_space<hbm>>
    tpu.wait_indirect_dma semaphore(%arg14 : memref<!tpu.dma_semaphore, #tpu.memory_space<semaphore_mem>>) src(%dma_wait3A_728 : memref<8192x1024xf32, #tpu.memory_space<hbm>>) dst(%arg8 : memref<16x1024xf32, #tpu.memory_space<vmem>>)
    %add3A_729 = arith.constant 512 : i32
    %add3A_730 = arith.addi %mul3A_2, %add3A_729 : i32
    %dma_start3A_731 = arith.constant 0 : i32
    %dma_start3A_732 = tpu.memref_slice %arg4[%add3A_730, %dma_start3A_731] : memref<32768x1024xf32, #tpu.memory_space<hbm>> -> memref<16x1024xf32, #tpu.memory_space<hbm>>
    %dma_start3A_733 = arith.constant 0 : i32
    %dma_start3A_734 = tpu.memref_slice %arg4[%add3A_730, %dma_start3A_733] : memref<32768x1024xf32, #tpu.memory_space<hbm>> -> memref<16x1024xf32, #tpu.memory_space<hbm>>
    tpu.enqueue_dma source(%arg8 : memref<16x1024xf32, #tpu.memory_space<vmem>>) target(%dma_start3A_734 : memref<16x1024xf32, #tpu.memory_space<hbm>>) target_semaphore(%arg20 : memref<!tpu.dma_semaphore, #tpu.memory_space<semaphore_mem>>)
    %add3A_735 = arith.constant 496 : i32
    %add3A_736 = arith.addi %mul3A_2, %add3A_735 : i32
    %dma_wait3A_737 = arith.constant 0 : i32
    %dma_wait3A_738 = tpu.memref_slice %arg4[%add3A_736, %dma_wait3A_737] : memref<32768x1024xf32, #tpu.memory_space<hbm>> -> memref<16x1024xf32, #tpu.memory_space<hbm>>
    %dma_wait3A_739 = arith.constant 0 : i32
    %dma_wait3A_740 = tpu.memref_slice %arg4[%add3A_736, %dma_wait3A_739] : memref<32768x1024xf32, #tpu.memory_space<hbm>> -> memref<16x1024xf32, #tpu.memory_space<hbm>>
    tpu.wait_dma2 semaphore(%arg19 : memref<!tpu.dma_semaphore, #tpu.memory_space<semaphore_mem>>) src(%arg7 : memref<16x1024xf32, #tpu.memory_space<vmem>>) dst(%dma_wait3A_740 : memref<16x1024xf32, #tpu.memory_space<hbm>>)
    %dma_start3A_741 = arith.constant 592 : i32
    %dma_start3A_742 = tpu.memref_slice %arg5[%dma_start3A_741] : memref<1024xi32, #tpu.memory_space<vmem>> -> memref<16xi32, #tpu.memory_space<vmem>>
    %dma_start3A_743 = arith.constant 0 : i32
    %dma_start3A_744 = arith.constant 0 : i32
    %dma_start3A_745 = tpu.memref_slice %arg3[%dma_start3A_743, %dma_start3A_744] : memref<8192x1024xf32, #tpu.memory_space<hbm>> -> memref<8192x1024xf32, #tpu.memory_space<hbm>>
    tpu.enqueue_indirect_dma source(%dma_start3A_745 : memref<8192x1024xf32, #tpu.memory_space<hbm>>) target(%arg7 : memref<16x1024xf32, #tpu.memory_space<vmem>>) offsets(%dma_start3A_742 : memref<16xi32, #tpu.memory_space<vmem>>) semaphore(%arg13 : memref<!tpu.dma_semaphore, #tpu.memory_space<semaphore_mem>>)
    %dma_wait3A_746 = arith.constant 528 : i32
    %dma_wait3A_747 = tpu.memref_slice %arg5[%dma_wait3A_746] : memref<1024xi32, #tpu.memory_space<vmem>> -> memref<16xi32, #tpu.memory_space<vmem>>
    %dma_wait3A_748 = arith.constant 0 : i32
    %dma_wait3A_749 = arith.constant 0 : i32
    %dma_wait3A_750 = tpu.memref_slice %arg3[%dma_wait3A_748, %dma_wait3A_749] : memref<8192x1024xf32, #tpu.memory_space<hbm>> -> memref<8192x1024xf32, #tpu.memory_space<hbm>>
    tpu.wait_indirect_dma semaphore(%arg15 : memref<!tpu.dma_semaphore, #tpu.memory_space<semaphore_mem>>) src(%dma_wait3A_750 : memref<8192x1024xf32, #tpu.memory_space<hbm>>) dst(%arg9 : memref<16x1024xf32, #tpu.memory_space<vmem>>)
    %add3A_751 = arith.constant 528 : i32
    %add3A_752 = arith.addi %mul3A_2, %add3A_751 : i32
    %dma_start3A_753 = arith.constant 0 : i32
    %dma_start3A_754 = tpu.memref_slice %arg4[%add3A_752, %dma_start3A_753] : memref<32768x1024xf32, #tpu.memory_space<hbm>> -> memref<16x1024xf32, #tpu.memory_space<hbm>>
    %dma_start3A_755 = arith.constant 0 : i32
    %dma_start3A_756 = tpu.memref_slice %arg4[%add3A_752, %dma_start3A_755] : memref<32768x1024xf32, #tpu.memory_space<hbm>> -> memref<16x1024xf32, #tpu.memory_space<hbm>>
    tpu.enqueue_dma source(%arg9 : memref<16x1024xf32, #tpu.memory_space<vmem>>) target(%dma_start3A_756 : memref<16x1024xf32, #tpu.memory_space<hbm>>) target_semaphore(%arg21 : memref<!tpu.dma_semaphore, #tpu.memory_space<semaphore_mem>>)
    %add3A_757 = arith.constant 512 : i32
    %add3A_758 = arith.addi %mul3A_2, %add3A_757 : i32
    %dma_wait3A_759 = arith.constant 0 : i32
    %dma_wait3A_760 = tpu.memref_slice %arg4[%add3A_758, %dma_wait3A_759] : memref<32768x1024xf32, #tpu.memory_space<hbm>> -> memref<16x1024xf32, #tpu.memory_space<hbm>>
    %dma_wait3A_761 = arith.constant 0 : i32
    %dma_wait3A_762 = tpu.memref_slice %arg4[%add3A_758, %dma_wait3A_761] : memref<32768x1024xf32, #tpu.memory_space<hbm>> -> memref<16x1024xf32, #tpu.memory_space<hbm>>
    tpu.wait_dma2 semaphore(%arg20 : memref<!tpu.dma_semaphore, #tpu.memory_space<semaphore_mem>>) src(%arg8 : memref<16x1024xf32, #tpu.memory_space<vmem>>) dst(%dma_wait3A_762 : memref<16x1024xf32, #tpu.memory_space<hbm>>)
    %dma_start3A_763 = arith.constant 608 : i32
    %dma_start3A_764 = tpu.memref_slice %arg5[%dma_start3A_763] : memref<1024xi32, #tpu.memory_space<vmem>> -> memref<16xi32, #tpu.memory_space<vmem>>
    %dma_start3A_765 = arith.constant 0 : i32
    %dma_start3A_766 = arith.constant 0 : i32
    %dma_start3A_767 = tpu.memref_slice %arg3[%dma_start3A_765, %dma_start3A_766] : memref<8192x1024xf32, #tpu.memory_space<hbm>> -> memref<8192x1024xf32, #tpu.memory_space<hbm>>
    tpu.enqueue_indirect_dma source(%dma_start3A_767 : memref<8192x1024xf32, #tpu.memory_space<hbm>>) target(%arg8 : memref<16x1024xf32, #tpu.memory_space<vmem>>) offsets(%dma_start3A_764 : memref<16xi32, #tpu.memory_space<vmem>>) semaphore(%arg14 : memref<!tpu.dma_semaphore, #tpu.memory_space<semaphore_mem>>)
    %dma_wait3A_768 = arith.constant 544 : i32
    %dma_wait3A_769 = tpu.memref_slice %arg5[%dma_wait3A_768] : memref<1024xi32, #tpu.memory_space<vmem>> -> memref<16xi32, #tpu.memory_space<vmem>>
    %dma_wait3A_770 = arith.constant 0 : i32
    %dma_wait3A_771 = arith.constant 0 : i32
    %dma_wait3A_772 = tpu.memref_slice %arg3[%dma_wait3A_770, %dma_wait3A_771] : memref<8192x1024xf32, #tpu.memory_space<hbm>> -> memref<8192x1024xf32, #tpu.memory_space<hbm>>
    tpu.wait_indirect_dma semaphore(%arg16 : memref<!tpu.dma_semaphore, #tpu.memory_space<semaphore_mem>>) src(%dma_wait3A_772 : memref<8192x1024xf32, #tpu.memory_space<hbm>>) dst(%arg10 : memref<16x1024xf32, #tpu.memory_space<vmem>>)
    %add3A_773 = arith.constant 544 : i32
    %add3A_774 = arith.addi %mul3A_2, %add3A_773 : i32
    %dma_start3A_775 = arith.constant 0 : i32
    %dma_start3A_776 = tpu.memref_slice %arg4[%add3A_774, %dma_start3A_775] : memref<32768x1024xf32, #tpu.memory_space<hbm>> -> memref<16x1024xf32, #tpu.memory_space<hbm>>
    %dma_start3A_777 = arith.constant 0 : i32
    %dma_start3A_778 = tpu.memref_slice %arg4[%add3A_774, %dma_start3A_777] : memref<32768x1024xf32, #tpu.memory_space<hbm>> -> memref<16x1024xf32, #tpu.memory_space<hbm>>
    tpu.enqueue_dma source(%arg10 : memref<16x1024xf32, #tpu.memory_space<vmem>>) target(%dma_start3A_778 : memref<16x1024xf32, #tpu.memory_space<hbm>>) target_semaphore(%arg22 : memref<!tpu.dma_semaphore, #tpu.memory_space<semaphore_mem>>)
    %add3A_779 = arith.constant 528 : i32
    %add3A_780 = arith.addi %mul3A_2, %add3A_779 : i32
    %dma_wait3A_781 = arith.constant 0 : i32
    %dma_wait3A_782 = tpu.memref_slice %arg4[%add3A_780, %dma_wait3A_781] : memref<32768x1024xf32, #tpu.memory_space<hbm>> -> memref<16x1024xf32, #tpu.memory_space<hbm>>
    %dma_wait3A_783 = arith.constant 0 : i32
    %dma_wait3A_784 = tpu.memref_slice %arg4[%add3A_780, %dma_wait3A_783] : memref<32768x1024xf32, #tpu.memory_space<hbm>> -> memref<16x1024xf32, #tpu.memory_space<hbm>>
    tpu.wait_dma2 semaphore(%arg21 : memref<!tpu.dma_semaphore, #tpu.memory_space<semaphore_mem>>) src(%arg9 : memref<16x1024xf32, #tpu.memory_space<vmem>>) dst(%dma_wait3A_784 : memref<16x1024xf32, #tpu.memory_space<hbm>>)
    %dma_start3A_785 = arith.constant 624 : i32
    %dma_start3A_786 = tpu.memref_slice %arg5[%dma_start3A_785] : memref<1024xi32, #tpu.memory_space<vmem>> -> memref<16xi32, #tpu.memory_space<vmem>>
    %dma_start3A_787 = arith.constant 0 : i32
    %dma_start3A_788 = arith.constant 0 : i32
    %dma_start3A_789 = tpu.memref_slice %arg3[%dma_start3A_787, %dma_start3A_788] : memref<8192x1024xf32, #tpu.memory_space<hbm>> -> memref<8192x1024xf32, #tpu.memory_space<hbm>>
    tpu.enqueue_indirect_dma source(%dma_start3A_789 : memref<8192x1024xf32, #tpu.memory_space<hbm>>) target(%arg9 : memref<16x1024xf32, #tpu.memory_space<vmem>>) offsets(%dma_start3A_786 : memref<16xi32, #tpu.memory_space<vmem>>) semaphore(%arg15 : memref<!tpu.dma_semaphore, #tpu.memory_space<semaphore_mem>>)
    %dma_wait3A_790 = arith.constant 560 : i32
    %dma_wait3A_791 = tpu.memref_slice %arg5[%dma_wait3A_790] : memref<1024xi32, #tpu.memory_space<vmem>> -> memref<16xi32, #tpu.memory_space<vmem>>
    %dma_wait3A_792 = arith.constant 0 : i32
    %dma_wait3A_793 = arith.constant 0 : i32
    %dma_wait3A_794 = tpu.memref_slice %arg3[%dma_wait3A_792, %dma_wait3A_793] : memref<8192x1024xf32, #tpu.memory_space<hbm>> -> memref<8192x1024xf32, #tpu.memory_space<hbm>>
    tpu.wait_indirect_dma semaphore(%arg17 : memref<!tpu.dma_semaphore, #tpu.memory_space<semaphore_mem>>) src(%dma_wait3A_794 : memref<8192x1024xf32, #tpu.memory_space<hbm>>) dst(%arg11 : memref<16x1024xf32, #tpu.memory_space<vmem>>)
    %add3A_795 = arith.constant 560 : i32
    %add3A_796 = arith.addi %mul3A_2, %add3A_795 : i32
    %dma_start3A_797 = arith.constant 0 : i32
    %dma_start3A_798 = tpu.memref_slice %arg4[%add3A_796, %dma_start3A_797] : memref<32768x1024xf32, #tpu.memory_space<hbm>> -> memref<16x1024xf32, #tpu.memory_space<hbm>>
    %dma_start3A_799 = arith.constant 0 : i32
    %dma_start3A_800 = tpu.memref_slice %arg4[%add3A_796, %dma_start3A_799] : memref<32768x1024xf32, #tpu.memory_space<hbm>> -> memref<16x1024xf32, #tpu.memory_space<hbm>>
    tpu.enqueue_dma source(%arg11 : memref<16x1024xf32, #tpu.memory_space<vmem>>) target(%dma_start3A_800 : memref<16x1024xf32, #tpu.memory_space<hbm>>) target_semaphore(%arg23 : memref<!tpu.dma_semaphore, #tpu.memory_space<semaphore_mem>>)
    %add3A_801 = arith.constant 544 : i32
    %add3A_802 = arith.addi %mul3A_2, %add3A_801 : i32
    %dma_wait3A_803 = arith.constant 0 : i32
    %dma_wait3A_804 = tpu.memref_slice %arg4[%add3A_802, %dma_wait3A_803] : memref<32768x1024xf32, #tpu.memory_space<hbm>> -> memref<16x1024xf32, #tpu.memory_space<hbm>>
    %dma_wait3A_805 = arith.constant 0 : i32
    %dma_wait3A_806 = tpu.memref_slice %arg4[%add3A_802, %dma_wait3A_805] : memref<32768x1024xf32, #tpu.memory_space<hbm>> -> memref<16x1024xf32, #tpu.memory_space<hbm>>
    tpu.wait_dma2 semaphore(%arg22 : memref<!tpu.dma_semaphore, #tpu.memory_space<semaphore_mem>>) src(%arg10 : memref<16x1024xf32, #tpu.memory_space<vmem>>) dst(%dma_wait3A_806 : memref<16x1024xf32, #tpu.memory_space<hbm>>)
    %dma_start3A_807 = arith.constant 640 : i32
    %dma_start3A_808 = tpu.memref_slice %arg5[%dma_start3A_807] : memref<1024xi32, #tpu.memory_space<vmem>> -> memref<16xi32, #tpu.memory_space<vmem>>
    %dma_start3A_809 = arith.constant 0 : i32
    %dma_start3A_810 = arith.constant 0 : i32
    %dma_start3A_811 = tpu.memref_slice %arg3[%dma_start3A_809, %dma_start3A_810] : memref<8192x1024xf32, #tpu.memory_space<hbm>> -> memref<8192x1024xf32, #tpu.memory_space<hbm>>
    tpu.enqueue_indirect_dma source(%dma_start3A_811 : memref<8192x1024xf32, #tpu.memory_space<hbm>>) target(%arg10 : memref<16x1024xf32, #tpu.memory_space<vmem>>) offsets(%dma_start3A_808 : memref<16xi32, #tpu.memory_space<vmem>>) semaphore(%arg16 : memref<!tpu.dma_semaphore, #tpu.memory_space<semaphore_mem>>)
    %dma_wait3A_812 = arith.constant 576 : i32
    %dma_wait3A_813 = tpu.memref_slice %arg5[%dma_wait3A_812] : memref<1024xi32, #tpu.memory_space<vmem>> -> memref<16xi32, #tpu.memory_space<vmem>>
    %dma_wait3A_814 = arith.constant 0 : i32
    %dma_wait3A_815 = arith.constant 0 : i32
    %dma_wait3A_816 = tpu.memref_slice %arg3[%dma_wait3A_814, %dma_wait3A_815] : memref<8192x1024xf32, #tpu.memory_space<hbm>> -> memref<8192x1024xf32, #tpu.memory_space<hbm>>
    tpu.wait_indirect_dma semaphore(%arg12 : memref<!tpu.dma_semaphore, #tpu.memory_space<semaphore_mem>>) src(%dma_wait3A_816 : memref<8192x1024xf32, #tpu.memory_space<hbm>>) dst(%arg6 : memref<16x1024xf32, #tpu.memory_space<vmem>>)
    %add3A_817 = arith.constant 576 : i32
    %add3A_818 = arith.addi %mul3A_2, %add3A_817 : i32
    %dma_start3A_819 = arith.constant 0 : i32
    %dma_start3A_820 = tpu.memref_slice %arg4[%add3A_818, %dma_start3A_819] : memref<32768x1024xf32, #tpu.memory_space<hbm>> -> memref<16x1024xf32, #tpu.memory_space<hbm>>
    %dma_start3A_821 = arith.constant 0 : i32
    %dma_start3A_822 = tpu.memref_slice %arg4[%add3A_818, %dma_start3A_821] : memref<32768x1024xf32, #tpu.memory_space<hbm>> -> memref<16x1024xf32, #tpu.memory_space<hbm>>
    tpu.enqueue_dma source(%arg6 : memref<16x1024xf32, #tpu.memory_space<vmem>>) target(%dma_start3A_822 : memref<16x1024xf32, #tpu.memory_space<hbm>>) target_semaphore(%arg18 : memref<!tpu.dma_semaphore, #tpu.memory_space<semaphore_mem>>)
    %add3A_823 = arith.constant 560 : i32
    %add3A_824 = arith.addi %mul3A_2, %add3A_823 : i32
    %dma_wait3A_825 = arith.constant 0 : i32
    %dma_wait3A_826 = tpu.memref_slice %arg4[%add3A_824, %dma_wait3A_825] : memref<32768x1024xf32, #tpu.memory_space<hbm>> -> memref<16x1024xf32, #tpu.memory_space<hbm>>
    %dma_wait3A_827 = arith.constant 0 : i32
    %dma_wait3A_828 = tpu.memref_slice %arg4[%add3A_824, %dma_wait3A_827] : memref<32768x1024xf32, #tpu.memory_space<hbm>> -> memref<16x1024xf32, #tpu.memory_space<hbm>>
    tpu.wait_dma2 semaphore(%arg23 : memref<!tpu.dma_semaphore, #tpu.memory_space<semaphore_mem>>) src(%arg11 : memref<16x1024xf32, #tpu.memory_space<vmem>>) dst(%dma_wait3A_828 : memref<16x1024xf32, #tpu.memory_space<hbm>>)
    %dma_start3A_829 = arith.constant 656 : i32
    %dma_start3A_830 = tpu.memref_slice %arg5[%dma_start3A_829] : memref<1024xi32, #tpu.memory_space<vmem>> -> memref<16xi32, #tpu.memory_space<vmem>>
    %dma_start3A_831 = arith.constant 0 : i32
    %dma_start3A_832 = arith.constant 0 : i32
    %dma_start3A_833 = tpu.memref_slice %arg3[%dma_start3A_831, %dma_start3A_832] : memref<8192x1024xf32, #tpu.memory_space<hbm>> -> memref<8192x1024xf32, #tpu.memory_space<hbm>>
    tpu.enqueue_indirect_dma source(%dma_start3A_833 : memref<8192x1024xf32, #tpu.memory_space<hbm>>) target(%arg11 : memref<16x1024xf32, #tpu.memory_space<vmem>>) offsets(%dma_start3A_830 : memref<16xi32, #tpu.memory_space<vmem>>) semaphore(%arg17 : memref<!tpu.dma_semaphore, #tpu.memory_space<semaphore_mem>>)
    %dma_wait3A_834 = arith.constant 592 : i32
    %dma_wait3A_835 = tpu.memref_slice %arg5[%dma_wait3A_834] : memref<1024xi32, #tpu.memory_space<vmem>> -> memref<16xi32, #tpu.memory_space<vmem>>
    %dma_wait3A_836 = arith.constant 0 : i32
    %dma_wait3A_837 = arith.constant 0 : i32
    %dma_wait3A_838 = tpu.memref_slice %arg3[%dma_wait3A_836, %dma_wait3A_837] : memref<8192x1024xf32, #tpu.memory_space<hbm>> -> memref<8192x1024xf32, #tpu.memory_space<hbm>>
    tpu.wait_indirect_dma semaphore(%arg13 : memref<!tpu.dma_semaphore, #tpu.memory_space<semaphore_mem>>) src(%dma_wait3A_838 : memref<8192x1024xf32, #tpu.memory_space<hbm>>) dst(%arg7 : memref<16x1024xf32, #tpu.memory_space<vmem>>)
    %add3A_839 = arith.constant 592 : i32
    %add3A_840 = arith.addi %mul3A_2, %add3A_839 : i32
    %dma_start3A_841 = arith.constant 0 : i32
    %dma_start3A_842 = tpu.memref_slice %arg4[%add3A_840, %dma_start3A_841] : memref<32768x1024xf32, #tpu.memory_space<hbm>> -> memref<16x1024xf32, #tpu.memory_space<hbm>>
    %dma_start3A_843 = arith.constant 0 : i32
    %dma_start3A_844 = tpu.memref_slice %arg4[%add3A_840, %dma_start3A_843] : memref<32768x1024xf32, #tpu.memory_space<hbm>> -> memref<16x1024xf32, #tpu.memory_space<hbm>>
    tpu.enqueue_dma source(%arg7 : memref<16x1024xf32, #tpu.memory_space<vmem>>) target(%dma_start3A_844 : memref<16x1024xf32, #tpu.memory_space<hbm>>) target_semaphore(%arg19 : memref<!tpu.dma_semaphore, #tpu.memory_space<semaphore_mem>>)
    %add3A_845 = arith.constant 576 : i32
    %add3A_846 = arith.addi %mul3A_2, %add3A_845 : i32
    %dma_wait3A_847 = arith.constant 0 : i32
    %dma_wait3A_848 = tpu.memref_slice %arg4[%add3A_846, %dma_wait3A_847] : memref<32768x1024xf32, #tpu.memory_space<hbm>> -> memref<16x1024xf32, #tpu.memory_space<hbm>>
    %dma_wait3A_849 = arith.constant 0 : i32
    %dma_wait3A_850 = tpu.memref_slice %arg4[%add3A_846, %dma_wait3A_849] : memref<32768x1024xf32, #tpu.memory_space<hbm>> -> memref<16x1024xf32, #tpu.memory_space<hbm>>
    tpu.wait_dma2 semaphore(%arg18 : memref<!tpu.dma_semaphore, #tpu.memory_space<semaphore_mem>>) src(%arg6 : memref<16x1024xf32, #tpu.memory_space<vmem>>) dst(%dma_wait3A_850 : memref<16x1024xf32, #tpu.memory_space<hbm>>)
    %dma_start3A_851 = arith.constant 672 : i32
    %dma_start3A_852 = tpu.memref_slice %arg5[%dma_start3A_851] : memref<1024xi32, #tpu.memory_space<vmem>> -> memref<16xi32, #tpu.memory_space<vmem>>
    %dma_start3A_853 = arith.constant 0 : i32
    %dma_start3A_854 = arith.constant 0 : i32
    %dma_start3A_855 = tpu.memref_slice %arg3[%dma_start3A_853, %dma_start3A_854] : memref<8192x1024xf32, #tpu.memory_space<hbm>> -> memref<8192x1024xf32, #tpu.memory_space<hbm>>
    tpu.enqueue_indirect_dma source(%dma_start3A_855 : memref<8192x1024xf32, #tpu.memory_space<hbm>>) target(%arg6 : memref<16x1024xf32, #tpu.memory_space<vmem>>) offsets(%dma_start3A_852 : memref<16xi32, #tpu.memory_space<vmem>>) semaphore(%arg12 : memref<!tpu.dma_semaphore, #tpu.memory_space<semaphore_mem>>)
    %dma_wait3A_856 = arith.constant 608 : i32
    %dma_wait3A_857 = tpu.memref_slice %arg5[%dma_wait3A_856] : memref<1024xi32, #tpu.memory_space<vmem>> -> memref<16xi32, #tpu.memory_space<vmem>>
    %dma_wait3A_858 = arith.constant 0 : i32
    %dma_wait3A_859 = arith.constant 0 : i32
    %dma_wait3A_860 = tpu.memref_slice %arg3[%dma_wait3A_858, %dma_wait3A_859] : memref<8192x1024xf32, #tpu.memory_space<hbm>> -> memref<8192x1024xf32, #tpu.memory_space<hbm>>
    tpu.wait_indirect_dma semaphore(%arg14 : memref<!tpu.dma_semaphore, #tpu.memory_space<semaphore_mem>>) src(%dma_wait3A_860 : memref<8192x1024xf32, #tpu.memory_space<hbm>>) dst(%arg8 : memref<16x1024xf32, #tpu.memory_space<vmem>>)
    %add3A_861 = arith.constant 608 : i32
    %add3A_862 = arith.addi %mul3A_2, %add3A_861 : i32
    %dma_start3A_863 = arith.constant 0 : i32
    %dma_start3A_864 = tpu.memref_slice %arg4[%add3A_862, %dma_start3A_863] : memref<32768x1024xf32, #tpu.memory_space<hbm>> -> memref<16x1024xf32, #tpu.memory_space<hbm>>
    %dma_start3A_865 = arith.constant 0 : i32
    %dma_start3A_866 = tpu.memref_slice %arg4[%add3A_862, %dma_start3A_865] : memref<32768x1024xf32, #tpu.memory_space<hbm>> -> memref<16x1024xf32, #tpu.memory_space<hbm>>
    tpu.enqueue_dma source(%arg8 : memref<16x1024xf32, #tpu.memory_space<vmem>>) target(%dma_start3A_866 : memref<16x1024xf32, #tpu.memory_space<hbm>>) target_semaphore(%arg20 : memref<!tpu.dma_semaphore, #tpu.memory_space<semaphore_mem>>)
    %add3A_867 = arith.constant 592 : i32
    %add3A_868 = arith.addi %mul3A_2, %add3A_867 : i32
    %dma_wait3A_869 = arith.constant 0 : i32
    %dma_wait3A_870 = tpu.memref_slice %arg4[%add3A_868, %dma_wait3A_869] : memref<32768x1024xf32, #tpu.memory_space<hbm>> -> memref<16x1024xf32, #tpu.memory_space<hbm>>
    %dma_wait3A_871 = arith.constant 0 : i32
    %dma_wait3A_872 = tpu.memref_slice %arg4[%add3A_868, %dma_wait3A_871] : memref<32768x1024xf32, #tpu.memory_space<hbm>> -> memref<16x1024xf32, #tpu.memory_space<hbm>>
    tpu.wait_dma2 semaphore(%arg19 : memref<!tpu.dma_semaphore, #tpu.memory_space<semaphore_mem>>) src(%arg7 : memref<16x1024xf32, #tpu.memory_space<vmem>>) dst(%dma_wait3A_872 : memref<16x1024xf32, #tpu.memory_space<hbm>>)
    %dma_start3A_873 = arith.constant 688 : i32
    %dma_start3A_874 = tpu.memref_slice %arg5[%dma_start3A_873] : memref<1024xi32, #tpu.memory_space<vmem>> -> memref<16xi32, #tpu.memory_space<vmem>>
    %dma_start3A_875 = arith.constant 0 : i32
    %dma_start3A_876 = arith.constant 0 : i32
    %dma_start3A_877 = tpu.memref_slice %arg3[%dma_start3A_875, %dma_start3A_876] : memref<8192x1024xf32, #tpu.memory_space<hbm>> -> memref<8192x1024xf32, #tpu.memory_space<hbm>>
    tpu.enqueue_indirect_dma source(%dma_start3A_877 : memref<8192x1024xf32, #tpu.memory_space<hbm>>) target(%arg7 : memref<16x1024xf32, #tpu.memory_space<vmem>>) offsets(%dma_start3A_874 : memref<16xi32, #tpu.memory_space<vmem>>) semaphore(%arg13 : memref<!tpu.dma_semaphore, #tpu.memory_space<semaphore_mem>>)
    %dma_wait3A_878 = arith.constant 624 : i32
    %dma_wait3A_879 = tpu.memref_slice %arg5[%dma_wait3A_878] : memref<1024xi32, #tpu.memory_space<vmem>> -> memref<16xi32, #tpu.memory_space<vmem>>
    %dma_wait3A_880 = arith.constant 0 : i32
    %dma_wait3A_881 = arith.constant 0 : i32
    %dma_wait3A_882 = tpu.memref_slice %arg3[%dma_wait3A_880, %dma_wait3A_881] : memref<8192x1024xf32, #tpu.memory_space<hbm>> -> memref<8192x1024xf32, #tpu.memory_space<hbm>>
    tpu.wait_indirect_dma semaphore(%arg15 : memref<!tpu.dma_semaphore, #tpu.memory_space<semaphore_mem>>) src(%dma_wait3A_882 : memref<8192x1024xf32, #tpu.memory_space<hbm>>) dst(%arg9 : memref<16x1024xf32, #tpu.memory_space<vmem>>)
    %add3A_883 = arith.constant 624 : i32
    %add3A_884 = arith.addi %mul3A_2, %add3A_883 : i32
    %dma_start3A_885 = arith.constant 0 : i32
    %dma_start3A_886 = tpu.memref_slice %arg4[%add3A_884, %dma_start3A_885] : memref<32768x1024xf32, #tpu.memory_space<hbm>> -> memref<16x1024xf32, #tpu.memory_space<hbm>>
    %dma_start3A_887 = arith.constant 0 : i32
    %dma_start3A_888 = tpu.memref_slice %arg4[%add3A_884, %dma_start3A_887] : memref<32768x1024xf32, #tpu.memory_space<hbm>> -> memref<16x1024xf32, #tpu.memory_space<hbm>>
    tpu.enqueue_dma source(%arg9 : memref<16x1024xf32, #tpu.memory_space<vmem>>) target(%dma_start3A_888 : memref<16x1024xf32, #tpu.memory_space<hbm>>) target_semaphore(%arg21 : memref<!tpu.dma_semaphore, #tpu.memory_space<semaphore_mem>>)
    %add3A_889 = arith.constant 608 : i32
    %add3A_890 = arith.addi %mul3A_2, %add3A_889 : i32
    %dma_wait3A_891 = arith.constant 0 : i32
    %dma_wait3A_892 = tpu.memref_slice %arg4[%add3A_890, %dma_wait3A_891] : memref<32768x1024xf32, #tpu.memory_space<hbm>> -> memref<16x1024xf32, #tpu.memory_space<hbm>>
    %dma_wait3A_893 = arith.constant 0 : i32
    %dma_wait3A_894 = tpu.memref_slice %arg4[%add3A_890, %dma_wait3A_893] : memref<32768x1024xf32, #tpu.memory_space<hbm>> -> memref<16x1024xf32, #tpu.memory_space<hbm>>
    tpu.wait_dma2 semaphore(%arg20 : memref<!tpu.dma_semaphore, #tpu.memory_space<semaphore_mem>>) src(%arg8 : memref<16x1024xf32, #tpu.memory_space<vmem>>) dst(%dma_wait3A_894 : memref<16x1024xf32, #tpu.memory_space<hbm>>)
    %dma_start3A_895 = arith.constant 704 : i32
    %dma_start3A_896 = tpu.memref_slice %arg5[%dma_start3A_895] : memref<1024xi32, #tpu.memory_space<vmem>> -> memref<16xi32, #tpu.memory_space<vmem>>
    %dma_start3A_897 = arith.constant 0 : i32
    %dma_start3A_898 = arith.constant 0 : i32
    %dma_start3A_899 = tpu.memref_slice %arg3[%dma_start3A_897, %dma_start3A_898] : memref<8192x1024xf32, #tpu.memory_space<hbm>> -> memref<8192x1024xf32, #tpu.memory_space<hbm>>
    tpu.enqueue_indirect_dma source(%dma_start3A_899 : memref<8192x1024xf32, #tpu.memory_space<hbm>>) target(%arg8 : memref<16x1024xf32, #tpu.memory_space<vmem>>) offsets(%dma_start3A_896 : memref<16xi32, #tpu.memory_space<vmem>>) semaphore(%arg14 : memref<!tpu.dma_semaphore, #tpu.memory_space<semaphore_mem>>)
    %dma_wait3A_900 = arith.constant 640 : i32
    %dma_wait3A_901 = tpu.memref_slice %arg5[%dma_wait3A_900] : memref<1024xi32, #tpu.memory_space<vmem>> -> memref<16xi32, #tpu.memory_space<vmem>>
    %dma_wait3A_902 = arith.constant 0 : i32
    %dma_wait3A_903 = arith.constant 0 : i32
    %dma_wait3A_904 = tpu.memref_slice %arg3[%dma_wait3A_902, %dma_wait3A_903] : memref<8192x1024xf32, #tpu.memory_space<hbm>> -> memref<8192x1024xf32, #tpu.memory_space<hbm>>
    tpu.wait_indirect_dma semaphore(%arg16 : memref<!tpu.dma_semaphore, #tpu.memory_space<semaphore_mem>>) src(%dma_wait3A_904 : memref<8192x1024xf32, #tpu.memory_space<hbm>>) dst(%arg10 : memref<16x1024xf32, #tpu.memory_space<vmem>>)
    %add3A_905 = arith.constant 640 : i32
    %add3A_906 = arith.addi %mul3A_2, %add3A_905 : i32
    %dma_start3A_907 = arith.constant 0 : i32
    %dma_start3A_908 = tpu.memref_slice %arg4[%add3A_906, %dma_start3A_907] : memref<32768x1024xf32, #tpu.memory_space<hbm>> -> memref<16x1024xf32, #tpu.memory_space<hbm>>
    %dma_start3A_909 = arith.constant 0 : i32
    %dma_start3A_910 = tpu.memref_slice %arg4[%add3A_906, %dma_start3A_909] : memref<32768x1024xf32, #tpu.memory_space<hbm>> -> memref<16x1024xf32, #tpu.memory_space<hbm>>
    tpu.enqueue_dma source(%arg10 : memref<16x1024xf32, #tpu.memory_space<vmem>>) target(%dma_start3A_910 : memref<16x1024xf32, #tpu.memory_space<hbm>>) target_semaphore(%arg22 : memref<!tpu.dma_semaphore, #tpu.memory_space<semaphore_mem>>)
    %add3A_911 = arith.constant 624 : i32
    %add3A_912 = arith.addi %mul3A_2, %add3A_911 : i32
    %dma_wait3A_913 = arith.constant 0 : i32
    %dma_wait3A_914 = tpu.memref_slice %arg4[%add3A_912, %dma_wait3A_913] : memref<32768x1024xf32, #tpu.memory_space<hbm>> -> memref<16x1024xf32, #tpu.memory_space<hbm>>
    %dma_wait3A_915 = arith.constant 0 : i32
    %dma_wait3A_916 = tpu.memref_slice %arg4[%add3A_912, %dma_wait3A_915] : memref<32768x1024xf32, #tpu.memory_space<hbm>> -> memref<16x1024xf32, #tpu.memory_space<hbm>>
    tpu.wait_dma2 semaphore(%arg21 : memref<!tpu.dma_semaphore, #tpu.memory_space<semaphore_mem>>) src(%arg9 : memref<16x1024xf32, #tpu.memory_space<vmem>>) dst(%dma_wait3A_916 : memref<16x1024xf32, #tpu.memory_space<hbm>>)
    %dma_start3A_917 = arith.constant 720 : i32
    %dma_start3A_918 = tpu.memref_slice %arg5[%dma_start3A_917] : memref<1024xi32, #tpu.memory_space<vmem>> -> memref<16xi32, #tpu.memory_space<vmem>>
    %dma_start3A_919 = arith.constant 0 : i32
    %dma_start3A_920 = arith.constant 0 : i32
    %dma_start3A_921 = tpu.memref_slice %arg3[%dma_start3A_919, %dma_start3A_920] : memref<8192x1024xf32, #tpu.memory_space<hbm>> -> memref<8192x1024xf32, #tpu.memory_space<hbm>>
    tpu.enqueue_indirect_dma source(%dma_start3A_921 : memref<8192x1024xf32, #tpu.memory_space<hbm>>) target(%arg9 : memref<16x1024xf32, #tpu.memory_space<vmem>>) offsets(%dma_start3A_918 : memref<16xi32, #tpu.memory_space<vmem>>) semaphore(%arg15 : memref<!tpu.dma_semaphore, #tpu.memory_space<semaphore_mem>>)
    %dma_wait3A_922 = arith.constant 656 : i32
    %dma_wait3A_923 = tpu.memref_slice %arg5[%dma_wait3A_922] : memref<1024xi32, #tpu.memory_space<vmem>> -> memref<16xi32, #tpu.memory_space<vmem>>
    %dma_wait3A_924 = arith.constant 0 : i32
    %dma_wait3A_925 = arith.constant 0 : i32
    %dma_wait3A_926 = tpu.memref_slice %arg3[%dma_wait3A_924, %dma_wait3A_925] : memref<8192x1024xf32, #tpu.memory_space<hbm>> -> memref<8192x1024xf32, #tpu.memory_space<hbm>>
    tpu.wait_indirect_dma semaphore(%arg17 : memref<!tpu.dma_semaphore, #tpu.memory_space<semaphore_mem>>) src(%dma_wait3A_926 : memref<8192x1024xf32, #tpu.memory_space<hbm>>) dst(%arg11 : memref<16x1024xf32, #tpu.memory_space<vmem>>)
    %add3A_927 = arith.constant 656 : i32
    %add3A_928 = arith.addi %mul3A_2, %add3A_927 : i32
    %dma_start3A_929 = arith.constant 0 : i32
    %dma_start3A_930 = tpu.memref_slice %arg4[%add3A_928, %dma_start3A_929] : memref<32768x1024xf32, #tpu.memory_space<hbm>> -> memref<16x1024xf32, #tpu.memory_space<hbm>>
    %dma_start3A_931 = arith.constant 0 : i32
    %dma_start3A_932 = tpu.memref_slice %arg4[%add3A_928, %dma_start3A_931] : memref<32768x1024xf32, #tpu.memory_space<hbm>> -> memref<16x1024xf32, #tpu.memory_space<hbm>>
    tpu.enqueue_dma source(%arg11 : memref<16x1024xf32, #tpu.memory_space<vmem>>) target(%dma_start3A_932 : memref<16x1024xf32, #tpu.memory_space<hbm>>) target_semaphore(%arg23 : memref<!tpu.dma_semaphore, #tpu.memory_space<semaphore_mem>>)
    %add3A_933 = arith.constant 640 : i32
    %add3A_934 = arith.addi %mul3A_2, %add3A_933 : i32
    %dma_wait3A_935 = arith.constant 0 : i32
    %dma_wait3A_936 = tpu.memref_slice %arg4[%add3A_934, %dma_wait3A_935] : memref<32768x1024xf32, #tpu.memory_space<hbm>> -> memref<16x1024xf32, #tpu.memory_space<hbm>>
    %dma_wait3A_937 = arith.constant 0 : i32
    %dma_wait3A_938 = tpu.memref_slice %arg4[%add3A_934, %dma_wait3A_937] : memref<32768x1024xf32, #tpu.memory_space<hbm>> -> memref<16x1024xf32, #tpu.memory_space<hbm>>
    tpu.wait_dma2 semaphore(%arg22 : memref<!tpu.dma_semaphore, #tpu.memory_space<semaphore_mem>>) src(%arg10 : memref<16x1024xf32, #tpu.memory_space<vmem>>) dst(%dma_wait3A_938 : memref<16x1024xf32, #tpu.memory_space<hbm>>)
    %dma_start3A_939 = arith.constant 736 : i32
    %dma_start3A_940 = tpu.memref_slice %arg5[%dma_start3A_939] : memref<1024xi32, #tpu.memory_space<vmem>> -> memref<16xi32, #tpu.memory_space<vmem>>
    %dma_start3A_941 = arith.constant 0 : i32
    %dma_start3A_942 = arith.constant 0 : i32
    %dma_start3A_943 = tpu.memref_slice %arg3[%dma_start3A_941, %dma_start3A_942] : memref<8192x1024xf32, #tpu.memory_space<hbm>> -> memref<8192x1024xf32, #tpu.memory_space<hbm>>
    tpu.enqueue_indirect_dma source(%dma_start3A_943 : memref<8192x1024xf32, #tpu.memory_space<hbm>>) target(%arg10 : memref<16x1024xf32, #tpu.memory_space<vmem>>) offsets(%dma_start3A_940 : memref<16xi32, #tpu.memory_space<vmem>>) semaphore(%arg16 : memref<!tpu.dma_semaphore, #tpu.memory_space<semaphore_mem>>)
    %dma_wait3A_944 = arith.constant 672 : i32
    %dma_wait3A_945 = tpu.memref_slice %arg5[%dma_wait3A_944] : memref<1024xi32, #tpu.memory_space<vmem>> -> memref<16xi32, #tpu.memory_space<vmem>>
    %dma_wait3A_946 = arith.constant 0 : i32
    %dma_wait3A_947 = arith.constant 0 : i32
    %dma_wait3A_948 = tpu.memref_slice %arg3[%dma_wait3A_946, %dma_wait3A_947] : memref<8192x1024xf32, #tpu.memory_space<hbm>> -> memref<8192x1024xf32, #tpu.memory_space<hbm>>
    tpu.wait_indirect_dma semaphore(%arg12 : memref<!tpu.dma_semaphore, #tpu.memory_space<semaphore_mem>>) src(%dma_wait3A_948 : memref<8192x1024xf32, #tpu.memory_space<hbm>>) dst(%arg6 : memref<16x1024xf32, #tpu.memory_space<vmem>>)
    %add3A_949 = arith.constant 672 : i32
    %add3A_950 = arith.addi %mul3A_2, %add3A_949 : i32
    %dma_start3A_951 = arith.constant 0 : i32
    %dma_start3A_952 = tpu.memref_slice %arg4[%add3A_950, %dma_start3A_951] : memref<32768x1024xf32, #tpu.memory_space<hbm>> -> memref<16x1024xf32, #tpu.memory_space<hbm>>
    %dma_start3A_953 = arith.constant 0 : i32
    %dma_start3A_954 = tpu.memref_slice %arg4[%add3A_950, %dma_start3A_953] : memref<32768x1024xf32, #tpu.memory_space<hbm>> -> memref<16x1024xf32, #tpu.memory_space<hbm>>
    tpu.enqueue_dma source(%arg6 : memref<16x1024xf32, #tpu.memory_space<vmem>>) target(%dma_start3A_954 : memref<16x1024xf32, #tpu.memory_space<hbm>>) target_semaphore(%arg18 : memref<!tpu.dma_semaphore, #tpu.memory_space<semaphore_mem>>)
    %add3A_955 = arith.constant 656 : i32
    %add3A_956 = arith.addi %mul3A_2, %add3A_955 : i32
    %dma_wait3A_957 = arith.constant 0 : i32
    %dma_wait3A_958 = tpu.memref_slice %arg4[%add3A_956, %dma_wait3A_957] : memref<32768x1024xf32, #tpu.memory_space<hbm>> -> memref<16x1024xf32, #tpu.memory_space<hbm>>
    %dma_wait3A_959 = arith.constant 0 : i32
    %dma_wait3A_960 = tpu.memref_slice %arg4[%add3A_956, %dma_wait3A_959] : memref<32768x1024xf32, #tpu.memory_space<hbm>> -> memref<16x1024xf32, #tpu.memory_space<hbm>>
    tpu.wait_dma2 semaphore(%arg23 : memref<!tpu.dma_semaphore, #tpu.memory_space<semaphore_mem>>) src(%arg11 : memref<16x1024xf32, #tpu.memory_space<vmem>>) dst(%dma_wait3A_960 : memref<16x1024xf32, #tpu.memory_space<hbm>>)
    %dma_start3A_961 = arith.constant 752 : i32
    %dma_start3A_962 = tpu.memref_slice %arg5[%dma_start3A_961] : memref<1024xi32, #tpu.memory_space<vmem>> -> memref<16xi32, #tpu.memory_space<vmem>>
    %dma_start3A_963 = arith.constant 0 : i32
    %dma_start3A_964 = arith.constant 0 : i32
    %dma_start3A_965 = tpu.memref_slice %arg3[%dma_start3A_963, %dma_start3A_964] : memref<8192x1024xf32, #tpu.memory_space<hbm>> -> memref<8192x1024xf32, #tpu.memory_space<hbm>>
    tpu.enqueue_indirect_dma source(%dma_start3A_965 : memref<8192x1024xf32, #tpu.memory_space<hbm>>) target(%arg11 : memref<16x1024xf32, #tpu.memory_space<vmem>>) offsets(%dma_start3A_962 : memref<16xi32, #tpu.memory_space<vmem>>) semaphore(%arg17 : memref<!tpu.dma_semaphore, #tpu.memory_space<semaphore_mem>>)
    %dma_wait3A_966 = arith.constant 688 : i32
    %dma_wait3A_967 = tpu.memref_slice %arg5[%dma_wait3A_966] : memref<1024xi32, #tpu.memory_space<vmem>> -> memref<16xi32, #tpu.memory_space<vmem>>
    %dma_wait3A_968 = arith.constant 0 : i32
    %dma_wait3A_969 = arith.constant 0 : i32
    %dma_wait3A_970 = tpu.memref_slice %arg3[%dma_wait3A_968, %dma_wait3A_969] : memref<8192x1024xf32, #tpu.memory_space<hbm>> -> memref<8192x1024xf32, #tpu.memory_space<hbm>>
    tpu.wait_indirect_dma semaphore(%arg13 : memref<!tpu.dma_semaphore, #tpu.memory_space<semaphore_mem>>) src(%dma_wait3A_970 : memref<8192x1024xf32, #tpu.memory_space<hbm>>) dst(%arg7 : memref<16x1024xf32, #tpu.memory_space<vmem>>)
    %add3A_971 = arith.constant 688 : i32
    %add3A_972 = arith.addi %mul3A_2, %add3A_971 : i32
    %dma_start3A_973 = arith.constant 0 : i32
    %dma_start3A_974 = tpu.memref_slice %arg4[%add3A_972, %dma_start3A_973] : memref<32768x1024xf32, #tpu.memory_space<hbm>> -> memref<16x1024xf32, #tpu.memory_space<hbm>>
    %dma_start3A_975 = arith.constant 0 : i32
    %dma_start3A_976 = tpu.memref_slice %arg4[%add3A_972, %dma_start3A_975] : memref<32768x1024xf32, #tpu.memory_space<hbm>> -> memref<16x1024xf32, #tpu.memory_space<hbm>>
    tpu.enqueue_dma source(%arg7 : memref<16x1024xf32, #tpu.memory_space<vmem>>) target(%dma_start3A_976 : memref<16x1024xf32, #tpu.memory_space<hbm>>) target_semaphore(%arg19 : memref<!tpu.dma_semaphore, #tpu.memory_space<semaphore_mem>>)
    %add3A_977 = arith.constant 672 : i32
    %add3A_978 = arith.addi %mul3A_2, %add3A_977 : i32
    %dma_wait3A_979 = arith.constant 0 : i32
    %dma_wait3A_980 = tpu.memref_slice %arg4[%add3A_978, %dma_wait3A_979] : memref<32768x1024xf32, #tpu.memory_space<hbm>> -> memref<16x1024xf32, #tpu.memory_space<hbm>>
    %dma_wait3A_981 = arith.constant 0 : i32
    %dma_wait3A_982 = tpu.memref_slice %arg4[%add3A_978, %dma_wait3A_981] : memref<32768x1024xf32, #tpu.memory_space<hbm>> -> memref<16x1024xf32, #tpu.memory_space<hbm>>
    tpu.wait_dma2 semaphore(%arg18 : memref<!tpu.dma_semaphore, #tpu.memory_space<semaphore_mem>>) src(%arg6 : memref<16x1024xf32, #tpu.memory_space<vmem>>) dst(%dma_wait3A_982 : memref<16x1024xf32, #tpu.memory_space<hbm>>)
    %dma_start3A_983 = arith.constant 768 : i32
    %dma_start3A_984 = tpu.memref_slice %arg5[%dma_start3A_983] : memref<1024xi32, #tpu.memory_space<vmem>> -> memref<16xi32, #tpu.memory_space<vmem>>
    %dma_start3A_985 = arith.constant 0 : i32
    %dma_start3A_986 = arith.constant 0 : i32
    %dma_start3A_987 = tpu.memref_slice %arg3[%dma_start3A_985, %dma_start3A_986] : memref<8192x1024xf32, #tpu.memory_space<hbm>> -> memref<8192x1024xf32, #tpu.memory_space<hbm>>
    tpu.enqueue_indirect_dma source(%dma_start3A_987 : memref<8192x1024xf32, #tpu.memory_space<hbm>>) target(%arg6 : memref<16x1024xf32, #tpu.memory_space<vmem>>) offsets(%dma_start3A_984 : memref<16xi32, #tpu.memory_space<vmem>>) semaphore(%arg12 : memref<!tpu.dma_semaphore, #tpu.memory_space<semaphore_mem>>)
    %dma_wait3A_988 = arith.constant 704 : i32
    %dma_wait3A_989 = tpu.memref_slice %arg5[%dma_wait3A_988] : memref<1024xi32, #tpu.memory_space<vmem>> -> memref<16xi32, #tpu.memory_space<vmem>>
    %dma_wait3A_990 = arith.constant 0 : i32
    %dma_wait3A_991 = arith.constant 0 : i32
    %dma_wait3A_992 = tpu.memref_slice %arg3[%dma_wait3A_990, %dma_wait3A_991] : memref<8192x1024xf32, #tpu.memory_space<hbm>> -> memref<8192x1024xf32, #tpu.memory_space<hbm>>
    tpu.wait_indirect_dma semaphore(%arg14 : memref<!tpu.dma_semaphore, #tpu.memory_space<semaphore_mem>>) src(%dma_wait3A_992 : memref<8192x1024xf32, #tpu.memory_space<hbm>>) dst(%arg8 : memref<16x1024xf32, #tpu.memory_space<vmem>>)
    %add3A_993 = arith.constant 704 : i32
    %add3A_994 = arith.addi %mul3A_2, %add3A_993 : i32
    %dma_start3A_995 = arith.constant 0 : i32
    %dma_start3A_996 = tpu.memref_slice %arg4[%add3A_994, %dma_start3A_995] : memref<32768x1024xf32, #tpu.memory_space<hbm>> -> memref<16x1024xf32, #tpu.memory_space<hbm>>
    %dma_start3A_997 = arith.constant 0 : i32
    %dma_start3A_998 = tpu.memref_slice %arg4[%add3A_994, %dma_start3A_997] : memref<32768x1024xf32, #tpu.memory_space<hbm>> -> memref<16x1024xf32, #tpu.memory_space<hbm>>
    tpu.enqueue_dma source(%arg8 : memref<16x1024xf32, #tpu.memory_space<vmem>>) target(%dma_start3A_998 : memref<16x1024xf32, #tpu.memory_space<hbm>>) target_semaphore(%arg20 : memref<!tpu.dma_semaphore, #tpu.memory_space<semaphore_mem>>)
    %add3A_999 = arith.constant 688 : i32
    %add3A_1000 = arith.addi %mul3A_2, %add3A_999 : i32
    %dma_wait3A_1001 = arith.constant 0 : i32
    %dma_wait3A_1002 = tpu.memref_slice %arg4[%add3A_1000, %dma_wait3A_1001] : memref<32768x1024xf32, #tpu.memory_space<hbm>> -> memref<16x1024xf32, #tpu.memory_space<hbm>>
    %dma_wait3A_1003 = arith.constant 0 : i32
    %dma_wait3A_1004 = tpu.memref_slice %arg4[%add3A_1000, %dma_wait3A_1003] : memref<32768x1024xf32, #tpu.memory_space<hbm>> -> memref<16x1024xf32, #tpu.memory_space<hbm>>
    tpu.wait_dma2 semaphore(%arg19 : memref<!tpu.dma_semaphore, #tpu.memory_space<semaphore_mem>>) src(%arg7 : memref<16x1024xf32, #tpu.memory_space<vmem>>) dst(%dma_wait3A_1004 : memref<16x1024xf32, #tpu.memory_space<hbm>>)
    %dma_start3A_1005 = arith.constant 784 : i32
    %dma_start3A_1006 = tpu.memref_slice %arg5[%dma_start3A_1005] : memref<1024xi32, #tpu.memory_space<vmem>> -> memref<16xi32, #tpu.memory_space<vmem>>
    %dma_start3A_1007 = arith.constant 0 : i32
    %dma_start3A_1008 = arith.constant 0 : i32
    %dma_start3A_1009 = tpu.memref_slice %arg3[%dma_start3A_1007, %dma_start3A_1008] : memref<8192x1024xf32, #tpu.memory_space<hbm>> -> memref<8192x1024xf32, #tpu.memory_space<hbm>>
    tpu.enqueue_indirect_dma source(%dma_start3A_1009 : memref<8192x1024xf32, #tpu.memory_space<hbm>>) target(%arg7 : memref<16x1024xf32, #tpu.memory_space<vmem>>) offsets(%dma_start3A_1006 : memref<16xi32, #tpu.memory_space<vmem>>) semaphore(%arg13 : memref<!tpu.dma_semaphore, #tpu.memory_space<semaphore_mem>>)
    %dma_wait3A_1010 = arith.constant 720 : i32
    %dma_wait3A_1011 = tpu.memref_slice %arg5[%dma_wait3A_1010] : memref<1024xi32, #tpu.memory_space<vmem>> -> memref<16xi32, #tpu.memory_space<vmem>>
    %dma_wait3A_1012 = arith.constant 0 : i32
    %dma_wait3A_1013 = arith.constant 0 : i32
    %dma_wait3A_1014 = tpu.memref_slice %arg3[%dma_wait3A_1012, %dma_wait3A_1013] : memref<8192x1024xf32, #tpu.memory_space<hbm>> -> memref<8192x1024xf32, #tpu.memory_space<hbm>>
    tpu.wait_indirect_dma semaphore(%arg15 : memref<!tpu.dma_semaphore, #tpu.memory_space<semaphore_mem>>) src(%dma_wait3A_1014 : memref<8192x1024xf32, #tpu.memory_space<hbm>>) dst(%arg9 : memref<16x1024xf32, #tpu.memory_space<vmem>>)
    %add3A_1015 = arith.constant 720 : i32
    %add3A_1016 = arith.addi %mul3A_2, %add3A_1015 : i32
    %dma_start3A_1017 = arith.constant 0 : i32
    %dma_start3A_1018 = tpu.memref_slice %arg4[%add3A_1016, %dma_start3A_1017] : memref<32768x1024xf32, #tpu.memory_space<hbm>> -> memref<16x1024xf32, #tpu.memory_space<hbm>>
    %dma_start3A_1019 = arith.constant 0 : i32
    %dma_start3A_1020 = tpu.memref_slice %arg4[%add3A_1016, %dma_start3A_1019] : memref<32768x1024xf32, #tpu.memory_space<hbm>> -> memref<16x1024xf32, #tpu.memory_space<hbm>>
    tpu.enqueue_dma source(%arg9 : memref<16x1024xf32, #tpu.memory_space<vmem>>) target(%dma_start3A_1020 : memref<16x1024xf32, #tpu.memory_space<hbm>>) target_semaphore(%arg21 : memref<!tpu.dma_semaphore, #tpu.memory_space<semaphore_mem>>)
    %add3A_1021 = arith.constant 704 : i32
    %add3A_1022 = arith.addi %mul3A_2, %add3A_1021 : i32
    %dma_wait3A_1023 = arith.constant 0 : i32
    %dma_wait3A_1024 = tpu.memref_slice %arg4[%add3A_1022, %dma_wait3A_1023] : memref<32768x1024xf32, #tpu.memory_space<hbm>> -> memref<16x1024xf32, #tpu.memory_space<hbm>>
    %dma_wait3A_1025 = arith.constant 0 : i32
    %dma_wait3A_1026 = tpu.memref_slice %arg4[%add3A_1022, %dma_wait3A_1025] : memref<32768x1024xf32, #tpu.memory_space<hbm>> -> memref<16x1024xf32, #tpu.memory_space<hbm>>
    tpu.wait_dma2 semaphore(%arg20 : memref<!tpu.dma_semaphore, #tpu.memory_space<semaphore_mem>>) src(%arg8 : memref<16x1024xf32, #tpu.memory_space<vmem>>) dst(%dma_wait3A_1026 : memref<16x1024xf32, #tpu.memory_space<hbm>>)
    %dma_start3A_1027 = arith.constant 800 : i32
    %dma_start3A_1028 = tpu.memref_slice %arg5[%dma_start3A_1027] : memref<1024xi32, #tpu.memory_space<vmem>> -> memref<16xi32, #tpu.memory_space<vmem>>
    %dma_start3A_1029 = arith.constant 0 : i32
    %dma_start3A_1030 = arith.constant 0 : i32
    %dma_start3A_1031 = tpu.memref_slice %arg3[%dma_start3A_1029, %dma_start3A_1030] : memref<8192x1024xf32, #tpu.memory_space<hbm>> -> memref<8192x1024xf32, #tpu.memory_space<hbm>>
    tpu.enqueue_indirect_dma source(%dma_start3A_1031 : memref<8192x1024xf32, #tpu.memory_space<hbm>>) target(%arg8 : memref<16x1024xf32, #tpu.memory_space<vmem>>) offsets(%dma_start3A_1028 : memref<16xi32, #tpu.memory_space<vmem>>) semaphore(%arg14 : memref<!tpu.dma_semaphore, #tpu.memory_space<semaphore_mem>>)
    %dma_wait3A_1032 = arith.constant 736 : i32
    %dma_wait3A_1033 = tpu.memref_slice %arg5[%dma_wait3A_1032] : memref<1024xi32, #tpu.memory_space<vmem>> -> memref<16xi32, #tpu.memory_space<vmem>>
    %dma_wait3A_1034 = arith.constant 0 : i32
    %dma_wait3A_1035 = arith.constant 0 : i32
    %dma_wait3A_1036 = tpu.memref_slice %arg3[%dma_wait3A_1034, %dma_wait3A_1035] : memref<8192x1024xf32, #tpu.memory_space<hbm>> -> memref<8192x1024xf32, #tpu.memory_space<hbm>>
    tpu.wait_indirect_dma semaphore(%arg16 : memref<!tpu.dma_semaphore, #tpu.memory_space<semaphore_mem>>) src(%dma_wait3A_1036 : memref<8192x1024xf32, #tpu.memory_space<hbm>>) dst(%arg10 : memref<16x1024xf32, #tpu.memory_space<vmem>>)
    %add3A_1037 = arith.constant 736 : i32
    %add3A_1038 = arith.addi %mul3A_2, %add3A_1037 : i32
    %dma_start3A_1039 = arith.constant 0 : i32
    %dma_start3A_1040 = tpu.memref_slice %arg4[%add3A_1038, %dma_start3A_1039] : memref<32768x1024xf32, #tpu.memory_space<hbm>> -> memref<16x1024xf32, #tpu.memory_space<hbm>>
    %dma_start3A_1041 = arith.constant 0 : i32
    %dma_start3A_1042 = tpu.memref_slice %arg4[%add3A_1038, %dma_start3A_1041] : memref<32768x1024xf32, #tpu.memory_space<hbm>> -> memref<16x1024xf32, #tpu.memory_space<hbm>>
    tpu.enqueue_dma source(%arg10 : memref<16x1024xf32, #tpu.memory_space<vmem>>) target(%dma_start3A_1042 : memref<16x1024xf32, #tpu.memory_space<hbm>>) target_semaphore(%arg22 : memref<!tpu.dma_semaphore, #tpu.memory_space<semaphore_mem>>)
    %add3A_1043 = arith.constant 720 : i32
    %add3A_1044 = arith.addi %mul3A_2, %add3A_1043 : i32
    %dma_wait3A_1045 = arith.constant 0 : i32
    %dma_wait3A_1046 = tpu.memref_slice %arg4[%add3A_1044, %dma_wait3A_1045] : memref<32768x1024xf32, #tpu.memory_space<hbm>> -> memref<16x1024xf32, #tpu.memory_space<hbm>>
    %dma_wait3A_1047 = arith.constant 0 : i32
    %dma_wait3A_1048 = tpu.memref_slice %arg4[%add3A_1044, %dma_wait3A_1047] : memref<32768x1024xf32, #tpu.memory_space<hbm>> -> memref<16x1024xf32, #tpu.memory_space<hbm>>
    tpu.wait_dma2 semaphore(%arg21 : memref<!tpu.dma_semaphore, #tpu.memory_space<semaphore_mem>>) src(%arg9 : memref<16x1024xf32, #tpu.memory_space<vmem>>) dst(%dma_wait3A_1048 : memref<16x1024xf32, #tpu.memory_space<hbm>>)
    %dma_start3A_1049 = arith.constant 816 : i32
    %dma_start3A_1050 = tpu.memref_slice %arg5[%dma_start3A_1049] : memref<1024xi32, #tpu.memory_space<vmem>> -> memref<16xi32, #tpu.memory_space<vmem>>
    %dma_start3A_1051 = arith.constant 0 : i32
    %dma_start3A_1052 = arith.constant 0 : i32
    %dma_start3A_1053 = tpu.memref_slice %arg3[%dma_start3A_1051, %dma_start3A_1052] : memref<8192x1024xf32, #tpu.memory_space<hbm>> -> memref<8192x1024xf32, #tpu.memory_space<hbm>>
    tpu.enqueue_indirect_dma source(%dma_start3A_1053 : memref<8192x1024xf32, #tpu.memory_space<hbm>>) target(%arg9 : memref<16x1024xf32, #tpu.memory_space<vmem>>) offsets(%dma_start3A_1050 : memref<16xi32, #tpu.memory_space<vmem>>) semaphore(%arg15 : memref<!tpu.dma_semaphore, #tpu.memory_space<semaphore_mem>>)
    %dma_wait3A_1054 = arith.constant 752 : i32
    %dma_wait3A_1055 = tpu.memref_slice %arg5[%dma_wait3A_1054] : memref<1024xi32, #tpu.memory_space<vmem>> -> memref<16xi32, #tpu.memory_space<vmem>>
    %dma_wait3A_1056 = arith.constant 0 : i32
    %dma_wait3A_1057 = arith.constant 0 : i32
    %dma_wait3A_1058 = tpu.memref_slice %arg3[%dma_wait3A_1056, %dma_wait3A_1057] : memref<8192x1024xf32, #tpu.memory_space<hbm>> -> memref<8192x1024xf32, #tpu.memory_space<hbm>>
    tpu.wait_indirect_dma semaphore(%arg17 : memref<!tpu.dma_semaphore, #tpu.memory_space<semaphore_mem>>) src(%dma_wait3A_1058 : memref<8192x1024xf32, #tpu.memory_space<hbm>>) dst(%arg11 : memref<16x1024xf32, #tpu.memory_space<vmem>>)
    %add3A_1059 = arith.constant 752 : i32
    %add3A_1060 = arith.addi %mul3A_2, %add3A_1059 : i32
    %dma_start3A_1061 = arith.constant 0 : i32
    %dma_start3A_1062 = tpu.memref_slice %arg4[%add3A_1060, %dma_start3A_1061] : memref<32768x1024xf32, #tpu.memory_space<hbm>> -> memref<16x1024xf32, #tpu.memory_space<hbm>>
    %dma_start3A_1063 = arith.constant 0 : i32
    %dma_start3A_1064 = tpu.memref_slice %arg4[%add3A_1060, %dma_start3A_1063] : memref<32768x1024xf32, #tpu.memory_space<hbm>> -> memref<16x1024xf32, #tpu.memory_space<hbm>>
    tpu.enqueue_dma source(%arg11 : memref<16x1024xf32, #tpu.memory_space<vmem>>) target(%dma_start3A_1064 : memref<16x1024xf32, #tpu.memory_space<hbm>>) target_semaphore(%arg23 : memref<!tpu.dma_semaphore, #tpu.memory_space<semaphore_mem>>)
    %add3A_1065 = arith.constant 736 : i32
    %add3A_1066 = arith.addi %mul3A_2, %add3A_1065 : i32
    %dma_wait3A_1067 = arith.constant 0 : i32
    %dma_wait3A_1068 = tpu.memref_slice %arg4[%add3A_1066, %dma_wait3A_1067] : memref<32768x1024xf32, #tpu.memory_space<hbm>> -> memref<16x1024xf32, #tpu.memory_space<hbm>>
    %dma_wait3A_1069 = arith.constant 0 : i32
    %dma_wait3A_1070 = tpu.memref_slice %arg4[%add3A_1066, %dma_wait3A_1069] : memref<32768x1024xf32, #tpu.memory_space<hbm>> -> memref<16x1024xf32, #tpu.memory_space<hbm>>
    tpu.wait_dma2 semaphore(%arg22 : memref<!tpu.dma_semaphore, #tpu.memory_space<semaphore_mem>>) src(%arg10 : memref<16x1024xf32, #tpu.memory_space<vmem>>) dst(%dma_wait3A_1070 : memref<16x1024xf32, #tpu.memory_space<hbm>>)
    %dma_start3A_1071 = arith.constant 832 : i32
    %dma_start3A_1072 = tpu.memref_slice %arg5[%dma_start3A_1071] : memref<1024xi32, #tpu.memory_space<vmem>> -> memref<16xi32, #tpu.memory_space<vmem>>
    %dma_start3A_1073 = arith.constant 0 : i32
    %dma_start3A_1074 = arith.constant 0 : i32
    %dma_start3A_1075 = tpu.memref_slice %arg3[%dma_start3A_1073, %dma_start3A_1074] : memref<8192x1024xf32, #tpu.memory_space<hbm>> -> memref<8192x1024xf32, #tpu.memory_space<hbm>>
    tpu.enqueue_indirect_dma source(%dma_start3A_1075 : memref<8192x1024xf32, #tpu.memory_space<hbm>>) target(%arg10 : memref<16x1024xf32, #tpu.memory_space<vmem>>) offsets(%dma_start3A_1072 : memref<16xi32, #tpu.memory_space<vmem>>) semaphore(%arg16 : memref<!tpu.dma_semaphore, #tpu.memory_space<semaphore_mem>>)
    %dma_wait3A_1076 = arith.constant 768 : i32
    %dma_wait3A_1077 = tpu.memref_slice %arg5[%dma_wait3A_1076] : memref<1024xi32, #tpu.memory_space<vmem>> -> memref<16xi32, #tpu.memory_space<vmem>>
    %dma_wait3A_1078 = arith.constant 0 : i32
    %dma_wait3A_1079 = arith.constant 0 : i32
    %dma_wait3A_1080 = tpu.memref_slice %arg3[%dma_wait3A_1078, %dma_wait3A_1079] : memref<8192x1024xf32, #tpu.memory_space<hbm>> -> memref<8192x1024xf32, #tpu.memory_space<hbm>>
    tpu.wait_indirect_dma semaphore(%arg12 : memref<!tpu.dma_semaphore, #tpu.memory_space<semaphore_mem>>) src(%dma_wait3A_1080 : memref<8192x1024xf32, #tpu.memory_space<hbm>>) dst(%arg6 : memref<16x1024xf32, #tpu.memory_space<vmem>>)
    %add3A_1081 = arith.constant 768 : i32
    %add3A_1082 = arith.addi %mul3A_2, %add3A_1081 : i32
    %dma_start3A_1083 = arith.constant 0 : i32
    %dma_start3A_1084 = tpu.memref_slice %arg4[%add3A_1082, %dma_start3A_1083] : memref<32768x1024xf32, #tpu.memory_space<hbm>> -> memref<16x1024xf32, #tpu.memory_space<hbm>>
    %dma_start3A_1085 = arith.constant 0 : i32
    %dma_start3A_1086 = tpu.memref_slice %arg4[%add3A_1082, %dma_start3A_1085] : memref<32768x1024xf32, #tpu.memory_space<hbm>> -> memref<16x1024xf32, #tpu.memory_space<hbm>>
    tpu.enqueue_dma source(%arg6 : memref<16x1024xf32, #tpu.memory_space<vmem>>) target(%dma_start3A_1086 : memref<16x1024xf32, #tpu.memory_space<hbm>>) target_semaphore(%arg18 : memref<!tpu.dma_semaphore, #tpu.memory_space<semaphore_mem>>)
    %add3A_1087 = arith.constant 752 : i32
    %add3A_1088 = arith.addi %mul3A_2, %add3A_1087 : i32
    %dma_wait3A_1089 = arith.constant 0 : i32
    %dma_wait3A_1090 = tpu.memref_slice %arg4[%add3A_1088, %dma_wait3A_1089] : memref<32768x1024xf32, #tpu.memory_space<hbm>> -> memref<16x1024xf32, #tpu.memory_space<hbm>>
    %dma_wait3A_1091 = arith.constant 0 : i32
    %dma_wait3A_1092 = tpu.memref_slice %arg4[%add3A_1088, %dma_wait3A_1091] : memref<32768x1024xf32, #tpu.memory_space<hbm>> -> memref<16x1024xf32, #tpu.memory_space<hbm>>
    tpu.wait_dma2 semaphore(%arg23 : memref<!tpu.dma_semaphore, #tpu.memory_space<semaphore_mem>>) src(%arg11 : memref<16x1024xf32, #tpu.memory_space<vmem>>) dst(%dma_wait3A_1092 : memref<16x1024xf32, #tpu.memory_space<hbm>>)
    %dma_start3A_1093 = arith.constant 848 : i32
    %dma_start3A_1094 = tpu.memref_slice %arg5[%dma_start3A_1093] : memref<1024xi32, #tpu.memory_space<vmem>> -> memref<16xi32, #tpu.memory_space<vmem>>
    %dma_start3A_1095 = arith.constant 0 : i32
    %dma_start3A_1096 = arith.constant 0 : i32
    %dma_start3A_1097 = tpu.memref_slice %arg3[%dma_start3A_1095, %dma_start3A_1096] : memref<8192x1024xf32, #tpu.memory_space<hbm>> -> memref<8192x1024xf32, #tpu.memory_space<hbm>>
    tpu.enqueue_indirect_dma source(%dma_start3A_1097 : memref<8192x1024xf32, #tpu.memory_space<hbm>>) target(%arg11 : memref<16x1024xf32, #tpu.memory_space<vmem>>) offsets(%dma_start3A_1094 : memref<16xi32, #tpu.memory_space<vmem>>) semaphore(%arg17 : memref<!tpu.dma_semaphore, #tpu.memory_space<semaphore_mem>>)
    %dma_wait3A_1098 = arith.constant 784 : i32
    %dma_wait3A_1099 = tpu.memref_slice %arg5[%dma_wait3A_1098] : memref<1024xi32, #tpu.memory_space<vmem>> -> memref<16xi32, #tpu.memory_space<vmem>>
    %dma_wait3A_1100 = arith.constant 0 : i32
    %dma_wait3A_1101 = arith.constant 0 : i32
    %dma_wait3A_1102 = tpu.memref_slice %arg3[%dma_wait3A_1100, %dma_wait3A_1101] : memref<8192x1024xf32, #tpu.memory_space<hbm>> -> memref<8192x1024xf32, #tpu.memory_space<hbm>>
    tpu.wait_indirect_dma semaphore(%arg13 : memref<!tpu.dma_semaphore, #tpu.memory_space<semaphore_mem>>) src(%dma_wait3A_1102 : memref<8192x1024xf32, #tpu.memory_space<hbm>>) dst(%arg7 : memref<16x1024xf32, #tpu.memory_space<vmem>>)
    %add3A_1103 = arith.constant 784 : i32
    %add3A_1104 = arith.addi %mul3A_2, %add3A_1103 : i32
    %dma_start3A_1105 = arith.constant 0 : i32
    %dma_start3A_1106 = tpu.memref_slice %arg4[%add3A_1104, %dma_start3A_1105] : memref<32768x1024xf32, #tpu.memory_space<hbm>> -> memref<16x1024xf32, #tpu.memory_space<hbm>>
    %dma_start3A_1107 = arith.constant 0 : i32
    %dma_start3A_1108 = tpu.memref_slice %arg4[%add3A_1104, %dma_start3A_1107] : memref<32768x1024xf32, #tpu.memory_space<hbm>> -> memref<16x1024xf32, #tpu.memory_space<hbm>>
    tpu.enqueue_dma source(%arg7 : memref<16x1024xf32, #tpu.memory_space<vmem>>) target(%dma_start3A_1108 : memref<16x1024xf32, #tpu.memory_space<hbm>>) target_semaphore(%arg19 : memref<!tpu.dma_semaphore, #tpu.memory_space<semaphore_mem>>)
    %add3A_1109 = arith.constant 768 : i32
    %add3A_1110 = arith.addi %mul3A_2, %add3A_1109 : i32
    %dma_wait3A_1111 = arith.constant 0 : i32
    %dma_wait3A_1112 = tpu.memref_slice %arg4[%add3A_1110, %dma_wait3A_1111] : memref<32768x1024xf32, #tpu.memory_space<hbm>> -> memref<16x1024xf32, #tpu.memory_space<hbm>>
    %dma_wait3A_1113 = arith.constant 0 : i32
    %dma_wait3A_1114 = tpu.memref_slice %arg4[%add3A_1110, %dma_wait3A_1113] : memref<32768x1024xf32, #tpu.memory_space<hbm>> -> memref<16x1024xf32, #tpu.memory_space<hbm>>
    tpu.wait_dma2 semaphore(%arg18 : memref<!tpu.dma_semaphore, #tpu.memory_space<semaphore_mem>>) src(%arg6 : memref<16x1024xf32, #tpu.memory_space<vmem>>) dst(%dma_wait3A_1114 : memref<16x1024xf32, #tpu.memory_space<hbm>>)
    %dma_start3A_1115 = arith.constant 864 : i32
    %dma_start3A_1116 = tpu.memref_slice %arg5[%dma_start3A_1115] : memref<1024xi32, #tpu.memory_space<vmem>> -> memref<16xi32, #tpu.memory_space<vmem>>
    %dma_start3A_1117 = arith.constant 0 : i32
    %dma_start3A_1118 = arith.constant 0 : i32
    %dma_start3A_1119 = tpu.memref_slice %arg3[%dma_start3A_1117, %dma_start3A_1118] : memref<8192x1024xf32, #tpu.memory_space<hbm>> -> memref<8192x1024xf32, #tpu.memory_space<hbm>>
    tpu.enqueue_indirect_dma source(%dma_start3A_1119 : memref<8192x1024xf32, #tpu.memory_space<hbm>>) target(%arg6 : memref<16x1024xf32, #tpu.memory_space<vmem>>) offsets(%dma_start3A_1116 : memref<16xi32, #tpu.memory_space<vmem>>) semaphore(%arg12 : memref<!tpu.dma_semaphore, #tpu.memory_space<semaphore_mem>>)
    %dma_wait3A_1120 = arith.constant 800 : i32
    %dma_wait3A_1121 = tpu.memref_slice %arg5[%dma_wait3A_1120] : memref<1024xi32, #tpu.memory_space<vmem>> -> memref<16xi32, #tpu.memory_space<vmem>>
    %dma_wait3A_1122 = arith.constant 0 : i32
    %dma_wait3A_1123 = arith.constant 0 : i32
    %dma_wait3A_1124 = tpu.memref_slice %arg3[%dma_wait3A_1122, %dma_wait3A_1123] : memref<8192x1024xf32, #tpu.memory_space<hbm>> -> memref<8192x1024xf32, #tpu.memory_space<hbm>>
    tpu.wait_indirect_dma semaphore(%arg14 : memref<!tpu.dma_semaphore, #tpu.memory_space<semaphore_mem>>) src(%dma_wait3A_1124 : memref<8192x1024xf32, #tpu.memory_space<hbm>>) dst(%arg8 : memref<16x1024xf32, #tpu.memory_space<vmem>>)
    %add3A_1125 = arith.constant 800 : i32
    %add3A_1126 = arith.addi %mul3A_2, %add3A_1125 : i32
    %dma_start3A_1127 = arith.constant 0 : i32
    %dma_start3A_1128 = tpu.memref_slice %arg4[%add3A_1126, %dma_start3A_1127] : memref<32768x1024xf32, #tpu.memory_space<hbm>> -> memref<16x1024xf32, #tpu.memory_space<hbm>>
    %dma_start3A_1129 = arith.constant 0 : i32
    %dma_start3A_1130 = tpu.memref_slice %arg4[%add3A_1126, %dma_start3A_1129] : memref<32768x1024xf32, #tpu.memory_space<hbm>> -> memref<16x1024xf32, #tpu.memory_space<hbm>>
    tpu.enqueue_dma source(%arg8 : memref<16x1024xf32, #tpu.memory_space<vmem>>) target(%dma_start3A_1130 : memref<16x1024xf32, #tpu.memory_space<hbm>>) target_semaphore(%arg20 : memref<!tpu.dma_semaphore, #tpu.memory_space<semaphore_mem>>)
    %add3A_1131 = arith.constant 784 : i32
    %add3A_1132 = arith.addi %mul3A_2, %add3A_1131 : i32
    %dma_wait3A_1133 = arith.constant 0 : i32
    %dma_wait3A_1134 = tpu.memref_slice %arg4[%add3A_1132, %dma_wait3A_1133] : memref<32768x1024xf32, #tpu.memory_space<hbm>> -> memref<16x1024xf32, #tpu.memory_space<hbm>>
    %dma_wait3A_1135 = arith.constant 0 : i32
    %dma_wait3A_1136 = tpu.memref_slice %arg4[%add3A_1132, %dma_wait3A_1135] : memref<32768x1024xf32, #tpu.memory_space<hbm>> -> memref<16x1024xf32, #tpu.memory_space<hbm>>
    tpu.wait_dma2 semaphore(%arg19 : memref<!tpu.dma_semaphore, #tpu.memory_space<semaphore_mem>>) src(%arg7 : memref<16x1024xf32, #tpu.memory_space<vmem>>) dst(%dma_wait3A_1136 : memref<16x1024xf32, #tpu.memory_space<hbm>>)
    %dma_start3A_1137 = arith.constant 880 : i32
    %dma_start3A_1138 = tpu.memref_slice %arg5[%dma_start3A_1137] : memref<1024xi32, #tpu.memory_space<vmem>> -> memref<16xi32, #tpu.memory_space<vmem>>
    %dma_start3A_1139 = arith.constant 0 : i32
    %dma_start3A_1140 = arith.constant 0 : i32
    %dma_start3A_1141 = tpu.memref_slice %arg3[%dma_start3A_1139, %dma_start3A_1140] : memref<8192x1024xf32, #tpu.memory_space<hbm>> -> memref<8192x1024xf32, #tpu.memory_space<hbm>>
    tpu.enqueue_indirect_dma source(%dma_start3A_1141 : memref<8192x1024xf32, #tpu.memory_space<hbm>>) target(%arg7 : memref<16x1024xf32, #tpu.memory_space<vmem>>) offsets(%dma_start3A_1138 : memref<16xi32, #tpu.memory_space<vmem>>) semaphore(%arg13 : memref<!tpu.dma_semaphore, #tpu.memory_space<semaphore_mem>>)
    %dma_wait3A_1142 = arith.constant 816 : i32
    %dma_wait3A_1143 = tpu.memref_slice %arg5[%dma_wait3A_1142] : memref<1024xi32, #tpu.memory_space<vmem>> -> memref<16xi32, #tpu.memory_space<vmem>>
    %dma_wait3A_1144 = arith.constant 0 : i32
    %dma_wait3A_1145 = arith.constant 0 : i32
    %dma_wait3A_1146 = tpu.memref_slice %arg3[%dma_wait3A_1144, %dma_wait3A_1145] : memref<8192x1024xf32, #tpu.memory_space<hbm>> -> memref<8192x1024xf32, #tpu.memory_space<hbm>>
    tpu.wait_indirect_dma semaphore(%arg15 : memref<!tpu.dma_semaphore, #tpu.memory_space<semaphore_mem>>) src(%dma_wait3A_1146 : memref<8192x1024xf32, #tpu.memory_space<hbm>>) dst(%arg9 : memref<16x1024xf32, #tpu.memory_space<vmem>>)
    %add3A_1147 = arith.constant 816 : i32
    %add3A_1148 = arith.addi %mul3A_2, %add3A_1147 : i32
    %dma_start3A_1149 = arith.constant 0 : i32
    %dma_start3A_1150 = tpu.memref_slice %arg4[%add3A_1148, %dma_start3A_1149] : memref<32768x1024xf32, #tpu.memory_space<hbm>> -> memref<16x1024xf32, #tpu.memory_space<hbm>>
    %dma_start3A_1151 = arith.constant 0 : i32
    %dma_start3A_1152 = tpu.memref_slice %arg4[%add3A_1148, %dma_start3A_1151] : memref<32768x1024xf32, #tpu.memory_space<hbm>> -> memref<16x1024xf32, #tpu.memory_space<hbm>>
    tpu.enqueue_dma source(%arg9 : memref<16x1024xf32, #tpu.memory_space<vmem>>) target(%dma_start3A_1152 : memref<16x1024xf32, #tpu.memory_space<hbm>>) target_semaphore(%arg21 : memref<!tpu.dma_semaphore, #tpu.memory_space<semaphore_mem>>)
    %add3A_1153 = arith.constant 800 : i32
    %add3A_1154 = arith.addi %mul3A_2, %add3A_1153 : i32
    %dma_wait3A_1155 = arith.constant 0 : i32
    %dma_wait3A_1156 = tpu.memref_slice %arg4[%add3A_1154, %dma_wait3A_1155] : memref<32768x1024xf32, #tpu.memory_space<hbm>> -> memref<16x1024xf32, #tpu.memory_space<hbm>>
    %dma_wait3A_1157 = arith.constant 0 : i32
    %dma_wait3A_1158 = tpu.memref_slice %arg4[%add3A_1154, %dma_wait3A_1157] : memref<32768x1024xf32, #tpu.memory_space<hbm>> -> memref<16x1024xf32, #tpu.memory_space<hbm>>
    tpu.wait_dma2 semaphore(%arg20 : memref<!tpu.dma_semaphore, #tpu.memory_space<semaphore_mem>>) src(%arg8 : memref<16x1024xf32, #tpu.memory_space<vmem>>) dst(%dma_wait3A_1158 : memref<16x1024xf32, #tpu.memory_space<hbm>>)
    %dma_start3A_1159 = arith.constant 896 : i32
    %dma_start3A_1160 = tpu.memref_slice %arg5[%dma_start3A_1159] : memref<1024xi32, #tpu.memory_space<vmem>> -> memref<16xi32, #tpu.memory_space<vmem>>
    %dma_start3A_1161 = arith.constant 0 : i32
    %dma_start3A_1162 = arith.constant 0 : i32
    %dma_start3A_1163 = tpu.memref_slice %arg3[%dma_start3A_1161, %dma_start3A_1162] : memref<8192x1024xf32, #tpu.memory_space<hbm>> -> memref<8192x1024xf32, #tpu.memory_space<hbm>>
    tpu.enqueue_indirect_dma source(%dma_start3A_1163 : memref<8192x1024xf32, #tpu.memory_space<hbm>>) target(%arg8 : memref<16x1024xf32, #tpu.memory_space<vmem>>) offsets(%dma_start3A_1160 : memref<16xi32, #tpu.memory_space<vmem>>) semaphore(%arg14 : memref<!tpu.dma_semaphore, #tpu.memory_space<semaphore_mem>>)
    %dma_wait3A_1164 = arith.constant 832 : i32
    %dma_wait3A_1165 = tpu.memref_slice %arg5[%dma_wait3A_1164] : memref<1024xi32, #tpu.memory_space<vmem>> -> memref<16xi32, #tpu.memory_space<vmem>>
    %dma_wait3A_1166 = arith.constant 0 : i32
    %dma_wait3A_1167 = arith.constant 0 : i32
    %dma_wait3A_1168 = tpu.memref_slice %arg3[%dma_wait3A_1166, %dma_wait3A_1167] : memref<8192x1024xf32, #tpu.memory_space<hbm>> -> memref<8192x1024xf32, #tpu.memory_space<hbm>>
    tpu.wait_indirect_dma semaphore(%arg16 : memref<!tpu.dma_semaphore, #tpu.memory_space<semaphore_mem>>) src(%dma_wait3A_1168 : memref<8192x1024xf32, #tpu.memory_space<hbm>>) dst(%arg10 : memref<16x1024xf32, #tpu.memory_space<vmem>>)
    %add3A_1169 = arith.constant 832 : i32
    %add3A_1170 = arith.addi %mul3A_2, %add3A_1169 : i32
    %dma_start3A_1171 = arith.constant 0 : i32
    %dma_start3A_1172 = tpu.memref_slice %arg4[%add3A_1170, %dma_start3A_1171] : memref<32768x1024xf32, #tpu.memory_space<hbm>> -> memref<16x1024xf32, #tpu.memory_space<hbm>>
    %dma_start3A_1173 = arith.constant 0 : i32
    %dma_start3A_1174 = tpu.memref_slice %arg4[%add3A_1170, %dma_start3A_1173] : memref<32768x1024xf32, #tpu.memory_space<hbm>> -> memref<16x1024xf32, #tpu.memory_space<hbm>>
    tpu.enqueue_dma source(%arg10 : memref<16x1024xf32, #tpu.memory_space<vmem>>) target(%dma_start3A_1174 : memref<16x1024xf32, #tpu.memory_space<hbm>>) target_semaphore(%arg22 : memref<!tpu.dma_semaphore, #tpu.memory_space<semaphore_mem>>)
    %add3A_1175 = arith.constant 816 : i32
    %add3A_1176 = arith.addi %mul3A_2, %add3A_1175 : i32
    %dma_wait3A_1177 = arith.constant 0 : i32
    %dma_wait3A_1178 = tpu.memref_slice %arg4[%add3A_1176, %dma_wait3A_1177] : memref<32768x1024xf32, #tpu.memory_space<hbm>> -> memref<16x1024xf32, #tpu.memory_space<hbm>>
    %dma_wait3A_1179 = arith.constant 0 : i32
    %dma_wait3A_1180 = tpu.memref_slice %arg4[%add3A_1176, %dma_wait3A_1179] : memref<32768x1024xf32, #tpu.memory_space<hbm>> -> memref<16x1024xf32, #tpu.memory_space<hbm>>
    tpu.wait_dma2 semaphore(%arg21 : memref<!tpu.dma_semaphore, #tpu.memory_space<semaphore_mem>>) src(%arg9 : memref<16x1024xf32, #tpu.memory_space<vmem>>) dst(%dma_wait3A_1180 : memref<16x1024xf32, #tpu.memory_space<hbm>>)
    %dma_start3A_1181 = arith.constant 912 : i32
    %dma_start3A_1182 = tpu.memref_slice %arg5[%dma_start3A_1181] : memref<1024xi32, #tpu.memory_space<vmem>> -> memref<16xi32, #tpu.memory_space<vmem>>
    %dma_start3A_1183 = arith.constant 0 : i32
    %dma_start3A_1184 = arith.constant 0 : i32
    %dma_start3A_1185 = tpu.memref_slice %arg3[%dma_start3A_1183, %dma_start3A_1184] : memref<8192x1024xf32, #tpu.memory_space<hbm>> -> memref<8192x1024xf32, #tpu.memory_space<hbm>>
    tpu.enqueue_indirect_dma source(%dma_start3A_1185 : memref<8192x1024xf32, #tpu.memory_space<hbm>>) target(%arg9 : memref<16x1024xf32, #tpu.memory_space<vmem>>) offsets(%dma_start3A_1182 : memref<16xi32, #tpu.memory_space<vmem>>) semaphore(%arg15 : memref<!tpu.dma_semaphore, #tpu.memory_space<semaphore_mem>>)
    %dma_wait3A_1186 = arith.constant 848 : i32
    %dma_wait3A_1187 = tpu.memref_slice %arg5[%dma_wait3A_1186] : memref<1024xi32, #tpu.memory_space<vmem>> -> memref<16xi32, #tpu.memory_space<vmem>>
    %dma_wait3A_1188 = arith.constant 0 : i32
    %dma_wait3A_1189 = arith.constant 0 : i32
    %dma_wait3A_1190 = tpu.memref_slice %arg3[%dma_wait3A_1188, %dma_wait3A_1189] : memref<8192x1024xf32, #tpu.memory_space<hbm>> -> memref<8192x1024xf32, #tpu.memory_space<hbm>>
    tpu.wait_indirect_dma semaphore(%arg17 : memref<!tpu.dma_semaphore, #tpu.memory_space<semaphore_mem>>) src(%dma_wait3A_1190 : memref<8192x1024xf32, #tpu.memory_space<hbm>>) dst(%arg11 : memref<16x1024xf32, #tpu.memory_space<vmem>>)
    %add3A_1191 = arith.constant 848 : i32
    %add3A_1192 = arith.addi %mul3A_2, %add3A_1191 : i32
    %dma_start3A_1193 = arith.constant 0 : i32
    %dma_start3A_1194 = tpu.memref_slice %arg4[%add3A_1192, %dma_start3A_1193] : memref<32768x1024xf32, #tpu.memory_space<hbm>> -> memref<16x1024xf32, #tpu.memory_space<hbm>>
    %dma_start3A_1195 = arith.constant 0 : i32
    %dma_start3A_1196 = tpu.memref_slice %arg4[%add3A_1192, %dma_start3A_1195] : memref<32768x1024xf32, #tpu.memory_space<hbm>> -> memref<16x1024xf32, #tpu.memory_space<hbm>>
    tpu.enqueue_dma source(%arg11 : memref<16x1024xf32, #tpu.memory_space<vmem>>) target(%dma_start3A_1196 : memref<16x1024xf32, #tpu.memory_space<hbm>>) target_semaphore(%arg23 : memref<!tpu.dma_semaphore, #tpu.memory_space<semaphore_mem>>)
    %add3A_1197 = arith.constant 832 : i32
    %add3A_1198 = arith.addi %mul3A_2, %add3A_1197 : i32
    %dma_wait3A_1199 = arith.constant 0 : i32
    %dma_wait3A_1200 = tpu.memref_slice %arg4[%add3A_1198, %dma_wait3A_1199] : memref<32768x1024xf32, #tpu.memory_space<hbm>> -> memref<16x1024xf32, #tpu.memory_space<hbm>>
    %dma_wait3A_1201 = arith.constant 0 : i32
    %dma_wait3A_1202 = tpu.memref_slice %arg4[%add3A_1198, %dma_wait3A_1201] : memref<32768x1024xf32, #tpu.memory_space<hbm>> -> memref<16x1024xf32, #tpu.memory_space<hbm>>
    tpu.wait_dma2 semaphore(%arg22 : memref<!tpu.dma_semaphore, #tpu.memory_space<semaphore_mem>>) src(%arg10 : memref<16x1024xf32, #tpu.memory_space<vmem>>) dst(%dma_wait3A_1202 : memref<16x1024xf32, #tpu.memory_space<hbm>>)
    %dma_start3A_1203 = arith.constant 928 : i32
    %dma_start3A_1204 = tpu.memref_slice %arg5[%dma_start3A_1203] : memref<1024xi32, #tpu.memory_space<vmem>> -> memref<16xi32, #tpu.memory_space<vmem>>
    %dma_start3A_1205 = arith.constant 0 : i32
    %dma_start3A_1206 = arith.constant 0 : i32
    %dma_start3A_1207 = tpu.memref_slice %arg3[%dma_start3A_1205, %dma_start3A_1206] : memref<8192x1024xf32, #tpu.memory_space<hbm>> -> memref<8192x1024xf32, #tpu.memory_space<hbm>>
    tpu.enqueue_indirect_dma source(%dma_start3A_1207 : memref<8192x1024xf32, #tpu.memory_space<hbm>>) target(%arg10 : memref<16x1024xf32, #tpu.memory_space<vmem>>) offsets(%dma_start3A_1204 : memref<16xi32, #tpu.memory_space<vmem>>) semaphore(%arg16 : memref<!tpu.dma_semaphore, #tpu.memory_space<semaphore_mem>>)
    %dma_wait3A_1208 = arith.constant 864 : i32
    %dma_wait3A_1209 = tpu.memref_slice %arg5[%dma_wait3A_1208] : memref<1024xi32, #tpu.memory_space<vmem>> -> memref<16xi32, #tpu.memory_space<vmem>>
    %dma_wait3A_1210 = arith.constant 0 : i32
    %dma_wait3A_1211 = arith.constant 0 : i32
    %dma_wait3A_1212 = tpu.memref_slice %arg3[%dma_wait3A_1210, %dma_wait3A_1211] : memref<8192x1024xf32, #tpu.memory_space<hbm>> -> memref<8192x1024xf32, #tpu.memory_space<hbm>>
    tpu.wait_indirect_dma semaphore(%arg12 : memref<!tpu.dma_semaphore, #tpu.memory_space<semaphore_mem>>) src(%dma_wait3A_1212 : memref<8192x1024xf32, #tpu.memory_space<hbm>>) dst(%arg6 : memref<16x1024xf32, #tpu.memory_space<vmem>>)
    %add3A_1213 = arith.constant 864 : i32
    %add3A_1214 = arith.addi %mul3A_2, %add3A_1213 : i32
    %dma_start3A_1215 = arith.constant 0 : i32
    %dma_start3A_1216 = tpu.memref_slice %arg4[%add3A_1214, %dma_start3A_1215] : memref<32768x1024xf32, #tpu.memory_space<hbm>> -> memref<16x1024xf32, #tpu.memory_space<hbm>>
    %dma_start3A_1217 = arith.constant 0 : i32
    %dma_start3A_1218 = tpu.memref_slice %arg4[%add3A_1214, %dma_start3A_1217] : memref<32768x1024xf32, #tpu.memory_space<hbm>> -> memref<16x1024xf32, #tpu.memory_space<hbm>>
    tpu.enqueue_dma source(%arg6 : memref<16x1024xf32, #tpu.memory_space<vmem>>) target(%dma_start3A_1218 : memref<16x1024xf32, #tpu.memory_space<hbm>>) target_semaphore(%arg18 : memref<!tpu.dma_semaphore, #tpu.memory_space<semaphore_mem>>)
    %add3A_1219 = arith.constant 848 : i32
    %add3A_1220 = arith.addi %mul3A_2, %add3A_1219 : i32
    %dma_wait3A_1221 = arith.constant 0 : i32
    %dma_wait3A_1222 = tpu.memref_slice %arg4[%add3A_1220, %dma_wait3A_1221] : memref<32768x1024xf32, #tpu.memory_space<hbm>> -> memref<16x1024xf32, #tpu.memory_space<hbm>>
    %dma_wait3A_1223 = arith.constant 0 : i32
    %dma_wait3A_1224 = tpu.memref_slice %arg4[%add3A_1220, %dma_wait3A_1223] : memref<32768x1024xf32, #tpu.memory_space<hbm>> -> memref<16x1024xf32, #tpu.memory_space<hbm>>
    tpu.wait_dma2 semaphore(%arg23 : memref<!tpu.dma_semaphore, #tpu.memory_space<semaphore_mem>>) src(%arg11 : memref<16x1024xf32, #tpu.memory_space<vmem>>) dst(%dma_wait3A_1224 : memref<16x1024xf32, #tpu.memory_space<hbm>>)
    %dma_start3A_1225 = arith.constant 944 : i32
    %dma_start3A_1226 = tpu.memref_slice %arg5[%dma_start3A_1225] : memref<1024xi32, #tpu.memory_space<vmem>> -> memref<16xi32, #tpu.memory_space<vmem>>
    %dma_start3A_1227 = arith.constant 0 : i32
    %dma_start3A_1228 = arith.constant 0 : i32
    %dma_start3A_1229 = tpu.memref_slice %arg3[%dma_start3A_1227, %dma_start3A_1228] : memref<8192x1024xf32, #tpu.memory_space<hbm>> -> memref<8192x1024xf32, #tpu.memory_space<hbm>>
    tpu.enqueue_indirect_dma source(%dma_start3A_1229 : memref<8192x1024xf32, #tpu.memory_space<hbm>>) target(%arg11 : memref<16x1024xf32, #tpu.memory_space<vmem>>) offsets(%dma_start3A_1226 : memref<16xi32, #tpu.memory_space<vmem>>) semaphore(%arg17 : memref<!tpu.dma_semaphore, #tpu.memory_space<semaphore_mem>>)
    %dma_wait3A_1230 = arith.constant 880 : i32
    %dma_wait3A_1231 = tpu.memref_slice %arg5[%dma_wait3A_1230] : memref<1024xi32, #tpu.memory_space<vmem>> -> memref<16xi32, #tpu.memory_space<vmem>>
    %dma_wait3A_1232 = arith.constant 0 : i32
    %dma_wait3A_1233 = arith.constant 0 : i32
    %dma_wait3A_1234 = tpu.memref_slice %arg3[%dma_wait3A_1232, %dma_wait3A_1233] : memref<8192x1024xf32, #tpu.memory_space<hbm>> -> memref<8192x1024xf32, #tpu.memory_space<hbm>>
    tpu.wait_indirect_dma semaphore(%arg13 : memref<!tpu.dma_semaphore, #tpu.memory_space<semaphore_mem>>) src(%dma_wait3A_1234 : memref<8192x1024xf32, #tpu.memory_space<hbm>>) dst(%arg7 : memref<16x1024xf32, #tpu.memory_space<vmem>>)
    %add3A_1235 = arith.constant 880 : i32
    %add3A_1236 = arith.addi %mul3A_2, %add3A_1235 : i32
    %dma_start3A_1237 = arith.constant 0 : i32
    %dma_start3A_1238 = tpu.memref_slice %arg4[%add3A_1236, %dma_start3A_1237] : memref<32768x1024xf32, #tpu.memory_space<hbm>> -> memref<16x1024xf32, #tpu.memory_space<hbm>>
    %dma_start3A_1239 = arith.constant 0 : i32
    %dma_start3A_1240 = tpu.memref_slice %arg4[%add3A_1236, %dma_start3A_1239] : memref<32768x1024xf32, #tpu.memory_space<hbm>> -> memref<16x1024xf32, #tpu.memory_space<hbm>>
    tpu.enqueue_dma source(%arg7 : memref<16x1024xf32, #tpu.memory_space<vmem>>) target(%dma_start3A_1240 : memref<16x1024xf32, #tpu.memory_space<hbm>>) target_semaphore(%arg19 : memref<!tpu.dma_semaphore, #tpu.memory_space<semaphore_mem>>)
    %add3A_1241 = arith.constant 864 : i32
    %add3A_1242 = arith.addi %mul3A_2, %add3A_1241 : i32
    %dma_wait3A_1243 = arith.constant 0 : i32
    %dma_wait3A_1244 = tpu.memref_slice %arg4[%add3A_1242, %dma_wait3A_1243] : memref<32768x1024xf32, #tpu.memory_space<hbm>> -> memref<16x1024xf32, #tpu.memory_space<hbm>>
    %dma_wait3A_1245 = arith.constant 0 : i32
    %dma_wait3A_1246 = tpu.memref_slice %arg4[%add3A_1242, %dma_wait3A_1245] : memref<32768x1024xf32, #tpu.memory_space<hbm>> -> memref<16x1024xf32, #tpu.memory_space<hbm>>
    tpu.wait_dma2 semaphore(%arg18 : memref<!tpu.dma_semaphore, #tpu.memory_space<semaphore_mem>>) src(%arg6 : memref<16x1024xf32, #tpu.memory_space<vmem>>) dst(%dma_wait3A_1246 : memref<16x1024xf32, #tpu.memory_space<hbm>>)
    %dma_start3A_1247 = arith.constant 960 : i32
    %dma_start3A_1248 = tpu.memref_slice %arg5[%dma_start3A_1247] : memref<1024xi32, #tpu.memory_space<vmem>> -> memref<16xi32, #tpu.memory_space<vmem>>
    %dma_start3A_1249 = arith.constant 0 : i32
    %dma_start3A_1250 = arith.constant 0 : i32
    %dma_start3A_1251 = tpu.memref_slice %arg3[%dma_start3A_1249, %dma_start3A_1250] : memref<8192x1024xf32, #tpu.memory_space<hbm>> -> memref<8192x1024xf32, #tpu.memory_space<hbm>>
    tpu.enqueue_indirect_dma source(%dma_start3A_1251 : memref<8192x1024xf32, #tpu.memory_space<hbm>>) target(%arg6 : memref<16x1024xf32, #tpu.memory_space<vmem>>) offsets(%dma_start3A_1248 : memref<16xi32, #tpu.memory_space<vmem>>) semaphore(%arg12 : memref<!tpu.dma_semaphore, #tpu.memory_space<semaphore_mem>>)
    %dma_wait3A_1252 = arith.constant 896 : i32
    %dma_wait3A_1253 = tpu.memref_slice %arg5[%dma_wait3A_1252] : memref<1024xi32, #tpu.memory_space<vmem>> -> memref<16xi32, #tpu.memory_space<vmem>>
    %dma_wait3A_1254 = arith.constant 0 : i32
    %dma_wait3A_1255 = arith.constant 0 : i32
    %dma_wait3A_1256 = tpu.memref_slice %arg3[%dma_wait3A_1254, %dma_wait3A_1255] : memref<8192x1024xf32, #tpu.memory_space<hbm>> -> memref<8192x1024xf32, #tpu.memory_space<hbm>>
    tpu.wait_indirect_dma semaphore(%arg14 : memref<!tpu.dma_semaphore, #tpu.memory_space<semaphore_mem>>) src(%dma_wait3A_1256 : memref<8192x1024xf32, #tpu.memory_space<hbm>>) dst(%arg8 : memref<16x1024xf32, #tpu.memory_space<vmem>>)
    %add3A_1257 = arith.constant 896 : i32
    %add3A_1258 = arith.addi %mul3A_2, %add3A_1257 : i32
    %dma_start3A_1259 = arith.constant 0 : i32
    %dma_start3A_1260 = tpu.memref_slice %arg4[%add3A_1258, %dma_start3A_1259] : memref<32768x1024xf32, #tpu.memory_space<hbm>> -> memref<16x1024xf32, #tpu.memory_space<hbm>>
    %dma_start3A_1261 = arith.constant 0 : i32
    %dma_start3A_1262 = tpu.memref_slice %arg4[%add3A_1258, %dma_start3A_1261] : memref<32768x1024xf32, #tpu.memory_space<hbm>> -> memref<16x1024xf32, #tpu.memory_space<hbm>>
    tpu.enqueue_dma source(%arg8 : memref<16x1024xf32, #tpu.memory_space<vmem>>) target(%dma_start3A_1262 : memref<16x1024xf32, #tpu.memory_space<hbm>>) target_semaphore(%arg20 : memref<!tpu.dma_semaphore, #tpu.memory_space<semaphore_mem>>)
    %add3A_1263 = arith.constant 880 : i32
    %add3A_1264 = arith.addi %mul3A_2, %add3A_1263 : i32
    %dma_wait3A_1265 = arith.constant 0 : i32
    %dma_wait3A_1266 = tpu.memref_slice %arg4[%add3A_1264, %dma_wait3A_1265] : memref<32768x1024xf32, #tpu.memory_space<hbm>> -> memref<16x1024xf32, #tpu.memory_space<hbm>>
    %dma_wait3A_1267 = arith.constant 0 : i32
    %dma_wait3A_1268 = tpu.memref_slice %arg4[%add3A_1264, %dma_wait3A_1267] : memref<32768x1024xf32, #tpu.memory_space<hbm>> -> memref<16x1024xf32, #tpu.memory_space<hbm>>
    tpu.wait_dma2 semaphore(%arg19 : memref<!tpu.dma_semaphore, #tpu.memory_space<semaphore_mem>>) src(%arg7 : memref<16x1024xf32, #tpu.memory_space<vmem>>) dst(%dma_wait3A_1268 : memref<16x1024xf32, #tpu.memory_space<hbm>>)
    %dma_start3A_1269 = arith.constant 976 : i32
    %dma_start3A_1270 = tpu.memref_slice %arg5[%dma_start3A_1269] : memref<1024xi32, #tpu.memory_space<vmem>> -> memref<16xi32, #tpu.memory_space<vmem>>
    %dma_start3A_1271 = arith.constant 0 : i32
    %dma_start3A_1272 = arith.constant 0 : i32
    %dma_start3A_1273 = tpu.memref_slice %arg3[%dma_start3A_1271, %dma_start3A_1272] : memref<8192x1024xf32, #tpu.memory_space<hbm>> -> memref<8192x1024xf32, #tpu.memory_space<hbm>>
    tpu.enqueue_indirect_dma source(%dma_start3A_1273 : memref<8192x1024xf32, #tpu.memory_space<hbm>>) target(%arg7 : memref<16x1024xf32, #tpu.memory_space<vmem>>) offsets(%dma_start3A_1270 : memref<16xi32, #tpu.memory_space<vmem>>) semaphore(%arg13 : memref<!tpu.dma_semaphore, #tpu.memory_space<semaphore_mem>>)
    %dma_wait3A_1274 = arith.constant 912 : i32
    %dma_wait3A_1275 = tpu.memref_slice %arg5[%dma_wait3A_1274] : memref<1024xi32, #tpu.memory_space<vmem>> -> memref<16xi32, #tpu.memory_space<vmem>>
    %dma_wait3A_1276 = arith.constant 0 : i32
    %dma_wait3A_1277 = arith.constant 0 : i32
    %dma_wait3A_1278 = tpu.memref_slice %arg3[%dma_wait3A_1276, %dma_wait3A_1277] : memref<8192x1024xf32, #tpu.memory_space<hbm>> -> memref<8192x1024xf32, #tpu.memory_space<hbm>>
    tpu.wait_indirect_dma semaphore(%arg15 : memref<!tpu.dma_semaphore, #tpu.memory_space<semaphore_mem>>) src(%dma_wait3A_1278 : memref<8192x1024xf32, #tpu.memory_space<hbm>>) dst(%arg9 : memref<16x1024xf32, #tpu.memory_space<vmem>>)
    %add3A_1279 = arith.constant 912 : i32
    %add3A_1280 = arith.addi %mul3A_2, %add3A_1279 : i32
    %dma_start3A_1281 = arith.constant 0 : i32
    %dma_start3A_1282 = tpu.memref_slice %arg4[%add3A_1280, %dma_start3A_1281] : memref<32768x1024xf32, #tpu.memory_space<hbm>> -> memref<16x1024xf32, #tpu.memory_space<hbm>>
    %dma_start3A_1283 = arith.constant 0 : i32
    %dma_start3A_1284 = tpu.memref_slice %arg4[%add3A_1280, %dma_start3A_1283] : memref<32768x1024xf32, #tpu.memory_space<hbm>> -> memref<16x1024xf32, #tpu.memory_space<hbm>>
    tpu.enqueue_dma source(%arg9 : memref<16x1024xf32, #tpu.memory_space<vmem>>) target(%dma_start3A_1284 : memref<16x1024xf32, #tpu.memory_space<hbm>>) target_semaphore(%arg21 : memref<!tpu.dma_semaphore, #tpu.memory_space<semaphore_mem>>)
    %add3A_1285 = arith.constant 896 : i32
    %add3A_1286 = arith.addi %mul3A_2, %add3A_1285 : i32
    %dma_wait3A_1287 = arith.constant 0 : i32
    %dma_wait3A_1288 = tpu.memref_slice %arg4[%add3A_1286, %dma_wait3A_1287] : memref<32768x1024xf32, #tpu.memory_space<hbm>> -> memref<16x1024xf32, #tpu.memory_space<hbm>>
    %dma_wait3A_1289 = arith.constant 0 : i32
    %dma_wait3A_1290 = tpu.memref_slice %arg4[%add3A_1286, %dma_wait3A_1289] : memref<32768x1024xf32, #tpu.memory_space<hbm>> -> memref<16x1024xf32, #tpu.memory_space<hbm>>
    tpu.wait_dma2 semaphore(%arg20 : memref<!tpu.dma_semaphore, #tpu.memory_space<semaphore_mem>>) src(%arg8 : memref<16x1024xf32, #tpu.memory_space<vmem>>) dst(%dma_wait3A_1290 : memref<16x1024xf32, #tpu.memory_space<hbm>>)
    %dma_start3A_1291 = arith.constant 992 : i32
    %dma_start3A_1292 = tpu.memref_slice %arg5[%dma_start3A_1291] : memref<1024xi32, #tpu.memory_space<vmem>> -> memref<16xi32, #tpu.memory_space<vmem>>
    %dma_start3A_1293 = arith.constant 0 : i32
    %dma_start3A_1294 = arith.constant 0 : i32
    %dma_start3A_1295 = tpu.memref_slice %arg3[%dma_start3A_1293, %dma_start3A_1294] : memref<8192x1024xf32, #tpu.memory_space<hbm>> -> memref<8192x1024xf32, #tpu.memory_space<hbm>>
    tpu.enqueue_indirect_dma source(%dma_start3A_1295 : memref<8192x1024xf32, #tpu.memory_space<hbm>>) target(%arg8 : memref<16x1024xf32, #tpu.memory_space<vmem>>) offsets(%dma_start3A_1292 : memref<16xi32, #tpu.memory_space<vmem>>) semaphore(%arg14 : memref<!tpu.dma_semaphore, #tpu.memory_space<semaphore_mem>>)
    %dma_wait3A_1296 = arith.constant 928 : i32
    %dma_wait3A_1297 = tpu.memref_slice %arg5[%dma_wait3A_1296] : memref<1024xi32, #tpu.memory_space<vmem>> -> memref<16xi32, #tpu.memory_space<vmem>>
    %dma_wait3A_1298 = arith.constant 0 : i32
    %dma_wait3A_1299 = arith.constant 0 : i32
    %dma_wait3A_1300 = tpu.memref_slice %arg3[%dma_wait3A_1298, %dma_wait3A_1299] : memref<8192x1024xf32, #tpu.memory_space<hbm>> -> memref<8192x1024xf32, #tpu.memory_space<hbm>>
    tpu.wait_indirect_dma semaphore(%arg16 : memref<!tpu.dma_semaphore, #tpu.memory_space<semaphore_mem>>) src(%dma_wait3A_1300 : memref<8192x1024xf32, #tpu.memory_space<hbm>>) dst(%arg10 : memref<16x1024xf32, #tpu.memory_space<vmem>>)
    %add3A_1301 = arith.constant 928 : i32
    %add3A_1302 = arith.addi %mul3A_2, %add3A_1301 : i32
    %dma_start3A_1303 = arith.constant 0 : i32
    %dma_start3A_1304 = tpu.memref_slice %arg4[%add3A_1302, %dma_start3A_1303] : memref<32768x1024xf32, #tpu.memory_space<hbm>> -> memref<16x1024xf32, #tpu.memory_space<hbm>>
    %dma_start3A_1305 = arith.constant 0 : i32
    %dma_start3A_1306 = tpu.memref_slice %arg4[%add3A_1302, %dma_start3A_1305] : memref<32768x1024xf32, #tpu.memory_space<hbm>> -> memref<16x1024xf32, #tpu.memory_space<hbm>>
    tpu.enqueue_dma source(%arg10 : memref<16x1024xf32, #tpu.memory_space<vmem>>) target(%dma_start3A_1306 : memref<16x1024xf32, #tpu.memory_space<hbm>>) target_semaphore(%arg22 : memref<!tpu.dma_semaphore, #tpu.memory_space<semaphore_mem>>)
    %add3A_1307 = arith.constant 912 : i32
    %add3A_1308 = arith.addi %mul3A_2, %add3A_1307 : i32
    %dma_wait3A_1309 = arith.constant 0 : i32
    %dma_wait3A_1310 = tpu.memref_slice %arg4[%add3A_1308, %dma_wait3A_1309] : memref<32768x1024xf32, #tpu.memory_space<hbm>> -> memref<16x1024xf32, #tpu.memory_space<hbm>>
    %dma_wait3A_1311 = arith.constant 0 : i32
    %dma_wait3A_1312 = tpu.memref_slice %arg4[%add3A_1308, %dma_wait3A_1311] : memref<32768x1024xf32, #tpu.memory_space<hbm>> -> memref<16x1024xf32, #tpu.memory_space<hbm>>
    tpu.wait_dma2 semaphore(%arg21 : memref<!tpu.dma_semaphore, #tpu.memory_space<semaphore_mem>>) src(%arg9 : memref<16x1024xf32, #tpu.memory_space<vmem>>) dst(%dma_wait3A_1312 : memref<16x1024xf32, #tpu.memory_space<hbm>>)
    %dma_start3A_1313 = arith.constant 1008 : i32
    %dma_start3A_1314 = tpu.memref_slice %arg5[%dma_start3A_1313] : memref<1024xi32, #tpu.memory_space<vmem>> -> memref<16xi32, #tpu.memory_space<vmem>>
    %dma_start3A_1315 = arith.constant 0 : i32
    %dma_start3A_1316 = arith.constant 0 : i32
    %dma_start3A_1317 = tpu.memref_slice %arg3[%dma_start3A_1315, %dma_start3A_1316] : memref<8192x1024xf32, #tpu.memory_space<hbm>> -> memref<8192x1024xf32, #tpu.memory_space<hbm>>
    tpu.enqueue_indirect_dma source(%dma_start3A_1317 : memref<8192x1024xf32, #tpu.memory_space<hbm>>) target(%arg9 : memref<16x1024xf32, #tpu.memory_space<vmem>>) offsets(%dma_start3A_1314 : memref<16xi32, #tpu.memory_space<vmem>>) semaphore(%arg15 : memref<!tpu.dma_semaphore, #tpu.memory_space<semaphore_mem>>)
    %dma_wait3A_1318 = arith.constant 944 : i32
    %dma_wait3A_1319 = tpu.memref_slice %arg5[%dma_wait3A_1318] : memref<1024xi32, #tpu.memory_space<vmem>> -> memref<16xi32, #tpu.memory_space<vmem>>
    %dma_wait3A_1320 = arith.constant 0 : i32
    %dma_wait3A_1321 = arith.constant 0 : i32
    %dma_wait3A_1322 = tpu.memref_slice %arg3[%dma_wait3A_1320, %dma_wait3A_1321] : memref<8192x1024xf32, #tpu.memory_space<hbm>> -> memref<8192x1024xf32, #tpu.memory_space<hbm>>
    tpu.wait_indirect_dma semaphore(%arg17 : memref<!tpu.dma_semaphore, #tpu.memory_space<semaphore_mem>>) src(%dma_wait3A_1322 : memref<8192x1024xf32, #tpu.memory_space<hbm>>) dst(%arg11 : memref<16x1024xf32, #tpu.memory_space<vmem>>)
    %add3A_1323 = arith.constant 944 : i32
    %add3A_1324 = arith.addi %mul3A_2, %add3A_1323 : i32
    %dma_start3A_1325 = arith.constant 0 : i32
    %dma_start3A_1326 = tpu.memref_slice %arg4[%add3A_1324, %dma_start3A_1325] : memref<32768x1024xf32, #tpu.memory_space<hbm>> -> memref<16x1024xf32, #tpu.memory_space<hbm>>
    %dma_start3A_1327 = arith.constant 0 : i32
    %dma_start3A_1328 = tpu.memref_slice %arg4[%add3A_1324, %dma_start3A_1327] : memref<32768x1024xf32, #tpu.memory_space<hbm>> -> memref<16x1024xf32, #tpu.memory_space<hbm>>
    tpu.enqueue_dma source(%arg11 : memref<16x1024xf32, #tpu.memory_space<vmem>>) target(%dma_start3A_1328 : memref<16x1024xf32, #tpu.memory_space<hbm>>) target_semaphore(%arg23 : memref<!tpu.dma_semaphore, #tpu.memory_space<semaphore_mem>>)
    %dma_wait3A_1329 = arith.constant 960 : i32
    %dma_wait3A_1330 = tpu.memref_slice %arg5[%dma_wait3A_1329] : memref<1024xi32, #tpu.memory_space<vmem>> -> memref<16xi32, #tpu.memory_space<vmem>>
    %dma_wait3A_1331 = arith.constant 0 : i32
    %dma_wait3A_1332 = arith.constant 0 : i32
    %dma_wait3A_1333 = tpu.memref_slice %arg3[%dma_wait3A_1331, %dma_wait3A_1332] : memref<8192x1024xf32, #tpu.memory_space<hbm>> -> memref<8192x1024xf32, #tpu.memory_space<hbm>>
    tpu.wait_indirect_dma semaphore(%arg12 : memref<!tpu.dma_semaphore, #tpu.memory_space<semaphore_mem>>) src(%dma_wait3A_1333 : memref<8192x1024xf32, #tpu.memory_space<hbm>>) dst(%arg6 : memref<16x1024xf32, #tpu.memory_space<vmem>>)
    %add3A_1334 = arith.constant 960 : i32
    %add3A_1335 = arith.addi %mul3A_2, %add3A_1334 : i32
    %dma_start3A_1336 = arith.constant 0 : i32
    %dma_start3A_1337 = tpu.memref_slice %arg4[%add3A_1335, %dma_start3A_1336] : memref<32768x1024xf32, #tpu.memory_space<hbm>> -> memref<16x1024xf32, #tpu.memory_space<hbm>>
    %dma_start3A_1338 = arith.constant 0 : i32
    %dma_start3A_1339 = tpu.memref_slice %arg4[%add3A_1335, %dma_start3A_1338] : memref<32768x1024xf32, #tpu.memory_space<hbm>> -> memref<16x1024xf32, #tpu.memory_space<hbm>>
    tpu.enqueue_dma source(%arg6 : memref<16x1024xf32, #tpu.memory_space<vmem>>) target(%dma_start3A_1339 : memref<16x1024xf32, #tpu.memory_space<hbm>>) target_semaphore(%arg18 : memref<!tpu.dma_semaphore, #tpu.memory_space<semaphore_mem>>)
    %dma_wait3A_1340 = arith.constant 976 : i32
    %dma_wait3A_1341 = tpu.memref_slice %arg5[%dma_wait3A_1340] : memref<1024xi32, #tpu.memory_space<vmem>> -> memref<16xi32, #tpu.memory_space<vmem>>
    %dma_wait3A_1342 = arith.constant 0 : i32
    %dma_wait3A_1343 = arith.constant 0 : i32
    %dma_wait3A_1344 = tpu.memref_slice %arg3[%dma_wait3A_1342, %dma_wait3A_1343] : memref<8192x1024xf32, #tpu.memory_space<hbm>> -> memref<8192x1024xf32, #tpu.memory_space<hbm>>
    tpu.wait_indirect_dma semaphore(%arg13 : memref<!tpu.dma_semaphore, #tpu.memory_space<semaphore_mem>>) src(%dma_wait3A_1344 : memref<8192x1024xf32, #tpu.memory_space<hbm>>) dst(%arg7 : memref<16x1024xf32, #tpu.memory_space<vmem>>)
    %add3A_1345 = arith.constant 976 : i32
    %add3A_1346 = arith.addi %mul3A_2, %add3A_1345 : i32
    %dma_start3A_1347 = arith.constant 0 : i32
    %dma_start3A_1348 = tpu.memref_slice %arg4[%add3A_1346, %dma_start3A_1347] : memref<32768x1024xf32, #tpu.memory_space<hbm>> -> memref<16x1024xf32, #tpu.memory_space<hbm>>
    %dma_start3A_1349 = arith.constant 0 : i32
    %dma_start3A_1350 = tpu.memref_slice %arg4[%add3A_1346, %dma_start3A_1349] : memref<32768x1024xf32, #tpu.memory_space<hbm>> -> memref<16x1024xf32, #tpu.memory_space<hbm>>
    tpu.enqueue_dma source(%arg7 : memref<16x1024xf32, #tpu.memory_space<vmem>>) target(%dma_start3A_1350 : memref<16x1024xf32, #tpu.memory_space<hbm>>) target_semaphore(%arg19 : memref<!tpu.dma_semaphore, #tpu.memory_space<semaphore_mem>>)
    %dma_wait3A_1351 = arith.constant 992 : i32
    %dma_wait3A_1352 = tpu.memref_slice %arg5[%dma_wait3A_1351] : memref<1024xi32, #tpu.memory_space<vmem>> -> memref<16xi32, #tpu.memory_space<vmem>>
    %dma_wait3A_1353 = arith.constant 0 : i32
    %dma_wait3A_1354 = arith.constant 0 : i32
    %dma_wait3A_1355 = tpu.memref_slice %arg3[%dma_wait3A_1353, %dma_wait3A_1354] : memref<8192x1024xf32, #tpu.memory_space<hbm>> -> memref<8192x1024xf32, #tpu.memory_space<hbm>>
    tpu.wait_indirect_dma semaphore(%arg14 : memref<!tpu.dma_semaphore, #tpu.memory_space<semaphore_mem>>) src(%dma_wait3A_1355 : memref<8192x1024xf32, #tpu.memory_space<hbm>>) dst(%arg8 : memref<16x1024xf32, #tpu.memory_space<vmem>>)
    %add3A_1356 = arith.constant 992 : i32
    %add3A_1357 = arith.addi %mul3A_2, %add3A_1356 : i32
    %dma_start3A_1358 = arith.constant 0 : i32
    %dma_start3A_1359 = tpu.memref_slice %arg4[%add3A_1357, %dma_start3A_1358] : memref<32768x1024xf32, #tpu.memory_space<hbm>> -> memref<16x1024xf32, #tpu.memory_space<hbm>>
    %dma_start3A_1360 = arith.constant 0 : i32
    %dma_start3A_1361 = tpu.memref_slice %arg4[%add3A_1357, %dma_start3A_1360] : memref<32768x1024xf32, #tpu.memory_space<hbm>> -> memref<16x1024xf32, #tpu.memory_space<hbm>>
    tpu.enqueue_dma source(%arg8 : memref<16x1024xf32, #tpu.memory_space<vmem>>) target(%dma_start3A_1361 : memref<16x1024xf32, #tpu.memory_space<hbm>>) target_semaphore(%arg20 : memref<!tpu.dma_semaphore, #tpu.memory_space<semaphore_mem>>)
    %dma_wait3A_1362 = arith.constant 1008 : i32
    %dma_wait3A_1363 = tpu.memref_slice %arg5[%dma_wait3A_1362] : memref<1024xi32, #tpu.memory_space<vmem>> -> memref<16xi32, #tpu.memory_space<vmem>>
    %dma_wait3A_1364 = arith.constant 0 : i32
    %dma_wait3A_1365 = arith.constant 0 : i32
    %dma_wait3A_1366 = tpu.memref_slice %arg3[%dma_wait3A_1364, %dma_wait3A_1365] : memref<8192x1024xf32, #tpu.memory_space<hbm>> -> memref<8192x1024xf32, #tpu.memory_space<hbm>>
    tpu.wait_indirect_dma semaphore(%arg15 : memref<!tpu.dma_semaphore, #tpu.memory_space<semaphore_mem>>) src(%dma_wait3A_1366 : memref<8192x1024xf32, #tpu.memory_space<hbm>>) dst(%arg9 : memref<16x1024xf32, #tpu.memory_space<vmem>>)
    %add3A_1367 = arith.constant 1008 : i32
    %add3A_1368 = arith.addi %mul3A_2, %add3A_1367 : i32
    %dma_start3A_1369 = arith.constant 0 : i32
    %dma_start3A_1370 = tpu.memref_slice %arg4[%add3A_1368, %dma_start3A_1369] : memref<32768x1024xf32, #tpu.memory_space<hbm>> -> memref<16x1024xf32, #tpu.memory_space<hbm>>
    %dma_start3A_1371 = arith.constant 0 : i32
    %dma_start3A_1372 = tpu.memref_slice %arg4[%add3A_1368, %dma_start3A_1371] : memref<32768x1024xf32, #tpu.memory_space<hbm>> -> memref<16x1024xf32, #tpu.memory_space<hbm>>
    tpu.enqueue_dma source(%arg9 : memref<16x1024xf32, #tpu.memory_space<vmem>>) target(%dma_start3A_1372 : memref<16x1024xf32, #tpu.memory_space<hbm>>) target_semaphore(%arg21 : memref<!tpu.dma_semaphore, #tpu.memory_space<semaphore_mem>>)
    %add3A_1373 = arith.constant 928 : i32
    %add3A_1374 = arith.addi %mul3A_2, %add3A_1373 : i32
    %dma_wait3A_1375 = arith.constant 0 : i32
    %dma_wait3A_1376 = tpu.memref_slice %arg4[%add3A_1374, %dma_wait3A_1375] : memref<32768x1024xf32, #tpu.memory_space<hbm>> -> memref<16x1024xf32, #tpu.memory_space<hbm>>
    %dma_wait3A_1377 = arith.constant 0 : i32
    %dma_wait3A_1378 = tpu.memref_slice %arg4[%add3A_1374, %dma_wait3A_1377] : memref<32768x1024xf32, #tpu.memory_space<hbm>> -> memref<16x1024xf32, #tpu.memory_space<hbm>>
    tpu.wait_dma2 semaphore(%arg22 : memref<!tpu.dma_semaphore, #tpu.memory_space<semaphore_mem>>) src(%arg10 : memref<16x1024xf32, #tpu.memory_space<vmem>>) dst(%dma_wait3A_1378 : memref<16x1024xf32, #tpu.memory_space<hbm>>)
    %add3A_1379 = arith.constant 944 : i32
    %add3A_1380 = arith.addi %mul3A_2, %add3A_1379 : i32
    %dma_wait3A_1381 = arith.constant 0 : i32
    %dma_wait3A_1382 = tpu.memref_slice %arg4[%add3A_1380, %dma_wait3A_1381] : memref<32768x1024xf32, #tpu.memory_space<hbm>> -> memref<16x1024xf32, #tpu.memory_space<hbm>>
    %dma_wait3A_1383 = arith.constant 0 : i32
    %dma_wait3A_1384 = tpu.memref_slice %arg4[%add3A_1380, %dma_wait3A_1383] : memref<32768x1024xf32, #tpu.memory_space<hbm>> -> memref<16x1024xf32, #tpu.memory_space<hbm>>
    tpu.wait_dma2 semaphore(%arg23 : memref<!tpu.dma_semaphore, #tpu.memory_space<semaphore_mem>>) src(%arg11 : memref<16x1024xf32, #tpu.memory_space<vmem>>) dst(%dma_wait3A_1384 : memref<16x1024xf32, #tpu.memory_space<hbm>>)
    %add3A_1385 = arith.constant 960 : i32
    %add3A_1386 = arith.addi %mul3A_2, %add3A_1385 : i32
    %dma_wait3A_1387 = arith.constant 0 : i32
    %dma_wait3A_1388 = tpu.memref_slice %arg4[%add3A_1386, %dma_wait3A_1387] : memref<32768x1024xf32, #tpu.memory_space<hbm>> -> memref<16x1024xf32, #tpu.memory_space<hbm>>
    %dma_wait3A_1389 = arith.constant 0 : i32
    %dma_wait3A_1390 = tpu.memref_slice %arg4[%add3A_1386, %dma_wait3A_1389] : memref<32768x1024xf32, #tpu.memory_space<hbm>> -> memref<16x1024xf32, #tpu.memory_space<hbm>>
    tpu.wait_dma2 semaphore(%arg18 : memref<!tpu.dma_semaphore, #tpu.memory_space<semaphore_mem>>) src(%arg6 : memref<16x1024xf32, #tpu.memory_space<vmem>>) dst(%dma_wait3A_1390 : memref<16x1024xf32, #tpu.memory_space<hbm>>)
    %add3A_1391 = arith.constant 976 : i32
    %add3A_1392 = arith.addi %mul3A_2, %add3A_1391 : i32
    %dma_wait3A_1393 = arith.constant 0 : i32
    %dma_wait3A_1394 = tpu.memref_slice %arg4[%add3A_1392, %dma_wait3A_1393] : memref<32768x1024xf32, #tpu.memory_space<hbm>> -> memref<16x1024xf32, #tpu.memory_space<hbm>>
    %dma_wait3A_1395 = arith.constant 0 : i32
    %dma_wait3A_1396 = tpu.memref_slice %arg4[%add3A_1392, %dma_wait3A_1395] : memref<32768x1024xf32, #tpu.memory_space<hbm>> -> memref<16x1024xf32, #tpu.memory_space<hbm>>
    tpu.wait_dma2 semaphore(%arg19 : memref<!tpu.dma_semaphore, #tpu.memory_space<semaphore_mem>>) src(%arg7 : memref<16x1024xf32, #tpu.memory_space<vmem>>) dst(%dma_wait3A_1396 : memref<16x1024xf32, #tpu.memory_space<hbm>>)
    %add3A_1397 = arith.constant 992 : i32
    %add3A_1398 = arith.addi %mul3A_2, %add3A_1397 : i32
    %dma_wait3A_1399 = arith.constant 0 : i32
    %dma_wait3A_1400 = tpu.memref_slice %arg4[%add3A_1398, %dma_wait3A_1399] : memref<32768x1024xf32, #tpu.memory_space<hbm>> -> memref<16x1024xf32, #tpu.memory_space<hbm>>
    %dma_wait3A_1401 = arith.constant 0 : i32
    %dma_wait3A_1402 = tpu.memref_slice %arg4[%add3A_1398, %dma_wait3A_1401] : memref<32768x1024xf32, #tpu.memory_space<hbm>> -> memref<16x1024xf32, #tpu.memory_space<hbm>>
    tpu.wait_dma2 semaphore(%arg20 : memref<!tpu.dma_semaphore, #tpu.memory_space<semaphore_mem>>) src(%arg8 : memref<16x1024xf32, #tpu.memory_space<vmem>>) dst(%dma_wait3A_1402 : memref<16x1024xf32, #tpu.memory_space<hbm>>)
    %add3A_1403 = arith.constant 1008 : i32
    %add3A_1404 = arith.addi %mul3A_2, %add3A_1403 : i32
    %dma_wait3A_1405 = arith.constant 0 : i32
    %dma_wait3A_1406 = tpu.memref_slice %arg4[%add3A_1404, %dma_wait3A_1405] : memref<32768x1024xf32, #tpu.memory_space<hbm>> -> memref<16x1024xf32, #tpu.memory_space<hbm>>
    %dma_wait3A_1407 = arith.constant 0 : i32
    %dma_wait3A_1408 = tpu.memref_slice %arg4[%add3A_1404, %dma_wait3A_1407] : memref<32768x1024xf32, #tpu.memory_space<hbm>> -> memref<16x1024xf32, #tpu.memory_space<hbm>>
    tpu.wait_dma2 semaphore(%arg21 : memref<!tpu.dma_semaphore, #tpu.memory_space<semaphore_mem>>) src(%arg9 : memref<16x1024xf32, #tpu.memory_space<vmem>>) dst(%dma_wait3A_1408 : memref<16x1024xf32, #tpu.memory_space<hbm>>)
    return
  }
}

</mosaic_0001>

<sc_bundles>
// kernel: kernel.3.cloned.1.call-start
scs
__scs_entry_jumppad:
0x0: {  	(pc) =	sbr.rel $0x88, $3  }
0x1: {  	(tag) =	ssettag $0x0;
	lr =	simm.s32 $0x1  }
0x2: {  	[smem:$0x3F9F] =	sst lr;
	_ =	strace $0xD0000000  }
0x3: {  	_ = 	snop  }
0x4: {  	_ = 	snop  }
0x5: {  	_ = 	snop  }
0x6: {  	_ = 	snop  }
0x7: {  	_ = 	snop  }
__scs_overlays_trampoline_lowered:
0x8: {  	[smem:$0x3FAE] =	sst s0  }
0x9: {  	[smem:$0x3FAF] =	sst s1  }
0xa: {  	[smem:$0x3FB0] =	sst s2  }
0xb: {  	[smem:$0x3FB1] =	sst s3  }
0xc: {  	[smem:$0x3FB2] =	sst s4  }
0xd: {  	[smem:$0x3FB3] =	sst s5  }
0xe: {  	[smem:$0x3FB4] =	sst s6  }
0xf: {  	[smem:$0x3FB5] =	sst s7  }
0x10: {  	[smem:$0x3FB6] =	sst s8  }
0x11: {  	[smem:$0x3FB7] =	sst s9;
	s0 =	simm.s32 @!p0 $0x0  }
0x12: {  	s1 =	sld [smem:$0x3F9D];
	s0 =	simm.s32 @p0 $0x1  }
0x13: {  	[smem:$0x3FB8] =	sst s0;
	s0 =	simm.s32 @!p1 $0x0  }
0x14: {  	s2 =	sld [smem:$0x3F9C];
	s0 =	simm.s32 @p1 $0x1  }
0x15: {  	[smem:$0x3FB9] =	sst s0;
	s0 =	simm.s32 @!p2 $0x0  }
0x16: {  	s3 =	sld [smem:$0x3FDB];
	s0 =	simm.s32 @p2 $0x1  }
0x17: {  	s4 =	simm.s32 $0x1BF5;
	[smem:$0x3FBB] =	sst s0  }
0x18: {  	s0 =	sld [smem:$0x3F9E];
	_ =	swait.ge [sflag:s4], $0x0  }
0x19: {  	s7 =	sld [smem:$0x3F9F]  }
0x1a: {  	s8 =	sadd.s32 $0xFFFFE003, lr  }
0x1b: {  	s9 =	sadd.s32 $0xFFFFFEF7, lr;
	s5 =	simm.s32 $0xFFFFFFFF;
	p2 =	slt.u32 s8, $0xFFFFF086  }
0x1c: {  	p1 =	slt.u32 s9, $0xF7A;
	s5 =	simm.s32 @!p2 $0x0  }
0x1d: {  	s5 =	simm.s32 @p1 $0x1;
	p0 =	seq.s32 s7, s2  }
0x1e: {  	s7 =	smul.u32 @!p0 $0xF7A, s2;
	p2 =	seq.s32 @!p0 s5, $0x0  }
0x1f: {  	s9 =	smul.u32 $0xF7A, s1;
	s8 =	simm.s32 @!p0 $0x1BF5;
	p2 =	por !p2, p0  }
0x20: {  	[sflag:s8] =	ssyncset.s32 @!p0 $0xFFFFF086;
	s6 =	sadd.s32 @!p0 s3, s7;
	s7 =	simm.s32 @!p0 $0x108  }
0x21: {  	s3 =	sadd.s32 s3, s9;
	s6 =	sadd.s32 @!p0 $0x88, s6;
	s7 =	simm.s32 @p2 $0x1082  }
0x22: {  	[simem:s7], [sflag:s8] =	dma.local @!p0 [hbm:s6], $0xF7A  }
0x23: {  	s9 =	sor.u32 $0xD0000000, s2;
	s6 =	simm.s32 $0x108;
	_ =	swait.ge @!p0 [sflag:s8], $0x0  }
0x24: {  	s3 =	sadd.s32 $0x88, s3;
	s6 =	simm.s32 @!p1 $0x1082;
	[sflag:s4] =	ssyncset.s32 $0xFFFFF086  }
0x25: {  	[simem:s6], [sflag:s4] =	dma.local [hbm:s3], $0xF7A  }
0x26: {  	[smem:$0x3F9F] =	sst s1;
	(tag) =	ssettag s2;
	_ =	strace s9  }
0x27: {  	s1 =	sld [smem:$0x3FAF]  }
0x28: {  	s2 =	sld [smem:$0x3FB0]  }
0x29: {  	s4 =	sld [smem:$0x3FB2]  }
0x2a: {  	p0 =	seq.s32 s5, $0x0;
	s5 =	sld [smem:$0x3FB3]  }
0x2b: {  	s6 =	sld [smem:$0x3FB4]  }
0x2c: {  	s7 =	sld [smem:$0x3FB5]  }
0x2d: {  	s3 =	simm.s32 $0x108;
	s8 =	sld [smem:$0x3FB6]  }
0x2e: {  	s3 =	simm.s32 @!p0 $0x1082;
	s9 =	sld [smem:$0x3FB7]  }
0x2f: {  	lr =	sadd.s32 s0, s3;
	s0 =	sld [smem:$0x3FAE]  }
0x30: {  	s3 =	sld [smem:$0x3FB1]  }
0x31: {  	[smem:$0x3FBA] =	sst s10  }
0x32: {  	s10 =	sld [smem:$0x3FB8];
	_ =	sdelay $0x3  }
0x33: {  	p0 =	seq.s32 s10, $0x1;
	s10 =	sld [smem:$0x3FBA];
	_ =	sdelay $0x3  }
0x34: {  	[smem:$0x3FBA] =	sst s10  }
0x35: {  	s10 =	sld [smem:$0x3FB9];
	_ =	sdelay $0x3  }
0x36: {  	p1 =	seq.s32 s10, $0x1;
	s10 =	sld [smem:$0x3FBA];
	_ =	sdelay $0x3  }
0x37: {  	[smem:$0x3FBA] =	sst s10  }
0x38: {  	s10 =	sld [smem:$0x3FBB]  }
0x39: {  	_ = 	snop;
	(pc) =	sbr.ind lr, $3  }
0x3a: {  	_ = 	snop  }
0x3b: {  	_ = 	snop  }
0x3c: {  	p2 =	seq.s32 s10, $0x1;
	s10 =	sld [smem:$0x3FBA]  }
0x3d: {  	_ =	shalt  }
0x3e: {  	_ =	shalt  }
0x3f: {  	_ =	shalt  }
0x40: {  	_ =	shalt  }
0x41: {  	_ =	shalt  }
0x42: {  	_ =	shalt  }
0x43: {  	_ =	shalt  }
0x44: {  	_ =	shalt  }
0x45: {  	_ =	shalt  }
0x46: {  	_ =	shalt  }
0x47: {  	_ =	shalt  }
0x48: {  	_ =	shalt  }
0x49: {  	_ =	shalt  }
0x4a: {  	_ =	shalt  }
0x4b: {  	_ =	shalt  }
0x4c: {  	_ =	shalt  }
0x4d: {  	_ =	shalt  }
0x4e: {  	_ =	shalt  }
0x4f: {  	_ =	shalt  }
0x50: {  	_ =	shalt  }
0x51: {  	_ =	shalt  }
0x52: {  	_ =	shalt  }
0x53: {  	_ =	shalt  }
0x54: {  	_ =	shalt  }
0x55: {  	_ =	shalt  }
0x56: {  	_ =	shalt  }
0x57: {  	_ =	shalt  }
0x58: {  	_ =	shalt  }
0x59: {  	_ =	shalt  }
0x5a: {  	_ =	shalt  }
0x5b: {  	_ =	shalt  }
0x5c: {  	_ =	shalt  }
0x5d: {  	_ =	shalt  }
0x5e: {  	_ =	shalt  }
0x5f: {  	_ =	shalt  }
0x60: {  	_ =	shalt  }
0x61: {  	_ =	shalt  }
0x62: {  	_ =	shalt  }
0x63: {  	_ =	shalt  }
0x64: {  	_ =	shalt  }
0x65: {  	_ =	shalt  }
0x66: {  	_ =	shalt  }
0x67: {  	_ =	shalt  }
0x68: {  	_ =	shalt  }
0x69: {  	_ =	shalt  }
0x6a: {  	_ =	shalt  }
0x6b: {  	_ =	shalt  }
0x6c: {  	_ =	shalt  }
0x6d: {  	_ =	shalt  }
0x6e: {  	_ =	shalt  }
0x6f: {  	_ =	shalt  }
0x70: {  	_ =	shalt  }
0x71: {  	_ =	shalt  }
0x72: {  	_ =	shalt  }
0x73: {  	_ =	shalt  }
0x74: {  	_ =	shalt  }
0x75: {  	_ =	shalt  }
0x76: {  	_ =	shalt  }
0x77: {  	_ =	shalt  }
0x78: {  	_ =	shalt  }
0x79: {  	_ =	shalt  }
0x7a: {  	_ =	shalt  }
0x7b: {  	_ =	shalt  }
0x7c: {  	_ =	shalt  }
0x7d: {  	_ =	shalt  }
0x7e: {  	_ =	shalt  }
0x7f: {  	_ =	shalt  }
0x80: {  	_ =	shalt  }
0x81: {  	_ =	shalt  }
0x82: {  	_ =	shalt  }
0x83: {  	_ =	shalt  }
0x84: {  	_ =	shalt  }
0x85: {  	_ =	shalt  }
0x86: {  	_ =	shalt  }
0x87: {  	_ =	shalt  }
.Lfunc_end0:
.L_simem_size_0:
called_computation_lowered:
.L_overlay_start_0:
0x88: {  	s2 =	sld [smem:$0x3FD9]  }
0x89: {  	s3 =	sld [smem:$0x3FFE];
	_ =	sdelay $0x1  }
0x8a: {  	s1 =	srdreg.scid  }
0x8b: {  	s0 =	sand.u32 $0x1, s1  }
0x8c: {  	s17 =	sshll.u32 s0, $0xA;
	s2 =	sadd.s32 s3, s2  }
0x8d: {  	s2 =	sadd.s32 s2, s17  }
0x8e: {  	[smem:$0x3FC6] =	sst s2  }
0x8f: {  	_ = 	snop  }
0x90: {  	s2 =	sld [smem:$0x3FC8]  }
0x91: {  	s18 =	sld [smem:$0x3FD0];
	(tm) =	ssettm $0x1  }
0x92: {  	s4 =	sld [smem:$0x3FFB];
	_ =	sdelay $0x3  }
0x93: {  	_ =	strace s4  }
0x94: {  	s4 =	sld [smem:$0x3FFC];
	_ =	sdelay $0x3  }
0x95: {  	_ =	strace s4  }
0x96: {  	s4 =	sld [smem:$0x3FFD];
	_ =	sdelay $0x3  }
0x97: {  	_ =	strace s4  }
0x98: {  	_ =	strace $0x8FFFFFFF  }
0x99: {  	s19 =	sld [smem:$0x3FDB];
	_ =	sdelay $0x1  }
0x9a: {  	s5 =	simm.s32 $_scs_section_size  }
0x9b: {  	s6 =	simm.s32 $_size__tile_overlayer_lowered;
	s7 =	simm.s32 $_tile_overlayer_lowered  }
0x9c: {  	s22 =	simm.s32 $0x1BFF;
	s21 =	sshll.u32 s7, $0x1;
	s4 =	sadd.s32 s5, s19  }
0x9d: {  	s8 =	simm.s32 $0x0;
	s20 =	sshll.u32 s6, $0x1;
	s6 =	sadd.s32 s21, s4  }
0x9e: {  	[timem:s8], [sflag:s22] =	dma.local [hbm:s6], s20  }
0x9f: {  	_ =	swait.ge [sflag:s22], s20  }
0xa0: {  	s5 =	ssub.s32 $0x0, s20;
	[sflag:s22] =	ssyncset.done $0x0  }
0xa1: {  	[sflag:s22] =	ssyncadd.s32 s5;
	_ =	sdelay $0x1  }
0xa2: {  	s23 =	simm.s32 $0x1B8B  }
0xa3: {  	_ =	swait.ge [sflag:s23], $0x1  }
0xa4: {  	[sflag:s23] =	ssyncset.done $0x0  }
0xa5: {  	s25 =	simm.s32 $0x1B8E;
	s24 =	sld [smem:$0x3FFE];
	[sflag:s23] =	ssyncadd.s32 $0xFFFFFFFF  }
0xa6: {  	s26 =	simm.s32 $execute0_lowered;
	[smem:$0x3FD2] =	sst s25  }
0xa7: {  	s6 =	sshll.u32 s26, $0x1;
	_ =	strace $0x80000046;
	[dreg:$0x1] =	wrdreg $0xFFFFFFFF  }
0xa8: {  	s28 =	simm.s32 $_size_execute0_lowered;
	s4 =	sadd.s32 s4, s6;
	[dreg:$0x0] =	wrdreg $0x0  }
0xa9: {  	s6 =	sshll.u32 s28, $0x1;
	[dreg:$0x2] =	wrdreg s4  }
0xaa: {  	[dreg:$0x3] =	wrdreg s6  }
0xab: {  	[dreg:$0x4] =	wrdreg $0xC0  }
0xac: {  	_ =	task [dreg:s8], $0x5FFFF  }
0xad: {  	[dreg:$0x1] =	wrdreg $0xFFFFFFFF  }
0xae: {  	[dreg:$0x0] =	wrdreg $0x60  }
0xaf: {  	[dreg:$0x2] =	wrdreg s24  }
0xb0: {  	[dreg:$0x3] =	wrdreg s2  }
0xb1: {  	[dreg:$0x4] =	wrdreg s18  }
0xb2: {  	[dreg:$0x5] =	wrdreg $0x9  }
0xb3: {  	_ =	task.clear_ibuf [dreg:s8], $0x6FFFF;
	_ =	strace $0x90000046  }
0xb4: {  	s29 =	simm.s32 $0x9;
	_ =	strace $0x80000048  }
0xb5: {  	_ =	swait.ge [sflag:s29], $0x1  }
0xb6: {  	[sflag:s29] =	ssyncadd.s32 $0xFFFFFFFF  }
0xb7: {  	_ =	strace $0x90000048  }
0xb8: {  	_ =	sfence  }
0xb9: {  	s30 =	sld [smem:$0x0];
	_ =	sdelay $0x2  }
0xba: {  	s31 =	sshll.u32 s1, $0xD;
	s1 =	sshrl.u32 s1, $0x2  }
0xbb: {  	s3 =	sand.u32 $0x4000, s31;
	s1 =	sadd.s32 s1, s30  }
0xbc: {  	s0 =	sor.u32 s3, s0;
	s1 =	sshll.u32 s1, $0x11  }
0xbd: {  	s0 =	sor.u32 s1, s0  }
0xbe: {  	s0 =	sadd.s32 $0x8F2B, s0  }
0xbf: {  	[sflag:s0] =	ssyncadd.remote.s32 $0x1  }
0xc0: {  	_ =	sfence.sel $0xFFFF  }
0xc1: {  	[dreg:$0x0] =	wrdreg $0xFFFFFFFF;
	(pc) =	sbr.abs _section_cstart, $3  }
0xc2: {  	[dreg:$0x1] =	wrdreg $0xFFFFFFFF  }
0xc3: {  	_ =	task.clear_ibuf [dreg:s8], $0x2FFFF;
	_ =	strace $0x9FFFFFFF  }
0xc4: {  	(tm) =	ssettm $0x7FFFFFFF  }
0xc5: {  	_ =	shalt  }
tec
execute0_lowered:
.L_overlay_start_1:
0x0: {  	(tag) =	ssettag $0x1  }
0x1: {  	s0 =	srdreg.scid  }
0x2: {  	s1 =	rddreg [dreg:$0x0];
	s3 =	stileid.u32;
	s0 =	sand.u32 $0x1, s0  }
0x3: {  	s2 =	rddreg [dreg:$0x1];
	s3 =	sshll.u32 s3, $0xB;
	s4 =	sshll.u32 s0, $0xA  }
0x4: {  	s5 =	rddreg [dreg:$0x2];
	s4 =	sor.u32 s4, s3  }
0x5: {  	s3 =	simm.s32 $0x0;
	s6 =	sshrl.u32 s4, $0x3;
	s4 =	sshll.u32 s4, $0x7  }
0x6: {  	[smem:$0x7FF] =	sst s3;
	s1 =	sadd.s32 s6, s1;
	s8 =	sadd.s32 s5, s4  }
0x7: {  	_ =	strace $0x80000047;
	s1 =	sadd.s32 $0x400, s1;
	[smem:$0x7FC] =	sst s8  }
0x8: {  	s10 =	sadd.s32 $0x800, s8;
	[dreg:$0x4] =	wrdreg s1  }
0x9: {  	s11 =	sadd.s32 $0x1000, s8;
	[dreg:$0x5] =	wrdreg s10  }
0xa: {  	s12 =	sadd.s32 $0x1800, s8;
	[dreg:$0x6] =	wrdreg s11  }
0xb: {  	s13 =	sadd.s32 $0x2000, s8;
	[dreg:$0x7] =	wrdreg s12  }
0xc: {  	s14 =	sadd.s32 $0x2800, s8;
	[dreg:$0x8] =	wrdreg s13  }
0xd: {  	s15 =	sadd.s32 $0x3000, s8;
	[dreg:$0x9] =	wrdreg s14  }
0xe: {  	s16 =	sadd.s32 $0x3800, s8;
	[dreg:$0xa] =	wrdreg s15  }
0xf: {  	s17 =	sadd.s32 $0x4000, s8;
	[dreg:$0xb] =	wrdreg s16  }
0x10: {  	s18 =	sadd.s32 $0x4800, s8;
	[dreg:$0xc] =	wrdreg s17  }
0x11: {  	s19 =	sadd.s32 $0x5000, s8;
	[dreg:$0xd] =	wrdreg s18  }
0x12: {  	s20 =	sadd.s32 $0x5800, s8;
	[dreg:$0xe] =	wrdreg s19  }
0x13: {  	s21 =	sadd.s32 $0x6000, s8;
	[dreg:$0xf] =	wrdreg s20  }
0x14: {  	s22 =	sadd.s32 $0x6800, s8;
	[dreg:$0x10] =	wrdreg s21  }
0x15: {  	s23 =	sadd.s32 $0x7000, s8;
	[dreg:$0x11] =	wrdreg s22  }
0x16: {  	s24 =	sadd.s32 $0x7800, s8;
	[dreg:$0x12] =	wrdreg s23  }
0x17: {  	s25 =	sadd.s32 $0x8000, s8;
	[dreg:$0x13] =	wrdreg s24  }
0x18: {  	s26 =	sadd.s32 $0x8800, s8;
	[dreg:$0x14] =	wrdreg s25  }
0x19: {  	s30 =	sadd.s32 $0x9000, s8;
	[dreg:$0x15] =	wrdreg s26  }
0x1a: {  	s4 =	sadd.s32 $0x9800, s8;
	[dreg:$0x16] =	wrdreg s30  }
0x1b: {  	s5 =	sadd.s32 $0xA000, s8;
	[dreg:$0x17] =	wrdreg s4  }
0x1c: {  	s6 =	sadd.s32 $0xA800, s8;
	[dreg:$0x18] =	wrdreg s5  }
0x1d: {  	s7 =	sadd.s32 $0xB000, s8;
	[dreg:$0x19] =	wrdreg s6  }
0x1e: {  	s9 =	sadd.s32 $0xB800, s8;
	[dreg:$0x1a] =	wrdreg s7  }
0x1f: {  	[dreg:$0x1b] =	wrdreg s9;
	s10 =	sadd.s32 $0xC000, s8  }
0x20: {  	s11 =	sadd.s32 $0xC800, s8;
	[dreg:$0x1c] =	wrdreg s10  }
0x21: {  	s12 =	sadd.s32 $0xD000, s8;
	[dreg:$0x1d] =	wrdreg s11  }
0x22: {  	s13 =	sadd.s32 $0xD800, s8;
	[dreg:$0x1e] =	wrdreg s12  }
0x23: {  	s14 =	sadd.s32 $0xE000, s8;
	[dreg:$0x1f] =	wrdreg s13  }
0x24: {  	s15 =	sadd.s32 $0xE800, s8;
	[smem:$0x7D9] =	sst s14  }
0x25: {  	s16 =	sadd.s32 $0xF000, s8;
	[smem:$0x7DA] =	sst s15  }
0x26: {  	s17 =	sadd.s32 $0xF800, s8;
	[smem:$0x7DB] =	sst s16  }
0x27: {  	s18 =	sadd.s32 $0x10000, s8;
	[smem:$0x7DC] =	sst s17  }
0x28: {  	s19 =	sadd.s32 $0x10800, s8;
	[smem:$0x7DD] =	sst s18  }
0x29: {  	s20 =	sadd.s32 $0x11000, s8;
	[smem:$0x7DE] =	sst s19  }
0x2a: {  	s21 =	sadd.s32 $0x11800, s8;
	[smem:$0x7DF] =	sst s20  }
0x2b: {  	s22 =	sadd.s32 $0x12000, s8;
	[smem:$0x7E0] =	sst s21  }
0x2c: {  	s23 =	sadd.s32 $0x12800, s8;
	[smem:$0x7E1] =	sst s22  }
0x2d: {  	s24 =	sadd.s32 $0x13000, s8;
	[smem:$0x7E2] =	sst s23  }
0x2e: {  	s25 =	sadd.s32 $0x13800, s8;
	[smem:$0x7E3] =	sst s24  }
0x2f: {  	s26 =	sadd.s32 $0x14000, s8;
	[smem:$0x7E4] =	sst s25  }
0x30: {  	s30 =	sadd.s32 $0x14800, s8;
	[smem:$0x7E5] =	sst s26  }
0x31: {  	s4 =	sadd.s32 $0x15000, s8;
	[smem:$0x7E6] =	sst s30  }
0x32: {  	s5 =	sadd.s32 $0x15800, s8;
	[smem:$0x7E7] =	sst s4  }
0x33: {  	s6 =	sadd.s32 $0x16000, s8;
	[smem:$0x7E8] =	sst s5  }
0x34: {  	s7 =	sadd.s32 $0x16800, s8;
	[smem:$0x7E9] =	sst s6  }
0x35: {  	s9 =	sadd.s32 $0x17000, s8;
	[smem:$0x7EA] =	sst s7  }
0x36: {  	[smem:$0x7EB] =	sst s9;
	s10 =	sadd.s32 $0x17800, s8  }
0x37: {  	s11 =	sadd.s32 $0x18000, s8;
	[smem:$0x7EC] =	sst s10  }
0x38: {  	s12 =	sadd.s32 $0x18800, s8;
	[smem:$0x7ED] =	sst s11  }
0x39: {  	s13 =	sadd.s32 $0x19000, s8;
	[smem:$0x7EE] =	sst s12  }
0x3a: {  	s14 =	sadd.s32 $0x19800, s8;
	[smem:$0x7EF] =	sst s13  }
0x3b: {  	s15 =	sadd.s32 $0x1A000, s8;
	[smem:$0x7F0] =	sst s14  }
0x3c: {  	s28 =	simm.s32 $0x4;
	s16 =	sadd.s32 $0x1A800, s8;
	[smem:$0x7F1] =	sst s15  }
0x3d: {  	s29 =	simm.s32 $0x9;
	s17 =	sadd.s32 $0x1B000, s8;
	[smem:$0x7F2] =	sst s16  }
0x3e: {  	s31 =	simm.s32 $0xA;
	s18 =	sadd.s32 $0x1B800, s8;
	[smem:$0x7F3] =	sst s17  }
0x3f: {  	s0 =	ssub.s32 $0x2, s0;
	s19 =	sadd.s32 $0x1C000, s8;
	[smem:$0x7F4] =	sst s18  }
0x40: {  	s1 =	simm.s32 $0x6;
	s20 =	sadd.s32 $0x1C800, s8;
	[smem:$0x7F5] =	sst s19  }
0x41: {  	s21 =	sadd.s32 $0x1D000, s8;
	s22 =	sshrl.u32 s0, $0x1;
	[smem:$0x7F6] =	sst s20  }
0x42: {  	s23 =	sadd.s32 $0x1D800, s8;
	s24 =	sadd.s32 $0x1E000, s8;
	[smem:$0x7F7] =	sst s21  }
0x43: {  	s5 =	sadd.s32 $0x100, s2;
	s25 =	sadd.s32 $0x1E800, s8;
	[smem:$0x7F8] =	sst s23  }
0x44: {  	s6 =	sadd.s32 $0x200, s2;
	s26 =	sadd.s32 $0x1F000, s8;
	[smem:$0x7F9] =	sst s24  }
0x45: {  	s7 =	sadd.s32 $0x300, s2;
	s30 =	sadd.s32 $0x1F800, s8;
	[smem:$0x7FA] =	sst s25  }
0x46: {  	s9 =	simm.s32 $0xC;
	s0 =	ssub.s32 s0, s22;
	[smem:$0x7FB] =	sst s26  }
0x47: {  	v2 =	vlaneseq.u32;
	[smem:$0x7FD] =	sst s30;
	s20 =	simm.s32 $0x1;
	s22 =	simm.s32 $0x2  }
0x48: {  	vm0 =	vmmov $0xffff;
	v1 =	vshrl.u32 v2, $0x3;
	s23 =	simm.s32 $0x7;
	s24 =	simm.s32 $0x3;
	s25 =	simm.s32 $0x8  }
0x49: {  	v0 =	vand.u32 $0x7, v2;
	v2 =	vor.u32 $0x8, v2;
	v1 =	vmul.u32 $0x8, v1;
	s26 =	simm.s32 $0x5;
	s8 =	smax.u32 s0, $0x1;
	s0 =	simm.s32 $0xB  }
.LBB2_1:
0x4a: {  	[smem:$0x7D8] =	sst s8  }
0x4b: {  	s11 =	rddreg [dreg:$0x4];
	s10 =	simm.s32 $0xD  }
0x4c: {  	[tilespmem:s3], [sflag:$0xD] =	stream.linear.gather [hbm4b:s11+s3], $0x400, $0x38;
	[tilespmem:$0x18400] =	vst v63  }
0x4d: {  	_ =	swait.ge [sflag:s10], $0x400  }
0x4e: {  	[sflag:s10] =	ssyncset.done $0x0  }
0x4f: {  	[sflag:s10] =	ssyncadd.s32 $0xFFFFFC00  }
0x50: {  	v3 =	vld [tilespmem:$0x0];
	_ =	sdelay $0x4  }
0x51: {  	v4 =	vshll.u32 v3, $0x3  }
0x52: {  	v3 =	vand.u32 $0x7, v3;
	v4 =	vand.u32 $0xFFFFFFC0, v4  }
0x53: {  	v3 =	vor.u32 v3, v4  }
0x54: {  	v4 =	vperm.xlane v3, v0;
	_ =	sdelay $0x1  }
0x55: {  	v4 =	vadd.s32 v1, v4;
	_ =	sdelay $0x3  }
0x56: {  	s4 =	simm.s32 $0x400  }
0x57: {  	[tilespmem:s4], [sflag:$0x1] =	stream.indirect_vreg.gather [hbm4b:s2+s3], $0x80, v4, vm0, $0xb8;
	[tilespmem:$0x18400] =	vst v63  }
0x58: {  	s12 =	simm.s32 $0xC00;
	v3 =	vperm.xlane v3, v2  }
0x59: {  	[tilespmem:s12], [sflag:$0x1] =	stream.indirect_vreg.gather [hbm4b:s5+s3], $0x80, v4, vm0, $0xb8;
	[tilespmem:$0x18400] =	vst v63  }
0x5a: {  	s13 =	simm.s32 $0x1400;
	v3 =	vadd.s32 v1, v3  }
0x5b: {  	[tilespmem:s13], [sflag:$0x1] =	stream.indirect_vreg.gather [hbm4b:s6+s3], $0x80, v4, vm0, $0xb8;
	[tilespmem:$0x18400] =	vst v63  }
0x5c: {  	s14 =	simm.s32 $0x1C00  }
0x5d: {  	[tilespmem:s14], [sflag:$0x1] =	stream.indirect_vreg.gather [hbm4b:s7+s3], $0x80, v4, vm0, $0xb8;
	[tilespmem:$0x18400] =	vst v63  }
0x5e: {  	s15 =	simm.s32 $0x2400  }
0x5f: {  	[tilespmem:s15], [sflag:$0x1] =	stream.indirect_vreg.gather [hbm4b:s2+s3], $0x80, v3, vm0, $0xb8;
	[tilespmem:$0x18400] =	vst v63  }
0x60: {  	s16 =	simm.s32 $0x2C00  }
0x61: {  	[tilespmem:s16], [sflag:$0x1] =	stream.indirect_vreg.gather [hbm4b:s5+s3], $0x80, v3, vm0, $0xb8;
	[tilespmem:$0x18400] =	vst v63  }
0x62: {  	s17 =	simm.s32 $0x3400  }
0x63: {  	[tilespmem:s17], [sflag:$0x1] =	stream.indirect_vreg.gather [hbm4b:s6+s3], $0x80, v3, vm0, $0xb8;
	[tilespmem:$0x18400] =	vst v63  }
0x64: {  	s18 =	simm.s32 $0x3C00  }
0x65: {  	[tilespmem:s18], [sflag:$0x1] =	stream.indirect_vreg.gather [hbm4b:s7+s3], $0x80, v3, vm0, $0xb8;
	[tilespmem:$0x18400] =	vst v63  }
0x66: {  	v3 =	vld [tilespmem:$0x10];
	_ =	sdelay $0x4  }
0x67: {  	v57 =	vshll.u32 v3, $0x3  }
0x68: {  	v3 =	vand.u32 $0x7, v3;
	v4 =	vand.u32 $0xFFFFFFC0, v57  }
0x69: {  	v3 =	vor.u32 v3, v4  }
0x6a: {  	v4 =	vperm.xlane v3, v0;
	_ =	sdelay $0x1  }
0x6b: {  	v4 =	vadd.s32 v1, v4;
	_ =	sdelay $0x3  }
0x6c: {  	s19 =	simm.s32 $0x4400  }
0x6d: {  	[tilespmem:s19], [sflag:$0x2] =	stream.indirect_vreg.gather [hbm4b:s2+s3], $0x80, v4, vm0, $0xb8;
	[tilespmem:$0x18400] =	vst v63  }
0x6e: {  	s21 =	simm.s32 $0x4C00;
	v3 =	vperm.xlane v3, v2  }
0x6f: {  	[tilespmem:s21], [sflag:$0x2] =	stream.indirect_vreg.gather [hbm4b:s5+s3], $0x80, v4, vm0, $0xb8;
	[tilespmem:$0x18400] =	vst v63  }
0x70: {  	s4 =	simm.s32 $0x5400;
	v3 =	vadd.s32 v1, v3  }
0x71: {  	[tilespmem:s4], [sflag:$0x2] =	stream.indirect_vreg.gather [hbm4b:s6+s3], $0x80, v4, vm0, $0xb8;
	[tilespmem:$0x18400] =	vst v63  }
0x72: {  	s10 =	simm.s32 $0x5C00  }
0x73: {  	[tilespmem:s10], [sflag:$0x2] =	stream.indirect_vreg.gather [hbm4b:s7+s3], $0x80, v4, vm0, $0xb8;
	[tilespmem:$0x18400] =	vst v63  }
0x74: {  	s11 =	simm.s32 $0x6400  }
0x75: {  	[tilespmem:s11], [sflag:$0x2] =	stream.indirect_vreg.gather [hbm4b:s2+s3], $0x80, v3, vm0, $0xb8;
	[tilespmem:$0x18400] =	vst v63  }
0x76: {  	s17 =	simm.s32 $0x6C00  }
0x77: {  	[tilespmem:s17], [sflag:$0x2] =	stream.indirect_vreg.gather [hbm4b:s5+s3], $0x80, v3, vm0, $0xb8;
	[tilespmem:$0x18400] =	vst v63  }
0x78: {  	s18 =	simm.s32 $0x7400  }
0x79: {  	[tilespmem:s18], [sflag:$0x2] =	stream.indirect_vreg.gather [hbm4b:s6+s3], $0x80, v3, vm0, $0xb8;
	[tilespmem:$0x18400] =	vst v63  }
0x7a: {  	s19 =	simm.s32 $0x7C00  }
0x7b: {  	[tilespmem:s19], [sflag:$0x2] =	stream.indirect_vreg.gather [hbm4b:s7+s3], $0x80, v3, vm0, $0xb8;
	[tilespmem:$0x18400] =	vst v63  }
0x7c: {  	v3 =	vld [tilespmem:$0x20];
	_ =	sdelay $0x4  }
0x7d: {  	v58 =	vshll.u32 v3, $0x3  }
0x7e: {  	v3 =	vand.u32 $0x7, v3;
	v4 =	vand.u32 $0xFFFFFFC0, v58  }
0x7f: {  	v3 =	vor.u32 v3, v4  }
0x80: {  	v4 =	vperm.xlane v3, v0;
	_ =	sdelay $0x1  }
0x81: {  	v4 =	vadd.s32 v1, v4;
	_ =	sdelay $0x3  }
0x82: {  	s21 =	simm.s32 $0x8400  }
0x83: {  	[tilespmem:s21], [sflag:$0x3] =	stream.indirect_vreg.gather [hbm4b:s2+s3], $0x80, v4, vm0, $0xb8;
	[tilespmem:$0x18400] =	vst v63  }
0x84: {  	s4 =	simm.s32 $0x8C00;
	v3 =	vperm.xlane v3, v2  }
0x85: {  	[tilespmem:s4], [sflag:$0x3] =	stream.indirect_vreg.gather [hbm4b:s5+s3], $0x80, v4, vm0, $0xb8;
	[tilespmem:$0x18400] =	vst v63  }
0x86: {  	s10 =	simm.s32 $0x9400;
	v3 =	vadd.s32 v1, v3  }
0x87: {  	[tilespmem:s10], [sflag:$0x3] =	stream.indirect_vreg.gather [hbm4b:s6+s3], $0x80, v4, vm0, $0xb8;
	[tilespmem:$0x18400] =	vst v63  }
0x88: {  	s11 =	simm.s32 $0x9C00  }
0x89: {  	[tilespmem:s11], [sflag:$0x3] =	stream.indirect_vreg.gather [hbm4b:s7+s3], $0x80, v4, vm0, $0xb8;
	[tilespmem:$0x18400] =	vst v63  }
0x8a: {  	s18 =	simm.s32 $0xA400  }
0x8b: {  	[tilespmem:s18], [sflag:$0x3] =	stream.indirect_vreg.gather [hbm4b:s2+s3], $0x80, v3, vm0, $0xb8;
	[tilespmem:$0x18400] =	vst v63  }
0x8c: {  	s19 =	simm.s32 $0xAC00  }
0x8d: {  	[tilespmem:s19], [sflag:$0x3] =	stream.indirect_vreg.gather [hbm4b:s5+s3], $0x80, v3, vm0, $0xb8;
	[tilespmem:$0x18400] =	vst v63  }
0x8e: {  	s21 =	simm.s32 $0xB400  }
0x8f: {  	[tilespmem:s21], [sflag:$0x3] =	stream.indirect_vreg.gather [hbm4b:s6+s3], $0x80, v3, vm0, $0xb8;
	[tilespmem:$0x18400] =	vst v63  }
0x90: {  	s4 =	simm.s32 $0xBC00  }
0x91: {  	[tilespmem:s4], [sflag:$0x3] =	stream.indirect_vreg.gather [hbm4b:s7+s3], $0x80, v3, vm0, $0xb8;
	[tilespmem:$0x18400] =	vst v63  }
0x92: {  	v3 =	vld [tilespmem:$0x30];
	_ =	sdelay $0x4  }
0x93: {  	v59 =	vshll.u32 v3, $0x3  }
0x94: {  	v3 =	vand.u32 $0x7, v3;
	v4 =	vand.u32 $0xFFFFFFC0, v59  }
0x95: {  	v3 =	vor.u32 v3, v4  }
0x96: {  	v4 =	vperm.xlane v3, v0;
	_ =	sdelay $0x1  }
0x97: {  	v4 =	vadd.s32 v1, v4;
	_ =	sdelay $0x3  }
0x98: {  	s8 =	simm.s32 $0xC400  }
0x99: {  	[tilespmem:s8], [sflag:$0x4] =	stream.indirect_vreg.gather [hbm4b:s2+s3], $0x80, v4, vm0, $0xb8;
	[tilespmem:$0x18400] =	vst v63  }
0x9a: {  	s10 =	simm.s32 $0xCC00;
	v3 =	vperm.xlane v3, v2  }
0x9b: {  	[tilespmem:s10], [sflag:$0x4] =	stream.indirect_vreg.gather [hbm4b:s5+s3], $0x80, v4, vm0, $0xb8;
	[tilespmem:$0x18400] =	vst v63  }
0x9c: {  	s18 =	simm.s32 $0xD400;
	v3 =	vadd.s32 v1, v3  }
0x9d: {  	[tilespmem:s18], [sflag:$0x4] =	stream.indirect_vreg.gather [hbm4b:s6+s3], $0x80, v4, vm0, $0xb8;
	[tilespmem:$0x18400] =	vst v63  }
0x9e: {  	s19 =	simm.s32 $0xDC00  }
0x9f: {  	[tilespmem:s19], [sflag:$0x4] =	stream.indirect_vreg.gather [hbm4b:s7+s3], $0x80, v4, vm0, $0xb8;
	[tilespmem:$0x18400] =	vst v63  }
0xa0: {  	s21 =	simm.s32 $0xE400  }
0xa1: {  	[tilespmem:s21], [sflag:$0x4] =	stream.indirect_vreg.gather [hbm4b:s2+s3], $0x80, v3, vm0, $0xb8;
	[tilespmem:$0x18400] =	vst v63  }
0xa2: {  	s4 =	simm.s32 $0xEC00  }
0xa3: {  	[tilespmem:s4], [sflag:$0x4] =	stream.indirect_vreg.gather [hbm4b:s5+s3], $0x80, v3, vm0, $0xb8;
	[tilespmem:$0x18400] =	vst v63  }
0xa4: {  	s8 =	simm.s32 $0xF400  }
0xa5: {  	[tilespmem:s8], [sflag:$0x4] =	stream.indirect_vreg.gather [hbm4b:s6+s3], $0x80, v3, vm0, $0xb8;
	[tilespmem:$0x18400] =	vst v63  }
0xa6: {  	s10 =	simm.s32 $0xFC00  }
0xa7: {  	[tilespmem:s10], [sflag:$0x4] =	stream.indirect_vreg.gather [hbm4b:s7+s3], $0x80, v3, vm0, $0xb8;
	[tilespmem:$0x18400] =	vst v63  }
0xa8: {  	v3 =	vld [tilespmem:$0x40];
	_ =	sdelay $0x4  }
0xa9: {  	v60 =	vshll.u32 v3, $0x3  }
0xaa: {  	v3 =	vand.u32 $0x7, v3;
	v4 =	vand.u32 $0xFFFFFFC0, v60  }
0xab: {  	v3 =	vor.u32 v3, v4  }
0xac: {  	v4 =	vperm.xlane v3, v0;
	_ =	sdelay $0x1  }
0xad: {  	v4 =	vadd.s32 v1, v4;
	_ =	sdelay $0x3  }
0xae: {  	s11 =	simm.s32 $0x10400  }
0xaf: {  	[tilespmem:s11], [sflag:$0x5] =	stream.indirect_vreg.gather [hbm4b:s2+s3], $0x80, v4, vm0, $0xb8;
	[tilespmem:$0x18400] =	vst v63  }
0xb0: {  	s18 =	simm.s32 $0x10C00;
	v3 =	vperm.xlane v3, v2  }
0xb1: {  	[tilespmem:s18], [sflag:$0x5] =	stream.indirect_vreg.gather [hbm4b:s5+s3], $0x80, v4, vm0, $0xb8;
	[tilespmem:$0x18400] =	vst v63  }
0xb2: {  	s19 =	simm.s32 $0x11400;
	v3 =	vadd.s32 v1, v3  }
0xb3: {  	[tilespmem:s19], [sflag:$0x5] =	stream.indirect_vreg.gather [hbm4b:s6+s3], $0x80, v4, vm0, $0xb8;
	[tilespmem:$0x18400] =	vst v63  }
0xb4: {  	s21 =	simm.s32 $0x11C00  }
0xb5: {  	[tilespmem:s21], [sflag:$0x5] =	stream.indirect_vreg.gather [hbm4b:s7+s3], $0x80, v4, vm0, $0xb8;
	[tilespmem:$0x18400] =	vst v63  }
0xb6: {  	s8 =	simm.s32 $0x12400  }
0xb7: {  	[tilespmem:s8], [sflag:$0x5] =	stream.indirect_vreg.gather [hbm4b:s2+s3], $0x80, v3, vm0, $0xb8;
	[tilespmem:$0x18400] =	vst v63  }
0xb8: {  	s10 =	simm.s32 $0x12C00  }
0xb9: {  	[tilespmem:s10], [sflag:$0x5] =	stream.indirect_vreg.gather [hbm4b:s5+s3], $0x80, v3, vm0, $0xb8;
	[tilespmem:$0x18400] =	vst v63  }
0xba: {  	s11 =	simm.s32 $0x13400  }
0xbb: {  	[tilespmem:s11], [sflag:$0x5] =	stream.indirect_vreg.gather [hbm4b:s6+s3], $0x80, v3, vm0, $0xb8;
	[tilespmem:$0x18400] =	vst v63  }
0xbc: {  	s18 =	simm.s32 $0x13C00  }
0xbd: {  	[tilespmem:s18], [sflag:$0x5] =	stream.indirect_vreg.gather [hbm4b:s7+s3], $0x80, v3, vm0, $0xb8;
	[tilespmem:$0x18400] =	vst v63  }
0xbe: {  	_ =	swait.ge [sflag:s20], $0x4000  }
0xbf: {  	s4 =	sld [smem:$0x7FC]  }
0xc0: {  	[sflag:s20] =	ssyncset.done $0x0  }
0xc1: {  	s8 =	simm.s32 $0x400;
	[sflag:s20] =	ssyncadd.s32 $0xFFFFC000  }
0xc2: {  	[hbm4b:s4+s3] =	stream.linear.scatter [tilespmem:s8], [sflag:$0x7], $0x4000, $0x38;
	[tilespmem:$0x18400] =	vst v63  }
0xc3: {  	v3 =	vld [tilespmem:$0x50];
	_ =	sdelay $0x4  }
0xc4: {  	v61 =	vshll.u32 v3, $0x3  }
0xc5: {  	v3 =	vand.u32 $0x7, v3;
	v4 =	vand.u32 $0xFFFFFFC0, v61  }
0xc6: {  	v3 =	vor.u32 v3, v4  }
0xc7: {  	v4 =	vperm.xlane v3, v0;
	_ =	sdelay $0x1  }
0xc8: {  	v4 =	vadd.s32 v1, v4;
	_ =	sdelay $0x3  }
0xc9: {  	s10 =	simm.s32 $0x14400  }
0xca: {  	[tilespmem:s10], [sflag:$0x6] =	stream.indirect_vreg.gather [hbm4b:s2+s3], $0x80, v4, vm0, $0xb8;
	[tilespmem:$0x18400] =	vst v63  }
0xcb: {  	s18 =	simm.s32 $0x14C00;
	v3 =	vperm.xlane v3, v2  }
0xcc: {  	[tilespmem:s18], [sflag:$0x6] =	stream.indirect_vreg.gather [hbm4b:s5+s3], $0x80, v4, vm0, $0xb8;
	[tilespmem:$0x18400] =	vst v63  }
0xcd: {  	v3 =	vadd.s32 v1, v3;
	s10 =	simm.s32 $0x15400  }
0xce: {  	[tilespmem:s10], [sflag:$0x6] =	stream.indirect_vreg.gather [hbm4b:s6+s3], $0x80, v4, vm0, $0xb8;
	[tilespmem:$0x18400] =	vst v63  }
0xcf: {  	s11 =	simm.s32 $0x15C00  }
0xd0: {  	[tilespmem:s11], [sflag:$0x6] =	stream.indirect_vreg.gather [hbm4b:s7+s3], $0x80, v4, vm0, $0xb8;
	[tilespmem:$0x18400] =	vst v63  }
0xd1: {  	s10 =	simm.s32 $0x16400  }
0xd2: {  	[tilespmem:s10], [sflag:$0x6] =	stream.indirect_vreg.gather [hbm4b:s2+s3], $0x80, v3, vm0, $0xb8;
	[tilespmem:$0x18400] =	vst v63  }
0xd3: {  	s11 =	simm.s32 $0x16C00  }
0xd4: {  	[tilespmem:s11], [sflag:$0x6] =	stream.indirect_vreg.gather [hbm4b:s5+s3], $0x80, v3, vm0, $0xb8;
	[tilespmem:$0x18400] =	vst v63  }
0xd5: {  	s10 =	simm.s32 $0x17400  }
0xd6: {  	[tilespmem:s10], [sflag:$0x6] =	stream.indirect_vreg.gather [hbm4b:s6+s3], $0x80, v3, vm0, $0xb8;
	[tilespmem:$0x18400] =	vst v63  }
0xd7: {  	s11 =	simm.s32 $0x17C00  }
0xd8: {  	[tilespmem:s11], [sflag:$0x6] =	stream.indirect_vreg.gather [hbm4b:s7+s3], $0x80, v3, vm0, $0xb8;
	[tilespmem:$0x18400] =	vst v63  }
0xd9: {  	_ =	swait.ge [sflag:s22], $0x4000  }
0xda: {  	[sflag:s22] =	ssyncset.done $0x0  }
0xdb: {  	s10 =	simm.s32 $0x4400;
	s4 =	rddreg [dreg:$0x5];
	[sflag:s22] =	ssyncadd.s32 $0xFFFFC000  }
0xdc: {  	[hbm4b:s4+s3] =	stream.linear.scatter [tilespmem:s10], [sflag:$0x8], $0x4000, $0x38;
	[tilespmem:$0x18400] =	vst v63  }
0xdd: {  	_ =	swait.ge [sflag:s23], $0x4000  }
0xde: {  	[sflag:s23] =	ssyncset.done $0x0  }
0xdf: {  	[sflag:s23] =	ssyncadd.s32 $0xFFFFC000  }
0xe0: {  	v3 =	vld [tilespmem:$0x60];
	_ =	sdelay $0x4  }
0xe1: {  	v62 =	vshll.u32 v3, $0x3  }
0xe2: {  	v3 =	vand.u32 $0x7, v3;
	v4 =	vand.u32 $0xFFFFFFC0, v62  }
0xe3: {  	v3 =	vor.u32 v3, v4  }
0xe4: {  	v4 =	vperm.xlane v3, v0;
	_ =	sdelay $0x1  }
0xe5: {  	v4 =	vadd.s32 v1, v4;
	_ =	sdelay $0x4  }
0xe6: {  	[tilespmem:s8], [sflag:$0x1] =	stream.indirect_vreg.gather [hbm4b:s2+s3], $0x80, v4, vm0, $0xb8;
	[tilespmem:$0x18400] =	vst v63  }
0xe7: {  	s12 =	simm.s32 $0xC00;
	v3 =	vperm.xlane v3, v2  }
0xe8: {  	[tilespmem:s12], [sflag:$0x1] =	stream.indirect_vreg.gather [hbm4b:s5+s3], $0x80, v4, vm0, $0xb8;
	[tilespmem:$0x18400] =	vst v63  }
0xe9: {  	s13 =	simm.s32 $0x1400;
	v3 =	vadd.s32 v1, v3  }
0xea: {  	[tilespmem:s13], [sflag:$0x1] =	stream.indirect_vreg.gather [hbm4b:s6+s3], $0x80, v4, vm0, $0xb8;
	[tilespmem:$0x18400] =	vst v63  }
0xeb: {  	s4 =	simm.s32 $0x1C00  }
0xec: {  	[tilespmem:s4], [sflag:$0x1] =	stream.indirect_vreg.gather [hbm4b:s7+s3], $0x80, v4, vm0, $0xb8;
	[tilespmem:$0x18400] =	vst v63  }
0xed: {  	s11 =	simm.s32 $0x2400  }
0xee: {  	[tilespmem:s11], [sflag:$0x1] =	stream.indirect_vreg.gather [hbm4b:s2+s3], $0x80, v3, vm0, $0xb8;
	[tilespmem:$0x18400] =	vst v63  }
0xef: {  	s14 =	simm.s32 $0x2C00  }
0xf0: {  	[tilespmem:s14], [sflag:$0x1] =	stream.indirect_vreg.gather [hbm4b:s5+s3], $0x80, v3, vm0, $0xb8;
	[tilespmem:$0x18400] =	vst v63  }
0xf1: {  	s15 =	simm.s32 $0x3400  }
0xf2: {  	[tilespmem:s15], [sflag:$0x1] =	stream.indirect_vreg.gather [hbm4b:s6+s3], $0x80, v3, vm0, $0xb8;
	[tilespmem:$0x18400] =	vst v63  }
0xf3: {  	s30 =	simm.s32 $0x3C00  }
0xf4: {  	[tilespmem:s30], [sflag:$0x1] =	stream.indirect_vreg.gather [hbm4b:s7+s3], $0x80, v3, vm0, $0xb8;
	[tilespmem:$0x18400] =	vst v63  }
0xf5: {  	_ =	swait.ge [sflag:s24], $0x4000  }
0xf6: {  	[sflag:s24] =	ssyncset.done $0x0  }
0xf7: {  	s13 =	simm.s32 $0x8400;
	s12 =	rddreg [dreg:$0x6];
	[sflag:s24] =	ssyncadd.s32 $0xFFFFC000  }
0xf8: {  	[hbm4b:s12+s3] =	stream.linear.scatter [tilespmem:s13], [sflag:$0x9], $0x4000, $0x38;
	[tilespmem:$0x18400] =	vst v63  }
0xf9: {  	_ =	swait.ge [sflag:s25], $0x4000  }
0xfa: {  	[sflag:s25] =	ssyncset.done $0x0  }
0xfb: {  	[sflag:s25] =	ssyncadd.s32 $0xFFFFC000  }
0xfc: {  	v3 =	vld [tilespmem:$0x70];
	_ =	sdelay $0x4  }
0xfd: {  	v63 =	vshll.u32 v3, $0x3  }
0xfe: {  	v3 =	vand.u32 $0x7, v3;
	v4 =	vand.u32 $0xFFFFFFC0, v63  }
0xff: {  	v3 =	vor.u32 v3, v4  }
0x100: {  	v4 =	vperm.xlane v3, v0;
	_ =	sdelay $0x1  }
0x101: {  	v4 =	vadd.s32 v1, v4;
	_ =	sdelay $0x4  }
0x102: {  	[tilespmem:s10], [sflag:$0x2] =	stream.indirect_vreg.gather [hbm4b:s2+s3], $0x80, v4, vm0, $0xb8;
	[tilespmem:$0x18400] =	vst v63  }
0x103: {  	s16 =	simm.s32 $0x4C00;
	v3 =	vperm.xlane v3, v2  }
0x104: {  	[tilespmem:s16], [sflag:$0x2] =	stream.indirect_vreg.gather [hbm4b:s5+s3], $0x80, v4, vm0, $0xb8;
	[tilespmem:$0x18400] =	vst v63  }
0x105: {  	s14 =	simm.s32 $0x5400;
	v3 =	vadd.s32 v1, v3  }
0x106: {  	[tilespmem:s14], [sflag:$0x2] =	stream.indirect_vreg.gather [hbm4b:s6+s3], $0x80, v4, vm0, $0xb8;
	[tilespmem:$0x18400] =	vst v63  }
0x107: {  	s15 =	simm.s32 $0x5C00  }
0x108: {  	[tilespmem:s15], [sflag:$0x2] =	stream.indirect_vreg.gather [hbm4b:s7+s3], $0x80, v4, vm0, $0xb8;
	[tilespmem:$0x18400] =	vst v63  }
0x109: {  	s16 =	simm.s32 $0x6400  }
0x10a: {  	[tilespmem:s16], [sflag:$0x2] =	stream.indirect_vreg.gather [hbm4b:s2+s3], $0x80, v3, vm0, $0xb8;
	[tilespmem:$0x18400] =	vst v63  }
0x10b: {  	s17 =	simm.s32 $0x6C00  }
0x10c: {  	[tilespmem:s17], [sflag:$0x2] =	stream.indirect_vreg.gather [hbm4b:s5+s3], $0x80, v3, vm0, $0xb8;
	[tilespmem:$0x18400] =	vst v63  }
0x10d: {  	s16 =	simm.s32 $0x7400  }
0x10e: {  	[tilespmem:s16], [sflag:$0x2] =	stream.indirect_vreg.gather [hbm4b:s6+s3], $0x80, v3, vm0, $0xb8;
	[tilespmem:$0x18400] =	vst v63  }
0x10f: {  	s30 =	simm.s32 $0x7C00  }
0x110: {  	[tilespmem:s30], [sflag:$0x2] =	stream.indirect_vreg.gather [hbm4b:s7+s3], $0x80, v3, vm0, $0xb8;
	[tilespmem:$0x18400] =	vst v63  }
0x111: {  	_ =	swait.ge [sflag:s28], $0x4000  }
0x112: {  	[sflag:s28] =	ssyncset.done $0x0  }
0x113: {  	s10 =	simm.s32 $0xC400;
	s8 =	rddreg [dreg:$0x7];
	[sflag:s28] =	ssyncadd.s32 $0xFFFFC000  }
0x114: {  	[hbm4b:s8+s3] =	stream.linear.scatter [tilespmem:s10], [sflag:$0xA], $0x4000, $0x38;
	[tilespmem:$0x18400] =	vst v63  }
0x115: {  	_ =	swait.ge [sflag:s29], $0x4000  }
0x116: {  	[sflag:s29] =	ssyncset.done $0x0  }
0x117: {  	[sflag:s29] =	ssyncadd.s32 $0xFFFFC000  }
0x118: {  	v3 =	vld [tilespmem:$0x80];
	_ =	sdelay $0x4  }
0x119: {  	v8 =	vshll.u32 v3, $0x3  }
0x11a: {  	v3 =	vand.u32 $0x7, v3;
	v4 =	vand.u32 $0xFFFFFFC0, v8  }
0x11b: {  	v3 =	vor.u32 v3, v4  }
0x11c: {  	v4 =	vperm.xlane v3, v0;
	_ =	sdelay $0x1  }
0x11d: {  	v4 =	vadd.s32 v1, v4;
	_ =	sdelay $0x4  }
0x11e: {  	[tilespmem:s13], [sflag:$0x3] =	stream.indirect_vreg.gather [hbm4b:s2+s3], $0x80, v4, vm0, $0xb8;
	[tilespmem:$0x18400] =	vst v63  }
0x11f: {  	v3 =	vperm.xlane v3, v2;
	s13 =	simm.s32 $0x8C00  }
0x120: {  	[tilespmem:s13], [sflag:$0x3] =	stream.indirect_vreg.gather [hbm4b:s5+s3], $0x80, v4, vm0, $0xb8;
	[tilespmem:$0x18400] =	vst v63  }
0x121: {  	s14 =	simm.s32 $0x9400;
	v3 =	vadd.s32 v1, v3  }
0x122: {  	[tilespmem:s14], [sflag:$0x3] =	stream.indirect_vreg.gather [hbm4b:s6+s3], $0x80, v4, vm0, $0xb8;
	[tilespmem:$0x18400] =	vst v63  }
0x123: {  	s12 =	simm.s32 $0x9C00  }
0x124: {  	[tilespmem:s12], [sflag:$0x3] =	stream.indirect_vreg.gather [hbm4b:s7+s3], $0x80, v4, vm0, $0xb8;
	[tilespmem:$0x18400] =	vst v63  }
0x125: {  	s15 =	simm.s32 $0xA400  }
0x126: {  	[tilespmem:s15], [sflag:$0x3] =	stream.indirect_vreg.gather [hbm4b:s2+s3], $0x80, v3, vm0, $0xb8;
	[tilespmem:$0x18400] =	vst v63  }
0x127: {  	s14 =	simm.s32 $0xAC00  }
0x128: {  	[tilespmem:s14], [sflag:$0x3] =	stream.indirect_vreg.gather [hbm4b:s5+s3], $0x80, v3, vm0, $0xb8;
	[tilespmem:$0x18400] =	vst v63  }
0x129: {  	s15 =	simm.s32 $0xB400  }
0x12a: {  	[tilespmem:s15], [sflag:$0x3] =	stream.indirect_vreg.gather [hbm4b:s6+s3], $0x80, v3, vm0, $0xb8;
	[tilespmem:$0x18400] =	vst v63  }
0x12b: {  	s17 =	simm.s32 $0xBC00  }
0x12c: {  	[tilespmem:s17], [sflag:$0x3] =	stream.indirect_vreg.gather [hbm4b:s7+s3], $0x80, v3, vm0, $0xb8;
	[tilespmem:$0x18400] =	vst v63  }
0x12d: {  	_ =	swait.ge [sflag:s26], $0x4000  }
0x12e: {  	[sflag:s26] =	ssyncset.done $0x0  }
0x12f: {  	s8 =	simm.s32 $0x10400;
	s30 =	rddreg [dreg:$0x8];
	[sflag:s26] =	ssyncadd.s32 $0xFFFFC000  }
0x130: {  	[hbm4b:s30+s3] =	stream.linear.scatter [tilespmem:s8], [sflag:$0xB], $0x4000, $0x38;
	[tilespmem:$0x18400] =	vst v63  }
0x131: {  	_ =	swait.ge [sflag:s31], $0x4000  }
0x132: {  	[sflag:s31] =	ssyncset.done $0x0  }
0x133: {  	[sflag:s31] =	ssyncadd.s32 $0xFFFFC000  }
0x134: {  	v3 =	vld [tilespmem:$0x90];
	_ =	sdelay $0x4  }
0x135: {  	v9 =	vshll.u32 v3, $0x3  }
0x136: {  	v3 =	vand.u32 $0x7, v3;
	v4 =	vand.u32 $0xFFFFFFC0, v9  }
0x137: {  	v3 =	vor.u32 v3, v4  }
0x138: {  	v4 =	vperm.xlane v3, v0;
	_ =	sdelay $0x1  }
0x139: {  	v4 =	vadd.s32 v1, v4;
	_ =	sdelay $0x4  }
0x13a: {  	[tilespmem:s10], [sflag:$0x4] =	stream.indirect_vreg.gather [hbm4b:s2+s3], $0x80, v4, vm0, $0xb8;
	[tilespmem:$0x18400] =	vst v63  }
0x13b: {  	s11 =	simm.s32 $0xCC00;
	v3 =	vperm.xlane v3, v2  }
0x13c: {  	[tilespmem:s11], [sflag:$0x4] =	stream.indirect_vreg.gather [hbm4b:s5+s3], $0x80, v4, vm0, $0xb8;
	[tilespmem:$0x18400] =	vst v63  }
0x13d: {  	s13 =	simm.s32 $0xD400;
	v3 =	vadd.s32 v1, v3  }
0x13e: {  	[tilespmem:s13], [sflag:$0x4] =	stream.indirect_vreg.gather [hbm4b:s6+s3], $0x80, v4, vm0, $0xb8;
	[tilespmem:$0x18400] =	vst v63  }
0x13f: {  	s17 =	simm.s32 $0xDC00  }
0x140: {  	[tilespmem:s17], [sflag:$0x4] =	stream.indirect_vreg.gather [hbm4b:s7+s3], $0x80, v4, vm0, $0xb8;
	[tilespmem:$0x18400] =	vst v63  }
0x141: {  	s30 =	simm.s32 $0xE400  }
0x142: {  	[tilespmem:s30], [sflag:$0x4] =	stream.indirect_vreg.gather [hbm4b:s2+s3], $0x80, v3, vm0, $0xb8;
	[tilespmem:$0x18400] =	vst v63  }
0x143: {  	s11 =	simm.s32 $0xEC00  }
0x144: {  	[tilespmem:s11], [sflag:$0x4] =	stream.indirect_vreg.gather [hbm4b:s5+s3], $0x80, v3, vm0, $0xb8;
	[tilespmem:$0x18400] =	vst v63  }
0x145: {  	s13 =	simm.s32 $0xF400  }
0x146: {  	[tilespmem:s13], [sflag:$0x4] =	stream.indirect_vreg.gather [hbm4b:s6+s3], $0x80, v3, vm0, $0xb8;
	[tilespmem:$0x18400] =	vst v63  }
0x147: {  	s17 =	simm.s32 $0xFC00  }
0x148: {  	[tilespmem:s17], [sflag:$0x4] =	stream.indirect_vreg.gather [hbm4b:s7+s3], $0x80, v3, vm0, $0xb8;
	[tilespmem:$0x18400] =	vst v63  }
0x149: {  	_ =	swait.ge [sflag:s1], $0x4000  }
0x14a: {  	[sflag:s1] =	ssyncset.done $0x0  }
0x14b: {  	s10 =	simm.s32 $0x14400;
	s30 =	rddreg [dreg:$0x9];
	[sflag:s1] =	ssyncadd.s32 $0xFFFFC000  }
0x14c: {  	[hbm4b:s30+s3] =	stream.linear.scatter [tilespmem:s10], [sflag:$0xC], $0x4000, $0x38;
	[tilespmem:$0x18400] =	vst v63  }
0x14d: {  	_ =	swait.ge [sflag:s0], $0x4000  }
0x14e: {  	[sflag:s0] =	ssyncset.done $0x0  }
0x14f: {  	[sflag:s0] =	ssyncadd.s32 $0xFFFFC000  }
0x150: {  	v3 =	vld [tilespmem:$0xA0];
	_ =	sdelay $0x4  }
0x151: {  	v10 =	vshll.u32 v3, $0x3  }
0x152: {  	v3 =	vand.u32 $0x7, v3;
	v4 =	vand.u32 $0xFFFFFFC0, v10  }
0x153: {  	v3 =	vor.u32 v3, v4  }
0x154: {  	v4 =	vperm.xlane v3, v0;
	_ =	sdelay $0x1  }
0x155: {  	v4 =	vadd.s32 v1, v4;
	_ =	sdelay $0x4  }
0x156: {  	[tilespmem:s8], [sflag:$0x5] =	stream.indirect_vreg.gather [hbm4b:s2+s3], $0x80, v4, vm0, $0xb8;
	[tilespmem:$0x18400] =	vst v63  }
0x157: {  	s11 =	simm.s32 $0x10C00;
	v3 =	vperm.xlane v3, v2  }
0x158: {  	[tilespmem:s11], [sflag:$0x5] =	stream.indirect_vreg.gather [hbm4b:s5+s3], $0x80, v4, vm0, $0xb8;
	[tilespmem:$0x18400] =	vst v63  }
0x159: {  	s19 =	simm.s32 $0x11400;
	v3 =	vadd.s32 v1, v3  }
0x15a: {  	[tilespmem:s19], [sflag:$0x5] =	stream.indirect_vreg.gather [hbm4b:s6+s3], $0x80, v4, vm0, $0xb8;
	[tilespmem:$0x18400] =	vst v63  }
0x15b: {  	s21 =	simm.s32 $0x11C00  }
0x15c: {  	[tilespmem:s21], [sflag:$0x5] =	stream.indirect_vreg.gather [hbm4b:s7+s3], $0x80, v4, vm0, $0xb8;
	[tilespmem:$0x18400] =	vst v63  }
0x15d: {  	s8 =	simm.s32 $0x12400  }
0x15e: {  	[tilespmem:s8], [sflag:$0x5] =	stream.indirect_vreg.gather [hbm4b:s2+s3], $0x80, v3, vm0, $0xb8;
	[tilespmem:$0x18400] =	vst v63  }
0x15f: {  	s21 =	simm.s32 $0x12C00  }
0x160: {  	[tilespmem:s21], [sflag:$0x5] =	stream.indirect_vreg.gather [hbm4b:s5+s3], $0x80, v3, vm0, $0xb8;
	[tilespmem:$0x18400] =	vst v63  }
0x161: {  	s13 =	simm.s32 $0x13400  }
0x162: {  	[tilespmem:s13], [sflag:$0x5] =	stream.indirect_vreg.gather [hbm4b:s6+s3], $0x80, v3, vm0, $0xb8;
	[tilespmem:$0x18400] =	vst v63  }
0x163: {  	s17 =	simm.s32 $0x13C00  }
0x164: {  	[tilespmem:s17], [sflag:$0x5] =	stream.indirect_vreg.gather [hbm4b:s7+s3], $0x80, v3, vm0, $0xb8;
	[tilespmem:$0x18400] =	vst v63  }
0x165: {  	_ =	swait.ge [sflag:s20], $0x4000  }
0x166: {  	[sflag:s20] =	ssyncset.done $0x0  }
0x167: {  	s30 =	simm.s32 $0x400;
	s19 =	rddreg [dreg:$0xa];
	[sflag:s20] =	ssyncadd.s32 $0xFFFFC000  }
0x168: {  	[hbm4b:s19+s3] =	stream.linear.scatter [tilespmem:s30], [sflag:$0x7], $0x4000, $0x38;
	[tilespmem:$0x18400] =	vst v63  }
0x169: {  	_ =	swait.ge [sflag:s9], $0x4000  }
0x16a: {  	[sflag:s9] =	ssyncset.done $0x0  }
0x16b: {  	[sflag:s9] =	ssyncadd.s32 $0xFFFFC000  }
0x16c: {  	v3 =	vld [tilespmem:$0xB0];
	_ =	sdelay $0x4  }
0x16d: {  	v11 =	vshll.u32 v3, $0x3  }
0x16e: {  	v3 =	vand.u32 $0x7, v3;
	v4 =	vand.u32 $0xFFFFFFC0, v11  }
0x16f: {  	v3 =	vor.u32 v3, v4  }
0x170: {  	v4 =	vperm.xlane v3, v0;
	_ =	sdelay $0x1  }
0x171: {  	v4 =	vadd.s32 v1, v4;
	_ =	sdelay $0x4  }
0x172: {  	[tilespmem:s10], [sflag:$0x6] =	stream.indirect_vreg.gather [hbm4b:s2+s3], $0x80, v4, vm0, $0xb8;
	[tilespmem:$0x18400] =	vst v63  }
0x173: {  	s18 =	simm.s32 $0x14C00;
	v3 =	vperm.xlane v3, v2  }
0x174: {  	[tilespmem:s18], [sflag:$0x6] =	stream.indirect_vreg.gather [hbm4b:s5+s3], $0x80, v4, vm0, $0xb8;
	[tilespmem:$0x18400] =	vst v63  }
0x175: {  	v3 =	vadd.s32 v1, v3;
	s10 =	simm.s32 $0x15400  }
0x176: {  	[tilespmem:s10], [sflag:$0x6] =	stream.indirect_vreg.gather [hbm4b:s6+s3], $0x80, v4, vm0, $0xb8;
	[tilespmem:$0x18400] =	vst v63  }
0x177: {  	s18 =	simm.s32 $0x15C00  }
0x178: {  	[tilespmem:s18], [sflag:$0x6] =	stream.indirect_vreg.gather [hbm4b:s7+s3], $0x80, v4, vm0, $0xb8;
	[tilespmem:$0x18400] =	vst v63  }
0x179: {  	s13 =	simm.s32 $0x16400  }
0x17a: {  	[tilespmem:s13], [sflag:$0x6] =	stream.indirect_vreg.gather [hbm4b:s2+s3], $0x80, v3, vm0, $0xb8;
	[tilespmem:$0x18400] =	vst v63  }
0x17b: {  	s17 =	simm.s32 $0x16C00  }
0x17c: {  	[tilespmem:s17], [sflag:$0x6] =	stream.indirect_vreg.gather [hbm4b:s5+s3], $0x80, v3, vm0, $0xb8;
	[tilespmem:$0x18400] =	vst v63  }
0x17d: {  	s19 =	simm.s32 $0x17400  }
0x17e: {  	[tilespmem:s19], [sflag:$0x6] =	stream.indirect_vreg.gather [hbm4b:s6+s3], $0x80, v3, vm0, $0xb8;
	[tilespmem:$0x18400] =	vst v63  }
0x17f: {  	s13 =	simm.s32 $0x17C00  }
0x180: {  	[tilespmem:s13], [sflag:$0x6] =	stream.indirect_vreg.gather [hbm4b:s7+s3], $0x80, v3, vm0, $0xb8;
	[tilespmem:$0x18400] =	vst v63  }
0x181: {  	_ =	swait.ge [sflag:s22], $0x4000  }
0x182: {  	[sflag:s22] =	ssyncset.done $0x0  }
0x183: {  	s13 =	simm.s32 $0x4400;
	s17 =	rddreg [dreg:$0xb];
	[sflag:s22] =	ssyncadd.s32 $0xFFFFC000  }
0x184: {  	[hbm4b:s17+s3] =	stream.linear.scatter [tilespmem:s13], [sflag:$0x8], $0x4000, $0x38;
	[tilespmem:$0x18400] =	vst v63  }
0x185: {  	_ =	swait.ge [sflag:s23], $0x4000  }
0x186: {  	[sflag:s23] =	ssyncset.done $0x0  }
0x187: {  	[sflag:s23] =	ssyncadd.s32 $0xFFFFC000  }
0x188: {  	v3 =	vld [tilespmem:$0xC0];
	_ =	sdelay $0x4  }
0x189: {  	v12 =	vshll.u32 v3, $0x3  }
0x18a: {  	v3 =	vand.u32 $0x7, v3;
	v4 =	vand.u32 $0xFFFFFFC0, v12  }
0x18b: {  	v3 =	vor.u32 v3, v4  }
0x18c: {  	v4 =	vperm.xlane v3, v0;
	_ =	sdelay $0x1  }
0x18d: {  	v4 =	vadd.s32 v1, v4;
	_ =	sdelay $0x4  }
0x18e: {  	[tilespmem:s30], [sflag:$0x1] =	stream.indirect_vreg.gather [hbm4b:s2+s3], $0x80, v4, vm0, $0xb8;
	[tilespmem:$0x18400] =	vst v63  }
0x18f: {  	s19 =	simm.s32 $0xC00;
	v3 =	vperm.xlane v3, v2  }
0x190: {  	[tilespmem:s19], [sflag:$0x1] =	stream.indirect_vreg.gather [hbm4b:s5+s3], $0x80, v4, vm0, $0xb8;
	[tilespmem:$0x18400] =	vst v63  }
0x191: {  	v3 =	vadd.s32 v1, v3;
	s30 =	simm.s32 $0x1400  }
0x192: {  	[tilespmem:s30], [sflag:$0x1] =	stream.indirect_vreg.gather [hbm4b:s6+s3], $0x80, v4, vm0, $0xb8;
	[tilespmem:$0x18400] =	vst v63  }
0x193: {  	_ = 	snop  }
0x194: {  	[tilespmem:s4], [sflag:$0x1] =	stream.indirect_vreg.gather [hbm4b:s7+s3], $0x80, v4, vm0, $0xb8;
	[tilespmem:$0x18400] =	vst v63  }
0x195: {  	s11 =	simm.s32 $0x2400  }
0x196: {  	[tilespmem:s11], [sflag:$0x1] =	stream.indirect_vreg.gather [hbm4b:s2+s3], $0x80, v3, vm0, $0xb8;
	[tilespmem:$0x18400] =	vst v63  }
0x197: {  	s4 =	simm.s32 $0x2C00  }
0x198: {  	[tilespmem:s4], [sflag:$0x1] =	stream.indirect_vreg.gather [hbm4b:s5+s3], $0x80, v3, vm0, $0xb8;
	[tilespmem:$0x18400] =	vst v63  }
0x199: {  	s17 =	simm.s32 $0x3400  }
0x19a: {  	[tilespmem:s17], [sflag:$0x1] =	stream.indirect_vreg.gather [hbm4b:s6+s3], $0x80, v3, vm0, $0xb8;
	[tilespmem:$0x18400] =	vst v63  }
0x19b: {  	s19 =	simm.s32 $0x3C00  }
0x19c: {  	[tilespmem:s19], [sflag:$0x1] =	stream.indirect_vreg.gather [hbm4b:s7+s3], $0x80, v3, vm0, $0xb8;
	[tilespmem:$0x18400] =	vst v63  }
0x19d: {  	_ =	swait.ge [sflag:s24], $0x4000  }
0x19e: {  	[sflag:s24] =	ssyncset.done $0x0  }
0x19f: {  	s17 =	simm.s32 $0x8400;
	s30 =	rddreg [dreg:$0xc];
	[sflag:s24] =	ssyncadd.s32 $0xFFFFC000  }
0x1a0: {  	[hbm4b:s30+s3] =	stream.linear.scatter [tilespmem:s17], [sflag:$0x9], $0x4000, $0x38;
	[tilespmem:$0x18400] =	vst v63  }
0x1a1: {  	_ =	swait.ge [sflag:s25], $0x4000  }
0x1a2: {  	[sflag:s25] =	ssyncset.done $0x0  }
0x1a3: {  	[sflag:s25] =	ssyncadd.s32 $0xFFFFC000  }
0x1a4: {  	v3 =	vld [tilespmem:$0xD0];
	_ =	sdelay $0x4  }
0x1a5: {  	v13 =	vshll.u32 v3, $0x3  }
0x1a6: {  	v3 =	vand.u32 $0x7, v3;
	v4 =	vand.u32 $0xFFFFFFC0, v13  }
0x1a7: {  	v3 =	vor.u32 v3, v4  }
0x1a8: {  	v4 =	vperm.xlane v3, v0;
	_ =	sdelay $0x1  }
0x1a9: {  	v4 =	vadd.s32 v1, v4;
	_ =	sdelay $0x4  }
0x1aa: {  	[tilespmem:s13], [sflag:$0x2] =	stream.indirect_vreg.gather [hbm4b:s2+s3], $0x80, v4, vm0, $0xb8;
	[tilespmem:$0x18400] =	vst v63  }
0x1ab: {  	s19 =	simm.s32 $0x4C00;
	v3 =	vperm.xlane v3, v2  }
0x1ac: {  	[tilespmem:s19], [sflag:$0x2] =	stream.indirect_vreg.gather [hbm4b:s5+s3], $0x80, v4, vm0, $0xb8;
	[tilespmem:$0x18400] =	vst v63  }
0x1ad: {  	s30 =	simm.s32 $0x5400;
	v3 =	vadd.s32 v1, v3  }
0x1ae: {  	[tilespmem:s30], [sflag:$0x2] =	stream.indirect_vreg.gather [hbm4b:s6+s3], $0x80, v4, vm0, $0xb8;
	[tilespmem:$0x18400] =	vst v63  }
0x1af: {  	s13 =	simm.s32 $0x5C00  }
0x1b0: {  	[tilespmem:s13], [sflag:$0x2] =	stream.indirect_vreg.gather [hbm4b:s7+s3], $0x80, v4, vm0, $0xb8;
	[tilespmem:$0x18400] =	vst v63  }
0x1b1: {  	s19 =	simm.s32 $0x6400  }
0x1b2: {  	[tilespmem:s19], [sflag:$0x2] =	stream.indirect_vreg.gather [hbm4b:s2+s3], $0x80, v3, vm0, $0xb8;
	[tilespmem:$0x18400] =	vst v63  }
0x1b3: {  	s30 =	simm.s32 $0x6C00  }
0x1b4: {  	[tilespmem:s30], [sflag:$0x2] =	stream.indirect_vreg.gather [hbm4b:s5+s3], $0x80, v3, vm0, $0xb8;
	[tilespmem:$0x18400] =	vst v63  }
0x1b5: {  	_ = 	snop  }
0x1b6: {  	[tilespmem:s16], [sflag:$0x2] =	stream.indirect_vreg.gather [hbm4b:s6+s3], $0x80, v3, vm0, $0xb8;
	[tilespmem:$0x18400] =	vst v63  }
0x1b7: {  	s13 =	simm.s32 $0x7C00  }
0x1b8: {  	[tilespmem:s13], [sflag:$0x2] =	stream.indirect_vreg.gather [hbm4b:s7+s3], $0x80, v3, vm0, $0xb8;
	[tilespmem:$0x18400] =	vst v63  }
0x1b9: {  	_ =	swait.ge [sflag:s28], $0x4000  }
0x1ba: {  	[sflag:s28] =	ssyncset.done $0x0  }
0x1bb: {  	s19 =	simm.s32 $0xC400;
	s16 =	rddreg [dreg:$0xd];
	[sflag:s28] =	ssyncadd.s32 $0xFFFFC000  }
0x1bc: {  	[hbm4b:s16+s3] =	stream.linear.scatter [tilespmem:s19], [sflag:$0xA], $0x4000, $0x38;
	[tilespmem:$0x18400] =	vst v63  }
0x1bd: {  	_ =	swait.ge [sflag:s29], $0x4000  }
0x1be: {  	[sflag:s29] =	ssyncset.done $0x0  }
0x1bf: {  	[sflag:s29] =	ssyncadd.s32 $0xFFFFC000  }
0x1c0: {  	v3 =	vld [tilespmem:$0xE0];
	_ =	sdelay $0x4  }
0x1c1: {  	v14 =	vshll.u32 v3, $0x3  }
0x1c2: {  	v3 =	vand.u32 $0x7, v3;
	v4 =	vand.u32 $0xFFFFFFC0, v14  }
0x1c3: {  	v3 =	vor.u32 v3, v4  }
0x1c4: {  	v4 =	vperm.xlane v3, v0;
	_ =	sdelay $0x1  }
0x1c5: {  	v4 =	vadd.s32 v1, v4;
	_ =	sdelay $0x4  }
0x1c6: {  	[tilespmem:s17], [sflag:$0x3] =	stream.indirect_vreg.gather [hbm4b:s2+s3], $0x80, v4, vm0, $0xb8;
	[tilespmem:$0x18400] =	vst v63  }
0x1c7: {  	s16 =	simm.s32 $0x8C00;
	v3 =	vperm.xlane v3, v2  }
0x1c8: {  	[tilespmem:s16], [sflag:$0x3] =	stream.indirect_vreg.gather [hbm4b:s5+s3], $0x80, v4, vm0, $0xb8;
	[tilespmem:$0x18400] =	vst v63  }
0x1c9: {  	s30 =	simm.s32 $0x9400;
	v3 =	vadd.s32 v1, v3  }
0x1ca: {  	[tilespmem:s30], [sflag:$0x3] =	stream.indirect_vreg.gather [hbm4b:s6+s3], $0x80, v4, vm0, $0xb8;
	[tilespmem:$0x18400] =	vst v63  }
0x1cb: {  	_ = 	snop  }
0x1cc: {  	[tilespmem:s12], [sflag:$0x3] =	stream.indirect_vreg.gather [hbm4b:s7+s3], $0x80, v4, vm0, $0xb8;
	[tilespmem:$0x18400] =	vst v63  }
0x1cd: {  	s12 =	simm.s32 $0xA400  }
0x1ce: {  	[tilespmem:s12], [sflag:$0x3] =	stream.indirect_vreg.gather [hbm4b:s2+s3], $0x80, v3, vm0, $0xb8;
	[tilespmem:$0x18400] =	vst v63  }
0x1cf: {  	_ = 	snop  }
0x1d0: {  	[tilespmem:s14], [sflag:$0x3] =	stream.indirect_vreg.gather [hbm4b:s5+s3], $0x80, v3, vm0, $0xb8;
	[tilespmem:$0x18400] =	vst v63  }
0x1d1: {  	_ = 	snop  }
0x1d2: {  	[tilespmem:s15], [sflag:$0x3] =	stream.indirect_vreg.gather [hbm4b:s6+s3], $0x80, v3, vm0, $0xb8;
	[tilespmem:$0x18400] =	vst v63  }
0x1d3: {  	s14 =	simm.s32 $0xBC00  }
0x1d4: {  	[tilespmem:s14], [sflag:$0x3] =	stream.indirect_vreg.gather [hbm4b:s7+s3], $0x80, v3, vm0, $0xb8;
	[tilespmem:$0x18400] =	vst v63  }
0x1d5: {  	_ =	swait.ge [sflag:s26], $0x4000  }
0x1d6: {  	[sflag:s26] =	ssyncset.done $0x0  }
0x1d7: {  	s12 =	simm.s32 $0x10400;
	s13 =	rddreg [dreg:$0xe];
	[sflag:s26] =	ssyncadd.s32 $0xFFFFC000  }
0x1d8: {  	[hbm4b:s13+s3] =	stream.linear.scatter [tilespmem:s12], [sflag:$0xB], $0x4000, $0x38;
	[tilespmem:$0x18400] =	vst v63  }
0x1d9: {  	_ =	swait.ge [sflag:s31], $0x4000  }
0x1da: {  	[sflag:s31] =	ssyncset.done $0x0  }
0x1db: {  	[sflag:s31] =	ssyncadd.s32 $0xFFFFC000  }
0x1dc: {  	v3 =	vld [tilespmem:$0xF0];
	_ =	sdelay $0x4  }
0x1dd: {  	v15 =	vshll.u32 v3, $0x3  }
0x1de: {  	v3 =	vand.u32 $0x7, v3;
	v4 =	vand.u32 $0xFFFFFFC0, v15  }
0x1df: {  	v3 =	vor.u32 v3, v4  }
0x1e0: {  	v4 =	vperm.xlane v3, v0;
	_ =	sdelay $0x1  }
0x1e1: {  	v4 =	vadd.s32 v1, v4;
	_ =	sdelay $0x4  }
0x1e2: {  	[tilespmem:s19], [sflag:$0x4] =	stream.indirect_vreg.gather [hbm4b:s2+s3], $0x80, v4, vm0, $0xb8;
	[tilespmem:$0x18400] =	vst v63  }
0x1e3: {  	s15 =	simm.s32 $0xCC00;
	v3 =	vperm.xlane v3, v2  }
0x1e4: {  	[tilespmem:s15], [sflag:$0x4] =	stream.indirect_vreg.gather [hbm4b:s5+s3], $0x80, v4, vm0, $0xb8;
	[tilespmem:$0x18400] =	vst v63  }
0x1e5: {  	v3 =	vadd.s32 v1, v3;
	s19 =	simm.s32 $0xD400  }
0x1e6: {  	[tilespmem:s19], [sflag:$0x4] =	stream.indirect_vreg.gather [hbm4b:s6+s3], $0x80, v4, vm0, $0xb8;
	[tilespmem:$0x18400] =	vst v63  }
0x1e7: {  	s30 =	simm.s32 $0xDC00  }
0x1e8: {  	[tilespmem:s30], [sflag:$0x4] =	stream.indirect_vreg.gather [hbm4b:s7+s3], $0x80, v4, vm0, $0xb8;
	[tilespmem:$0x18400] =	vst v63  }
0x1e9: {  	s13 =	simm.s32 $0xE400  }
0x1ea: {  	[tilespmem:s13], [sflag:$0x4] =	stream.indirect_vreg.gather [hbm4b:s2+s3], $0x80, v3, vm0, $0xb8;
	[tilespmem:$0x18400] =	vst v63  }
0x1eb: {  	s15 =	simm.s32 $0xEC00  }
0x1ec: {  	[tilespmem:s15], [sflag:$0x4] =	stream.indirect_vreg.gather [hbm4b:s5+s3], $0x80, v3, vm0, $0xb8;
	[tilespmem:$0x18400] =	vst v63  }
0x1ed: {  	s19 =	simm.s32 $0xF400  }
0x1ee: {  	[tilespmem:s19], [sflag:$0x4] =	stream.indirect_vreg.gather [hbm4b:s6+s3], $0x80, v3, vm0, $0xb8;
	[tilespmem:$0x18400] =	vst v63  }
0x1ef: {  	s30 =	simm.s32 $0xFC00  }
0x1f0: {  	[tilespmem:s30], [sflag:$0x4] =	stream.indirect_vreg.gather [hbm4b:s7+s3], $0x80, v3, vm0, $0xb8;
	[tilespmem:$0x18400] =	vst v63  }
0x1f1: {  	_ =	swait.ge [sflag:s1], $0x4000  }
0x1f2: {  	[sflag:s1] =	ssyncset.done $0x0  }
0x1f3: {  	s15 =	simm.s32 $0x14400;
	s13 =	rddreg [dreg:$0xf];
	[sflag:s1] =	ssyncadd.s32 $0xFFFFC000  }
0x1f4: {  	[hbm4b:s13+s3] =	stream.linear.scatter [tilespmem:s15], [sflag:$0xC], $0x4000, $0x38;
	[tilespmem:$0x18400] =	vst v63  }
0x1f5: {  	_ =	swait.ge [sflag:s0], $0x4000  }
0x1f6: {  	[sflag:s0] =	ssyncset.done $0x0  }
0x1f7: {  	[sflag:s0] =	ssyncadd.s32 $0xFFFFC000  }
0x1f8: {  	v3 =	vld [tilespmem:$0x100];
	_ =	sdelay $0x4  }
0x1f9: {  	v16 =	vshll.u32 v3, $0x3  }
0x1fa: {  	v3 =	vand.u32 $0x7, v3;
	v4 =	vand.u32 $0xFFFFFFC0, v16  }
0x1fb: {  	v3 =	vor.u32 v3, v4  }
0x1fc: {  	v4 =	vperm.xlane v3, v0;
	_ =	sdelay $0x1  }
0x1fd: {  	v4 =	vadd.s32 v1, v4;
	_ =	sdelay $0x4  }
0x1fe: {  	[tilespmem:s12], [sflag:$0x5] =	stream.indirect_vreg.gather [hbm4b:s2+s3], $0x80, v4, vm0, $0xb8;
	[tilespmem:$0x18400] =	vst v63  }
0x1ff: {  	s19 =	simm.s32 $0x10C00;
	v3 =	vperm.xlane v3, v2  }
0x200: {  	[tilespmem:s19], [sflag:$0x5] =	stream.indirect_vreg.gather [hbm4b:s5+s3], $0x80, v4, vm0, $0xb8;
	[tilespmem:$0x18400] =	vst v63  }
0x201: {  	v3 =	vadd.s32 v1, v3;
	s12 =	simm.s32 $0x11400  }
0x202: {  	[tilespmem:s12], [sflag:$0x5] =	stream.indirect_vreg.gather [hbm4b:s6+s3], $0x80, v4, vm0, $0xb8;
	[tilespmem:$0x18400] =	vst v63  }
0x203: {  	s13 =	simm.s32 $0x11C00  }
0x204: {  	[tilespmem:s13], [sflag:$0x5] =	stream.indirect_vreg.gather [hbm4b:s7+s3], $0x80, v4, vm0, $0xb8;
	[tilespmem:$0x18400] =	vst v63  }
0x205: {  	_ = 	snop  }
0x206: {  	[tilespmem:s8], [sflag:$0x5] =	stream.indirect_vreg.gather [hbm4b:s2+s3], $0x80, v3, vm0, $0xb8;
	[tilespmem:$0x18400] =	vst v63  }
0x207: {  	_ = 	snop  }
0x208: {  	[tilespmem:s21], [sflag:$0x5] =	stream.indirect_vreg.gather [hbm4b:s5+s3], $0x80, v3, vm0, $0xb8;
	[tilespmem:$0x18400] =	vst v63  }
0x209: {  	s21 =	simm.s32 $0x13400  }
0x20a: {  	[tilespmem:s21], [sflag:$0x5] =	stream.indirect_vreg.gather [hbm4b:s6+s3], $0x80, v3, vm0, $0xb8;
	[tilespmem:$0x18400] =	vst v63  }
0x20b: {  	s30 =	simm.s32 $0x13C00  }
0x20c: {  	[tilespmem:s30], [sflag:$0x5] =	stream.indirect_vreg.gather [hbm4b:s7+s3], $0x80, v3, vm0, $0xb8;
	[tilespmem:$0x18400] =	vst v63  }
0x20d: {  	_ =	swait.ge [sflag:s20], $0x4000  }
0x20e: {  	[sflag:s20] =	ssyncset.done $0x0  }
0x20f: {  	s21 =	simm.s32 $0x400;
	s8 =	rddreg [dreg:$0x10];
	[sflag:s20] =	ssyncadd.s32 $0xFFFFC000  }
0x210: {  	[hbm4b:s8+s3] =	stream.linear.scatter [tilespmem:s21], [sflag:$0x7], $0x4000, $0x38;
	[tilespmem:$0x18400] =	vst v63  }
0x211: {  	_ =	swait.ge [sflag:s9], $0x4000  }
0x212: {  	[sflag:s9] =	ssyncset.done $0x0  }
0x213: {  	[sflag:s9] =	ssyncadd.s32 $0xFFFFC000  }
0x214: {  	v3 =	vld [tilespmem:$0x110];
	_ =	sdelay $0x4  }
0x215: {  	v17 =	vshll.u32 v3, $0x3  }
0x216: {  	v3 =	vand.u32 $0x7, v3;
	v4 =	vand.u32 $0xFFFFFFC0, v17  }
0x217: {  	v3 =	vor.u32 v3, v4  }
0x218: {  	v4 =	vperm.xlane v3, v0;
	_ =	sdelay $0x1  }
0x219: {  	v4 =	vadd.s32 v1, v4;
	_ =	sdelay $0x4  }
0x21a: {  	[tilespmem:s15], [sflag:$0x6] =	stream.indirect_vreg.gather [hbm4b:s2+s3], $0x80, v4, vm0, $0xb8;
	[tilespmem:$0x18400] =	vst v63  }
0x21b: {  	s8 =	simm.s32 $0x14C00;
	v3 =	vperm.xlane v3, v2  }
0x21c: {  	[tilespmem:s8], [sflag:$0x6] =	stream.indirect_vreg.gather [hbm4b:s5+s3], $0x80, v4, vm0, $0xb8;
	[tilespmem:$0x18400] =	vst v63  }
0x21d: {  	v3 =	vadd.s32 v1, v3  }
0x21e: {  	[tilespmem:s10], [sflag:$0x6] =	stream.indirect_vreg.gather [hbm4b:s6+s3], $0x80, v4, vm0, $0xb8;
	[tilespmem:$0x18400] =	vst v63  }
0x21f: {  	_ = 	snop  }
0x220: {  	[tilespmem:s18], [sflag:$0x6] =	stream.indirect_vreg.gather [hbm4b:s7+s3], $0x80, v4, vm0, $0xb8;
	[tilespmem:$0x18400] =	vst v63  }
0x221: {  	s19 =	simm.s32 $0x16400  }
0x222: {  	[tilespmem:s19], [sflag:$0x6] =	stream.indirect_vreg.gather [hbm4b:s2+s3], $0x80, v3, vm0, $0xb8;
	[tilespmem:$0x18400] =	vst v63  }
0x223: {  	s11 =	simm.s32 $0x16C00  }
0x224: {  	[tilespmem:s11], [sflag:$0x6] =	stream.indirect_vreg.gather [hbm4b:s5+s3], $0x80, v3, vm0, $0xb8;
	[tilespmem:$0x18400] =	vst v63  }
0x225: {  	s15 =	simm.s32 $0x17400  }
0x226: {  	[tilespmem:s15], [sflag:$0x6] =	stream.indirect_vreg.gather [hbm4b:s6+s3], $0x80, v3, vm0, $0xb8;
	[tilespmem:$0x18400] =	vst v63  }
0x227: {  	s18 =	simm.s32 $0x17C00  }
0x228: {  	[tilespmem:s18], [sflag:$0x6] =	stream.indirect_vreg.gather [hbm4b:s7+s3], $0x80, v3, vm0, $0xb8;
	[tilespmem:$0x18400] =	vst v63  }
0x229: {  	_ =	swait.ge [sflag:s22], $0x4000  }
0x22a: {  	[sflag:s22] =	ssyncset.done $0x0  }
0x22b: {  	s10 =	simm.s32 $0x4400;
	s19 =	rddreg [dreg:$0x11];
	[sflag:s22] =	ssyncadd.s32 $0xFFFFC000  }
0x22c: {  	[hbm4b:s19+s3] =	stream.linear.scatter [tilespmem:s10], [sflag:$0x8], $0x4000, $0x38;
	[tilespmem:$0x18400] =	vst v63  }
0x22d: {  	_ =	swait.ge [sflag:s23], $0x4000  }
0x22e: {  	[sflag:s23] =	ssyncset.done $0x0  }
0x22f: {  	[sflag:s23] =	ssyncadd.s32 $0xFFFFC000  }
0x230: {  	v3 =	vld [tilespmem:$0x120];
	_ =	sdelay $0x4  }
0x231: {  	v18 =	vshll.u32 v3, $0x3  }
0x232: {  	v3 =	vand.u32 $0x7, v3;
	v4 =	vand.u32 $0xFFFFFFC0, v18  }
0x233: {  	v3 =	vor.u32 v3, v4  }
0x234: {  	v4 =	vperm.xlane v3, v0;
	_ =	sdelay $0x1  }
0x235: {  	v4 =	vadd.s32 v1, v4;
	_ =	sdelay $0x4  }
0x236: {  	[tilespmem:s21], [sflag:$0x1] =	stream.indirect_vreg.gather [hbm4b:s2+s3], $0x80, v4, vm0, $0xb8;
	[tilespmem:$0x18400] =	vst v63  }
0x237: {  	v3 =	vperm.xlane v3, v2;
	s21 =	simm.s32 $0xC00  }
0x238: {  	[tilespmem:s21], [sflag:$0x1] =	stream.indirect_vreg.gather [hbm4b:s5+s3], $0x80, v4, vm0, $0xb8;
	[tilespmem:$0x18400] =	vst v63  }
0x239: {  	s15 =	simm.s32 $0x1400;
	v3 =	vadd.s32 v1, v3  }
0x23a: {  	[tilespmem:s15], [sflag:$0x1] =	stream.indirect_vreg.gather [hbm4b:s6+s3], $0x80, v4, vm0, $0xb8;
	[tilespmem:$0x18400] =	vst v63  }
0x23b: {  	s18 =	simm.s32 $0x1C00  }
0x23c: {  	[tilespmem:s18], [sflag:$0x1] =	stream.indirect_vreg.gather [hbm4b:s7+s3], $0x80, v4, vm0, $0xb8;
	[tilespmem:$0x18400] =	vst v63  }
0x23d: {  	s21 =	simm.s32 $0x2400  }
0x23e: {  	[tilespmem:s21], [sflag:$0x1] =	stream.indirect_vreg.gather [hbm4b:s2+s3], $0x80, v3, vm0, $0xb8;
	[tilespmem:$0x18400] =	vst v63  }
0x23f: {  	_ = 	snop  }
0x240: {  	[tilespmem:s4], [sflag:$0x1] =	stream.indirect_vreg.gather [hbm4b:s5+s3], $0x80, v3, vm0, $0xb8;
	[tilespmem:$0x18400] =	vst v63  }
0x241: {  	s15 =	simm.s32 $0x3400  }
0x242: {  	[tilespmem:s15], [sflag:$0x1] =	stream.indirect_vreg.gather [hbm4b:s6+s3], $0x80, v3, vm0, $0xb8;
	[tilespmem:$0x18400] =	vst v63  }
0x243: {  	s18 =	simm.s32 $0x3C00  }
0x244: {  	[tilespmem:s18], [sflag:$0x1] =	stream.indirect_vreg.gather [hbm4b:s7+s3], $0x80, v3, vm0, $0xb8;
	[tilespmem:$0x18400] =	vst v63  }
0x245: {  	_ =	swait.ge [sflag:s24], $0x4000  }
0x246: {  	[sflag:s24] =	ssyncset.done $0x0  }
0x247: {  	s4 =	simm.s32 $0x8400;
	s21 =	rddreg [dreg:$0x12];
	[sflag:s24] =	ssyncadd.s32 $0xFFFFC000  }
0x248: {  	[hbm4b:s21+s3] =	stream.linear.scatter [tilespmem:s4], [sflag:$0x9], $0x4000, $0x38;
	[tilespmem:$0x18400] =	vst v63  }
0x249: {  	_ =	swait.ge [sflag:s25], $0x4000  }
0x24a: {  	[sflag:s25] =	ssyncset.done $0x0  }
0x24b: {  	[sflag:s25] =	ssyncadd.s32 $0xFFFFC000  }
0x24c: {  	v3 =	vld [tilespmem:$0x130];
	_ =	sdelay $0x4  }
0x24d: {  	v19 =	vshll.u32 v3, $0x3  }
0x24e: {  	v3 =	vand.u32 $0x7, v3;
	v4 =	vand.u32 $0xFFFFFFC0, v19  }
0x24f: {  	v3 =	vor.u32 v3, v4  }
0x250: {  	v4 =	vperm.xlane v3, v0;
	_ =	sdelay $0x1  }
0x251: {  	v4 =	vadd.s32 v1, v4;
	_ =	sdelay $0x4  }
0x252: {  	[tilespmem:s10], [sflag:$0x2] =	stream.indirect_vreg.gather [hbm4b:s2+s3], $0x80, v4, vm0, $0xb8;
	[tilespmem:$0x18400] =	vst v63  }
0x253: {  	s15 =	simm.s32 $0x4C00;
	v3 =	vperm.xlane v3, v2  }
0x254: {  	[tilespmem:s15], [sflag:$0x2] =	stream.indirect_vreg.gather [hbm4b:s5+s3], $0x80, v4, vm0, $0xb8;
	[tilespmem:$0x18400] =	vst v63  }
0x255: {  	s18 =	simm.s32 $0x5400;
	v3 =	vadd.s32 v1, v3  }
0x256: {  	[tilespmem:s18], [sflag:$0x2] =	stream.indirect_vreg.gather [hbm4b:s6+s3], $0x80, v4, vm0, $0xb8;
	[tilespmem:$0x18400] =	vst v63  }
0x257: {  	s11 =	simm.s32 $0x5C00  }
0x258: {  	[tilespmem:s11], [sflag:$0x2] =	stream.indirect_vreg.gather [hbm4b:s7+s3], $0x80, v4, vm0, $0xb8;
	[tilespmem:$0x18400] =	vst v63  }
0x259: {  	s15 =	simm.s32 $0x6400  }
0x25a: {  	[tilespmem:s15], [sflag:$0x2] =	stream.indirect_vreg.gather [hbm4b:s2+s3], $0x80, v3, vm0, $0xb8;
	[tilespmem:$0x18400] =	vst v63  }
0x25b: {  	s18 =	simm.s32 $0x6C00  }
0x25c: {  	[tilespmem:s18], [sflag:$0x2] =	stream.indirect_vreg.gather [hbm4b:s5+s3], $0x80, v3, vm0, $0xb8;
	[tilespmem:$0x18400] =	vst v63  }
0x25d: {  	s10 =	simm.s32 $0x7400  }
0x25e: {  	[tilespmem:s10], [sflag:$0x2] =	stream.indirect_vreg.gather [hbm4b:s6+s3], $0x80, v3, vm0, $0xb8;
	[tilespmem:$0x18400] =	vst v63  }
0x25f: {  	s11 =	simm.s32 $0x7C00  }
0x260: {  	[tilespmem:s11], [sflag:$0x2] =	stream.indirect_vreg.gather [hbm4b:s7+s3], $0x80, v3, vm0, $0xb8;
	[tilespmem:$0x18400] =	vst v63  }
0x261: {  	_ =	swait.ge [sflag:s28], $0x4000  }
0x262: {  	[sflag:s28] =	ssyncset.done $0x0  }
0x263: {  	s10 =	simm.s32 $0xC400;
	s15 =	rddreg [dreg:$0x13];
	[sflag:s28] =	ssyncadd.s32 $0xFFFFC000  }
0x264: {  	[hbm4b:s15+s3] =	stream.linear.scatter [tilespmem:s10], [sflag:$0xA], $0x4000, $0x38;
	[tilespmem:$0x18400] =	vst v63  }
0x265: {  	_ =	swait.ge [sflag:s29], $0x4000  }
0x266: {  	[sflag:s29] =	ssyncset.done $0x0  }
0x267: {  	[sflag:s29] =	ssyncadd.s32 $0xFFFFC000  }
0x268: {  	v3 =	vld [tilespmem:$0x140];
	_ =	sdelay $0x4  }
0x269: {  	v20 =	vshll.u32 v3, $0x3  }
0x26a: {  	v3 =	vand.u32 $0x7, v3;
	v4 =	vand.u32 $0xFFFFFFC0, v20  }
0x26b: {  	v3 =	vor.u32 v3, v4  }
0x26c: {  	v4 =	vperm.xlane v3, v0;
	_ =	sdelay $0x1  }
0x26d: {  	v4 =	vadd.s32 v1, v4;
	_ =	sdelay $0x4  }
0x26e: {  	[tilespmem:s4], [sflag:$0x3] =	stream.indirect_vreg.gather [hbm4b:s2+s3], $0x80, v4, vm0, $0xb8;
	[tilespmem:$0x18400] =	vst v63  }
0x26f: {  	v3 =	vperm.xlane v3, v2  }
0x270: {  	[tilespmem:s16], [sflag:$0x3] =	stream.indirect_vreg.gather [hbm4b:s5+s3], $0x80, v4, vm0, $0xb8;
	[tilespmem:$0x18400] =	vst v63  }
0x271: {  	s17 =	simm.s32 $0x9400;
	v3 =	vadd.s32 v1, v3  }
0x272: {  	[tilespmem:s17], [sflag:$0x3] =	stream.indirect_vreg.gather [hbm4b:s6+s3], $0x80, v4, vm0, $0xb8;
	[tilespmem:$0x18400] =	vst v63  }
0x273: {  	s18 =	simm.s32 $0x9C00  }
0x274: {  	[tilespmem:s18], [sflag:$0x3] =	stream.indirect_vreg.gather [hbm4b:s7+s3], $0x80, v4, vm0, $0xb8;
	[tilespmem:$0x18400] =	vst v63  }
0x275: {  	s11 =	simm.s32 $0xA400  }
0x276: {  	[tilespmem:s11], [sflag:$0x3] =	stream.indirect_vreg.gather [hbm4b:s2+s3], $0x80, v3, vm0, $0xb8;
	[tilespmem:$0x18400] =	vst v63  }
0x277: {  	s15 =	simm.s32 $0xAC00  }
0x278: {  	[tilespmem:s15], [sflag:$0x3] =	stream.indirect_vreg.gather [hbm4b:s5+s3], $0x80, v3, vm0, $0xb8;
	[tilespmem:$0x18400] =	vst v63  }
0x279: {  	s16 =	simm.s32 $0xB400  }
0x27a: {  	[tilespmem:s16], [sflag:$0x3] =	stream.indirect_vreg.gather [hbm4b:s6+s3], $0x80, v3, vm0, $0xb8;
	[tilespmem:$0x18400] =	vst v63  }
0x27b: {  	_ = 	snop  }
0x27c: {  	[tilespmem:s14], [sflag:$0x3] =	stream.indirect_vreg.gather [hbm4b:s7+s3], $0x80, v3, vm0, $0xb8;
	[tilespmem:$0x18400] =	vst v63  }
0x27d: {  	_ =	swait.ge [sflag:s26], $0x4000  }
0x27e: {  	[sflag:s26] =	ssyncset.done $0x0  }
0x27f: {  	s4 =	simm.s32 $0x10400;
	s17 =	rddreg [dreg:$0x14];
	[sflag:s26] =	ssyncadd.s32 $0xFFFFC000  }
0x280: {  	[hbm4b:s17+s3] =	stream.linear.scatter [tilespmem:s4], [sflag:$0xB], $0x4000, $0x38;
	[tilespmem:$0x18400] =	vst v63  }
0x281: {  	_ =	swait.ge [sflag:s31], $0x4000  }
0x282: {  	[sflag:s31] =	ssyncset.done $0x0  }
0x283: {  	[sflag:s31] =	ssyncadd.s32 $0xFFFFC000  }
0x284: {  	v3 =	vld [tilespmem:$0x150];
	_ =	sdelay $0x4  }
0x285: {  	v21 =	vshll.u32 v3, $0x3  }
0x286: {  	v3 =	vand.u32 $0x7, v3;
	v4 =	vand.u32 $0xFFFFFFC0, v21  }
0x287: {  	v3 =	vor.u32 v3, v4  }
0x288: {  	v4 =	vperm.xlane v3, v0;
	_ =	sdelay $0x1  }
0x289: {  	v4 =	vadd.s32 v1, v4;
	_ =	sdelay $0x4  }
0x28a: {  	[tilespmem:s10], [sflag:$0x4] =	stream.indirect_vreg.gather [hbm4b:s2+s3], $0x80, v4, vm0, $0xb8;
	[tilespmem:$0x18400] =	vst v63  }
0x28b: {  	s16 =	simm.s32 $0xCC00;
	v3 =	vperm.xlane v3, v2  }
0x28c: {  	[tilespmem:s16], [sflag:$0x4] =	stream.indirect_vreg.gather [hbm4b:s5+s3], $0x80, v4, vm0, $0xb8;
	[tilespmem:$0x18400] =	vst v63  }
0x28d: {  	s14 =	simm.s32 $0xD400;
	v3 =	vadd.s32 v1, v3  }
0x28e: {  	[tilespmem:s14], [sflag:$0x4] =	stream.indirect_vreg.gather [hbm4b:s6+s3], $0x80, v4, vm0, $0xb8;
	[tilespmem:$0x18400] =	vst v63  }
0x28f: {  	s10 =	simm.s32 $0xDC00  }
0x290: {  	[tilespmem:s10], [sflag:$0x4] =	stream.indirect_vreg.gather [hbm4b:s7+s3], $0x80, v4, vm0, $0xb8;
	[tilespmem:$0x18400] =	vst v63  }
0x291: {  	s15 =	simm.s32 $0xE400  }
0x292: {  	[tilespmem:s15], [sflag:$0x4] =	stream.indirect_vreg.gather [hbm4b:s2+s3], $0x80, v3, vm0, $0xb8;
	[tilespmem:$0x18400] =	vst v63  }
0x293: {  	s18 =	simm.s32 $0xEC00  }
0x294: {  	[tilespmem:s18], [sflag:$0x4] =	stream.indirect_vreg.gather [hbm4b:s5+s3], $0x80, v3, vm0, $0xb8;
	[tilespmem:$0x18400] =	vst v63  }
0x295: {  	s18 =	simm.s32 $0xF400  }
0x296: {  	[tilespmem:s18], [sflag:$0x4] =	stream.indirect_vreg.gather [hbm4b:s6+s3], $0x80, v3, vm0, $0xb8;
	[tilespmem:$0x18400] =	vst v63  }
0x297: {  	s18 =	simm.s32 $0xFC00  }
0x298: {  	[tilespmem:s18], [sflag:$0x4] =	stream.indirect_vreg.gather [hbm4b:s7+s3], $0x80, v3, vm0, $0xb8;
	[tilespmem:$0x18400] =	vst v63  }
0x299: {  	_ =	swait.ge [sflag:s1], $0x4000  }
0x29a: {  	[sflag:s1] =	ssyncset.done $0x0  }
0x29b: {  	s30 =	simm.s32 $0x14400;
	s18 =	rddreg [dreg:$0x15];
	[sflag:s1] =	ssyncadd.s32 $0xFFFFC000  }
0x29c: {  	[hbm4b:s18+s3] =	stream.linear.scatter [tilespmem:s30], [sflag:$0xC], $0x4000, $0x38;
	[tilespmem:$0x18400] =	vst v63  }
0x29d: {  	_ =	swait.ge [sflag:s0], $0x4000  }
0x29e: {  	[sflag:s0] =	ssyncset.done $0x0  }
0x29f: {  	[sflag:s0] =	ssyncadd.s32 $0xFFFFC000  }
0x2a0: {  	v3 =	vld [tilespmem:$0x160];
	_ =	sdelay $0x4  }
0x2a1: {  	v22 =	vshll.u32 v3, $0x3  }
0x2a2: {  	v3 =	vand.u32 $0x7, v3;
	v4 =	vand.u32 $0xFFFFFFC0, v22  }
0x2a3: {  	v3 =	vor.u32 v3, v4  }
0x2a4: {  	v4 =	vperm.xlane v3, v0;
	_ =	sdelay $0x1  }
0x2a5: {  	v4 =	vadd.s32 v1, v4;
	_ =	sdelay $0x4  }
0x2a6: {  	[tilespmem:s4], [sflag:$0x5] =	stream.indirect_vreg.gather [hbm4b:s2+s3], $0x80, v4, vm0, $0xb8;
	[tilespmem:$0x18400] =	vst v63  }
0x2a7: {  	s11 =	simm.s32 $0x10C00;
	v3 =	vperm.xlane v3, v2  }
0x2a8: {  	[tilespmem:s11], [sflag:$0x5] =	stream.indirect_vreg.gather [hbm4b:s5+s3], $0x80, v4, vm0, $0xb8;
	[tilespmem:$0x18400] =	vst v63  }
0x2a9: {  	v3 =	vadd.s32 v1, v3  }
0x2aa: {  	[tilespmem:s12], [sflag:$0x5] =	stream.indirect_vreg.gather [hbm4b:s6+s3], $0x80, v4, vm0, $0xb8;
	[tilespmem:$0x18400] =	vst v63  }
0x2ab: {  	_ = 	snop  }
0x2ac: {  	[tilespmem:s13], [sflag:$0x5] =	stream.indirect_vreg.gather [hbm4b:s7+s3], $0x80, v4, vm0, $0xb8;
	[tilespmem:$0x18400] =	vst v63  }
0x2ad: {  	s11 =	simm.s32 $0x12400  }
0x2ae: {  	[tilespmem:s11], [sflag:$0x5] =	stream.indirect_vreg.gather [hbm4b:s2+s3], $0x80, v3, vm0, $0xb8;
	[tilespmem:$0x18400] =	vst v63  }
0x2af: {  	s12 =	simm.s32 $0x12C00  }
0x2b0: {  	[tilespmem:s12], [sflag:$0x5] =	stream.indirect_vreg.gather [hbm4b:s5+s3], $0x80, v3, vm0, $0xb8;
	[tilespmem:$0x18400] =	vst v63  }
0x2b1: {  	s11 =	simm.s32 $0x13400  }
0x2b2: {  	[tilespmem:s11], [sflag:$0x5] =	stream.indirect_vreg.gather [hbm4b:s6+s3], $0x80, v3, vm0, $0xb8;
	[tilespmem:$0x18400] =	vst v63  }
0x2b3: {  	s12 =	simm.s32 $0x13C00  }
0x2b4: {  	[tilespmem:s12], [sflag:$0x5] =	stream.indirect_vreg.gather [hbm4b:s7+s3], $0x80, v3, vm0, $0xb8;
	[tilespmem:$0x18400] =	vst v63  }
0x2b5: {  	_ =	swait.ge [sflag:s20], $0x4000  }
0x2b6: {  	[sflag:s20] =	ssyncset.done $0x0  }
0x2b7: {  	s19 =	simm.s32 $0x400;
	s4 =	rddreg [dreg:$0x16];
	[sflag:s20] =	ssyncadd.s32 $0xFFFFC000  }
0x2b8: {  	[hbm4b:s4+s3] =	stream.linear.scatter [tilespmem:s19], [sflag:$0x7], $0x4000, $0x38;
	[tilespmem:$0x18400] =	vst v63  }
0x2b9: {  	_ =	swait.ge [sflag:s9], $0x4000  }
0x2ba: {  	[sflag:s9] =	ssyncset.done $0x0  }
0x2bb: {  	[sflag:s9] =	ssyncadd.s32 $0xFFFFC000  }
0x2bc: {  	v3 =	vld [tilespmem:$0x170];
	_ =	sdelay $0x4  }
0x2bd: {  	v23 =	vshll.u32 v3, $0x3  }
0x2be: {  	v3 =	vand.u32 $0x7, v3;
	v4 =	vand.u32 $0xFFFFFFC0, v23  }
0x2bf: {  	v3 =	vor.u32 v3, v4  }
0x2c0: {  	v4 =	vperm.xlane v3, v0;
	_ =	sdelay $0x1  }
0x2c1: {  	v4 =	vadd.s32 v1, v4;
	_ =	sdelay $0x4  }
0x2c2: {  	[tilespmem:s30], [sflag:$0x6] =	stream.indirect_vreg.gather [hbm4b:s2+s3], $0x80, v4, vm0, $0xb8;
	[tilespmem:$0x18400] =	vst v63  }
0x2c3: {  	v3 =	vperm.xlane v3, v2  }
0x2c4: {  	[tilespmem:s8], [sflag:$0x6] =	stream.indirect_vreg.gather [hbm4b:s5+s3], $0x80, v4, vm0, $0xb8;
	[tilespmem:$0x18400] =	vst v63  }
0x2c5: {  	v3 =	vadd.s32 v1, v3;
	s8 =	simm.s32 $0x15400  }
0x2c6: {  	[tilespmem:s8], [sflag:$0x6] =	stream.indirect_vreg.gather [hbm4b:s6+s3], $0x80, v4, vm0, $0xb8;
	[tilespmem:$0x18400] =	vst v63  }
0x2c7: {  	s11 =	simm.s32 $0x15C00  }
0x2c8: {  	[tilespmem:s11], [sflag:$0x6] =	stream.indirect_vreg.gather [hbm4b:s7+s3], $0x80, v4, vm0, $0xb8;
	[tilespmem:$0x18400] =	vst v63  }
0x2c9: {  	s12 =	simm.s32 $0x16400  }
0x2ca: {  	[tilespmem:s12], [sflag:$0x6] =	stream.indirect_vreg.gather [hbm4b:s2+s3], $0x80, v3, vm0, $0xb8;
	[tilespmem:$0x18400] =	vst v63  }
0x2cb: {  	s8 =	simm.s32 $0x16C00  }
0x2cc: {  	[tilespmem:s8], [sflag:$0x6] =	stream.indirect_vreg.gather [hbm4b:s5+s3], $0x80, v3, vm0, $0xb8;
	[tilespmem:$0x18400] =	vst v63  }
0x2cd: {  	s11 =	simm.s32 $0x17400  }
0x2ce: {  	[tilespmem:s11], [sflag:$0x6] =	stream.indirect_vreg.gather [hbm4b:s6+s3], $0x80, v3, vm0, $0xb8;
	[tilespmem:$0x18400] =	vst v63  }
0x2cf: {  	s12 =	simm.s32 $0x17C00  }
0x2d0: {  	[tilespmem:s12], [sflag:$0x6] =	stream.indirect_vreg.gather [hbm4b:s7+s3], $0x80, v3, vm0, $0xb8;
	[tilespmem:$0x18400] =	vst v63  }
0x2d1: {  	_ =	swait.ge [sflag:s22], $0x4000  }
0x2d2: {  	[sflag:s22] =	ssyncset.done $0x0  }
0x2d3: {  	s21 =	simm.s32 $0x4400;
	s4 =	rddreg [dreg:$0x17];
	[sflag:s22] =	ssyncadd.s32 $0xFFFFC000  }
0x2d4: {  	[hbm4b:s4+s3] =	stream.linear.scatter [tilespmem:s21], [sflag:$0x8], $0x4000, $0x38;
	[tilespmem:$0x18400] =	vst v63  }
0x2d5: {  	_ =	swait.ge [sflag:s23], $0x4000  }
0x2d6: {  	[sflag:s23] =	ssyncset.done $0x0  }
0x2d7: {  	[sflag:s23] =	ssyncadd.s32 $0xFFFFC000  }
0x2d8: {  	v3 =	vld [tilespmem:$0x180];
	_ =	sdelay $0x4  }
0x2d9: {  	v24 =	vshll.u32 v3, $0x3  }
0x2da: {  	v3 =	vand.u32 $0x7, v3;
	v4 =	vand.u32 $0xFFFFFFC0, v24  }
0x2db: {  	v3 =	vor.u32 v3, v4  }
0x2dc: {  	v4 =	vperm.xlane v3, v0;
	_ =	sdelay $0x1  }
0x2dd: {  	v4 =	vadd.s32 v1, v4;
	_ =	sdelay $0x4  }
0x2de: {  	[tilespmem:s19], [sflag:$0x1] =	stream.indirect_vreg.gather [hbm4b:s2+s3], $0x80, v4, vm0, $0xb8;
	[tilespmem:$0x18400] =	vst v63  }
0x2df: {  	s8 =	simm.s32 $0xC00;
	v3 =	vperm.xlane v3, v2  }
0x2e0: {  	[tilespmem:s8], [sflag:$0x1] =	stream.indirect_vreg.gather [hbm4b:s5+s3], $0x80, v4, vm0, $0xb8;
	[tilespmem:$0x18400] =	vst v63  }
0x2e1: {  	s11 =	simm.s32 $0x1400;
	v3 =	vadd.s32 v1, v3  }
0x2e2: {  	[tilespmem:s11], [sflag:$0x1] =	stream.indirect_vreg.gather [hbm4b:s6+s3], $0x80, v4, vm0, $0xb8;
	[tilespmem:$0x18400] =	vst v63  }
0x2e3: {  	s4 =	simm.s32 $0x1C00  }
0x2e4: {  	[tilespmem:s4], [sflag:$0x1] =	stream.indirect_vreg.gather [hbm4b:s7+s3], $0x80, v4, vm0, $0xb8;
	[tilespmem:$0x18400] =	vst v63  }
0x2e5: {  	s12 =	simm.s32 $0x2400  }
0x2e6: {  	[tilespmem:s12], [sflag:$0x1] =	stream.indirect_vreg.gather [hbm4b:s2+s3], $0x80, v3, vm0, $0xb8;
	[tilespmem:$0x18400] =	vst v63  }
0x2e7: {  	s11 =	simm.s32 $0x2C00  }
0x2e8: {  	[tilespmem:s11], [sflag:$0x1] =	stream.indirect_vreg.gather [hbm4b:s5+s3], $0x80, v3, vm0, $0xb8;
	[tilespmem:$0x18400] =	vst v63  }
0x2e9: {  	s12 =	simm.s32 $0x3400  }
0x2ea: {  	[tilespmem:s12], [sflag:$0x1] =	stream.indirect_vreg.gather [hbm4b:s6+s3], $0x80, v3, vm0, $0xb8;
	[tilespmem:$0x18400] =	vst v63  }
0x2eb: {  	s11 =	simm.s32 $0x3C00  }
0x2ec: {  	[tilespmem:s11], [sflag:$0x1] =	stream.indirect_vreg.gather [hbm4b:s7+s3], $0x80, v3, vm0, $0xb8;
	[tilespmem:$0x18400] =	vst v63  }
0x2ed: {  	_ =	swait.ge [sflag:s24], $0x4000  }
0x2ee: {  	[sflag:s24] =	ssyncset.done $0x0  }
0x2ef: {  	s8 =	simm.s32 $0x8400;
	s12 =	rddreg [dreg:$0x18];
	[sflag:s24] =	ssyncadd.s32 $0xFFFFC000  }
0x2f0: {  	[hbm4b:s12+s3] =	stream.linear.scatter [tilespmem:s8], [sflag:$0x9], $0x4000, $0x38;
	[tilespmem:$0x18400] =	vst v63  }
0x2f1: {  	_ =	swait.ge [sflag:s25], $0x4000  }
0x2f2: {  	[sflag:s25] =	ssyncset.done $0x0  }
0x2f3: {  	[sflag:s25] =	ssyncadd.s32 $0xFFFFC000  }
0x2f4: {  	v3 =	vld [tilespmem:$0x190];
	_ =	sdelay $0x4  }
0x2f5: {  	v25 =	vshll.u32 v3, $0x3  }
0x2f6: {  	v3 =	vand.u32 $0x7, v3;
	v4 =	vand.u32 $0xFFFFFFC0, v25  }
0x2f7: {  	v3 =	vor.u32 v3, v4  }
0x2f8: {  	v4 =	vperm.xlane v3, v0;
	_ =	sdelay $0x1  }
0x2f9: {  	v4 =	vadd.s32 v1, v4;
	_ =	sdelay $0x4  }
0x2fa: {  	[tilespmem:s21], [sflag:$0x2] =	stream.indirect_vreg.gather [hbm4b:s2+s3], $0x80, v4, vm0, $0xb8;
	[tilespmem:$0x18400] =	vst v63  }
0x2fb: {  	s12 =	simm.s32 $0x4C00;
	v3 =	vperm.xlane v3, v2  }
0x2fc: {  	[tilespmem:s12], [sflag:$0x2] =	stream.indirect_vreg.gather [hbm4b:s5+s3], $0x80, v4, vm0, $0xb8;
	[tilespmem:$0x18400] =	vst v63  }
0x2fd: {  	v3 =	vadd.s32 v1, v3;
	s12 =	simm.s32 $0x5400  }
0x2fe: {  	[tilespmem:s12], [sflag:$0x2] =	stream.indirect_vreg.gather [hbm4b:s6+s3], $0x80, v4, vm0, $0xb8;
	[tilespmem:$0x18400] =	vst v63  }
0x2ff: {  	s12 =	simm.s32 $0x5C00  }
0x300: {  	[tilespmem:s12], [sflag:$0x2] =	stream.indirect_vreg.gather [hbm4b:s7+s3], $0x80, v4, vm0, $0xb8;
	[tilespmem:$0x18400] =	vst v63  }
0x301: {  	s12 =	simm.s32 $0x6400  }
0x302: {  	[tilespmem:s12], [sflag:$0x2] =	stream.indirect_vreg.gather [hbm4b:s2+s3], $0x80, v3, vm0, $0xb8;
	[tilespmem:$0x18400] =	vst v63  }
0x303: {  	s12 =	simm.s32 $0x6C00  }
0x304: {  	[tilespmem:s12], [sflag:$0x2] =	stream.indirect_vreg.gather [hbm4b:s5+s3], $0x80, v3, vm0, $0xb8;
	[tilespmem:$0x18400] =	vst v63  }
0x305: {  	s12 =	simm.s32 $0x7400  }
0x306: {  	[tilespmem:s12], [sflag:$0x2] =	stream.indirect_vreg.gather [hbm4b:s6+s3], $0x80, v3, vm0, $0xb8;
	[tilespmem:$0x18400] =	vst v63  }
0x307: {  	s12 =	simm.s32 $0x7C00  }
0x308: {  	[tilespmem:s12], [sflag:$0x2] =	stream.indirect_vreg.gather [hbm4b:s7+s3], $0x80, v3, vm0, $0xb8;
	[tilespmem:$0x18400] =	vst v63  }
0x309: {  	_ =	swait.ge [sflag:s28], $0x4000  }
0x30a: {  	[sflag:s28] =	ssyncset.done $0x0  }
0x30b: {  	s17 =	simm.s32 $0xC400;
	s12 =	rddreg [dreg:$0x19];
	[sflag:s28] =	ssyncadd.s32 $0xFFFFC000  }
0x30c: {  	[hbm4b:s12+s3] =	stream.linear.scatter [tilespmem:s17], [sflag:$0xA], $0x4000, $0x38;
	[tilespmem:$0x18400] =	vst v63  }
0x30d: {  	_ =	swait.ge [sflag:s29], $0x4000  }
0x30e: {  	[sflag:s29] =	ssyncset.done $0x0  }
0x30f: {  	[sflag:s29] =	ssyncadd.s32 $0xFFFFC000  }
0x310: {  	v3 =	vld [tilespmem:$0x1A0];
	_ =	sdelay $0x4  }
0x311: {  	v26 =	vshll.u32 v3, $0x3  }
0x312: {  	v3 =	vand.u32 $0x7, v3;
	v4 =	vand.u32 $0xFFFFFFC0, v26  }
0x313: {  	v3 =	vor.u32 v3, v4  }
0x314: {  	v4 =	vperm.xlane v3, v0;
	_ =	sdelay $0x1  }
0x315: {  	v4 =	vadd.s32 v1, v4;
	_ =	sdelay $0x4  }
0x316: {  	[tilespmem:s8], [sflag:$0x3] =	stream.indirect_vreg.gather [hbm4b:s2+s3], $0x80, v4, vm0, $0xb8;
	[tilespmem:$0x18400] =	vst v63  }
0x317: {  	s11 =	simm.s32 $0x8C00;
	v3 =	vperm.xlane v3, v2  }
0x318: {  	[tilespmem:s11], [sflag:$0x3] =	stream.indirect_vreg.gather [hbm4b:s5+s3], $0x80, v4, vm0, $0xb8;
	[tilespmem:$0x18400] =	vst v63  }
0x319: {  	v3 =	vadd.s32 v1, v3;
	s11 =	simm.s32 $0x9400  }
0x31a: {  	[tilespmem:s11], [sflag:$0x3] =	stream.indirect_vreg.gather [hbm4b:s6+s3], $0x80, v4, vm0, $0xb8;
	[tilespmem:$0x18400] =	vst v63  }
0x31b: {  	s11 =	simm.s32 $0x9C00  }
0x31c: {  	[tilespmem:s11], [sflag:$0x3] =	stream.indirect_vreg.gather [hbm4b:s7+s3], $0x80, v4, vm0, $0xb8;
	[tilespmem:$0x18400] =	vst v63  }
0x31d: {  	s11 =	simm.s32 $0xA400  }
0x31e: {  	[tilespmem:s11], [sflag:$0x3] =	stream.indirect_vreg.gather [hbm4b:s2+s3], $0x80, v3, vm0, $0xb8;
	[tilespmem:$0x18400] =	vst v63  }
0x31f: {  	s11 =	simm.s32 $0xAC00  }
0x320: {  	[tilespmem:s11], [sflag:$0x3] =	stream.indirect_vreg.gather [hbm4b:s5+s3], $0x80, v3, vm0, $0xb8;
	[tilespmem:$0x18400] =	vst v63  }
0x321: {  	s11 =	simm.s32 $0xB400  }
0x322: {  	[tilespmem:s11], [sflag:$0x3] =	stream.indirect_vreg.gather [hbm4b:s6+s3], $0x80, v3, vm0, $0xb8;
	[tilespmem:$0x18400] =	vst v63  }
0x323: {  	s11 =	simm.s32 $0xBC00  }
0x324: {  	[tilespmem:s11], [sflag:$0x3] =	stream.indirect_vreg.gather [hbm4b:s7+s3], $0x80, v3, vm0, $0xb8;
	[tilespmem:$0x18400] =	vst v63  }
0x325: {  	_ =	swait.ge [sflag:s26], $0x4000  }
0x326: {  	[sflag:s26] =	ssyncset.done $0x0  }
0x327: {  	s18 =	simm.s32 $0x10400;
	s8 =	rddreg [dreg:$0x1a];
	[sflag:s26] =	ssyncadd.s32 $0xFFFFC000  }
0x328: {  	[hbm4b:s8+s3] =	stream.linear.scatter [tilespmem:s18], [sflag:$0xB], $0x4000, $0x38;
	[tilespmem:$0x18400] =	vst v63  }
0x329: {  	_ =	swait.ge [sflag:s31], $0x4000  }
0x32a: {  	[sflag:s31] =	ssyncset.done $0x0  }
0x32b: {  	[sflag:s31] =	ssyncadd.s32 $0xFFFFC000  }
0x32c: {  	v3 =	vld [tilespmem:$0x1B0];
	_ =	sdelay $0x4  }
0x32d: {  	v27 =	vshll.u32 v3, $0x3  }
0x32e: {  	v3 =	vand.u32 $0x7, v3;
	v4 =	vand.u32 $0xFFFFFFC0, v27  }
0x32f: {  	v3 =	vor.u32 v3, v4  }
0x330: {  	v4 =	vperm.xlane v3, v0;
	_ =	sdelay $0x1  }
0x331: {  	v4 =	vadd.s32 v1, v4;
	_ =	sdelay $0x4  }
0x332: {  	[tilespmem:s17], [sflag:$0x4] =	stream.indirect_vreg.gather [hbm4b:s2+s3], $0x80, v4, vm0, $0xb8;
	[tilespmem:$0x18400] =	vst v63  }
0x333: {  	v3 =	vperm.xlane v3, v2  }
0x334: {  	[tilespmem:s16], [sflag:$0x4] =	stream.indirect_vreg.gather [hbm4b:s5+s3], $0x80, v4, vm0, $0xb8;
	[tilespmem:$0x18400] =	vst v63  }
0x335: {  	v3 =	vadd.s32 v1, v3  }
0x336: {  	[tilespmem:s14], [sflag:$0x4] =	stream.indirect_vreg.gather [hbm4b:s6+s3], $0x80, v4, vm0, $0xb8;
	[tilespmem:$0x18400] =	vst v63  }
0x337: {  	_ = 	snop  }
0x338: {  	[tilespmem:s10], [sflag:$0x4] =	stream.indirect_vreg.gather [hbm4b:s7+s3], $0x80, v4, vm0, $0xb8;
	[tilespmem:$0x18400] =	vst v63  }
0x339: {  	_ = 	snop  }
0x33a: {  	[tilespmem:s15], [sflag:$0x4] =	stream.indirect_vreg.gather [hbm4b:s2+s3], $0x80, v3, vm0, $0xb8;
	[tilespmem:$0x18400] =	vst v63  }
0x33b: {  	s16 =	simm.s32 $0xEC00  }
0x33c: {  	[tilespmem:s16], [sflag:$0x4] =	stream.indirect_vreg.gather [hbm4b:s5+s3], $0x80, v3, vm0, $0xb8;
	[tilespmem:$0x18400] =	vst v63  }
0x33d: {  	s10 =	simm.s32 $0xF400  }
0x33e: {  	[tilespmem:s10], [sflag:$0x4] =	stream.indirect_vreg.gather [hbm4b:s6+s3], $0x80, v3, vm0, $0xb8;
	[tilespmem:$0x18400] =	vst v63  }
0x33f: {  	s11 =	simm.s32 $0xFC00  }
0x340: {  	[tilespmem:s11], [sflag:$0x4] =	stream.indirect_vreg.gather [hbm4b:s7+s3], $0x80, v3, vm0, $0xb8;
	[tilespmem:$0x18400] =	vst v63  }
0x341: {  	_ =	swait.ge [sflag:s1], $0x4000  }
0x342: {  	[sflag:s1] =	ssyncset.done $0x0  }
0x343: {  	s14 =	rddreg [dreg:$0x1b];
	[sflag:s1] =	ssyncadd.s32 $0xFFFFC000  }
0x344: {  	[hbm4b:s14+s3] =	stream.linear.scatter [tilespmem:s30], [sflag:$0xC], $0x4000, $0x38;
	[tilespmem:$0x18400] =	vst v63  }
0x345: {  	_ =	swait.ge [sflag:s0], $0x4000  }
0x346: {  	[sflag:s0] =	ssyncset.done $0x0  }
0x347: {  	[sflag:s0] =	ssyncadd.s32 $0xFFFFC000  }
0x348: {  	v3 =	vld [tilespmem:$0x1C0];
	_ =	sdelay $0x4  }
0x349: {  	v28 =	vshll.u32 v3, $0x3  }
0x34a: {  	v3 =	vand.u32 $0x7, v3;
	v4 =	vand.u32 $0xFFFFFFC0, v28  }
0x34b: {  	v3 =	vor.u32 v3, v4  }
0x34c: {  	v4 =	vperm.xlane v3, v0;
	_ =	sdelay $0x1  }
0x34d: {  	v4 =	vadd.s32 v1, v4;
	_ =	sdelay $0x4  }
0x34e: {  	[tilespmem:s18], [sflag:$0x5] =	stream.indirect_vreg.gather [hbm4b:s2+s3], $0x80, v4, vm0, $0xb8;
	[tilespmem:$0x18400] =	vst v63  }
0x34f: {  	s15 =	simm.s32 $0x10C00;
	v3 =	vperm.xlane v3, v2  }
0x350: {  	[tilespmem:s15], [sflag:$0x5] =	stream.indirect_vreg.gather [hbm4b:s5+s3], $0x80, v4, vm0, $0xb8;
	[tilespmem:$0x18400] =	vst v63  }
0x351: {  	s16 =	simm.s32 $0x11400;
	v3 =	vadd.s32 v1, v3  }
0x352: {  	[tilespmem:s16], [sflag:$0x5] =	stream.indirect_vreg.gather [hbm4b:s6+s3], $0x80, v4, vm0, $0xb8;
	[tilespmem:$0x18400] =	vst v63  }
0x353: {  	s13 =	simm.s32 $0x11C00  }
0x354: {  	[tilespmem:s13], [sflag:$0x5] =	stream.indirect_vreg.gather [hbm4b:s7+s3], $0x80, v4, vm0, $0xb8;
	[tilespmem:$0x18400] =	vst v63  }
0x355: {  	s10 =	simm.s32 $0x12400  }
0x356: {  	[tilespmem:s10], [sflag:$0x5] =	stream.indirect_vreg.gather [hbm4b:s2+s3], $0x80, v3, vm0, $0xb8;
	[tilespmem:$0x18400] =	vst v63  }
0x357: {  	s11 =	simm.s32 $0x12C00  }
0x358: {  	[tilespmem:s11], [sflag:$0x5] =	stream.indirect_vreg.gather [hbm4b:s5+s3], $0x80, v3, vm0, $0xb8;
	[tilespmem:$0x18400] =	vst v63  }
0x359: {  	s15 =	simm.s32 $0x13400  }
0x35a: {  	[tilespmem:s15], [sflag:$0x5] =	stream.indirect_vreg.gather [hbm4b:s6+s3], $0x80, v3, vm0, $0xb8;
	[tilespmem:$0x18400] =	vst v63  }
0x35b: {  	s16 =	simm.s32 $0x13C00  }
0x35c: {  	[tilespmem:s16], [sflag:$0x5] =	stream.indirect_vreg.gather [hbm4b:s7+s3], $0x80, v3, vm0, $0xb8;
	[tilespmem:$0x18400] =	vst v63  }
0x35d: {  	_ =	swait.ge [sflag:s20], $0x4000  }
0x35e: {  	[sflag:s20] =	ssyncset.done $0x0  }
0x35f: {  	s10 =	rddreg [dreg:$0x1c];
	[sflag:s20] =	ssyncadd.s32 $0xFFFFC000  }
0x360: {  	[hbm4b:s10+s3] =	stream.linear.scatter [tilespmem:s19], [sflag:$0x7], $0x4000, $0x38;
	[tilespmem:$0x18400] =	vst v63  }
0x361: {  	_ =	swait.ge [sflag:s9], $0x4000  }
0x362: {  	[sflag:s9] =	ssyncset.done $0x0  }
0x363: {  	[sflag:s9] =	ssyncadd.s32 $0xFFFFC000  }
0x364: {  	v3 =	vld [tilespmem:$0x1D0];
	_ =	sdelay $0x4  }
0x365: {  	v29 =	vshll.u32 v3, $0x3  }
0x366: {  	v3 =	vand.u32 $0x7, v3;
	v4 =	vand.u32 $0xFFFFFFC0, v29  }
0x367: {  	v3 =	vor.u32 v3, v4  }
0x368: {  	v4 =	vperm.xlane v3, v0;
	_ =	sdelay $0x1  }
0x369: {  	v4 =	vadd.s32 v1, v4;
	_ =	sdelay $0x4  }
0x36a: {  	[tilespmem:s30], [sflag:$0x6] =	stream.indirect_vreg.gather [hbm4b:s2+s3], $0x80, v4, vm0, $0xb8;
	[tilespmem:$0x18400] =	vst v63  }
0x36b: {  	s15 =	simm.s32 $0x14C00;
	v3 =	vperm.xlane v3, v2  }
0x36c: {  	[tilespmem:s15], [sflag:$0x6] =	stream.indirect_vreg.gather [hbm4b:s5+s3], $0x80, v4, vm0, $0xb8;
	[tilespmem:$0x18400] =	vst v63  }
0x36d: {  	s16 =	simm.s32 $0x15400;
	v3 =	vadd.s32 v1, v3  }
0x36e: {  	[tilespmem:s16], [sflag:$0x6] =	stream.indirect_vreg.gather [hbm4b:s6+s3], $0x80, v4, vm0, $0xb8;
	[tilespmem:$0x18400] =	vst v63  }
0x36f: {  	s10 =	simm.s32 $0x15C00  }
0x370: {  	[tilespmem:s10], [sflag:$0x6] =	stream.indirect_vreg.gather [hbm4b:s7+s3], $0x80, v4, vm0, $0xb8;
	[tilespmem:$0x18400] =	vst v63  }
0x371: {  	s11 =	simm.s32 $0x16400  }
0x372: {  	[tilespmem:s11], [sflag:$0x6] =	stream.indirect_vreg.gather [hbm4b:s2+s3], $0x80, v3, vm0, $0xb8;
	[tilespmem:$0x18400] =	vst v63  }
0x373: {  	s15 =	simm.s32 $0x16C00  }
0x374: {  	[tilespmem:s15], [sflag:$0x6] =	stream.indirect_vreg.gather [hbm4b:s5+s3], $0x80, v3, vm0, $0xb8;
	[tilespmem:$0x18400] =	vst v63  }
0x375: {  	s11 =	simm.s32 $0x17400  }
0x376: {  	[tilespmem:s11], [sflag:$0x6] =	stream.indirect_vreg.gather [hbm4b:s6+s3], $0x80, v3, vm0, $0xb8;
	[tilespmem:$0x18400] =	vst v63  }
0x377: {  	s15 =	simm.s32 $0x17C00  }
0x378: {  	[tilespmem:s15], [sflag:$0x6] =	stream.indirect_vreg.gather [hbm4b:s7+s3], $0x80, v3, vm0, $0xb8;
	[tilespmem:$0x18400] =	vst v63  }
0x379: {  	_ =	swait.ge [sflag:s22], $0x4000  }
0x37a: {  	[sflag:s22] =	ssyncset.done $0x0  }
0x37b: {  	s8 =	rddreg [dreg:$0x1d];
	[sflag:s22] =	ssyncadd.s32 $0xFFFFC000  }
0x37c: {  	[hbm4b:s8+s3] =	stream.linear.scatter [tilespmem:s21], [sflag:$0x8], $0x4000, $0x38;
	[tilespmem:$0x18400] =	vst v63  }
0x37d: {  	_ =	swait.ge [sflag:s23], $0x4000  }
0x37e: {  	[sflag:s23] =	ssyncset.done $0x0  }
0x37f: {  	[sflag:s23] =	ssyncadd.s32 $0xFFFFC000  }
0x380: {  	v3 =	vld [tilespmem:$0x1E0];
	_ =	sdelay $0x4  }
0x381: {  	v30 =	vshll.u32 v3, $0x3  }
0x382: {  	v3 =	vand.u32 $0x7, v3;
	v4 =	vand.u32 $0xFFFFFFC0, v30  }
0x383: {  	v3 =	vor.u32 v3, v4  }
0x384: {  	v4 =	vperm.xlane v3, v0;
	_ =	sdelay $0x1  }
0x385: {  	v4 =	vadd.s32 v1, v4;
	_ =	sdelay $0x4  }
0x386: {  	[tilespmem:s19], [sflag:$0x1] =	stream.indirect_vreg.gather [hbm4b:s2+s3], $0x80, v4, vm0, $0xb8;
	[tilespmem:$0x18400] =	vst v63  }
0x387: {  	s15 =	simm.s32 $0xC00;
	v3 =	vperm.xlane v3, v2  }
0x388: {  	[tilespmem:s15], [sflag:$0x1] =	stream.indirect_vreg.gather [hbm4b:s5+s3], $0x80, v4, vm0, $0xb8;
	[tilespmem:$0x18400] =	vst v63  }
0x389: {  	s11 =	simm.s32 $0x1400;
	v3 =	vadd.s32 v1, v3  }
0x38a: {  	[tilespmem:s11], [sflag:$0x1] =	stream.indirect_vreg.gather [hbm4b:s6+s3], $0x80, v4, vm0, $0xb8;
	[tilespmem:$0x18400] =	vst v63  }
0x38b: {  	_ = 	snop  }
0x38c: {  	[tilespmem:s4], [sflag:$0x1] =	stream.indirect_vreg.gather [hbm4b:s7+s3], $0x80, v4, vm0, $0xb8;
	[tilespmem:$0x18400] =	vst v63  }
0x38d: {  	s4 =	simm.s32 $0x2400  }
0x38e: {  	[tilespmem:s4], [sflag:$0x1] =	stream.indirect_vreg.gather [hbm4b:s2+s3], $0x80, v3, vm0, $0xb8;
	[tilespmem:$0x18400] =	vst v63  }
0x38f: {  	s15 =	simm.s32 $0x2C00  }
0x390: {  	[tilespmem:s15], [sflag:$0x1] =	stream.indirect_vreg.gather [hbm4b:s5+s3], $0x80, v3, vm0, $0xb8;
	[tilespmem:$0x18400] =	vst v63  }
0x391: {  	s11 =	simm.s32 $0x3400  }
0x392: {  	[tilespmem:s11], [sflag:$0x1] =	stream.indirect_vreg.gather [hbm4b:s6+s3], $0x80, v3, vm0, $0xb8;
	[tilespmem:$0x18400] =	vst v63  }
0x393: {  	s15 =	simm.s32 $0x3C00  }
0x394: {  	[tilespmem:s15], [sflag:$0x1] =	stream.indirect_vreg.gather [hbm4b:s7+s3], $0x80, v3, vm0, $0xb8;
	[tilespmem:$0x18400] =	vst v63  }
0x395: {  	_ =	swait.ge [sflag:s24], $0x4000  }
0x396: {  	[sflag:s24] =	ssyncset.done $0x0  }
0x397: {  	s12 =	simm.s32 $0x8400;
	s8 =	rddreg [dreg:$0x1e];
	[sflag:s24] =	ssyncadd.s32 $0xFFFFC000  }
0x398: {  	[hbm4b:s8+s3] =	stream.linear.scatter [tilespmem:s12], [sflag:$0x9], $0x4000, $0x38;
	[tilespmem:$0x18400] =	vst v63  }
0x399: {  	_ =	swait.ge [sflag:s25], $0x4000  }
0x39a: {  	[sflag:s25] =	ssyncset.done $0x0  }
0x39b: {  	[sflag:s25] =	ssyncadd.s32 $0xFFFFC000  }
0x39c: {  	v3 =	vld [tilespmem:$0x1F0];
	_ =	sdelay $0x4  }
0x39d: {  	v31 =	vshll.u32 v3, $0x3  }
0x39e: {  	v3 =	vand.u32 $0x7, v3;
	v4 =	vand.u32 $0xFFFFFFC0, v31  }
0x39f: {  	v3 =	vor.u32 v3, v4  }
0x3a0: {  	v4 =	vperm.xlane v3, v0;
	_ =	sdelay $0x1  }
0x3a1: {  	v4 =	vadd.s32 v1, v4;
	_ =	sdelay $0x4  }
0x3a2: {  	[tilespmem:s21], [sflag:$0x2] =	stream.indirect_vreg.gather [hbm4b:s2+s3], $0x80, v4, vm0, $0xb8;
	[tilespmem:$0x18400] =	vst v63  }
0x3a3: {  	s11 =	simm.s32 $0x4C00;
	v3 =	vperm.xlane v3, v2  }
0x3a4: {  	[tilespmem:s11], [sflag:$0x2] =	stream.indirect_vreg.gather [hbm4b:s5+s3], $0x80, v4, vm0, $0xb8;
	[tilespmem:$0x18400] =	vst v63  }
0x3a5: {  	s15 =	simm.s32 $0x5400;
	v3 =	vadd.s32 v1, v3  }
0x3a6: {  	[tilespmem:s15], [sflag:$0x2] =	stream.indirect_vreg.gather [hbm4b:s6+s3], $0x80, v4, vm0, $0xb8;
	[tilespmem:$0x18400] =	vst v63  }
0x3a7: {  	s11 =	simm.s32 $0x5C00  }
0x3a8: {  	[tilespmem:s11], [sflag:$0x2] =	stream.indirect_vreg.gather [hbm4b:s7+s3], $0x80, v4, vm0, $0xb8;
	[tilespmem:$0x18400] =	vst v63  }
0x3a9: {  	s15 =	simm.s32 $0x6400  }
0x3aa: {  	[tilespmem:s15], [sflag:$0x2] =	stream.indirect_vreg.gather [hbm4b:s2+s3], $0x80, v3, vm0, $0xb8;
	[tilespmem:$0x18400] =	vst v63  }
0x3ab: {  	s11 =	simm.s32 $0x6C00  }
0x3ac: {  	[tilespmem:s11], [sflag:$0x2] =	stream.indirect_vreg.gather [hbm4b:s5+s3], $0x80, v3, vm0, $0xb8;
	[tilespmem:$0x18400] =	vst v63  }
0x3ad: {  	s8 =	simm.s32 $0x7400  }
0x3ae: {  	[tilespmem:s8], [sflag:$0x2] =	stream.indirect_vreg.gather [hbm4b:s6+s3], $0x80, v3, vm0, $0xb8;
	[tilespmem:$0x18400] =	vst v63  }
0x3af: {  	s15 =	simm.s32 $0x7C00  }
0x3b0: {  	[tilespmem:s15], [sflag:$0x2] =	stream.indirect_vreg.gather [hbm4b:s7+s3], $0x80, v3, vm0, $0xb8;
	[tilespmem:$0x18400] =	vst v63  }
0x3b1: {  	_ =	swait.ge [sflag:s28], $0x4000  }
0x3b2: {  	[sflag:s28] =	ssyncset.done $0x0  }
0x3b3: {  	s15 =	rddreg [dreg:$0x1f];
	[sflag:s28] =	ssyncadd.s32 $0xFFFFC000  }
0x3b4: {  	[hbm4b:s15+s3] =	stream.linear.scatter [tilespmem:s17], [sflag:$0xA], $0x4000, $0x38;
	[tilespmem:$0x18400] =	vst v63  }
0x3b5: {  	_ =	swait.ge [sflag:s29], $0x4000  }
0x3b6: {  	[sflag:s29] =	ssyncset.done $0x0  }
0x3b7: {  	[sflag:s29] =	ssyncadd.s32 $0xFFFFC000  }
0x3b8: {  	v3 =	vld [tilespmem:$0x200];
	_ =	sdelay $0x4  }
0x3b9: {  	v32 =	vshll.u32 v3, $0x3  }
0x3ba: {  	v3 =	vand.u32 $0x7, v3;
	v4 =	vand.u32 $0xFFFFFFC0, v32  }
0x3bb: {  	v3 =	vor.u32 v3, v4  }
0x3bc: {  	v4 =	vperm.xlane v3, v0;
	_ =	sdelay $0x1  }
0x3bd: {  	v4 =	vadd.s32 v1, v4;
	_ =	sdelay $0x4  }
0x3be: {  	[tilespmem:s12], [sflag:$0x3] =	stream.indirect_vreg.gather [hbm4b:s2+s3], $0x80, v4, vm0, $0xb8;
	[tilespmem:$0x18400] =	vst v63  }
0x3bf: {  	s15 =	simm.s32 $0x8C00;
	v3 =	vperm.xlane v3, v2  }
0x3c0: {  	[tilespmem:s15], [sflag:$0x3] =	stream.indirect_vreg.gather [hbm4b:s5+s3], $0x80, v4, vm0, $0xb8;
	[tilespmem:$0x18400] =	vst v63  }
0x3c1: {  	s11 =	simm.s32 $0x9400;
	v3 =	vadd.s32 v1, v3  }
0x3c2: {  	[tilespmem:s11], [sflag:$0x3] =	stream.indirect_vreg.gather [hbm4b:s6+s3], $0x80, v4, vm0, $0xb8;
	[tilespmem:$0x18400] =	vst v63  }
0x3c3: {  	s11 =	simm.s32 $0x9C00  }
0x3c4: {  	[tilespmem:s11], [sflag:$0x3] =	stream.indirect_vreg.gather [hbm4b:s7+s3], $0x80, v4, vm0, $0xb8;
	[tilespmem:$0x18400] =	vst v63  }
0x3c5: {  	s11 =	simm.s32 $0xA400  }
0x3c6: {  	[tilespmem:s11], [sflag:$0x3] =	stream.indirect_vreg.gather [hbm4b:s2+s3], $0x80, v3, vm0, $0xb8;
	[tilespmem:$0x18400] =	vst v63  }
0x3c7: {  	s11 =	simm.s32 $0xAC00  }
0x3c8: {  	[tilespmem:s11], [sflag:$0x3] =	stream.indirect_vreg.gather [hbm4b:s5+s3], $0x80, v3, vm0, $0xb8;
	[tilespmem:$0x18400] =	vst v63  }
0x3c9: {  	s11 =	simm.s32 $0xB400  }
0x3ca: {  	[tilespmem:s11], [sflag:$0x3] =	stream.indirect_vreg.gather [hbm4b:s6+s3], $0x80, v3, vm0, $0xb8;
	[tilespmem:$0x18400] =	vst v63  }
0x3cb: {  	s11 =	simm.s32 $0xBC00  }
0x3cc: {  	[tilespmem:s11], [sflag:$0x3] =	stream.indirect_vreg.gather [hbm4b:s7+s3], $0x80, v3, vm0, $0xb8;
	[tilespmem:$0x18400] =	vst v63  }
0x3cd: {  	_ =	swait.ge [sflag:s26], $0x4000  }
0x3ce: {  	s11 =	sld [smem:$0x7D9]  }
0x3cf: {  	[sflag:s26] =	ssyncset.done $0x0  }
0x3d0: {  	[sflag:s26] =	ssyncadd.s32 $0xFFFFC000  }
0x3d1: {  	[hbm4b:s11+s3] =	stream.linear.scatter [tilespmem:s18], [sflag:$0xB], $0x4000, $0x38;
	[tilespmem:$0x18400] =	vst v63  }
0x3d2: {  	_ =	swait.ge [sflag:s31], $0x4000  }
0x3d3: {  	[sflag:s31] =	ssyncset.done $0x0  }
0x3d4: {  	[sflag:s31] =	ssyncadd.s32 $0xFFFFC000  }
0x3d5: {  	v3 =	vld [tilespmem:$0x210];
	_ =	sdelay $0x4  }
0x3d6: {  	v33 =	vshll.u32 v3, $0x3  }
0x3d7: {  	v3 =	vand.u32 $0x7, v3;
	v4 =	vand.u32 $0xFFFFFFC0, v33  }
0x3d8: {  	v3 =	vor.u32 v3, v4  }
0x3d9: {  	v4 =	vperm.xlane v3, v0;
	_ =	sdelay $0x1  }
0x3da: {  	v4 =	vadd.s32 v1, v4;
	_ =	sdelay $0x4  }
0x3db: {  	[tilespmem:s17], [sflag:$0x4] =	stream.indirect_vreg.gather [hbm4b:s2+s3], $0x80, v4, vm0, $0xb8;
	[tilespmem:$0x18400] =	vst v63  }
0x3dc: {  	s11 =	simm.s32 $0xCC00;
	v3 =	vperm.xlane v3, v2  }
0x3dd: {  	[tilespmem:s11], [sflag:$0x4] =	stream.indirect_vreg.gather [hbm4b:s5+s3], $0x80, v4, vm0, $0xb8;
	[tilespmem:$0x18400] =	vst v63  }
0x3de: {  	v3 =	vadd.s32 v1, v3;
	s11 =	simm.s32 $0xD400  }
0x3df: {  	[tilespmem:s11], [sflag:$0x4] =	stream.indirect_vreg.gather [hbm4b:s6+s3], $0x80, v4, vm0, $0xb8;
	[tilespmem:$0x18400] =	vst v63  }
0x3e0: {  	s11 =	simm.s32 $0xDC00  }
0x3e1: {  	[tilespmem:s11], [sflag:$0x4] =	stream.indirect_vreg.gather [hbm4b:s7+s3], $0x80, v4, vm0, $0xb8;
	[tilespmem:$0x18400] =	vst v63  }
0x3e2: {  	s11 =	simm.s32 $0xE400  }
0x3e3: {  	[tilespmem:s11], [sflag:$0x4] =	stream.indirect_vreg.gather [hbm4b:s2+s3], $0x80, v3, vm0, $0xb8;
	[tilespmem:$0x18400] =	vst v63  }
0x3e4: {  	s11 =	simm.s32 $0xEC00  }
0x3e5: {  	[tilespmem:s11], [sflag:$0x4] =	stream.indirect_vreg.gather [hbm4b:s5+s3], $0x80, v3, vm0, $0xb8;
	[tilespmem:$0x18400] =	vst v63  }
0x3e6: {  	s11 =	simm.s32 $0xF400  }
0x3e7: {  	[tilespmem:s11], [sflag:$0x4] =	stream.indirect_vreg.gather [hbm4b:s6+s3], $0x80, v3, vm0, $0xb8;
	[tilespmem:$0x18400] =	vst v63  }
0x3e8: {  	s11 =	simm.s32 $0xFC00  }
0x3e9: {  	[tilespmem:s11], [sflag:$0x4] =	stream.indirect_vreg.gather [hbm4b:s7+s3], $0x80, v3, vm0, $0xb8;
	[tilespmem:$0x18400] =	vst v63  }
0x3ea: {  	_ =	swait.ge [sflag:s1], $0x4000  }
0x3eb: {  	s11 =	sld [smem:$0x7DA]  }
0x3ec: {  	[sflag:s1] =	ssyncset.done $0x0  }
0x3ed: {  	[sflag:s1] =	ssyncadd.s32 $0xFFFFC000  }
0x3ee: {  	[hbm4b:s11+s3] =	stream.linear.scatter [tilespmem:s30], [sflag:$0xC], $0x4000, $0x38;
	[tilespmem:$0x18400] =	vst v63  }
0x3ef: {  	_ =	swait.ge [sflag:s0], $0x4000  }
0x3f0: {  	[sflag:s0] =	ssyncset.done $0x0  }
0x3f1: {  	[sflag:s0] =	ssyncadd.s32 $0xFFFFC000  }
0x3f2: {  	v3 =	vld [tilespmem:$0x220];
	_ =	sdelay $0x4  }
0x3f3: {  	v34 =	vshll.u32 v3, $0x3  }
0x3f4: {  	v3 =	vand.u32 $0x7, v3;
	v4 =	vand.u32 $0xFFFFFFC0, v34  }
0x3f5: {  	v3 =	vor.u32 v3, v4  }
0x3f6: {  	v4 =	vperm.xlane v3, v0;
	_ =	sdelay $0x1  }
0x3f7: {  	v4 =	vadd.s32 v1, v4;
	_ =	sdelay $0x4  }
0x3f8: {  	[tilespmem:s18], [sflag:$0x5] =	stream.indirect_vreg.gather [hbm4b:s2+s3], $0x80, v4, vm0, $0xb8;
	[tilespmem:$0x18400] =	vst v63  }
0x3f9: {  	s11 =	simm.s32 $0x10C00;
	v3 =	vperm.xlane v3, v2  }
0x3fa: {  	[tilespmem:s11], [sflag:$0x5] =	stream.indirect_vreg.gather [hbm4b:s5+s3], $0x80, v4, vm0, $0xb8;
	[tilespmem:$0x18400] =	vst v63  }
0x3fb: {  	s14 =	simm.s32 $0x11400;
	v3 =	vadd.s32 v1, v3  }
0x3fc: {  	[tilespmem:s14], [sflag:$0x5] =	stream.indirect_vreg.gather [hbm4b:s6+s3], $0x80, v4, vm0, $0xb8;
	[tilespmem:$0x18400] =	vst v63  }
0x3fd: {  	s13 =	simm.s32 $0x11C00  }
0x3fe: {  	[tilespmem:s13], [sflag:$0x5] =	stream.indirect_vreg.gather [hbm4b:s7+s3], $0x80, v4, vm0, $0xb8;
	[tilespmem:$0x18400] =	vst v63  }
0x3ff: {  	s13 =	simm.s32 $0x12400  }
0x400: {  	[tilespmem:s13], [sflag:$0x5] =	stream.indirect_vreg.gather [hbm4b:s2+s3], $0x80, v3, vm0, $0xb8;
	[tilespmem:$0x18400] =	vst v63  }
0x401: {  	s13 =	simm.s32 $0x12C00  }
0x402: {  	[tilespmem:s13], [sflag:$0x5] =	stream.indirect_vreg.gather [hbm4b:s5+s3], $0x80, v3, vm0, $0xb8;
	[tilespmem:$0x18400] =	vst v63  }
0x403: {  	s13 =	simm.s32 $0x13400  }
0x404: {  	[tilespmem:s13], [sflag:$0x5] =	stream.indirect_vreg.gather [hbm4b:s6+s3], $0x80, v3, vm0, $0xb8;
	[tilespmem:$0x18400] =	vst v63  }
0x405: {  	s13 =	simm.s32 $0x13C00  }
0x406: {  	[tilespmem:s13], [sflag:$0x5] =	stream.indirect_vreg.gather [hbm4b:s7+s3], $0x80, v3, vm0, $0xb8;
	[tilespmem:$0x18400] =	vst v63  }
0x407: {  	_ =	swait.ge [sflag:s20], $0x4000  }
0x408: {  	s13 =	sld [smem:$0x7DB]  }
0x409: {  	[sflag:s20] =	ssyncset.done $0x0  }
0x40a: {  	[sflag:s20] =	ssyncadd.s32 $0xFFFFC000  }
0x40b: {  	[hbm4b:s13+s3] =	stream.linear.scatter [tilespmem:s19], [sflag:$0x7], $0x4000, $0x38;
	[tilespmem:$0x18400] =	vst v63  }
0x40c: {  	_ =	swait.ge [sflag:s9], $0x4000  }
0x40d: {  	[sflag:s9] =	ssyncset.done $0x0  }
0x40e: {  	[sflag:s9] =	ssyncadd.s32 $0xFFFFC000  }
0x40f: {  	v3 =	vld [tilespmem:$0x230];
	_ =	sdelay $0x4  }
0x410: {  	v35 =	vshll.u32 v3, $0x3  }
0x411: {  	v3 =	vand.u32 $0x7, v3;
	v4 =	vand.u32 $0xFFFFFFC0, v35  }
0x412: {  	v3 =	vor.u32 v3, v4  }
0x413: {  	v4 =	vperm.xlane v3, v0;
	_ =	sdelay $0x1  }
0x414: {  	v4 =	vadd.s32 v1, v4;
	_ =	sdelay $0x4  }
0x415: {  	[tilespmem:s30], [sflag:$0x6] =	stream.indirect_vreg.gather [hbm4b:s2+s3], $0x80, v4, vm0, $0xb8;
	[tilespmem:$0x18400] =	vst v63  }
0x416: {  	s13 =	simm.s32 $0x14C00;
	v3 =	vperm.xlane v3, v2  }
0x417: {  	[tilespmem:s13], [sflag:$0x6] =	stream.indirect_vreg.gather [hbm4b:s5+s3], $0x80, v4, vm0, $0xb8;
	[tilespmem:$0x18400] =	vst v63  }
0x418: {  	s16 =	simm.s32 $0x15400;
	v3 =	vadd.s32 v1, v3  }
0x419: {  	[tilespmem:s16], [sflag:$0x6] =	stream.indirect_vreg.gather [hbm4b:s6+s3], $0x80, v4, vm0, $0xb8;
	[tilespmem:$0x18400] =	vst v63  }
0x41a: {  	s10 =	simm.s32 $0x15C00  }
0x41b: {  	[tilespmem:s10], [sflag:$0x6] =	stream.indirect_vreg.gather [hbm4b:s7+s3], $0x80, v4, vm0, $0xb8;
	[tilespmem:$0x18400] =	vst v63  }
0x41c: {  	s11 =	simm.s32 $0x16400  }
0x41d: {  	[tilespmem:s11], [sflag:$0x6] =	stream.indirect_vreg.gather [hbm4b:s2+s3], $0x80, v3, vm0, $0xb8;
	[tilespmem:$0x18400] =	vst v63  }
0x41e: {  	s11 =	simm.s32 $0x16C00  }
0x41f: {  	[tilespmem:s11], [sflag:$0x6] =	stream.indirect_vreg.gather [hbm4b:s5+s3], $0x80, v3, vm0, $0xb8;
	[tilespmem:$0x18400] =	vst v63  }
0x420: {  	s11 =	simm.s32 $0x17400  }
0x421: {  	[tilespmem:s11], [sflag:$0x6] =	stream.indirect_vreg.gather [hbm4b:s6+s3], $0x80, v3, vm0, $0xb8;
	[tilespmem:$0x18400] =	vst v63  }
0x422: {  	s11 =	simm.s32 $0x17C00  }
0x423: {  	[tilespmem:s11], [sflag:$0x6] =	stream.indirect_vreg.gather [hbm4b:s7+s3], $0x80, v3, vm0, $0xb8;
	[tilespmem:$0x18400] =	vst v63  }
0x424: {  	_ =	swait.ge [sflag:s22], $0x4000  }
0x425: {  	s11 =	sld [smem:$0x7DC]  }
0x426: {  	[sflag:s22] =	ssyncset.done $0x0  }
0x427: {  	[sflag:s22] =	ssyncadd.s32 $0xFFFFC000  }
0x428: {  	[hbm4b:s11+s3] =	stream.linear.scatter [tilespmem:s21], [sflag:$0x8], $0x4000, $0x38;
	[tilespmem:$0x18400] =	vst v63  }
0x429: {  	_ =	swait.ge [sflag:s23], $0x4000  }
0x42a: {  	[sflag:s23] =	ssyncset.done $0x0  }
0x42b: {  	[sflag:s23] =	ssyncadd.s32 $0xFFFFC000  }
0x42c: {  	v3 =	vld [tilespmem:$0x240];
	_ =	sdelay $0x4  }
0x42d: {  	v36 =	vshll.u32 v3, $0x3  }
0x42e: {  	v3 =	vand.u32 $0x7, v3;
	v4 =	vand.u32 $0xFFFFFFC0, v36  }
0x42f: {  	v3 =	vor.u32 v3, v4  }
0x430: {  	v4 =	vperm.xlane v3, v0;
	_ =	sdelay $0x1  }
0x431: {  	v4 =	vadd.s32 v1, v4;
	_ =	sdelay $0x4  }
0x432: {  	[tilespmem:s19], [sflag:$0x1] =	stream.indirect_vreg.gather [hbm4b:s2+s3], $0x80, v4, vm0, $0xb8;
	[tilespmem:$0x18400] =	vst v63  }
0x433: {  	s11 =	simm.s32 $0xC00;
	v3 =	vperm.xlane v3, v2  }
0x434: {  	[tilespmem:s11], [sflag:$0x1] =	stream.indirect_vreg.gather [hbm4b:s5+s3], $0x80, v4, vm0, $0xb8;
	[tilespmem:$0x18400] =	vst v63  }
0x435: {  	v3 =	vadd.s32 v1, v3;
	s11 =	simm.s32 $0x1400  }
0x436: {  	[tilespmem:s11], [sflag:$0x1] =	stream.indirect_vreg.gather [hbm4b:s6+s3], $0x80, v4, vm0, $0xb8;
	[tilespmem:$0x18400] =	vst v63  }
0x437: {  	s11 =	simm.s32 $0x1C00  }
0x438: {  	[tilespmem:s11], [sflag:$0x1] =	stream.indirect_vreg.gather [hbm4b:s7+s3], $0x80, v4, vm0, $0xb8;
	[tilespmem:$0x18400] =	vst v63  }
0x439: {  	_ = 	snop  }
0x43a: {  	[tilespmem:s4], [sflag:$0x1] =	stream.indirect_vreg.gather [hbm4b:s2+s3], $0x80, v3, vm0, $0xb8;
	[tilespmem:$0x18400] =	vst v63  }
0x43b: {  	s11 =	simm.s32 $0x2C00  }
0x43c: {  	[tilespmem:s11], [sflag:$0x1] =	stream.indirect_vreg.gather [hbm4b:s5+s3], $0x80, v3, vm0, $0xb8;
	[tilespmem:$0x18400] =	vst v63  }
0x43d: {  	s11 =	simm.s32 $0x3400  }
0x43e: {  	[tilespmem:s11], [sflag:$0x1] =	stream.indirect_vreg.gather [hbm4b:s6+s3], $0x80, v3, vm0, $0xb8;
	[tilespmem:$0x18400] =	vst v63  }
0x43f: {  	s11 =	simm.s32 $0x3C00  }
0x440: {  	[tilespmem:s11], [sflag:$0x1] =	stream.indirect_vreg.gather [hbm4b:s7+s3], $0x80, v3, vm0, $0xb8;
	[tilespmem:$0x18400] =	vst v63  }
0x441: {  	_ =	swait.ge [sflag:s24], $0x4000  }
0x442: {  	s4 =	sld [smem:$0x7DD]  }
0x443: {  	[sflag:s24] =	ssyncset.done $0x0  }
0x444: {  	[sflag:s24] =	ssyncadd.s32 $0xFFFFC000  }
0x445: {  	[hbm4b:s4+s3] =	stream.linear.scatter [tilespmem:s12], [sflag:$0x9], $0x4000, $0x38;
	[tilespmem:$0x18400] =	vst v63  }
0x446: {  	_ =	swait.ge [sflag:s25], $0x4000  }
0x447: {  	[sflag:s25] =	ssyncset.done $0x0  }
0x448: {  	[sflag:s25] =	ssyncadd.s32 $0xFFFFC000  }
0x449: {  	v3 =	vld [tilespmem:$0x250];
	_ =	sdelay $0x4  }
0x44a: {  	v37 =	vshll.u32 v3, $0x3  }
0x44b: {  	v3 =	vand.u32 $0x7, v3;
	v4 =	vand.u32 $0xFFFFFFC0, v37  }
0x44c: {  	v3 =	vor.u32 v3, v4  }
0x44d: {  	v4 =	vperm.xlane v3, v0;
	_ =	sdelay $0x1  }
0x44e: {  	v4 =	vadd.s32 v1, v4;
	_ =	sdelay $0x4  }
0x44f: {  	[tilespmem:s21], [sflag:$0x2] =	stream.indirect_vreg.gather [hbm4b:s2+s3], $0x80, v4, vm0, $0xb8;
	[tilespmem:$0x18400] =	vst v63  }
0x450: {  	s11 =	simm.s32 $0x4C00;
	v3 =	vperm.xlane v3, v2  }
0x451: {  	[tilespmem:s11], [sflag:$0x2] =	stream.indirect_vreg.gather [hbm4b:s5+s3], $0x80, v4, vm0, $0xb8;
	[tilespmem:$0x18400] =	vst v63  }
0x452: {  	v3 =	vadd.s32 v1, v3;
	s11 =	simm.s32 $0x5400  }
0x453: {  	[tilespmem:s11], [sflag:$0x2] =	stream.indirect_vreg.gather [hbm4b:s6+s3], $0x80, v4, vm0, $0xb8;
	[tilespmem:$0x18400] =	vst v63  }
0x454: {  	s11 =	simm.s32 $0x5C00  }
0x455: {  	[tilespmem:s11], [sflag:$0x2] =	stream.indirect_vreg.gather [hbm4b:s7+s3], $0x80, v4, vm0, $0xb8;
	[tilespmem:$0x18400] =	vst v63  }
0x456: {  	s11 =	simm.s32 $0x6400  }
0x457: {  	[tilespmem:s11], [sflag:$0x2] =	stream.indirect_vreg.gather [hbm4b:s2+s3], $0x80, v3, vm0, $0xb8;
	[tilespmem:$0x18400] =	vst v63  }
0x458: {  	s11 =	simm.s32 $0x6C00  }
0x459: {  	[tilespmem:s11], [sflag:$0x2] =	stream.indirect_vreg.gather [hbm4b:s5+s3], $0x80, v3, vm0, $0xb8;
	[tilespmem:$0x18400] =	vst v63  }
0x45a: {  	_ = 	snop  }
0x45b: {  	[tilespmem:s8], [sflag:$0x2] =	stream.indirect_vreg.gather [hbm4b:s6+s3], $0x80, v3, vm0, $0xb8;
	[tilespmem:$0x18400] =	vst v63  }
0x45c: {  	s11 =	simm.s32 $0x7C00  }
0x45d: {  	[tilespmem:s11], [sflag:$0x2] =	stream.indirect_vreg.gather [hbm4b:s7+s3], $0x80, v3, vm0, $0xb8;
	[tilespmem:$0x18400] =	vst v63  }
0x45e: {  	_ =	swait.ge [sflag:s28], $0x4000  }
0x45f: {  	s8 =	sld [smem:$0x7DE]  }
0x460: {  	[sflag:s28] =	ssyncset.done $0x0  }
0x461: {  	[sflag:s28] =	ssyncadd.s32 $0xFFFFC000  }
0x462: {  	[hbm4b:s8+s3] =	stream.linear.scatter [tilespmem:s17], [sflag:$0xA], $0x4000, $0x38;
	[tilespmem:$0x18400] =	vst v63  }
0x463: {  	_ =	swait.ge [sflag:s29], $0x4000  }
0x464: {  	[sflag:s29] =	ssyncset.done $0x0  }
0x465: {  	[sflag:s29] =	ssyncadd.s32 $0xFFFFC000  }
0x466: {  	v3 =	vld [tilespmem:$0x260];
	_ =	sdelay $0x4  }
0x467: {  	v38 =	vshll.u32 v3, $0x3  }
0x468: {  	v3 =	vand.u32 $0x7, v3;
	v4 =	vand.u32 $0xFFFFFFC0, v38  }
0x469: {  	v3 =	vor.u32 v3, v4  }
0x46a: {  	v4 =	vperm.xlane v3, v0;
	_ =	sdelay $0x1  }
0x46b: {  	v4 =	vadd.s32 v1, v4;
	_ =	sdelay $0x4  }
0x46c: {  	[tilespmem:s12], [sflag:$0x3] =	stream.indirect_vreg.gather [hbm4b:s2+s3], $0x80, v4, vm0, $0xb8;
	[tilespmem:$0x18400] =	vst v63  }
0x46d: {  	s15 =	simm.s32 $0x8C00;
	v3 =	vperm.xlane v3, v2  }
0x46e: {  	[tilespmem:s15], [sflag:$0x3] =	stream.indirect_vreg.gather [hbm4b:s5+s3], $0x80, v4, vm0, $0xb8;
	[tilespmem:$0x18400] =	vst v63  }
0x46f: {  	v3 =	vadd.s32 v1, v3;
	s15 =	simm.s32 $0x9400  }
0x470: {  	[tilespmem:s15], [sflag:$0x3] =	stream.indirect_vreg.gather [hbm4b:s6+s3], $0x80, v4, vm0, $0xb8;
	[tilespmem:$0x18400] =	vst v63  }
0x471: {  	s15 =	simm.s32 $0x9C00  }
0x472: {  	[tilespmem:s15], [sflag:$0x3] =	stream.indirect_vreg.gather [hbm4b:s7+s3], $0x80, v4, vm0, $0xb8;
	[tilespmem:$0x18400] =	vst v63  }
0x473: {  	s15 =	simm.s32 $0xA400  }
0x474: {  	[tilespmem:s15], [sflag:$0x3] =	stream.indirect_vreg.gather [hbm4b:s2+s3], $0x80, v3, vm0, $0xb8;
	[tilespmem:$0x18400] =	vst v63  }
0x475: {  	s15 =	simm.s32 $0xAC00  }
0x476: {  	[tilespmem:s15], [sflag:$0x3] =	stream.indirect_vreg.gather [hbm4b:s5+s3], $0x80, v3, vm0, $0xb8;
	[tilespmem:$0x18400] =	vst v63  }
0x477: {  	s15 =	simm.s32 $0xB400  }
0x478: {  	[tilespmem:s15], [sflag:$0x3] =	stream.indirect_vreg.gather [hbm4b:s6+s3], $0x80, v3, vm0, $0xb8;
	[tilespmem:$0x18400] =	vst v63  }
0x479: {  	s15 =	simm.s32 $0xBC00  }
0x47a: {  	[tilespmem:s15], [sflag:$0x3] =	stream.indirect_vreg.gather [hbm4b:s7+s3], $0x80, v3, vm0, $0xb8;
	[tilespmem:$0x18400] =	vst v63  }
0x47b: {  	_ =	swait.ge [sflag:s26], $0x4000  }
0x47c: {  	s11 =	sld [smem:$0x7DF]  }
0x47d: {  	[sflag:s26] =	ssyncset.done $0x0  }
0x47e: {  	[sflag:s26] =	ssyncadd.s32 $0xFFFFC000  }
0x47f: {  	[hbm4b:s11+s3] =	stream.linear.scatter [tilespmem:s18], [sflag:$0xB], $0x4000, $0x38;
	[tilespmem:$0x18400] =	vst v63  }
0x480: {  	_ =	swait.ge [sflag:s31], $0x4000  }
0x481: {  	[sflag:s31] =	ssyncset.done $0x0  }
0x482: {  	[sflag:s31] =	ssyncadd.s32 $0xFFFFC000  }
0x483: {  	v3 =	vld [tilespmem:$0x270];
	_ =	sdelay $0x4  }
0x484: {  	v39 =	vshll.u32 v3, $0x3  }
0x485: {  	v3 =	vand.u32 $0x7, v3;
	v4 =	vand.u32 $0xFFFFFFC0, v39  }
0x486: {  	v3 =	vor.u32 v3, v4  }
0x487: {  	v4 =	vperm.xlane v3, v0;
	_ =	sdelay $0x1  }
0x488: {  	v4 =	vadd.s32 v1, v4;
	_ =	sdelay $0x4  }
0x489: {  	[tilespmem:s17], [sflag:$0x4] =	stream.indirect_vreg.gather [hbm4b:s2+s3], $0x80, v4, vm0, $0xb8;
	[tilespmem:$0x18400] =	vst v63  }
0x48a: {  	s11 =	simm.s32 $0xCC00;
	v3 =	vperm.xlane v3, v2  }
0x48b: {  	[tilespmem:s11], [sflag:$0x4] =	stream.indirect_vreg.gather [hbm4b:s5+s3], $0x80, v4, vm0, $0xb8;
	[tilespmem:$0x18400] =	vst v63  }
0x48c: {  	v3 =	vadd.s32 v1, v3;
	s11 =	simm.s32 $0xD400  }
0x48d: {  	[tilespmem:s11], [sflag:$0x4] =	stream.indirect_vreg.gather [hbm4b:s6+s3], $0x80, v4, vm0, $0xb8;
	[tilespmem:$0x18400] =	vst v63  }
0x48e: {  	s11 =	simm.s32 $0xDC00  }
0x48f: {  	[tilespmem:s11], [sflag:$0x4] =	stream.indirect_vreg.gather [hbm4b:s7+s3], $0x80, v4, vm0, $0xb8;
	[tilespmem:$0x18400] =	vst v63  }
0x490: {  	s11 =	simm.s32 $0xE400  }
0x491: {  	[tilespmem:s11], [sflag:$0x4] =	stream.indirect_vreg.gather [hbm4b:s2+s3], $0x80, v3, vm0, $0xb8;
	[tilespmem:$0x18400] =	vst v63  }
0x492: {  	s11 =	simm.s32 $0xEC00  }
0x493: {  	[tilespmem:s11], [sflag:$0x4] =	stream.indirect_vreg.gather [hbm4b:s5+s3], $0x80, v3, vm0, $0xb8;
	[tilespmem:$0x18400] =	vst v63  }
0x494: {  	s11 =	simm.s32 $0xF400  }
0x495: {  	[tilespmem:s11], [sflag:$0x4] =	stream.indirect_vreg.gather [hbm4b:s6+s3], $0x80, v3, vm0, $0xb8;
	[tilespmem:$0x18400] =	vst v63  }
0x496: {  	s11 =	simm.s32 $0xFC00  }
0x497: {  	[tilespmem:s11], [sflag:$0x4] =	stream.indirect_vreg.gather [hbm4b:s7+s3], $0x80, v3, vm0, $0xb8;
	[tilespmem:$0x18400] =	vst v63  }
0x498: {  	_ =	swait.ge [sflag:s1], $0x4000  }
0x499: {  	s11 =	sld [smem:$0x7E0]  }
0x49a: {  	[sflag:s1] =	ssyncset.done $0x0  }
0x49b: {  	[sflag:s1] =	ssyncadd.s32 $0xFFFFC000  }
0x49c: {  	[hbm4b:s11+s3] =	stream.linear.scatter [tilespmem:s30], [sflag:$0xC], $0x4000, $0x38;
	[tilespmem:$0x18400] =	vst v63  }
0x49d: {  	_ =	swait.ge [sflag:s0], $0x4000  }
0x49e: {  	[sflag:s0] =	ssyncset.done $0x0  }
0x49f: {  	[sflag:s0] =	ssyncadd.s32 $0xFFFFC000  }
0x4a0: {  	v3 =	vld [tilespmem:$0x280];
	_ =	sdelay $0x4  }
0x4a1: {  	v40 =	vshll.u32 v3, $0x3  }
0x4a2: {  	v3 =	vand.u32 $0x7, v3;
	v4 =	vand.u32 $0xFFFFFFC0, v40  }
0x4a3: {  	v3 =	vor.u32 v3, v4  }
0x4a4: {  	v4 =	vperm.xlane v3, v0;
	_ =	sdelay $0x1  }
0x4a5: {  	v4 =	vadd.s32 v1, v4;
	_ =	sdelay $0x4  }
0x4a6: {  	[tilespmem:s18], [sflag:$0x5] =	stream.indirect_vreg.gather [hbm4b:s2+s3], $0x80, v4, vm0, $0xb8;
	[tilespmem:$0x18400] =	vst v63  }
0x4a7: {  	s11 =	simm.s32 $0x10C00;
	v3 =	vperm.xlane v3, v2  }
0x4a8: {  	[tilespmem:s11], [sflag:$0x5] =	stream.indirect_vreg.gather [hbm4b:s5+s3], $0x80, v4, vm0, $0xb8;
	[tilespmem:$0x18400] =	vst v63  }
0x4a9: {  	s14 =	simm.s32 $0x11400;
	v3 =	vadd.s32 v1, v3  }
0x4aa: {  	[tilespmem:s14], [sflag:$0x5] =	stream.indirect_vreg.gather [hbm4b:s6+s3], $0x80, v4, vm0, $0xb8;
	[tilespmem:$0x18400] =	vst v63  }
0x4ab: {  	s14 =	simm.s32 $0x11C00  }
0x4ac: {  	[tilespmem:s14], [sflag:$0x5] =	stream.indirect_vreg.gather [hbm4b:s7+s3], $0x80, v4, vm0, $0xb8;
	[tilespmem:$0x18400] =	vst v63  }
0x4ad: {  	s14 =	simm.s32 $0x12400  }
0x4ae: {  	[tilespmem:s14], [sflag:$0x5] =	stream.indirect_vreg.gather [hbm4b:s2+s3], $0x80, v3, vm0, $0xb8;
	[tilespmem:$0x18400] =	vst v63  }
0x4af: {  	s14 =	simm.s32 $0x12C00  }
0x4b0: {  	[tilespmem:s14], [sflag:$0x5] =	stream.indirect_vreg.gather [hbm4b:s5+s3], $0x80, v3, vm0, $0xb8;
	[tilespmem:$0x18400] =	vst v63  }
0x4b1: {  	s14 =	simm.s32 $0x13400  }
0x4b2: {  	[tilespmem:s14], [sflag:$0x5] =	stream.indirect_vreg.gather [hbm4b:s6+s3], $0x80, v3, vm0, $0xb8;
	[tilespmem:$0x18400] =	vst v63  }
0x4b3: {  	s14 =	simm.s32 $0x13C00  }
0x4b4: {  	[tilespmem:s14], [sflag:$0x5] =	stream.indirect_vreg.gather [hbm4b:s7+s3], $0x80, v3, vm0, $0xb8;
	[tilespmem:$0x18400] =	vst v63  }
0x4b5: {  	_ =	swait.ge [sflag:s20], $0x4000  }
0x4b6: {  	s14 =	sld [smem:$0x7E1]  }
0x4b7: {  	[sflag:s20] =	ssyncset.done $0x0  }
0x4b8: {  	[sflag:s20] =	ssyncadd.s32 $0xFFFFC000  }
0x4b9: {  	[hbm4b:s14+s3] =	stream.linear.scatter [tilespmem:s19], [sflag:$0x7], $0x4000, $0x38;
	[tilespmem:$0x18400] =	vst v63  }
0x4ba: {  	_ =	swait.ge [sflag:s9], $0x4000  }
0x4bb: {  	[sflag:s9] =	ssyncset.done $0x0  }
0x4bc: {  	[sflag:s9] =	ssyncadd.s32 $0xFFFFC000  }
0x4bd: {  	v3 =	vld [tilespmem:$0x290];
	_ =	sdelay $0x4  }
0x4be: {  	v41 =	vshll.u32 v3, $0x3  }
0x4bf: {  	v3 =	vand.u32 $0x7, v3;
	v4 =	vand.u32 $0xFFFFFFC0, v41  }
0x4c0: {  	v3 =	vor.u32 v3, v4  }
0x4c1: {  	v4 =	vperm.xlane v3, v0;
	_ =	sdelay $0x1  }
0x4c2: {  	v4 =	vadd.s32 v1, v4;
	_ =	sdelay $0x4  }
0x4c3: {  	[tilespmem:s30], [sflag:$0x6] =	stream.indirect_vreg.gather [hbm4b:s2+s3], $0x80, v4, vm0, $0xb8;
	[tilespmem:$0x18400] =	vst v63  }
0x4c4: {  	s13 =	simm.s32 $0x14C00;
	v3 =	vperm.xlane v3, v2  }
0x4c5: {  	[tilespmem:s13], [sflag:$0x6] =	stream.indirect_vreg.gather [hbm4b:s5+s3], $0x80, v4, vm0, $0xb8;
	[tilespmem:$0x18400] =	vst v63  }
0x4c6: {  	s16 =	simm.s32 $0x15400;
	v3 =	vadd.s32 v1, v3  }
0x4c7: {  	[tilespmem:s16], [sflag:$0x6] =	stream.indirect_vreg.gather [hbm4b:s6+s3], $0x80, v4, vm0, $0xb8;
	[tilespmem:$0x18400] =	vst v63  }
0x4c8: {  	s10 =	simm.s32 $0x15C00  }
0x4c9: {  	[tilespmem:s10], [sflag:$0x6] =	stream.indirect_vreg.gather [hbm4b:s7+s3], $0x80, v4, vm0, $0xb8;
	[tilespmem:$0x18400] =	vst v63  }
0x4ca: {  	s11 =	simm.s32 $0x16400  }
0x4cb: {  	[tilespmem:s11], [sflag:$0x6] =	stream.indirect_vreg.gather [hbm4b:s2+s3], $0x80, v3, vm0, $0xb8;
	[tilespmem:$0x18400] =	vst v63  }
0x4cc: {  	s13 =	simm.s32 $0x16C00  }
0x4cd: {  	[tilespmem:s13], [sflag:$0x6] =	stream.indirect_vreg.gather [hbm4b:s5+s3], $0x80, v3, vm0, $0xb8;
	[tilespmem:$0x18400] =	vst v63  }
0x4ce: {  	s11 =	simm.s32 $0x17400  }
0x4cf: {  	[tilespmem:s11], [sflag:$0x6] =	stream.indirect_vreg.gather [hbm4b:s6+s3], $0x80, v3, vm0, $0xb8;
	[tilespmem:$0x18400] =	vst v63  }
0x4d0: {  	s13 =	simm.s32 $0x17C00  }
0x4d1: {  	[tilespmem:s13], [sflag:$0x6] =	stream.indirect_vreg.gather [hbm4b:s7+s3], $0x80, v3, vm0, $0xb8;
	[tilespmem:$0x18400] =	vst v63  }
0x4d2: {  	_ =	swait.ge [sflag:s22], $0x4000  }
0x4d3: {  	s10 =	sld [smem:$0x7E2]  }
0x4d4: {  	[sflag:s22] =	ssyncset.done $0x0  }
0x4d5: {  	[sflag:s22] =	ssyncadd.s32 $0xFFFFC000  }
0x4d6: {  	[hbm4b:s10+s3] =	stream.linear.scatter [tilespmem:s21], [sflag:$0x8], $0x4000, $0x38;
	[tilespmem:$0x18400] =	vst v63  }
0x4d7: {  	_ =	swait.ge [sflag:s23], $0x4000  }
0x4d8: {  	[sflag:s23] =	ssyncset.done $0x0  }
0x4d9: {  	[sflag:s23] =	ssyncadd.s32 $0xFFFFC000  }
0x4da: {  	v3 =	vld [tilespmem:$0x2A0];
	_ =	sdelay $0x4  }
0x4db: {  	v42 =	vshll.u32 v3, $0x3  }
0x4dc: {  	v3 =	vand.u32 $0x7, v3;
	v4 =	vand.u32 $0xFFFFFFC0, v42  }
0x4dd: {  	v3 =	vor.u32 v3, v4  }
0x4de: {  	v4 =	vperm.xlane v3, v0;
	_ =	sdelay $0x1  }
0x4df: {  	v4 =	vadd.s32 v1, v4;
	_ =	sdelay $0x4  }
0x4e0: {  	[tilespmem:s19], [sflag:$0x1] =	stream.indirect_vreg.gather [hbm4b:s2+s3], $0x80, v4, vm0, $0xb8;
	[tilespmem:$0x18400] =	vst v63  }
0x4e1: {  	s13 =	simm.s32 $0xC00;
	v3 =	vperm.xlane v3, v2  }
0x4e2: {  	[tilespmem:s13], [sflag:$0x1] =	stream.indirect_vreg.gather [hbm4b:s5+s3], $0x80, v4, vm0, $0xb8;
	[tilespmem:$0x18400] =	vst v63  }
0x4e3: {  	s11 =	simm.s32 $0x1400;
	v3 =	vadd.s32 v1, v3  }
0x4e4: {  	[tilespmem:s11], [sflag:$0x1] =	stream.indirect_vreg.gather [hbm4b:s6+s3], $0x80, v4, vm0, $0xb8;
	[tilespmem:$0x18400] =	vst v63  }
0x4e5: {  	s13 =	simm.s32 $0x1C00  }
0x4e6: {  	[tilespmem:s13], [sflag:$0x1] =	stream.indirect_vreg.gather [hbm4b:s7+s3], $0x80, v4, vm0, $0xb8;
	[tilespmem:$0x18400] =	vst v63  }
0x4e7: {  	s11 =	simm.s32 $0x2400  }
0x4e8: {  	[tilespmem:s11], [sflag:$0x1] =	stream.indirect_vreg.gather [hbm4b:s2+s3], $0x80, v3, vm0, $0xb8;
	[tilespmem:$0x18400] =	vst v63  }
0x4e9: {  	s13 =	simm.s32 $0x2C00  }
0x4ea: {  	[tilespmem:s13], [sflag:$0x1] =	stream.indirect_vreg.gather [hbm4b:s5+s3], $0x80, v3, vm0, $0xb8;
	[tilespmem:$0x18400] =	vst v63  }
0x4eb: {  	s11 =	simm.s32 $0x3400  }
0x4ec: {  	[tilespmem:s11], [sflag:$0x1] =	stream.indirect_vreg.gather [hbm4b:s6+s3], $0x80, v3, vm0, $0xb8;
	[tilespmem:$0x18400] =	vst v63  }
0x4ed: {  	s13 =	simm.s32 $0x3C00  }
0x4ee: {  	[tilespmem:s13], [sflag:$0x1] =	stream.indirect_vreg.gather [hbm4b:s7+s3], $0x80, v3, vm0, $0xb8;
	[tilespmem:$0x18400] =	vst v63  }
0x4ef: {  	_ =	swait.ge [sflag:s24], $0x4000  }
0x4f0: {  	s10 =	sld [smem:$0x7E3]  }
0x4f1: {  	[sflag:s24] =	ssyncset.done $0x0  }
0x4f2: {  	[sflag:s24] =	ssyncadd.s32 $0xFFFFC000  }
0x4f3: {  	[hbm4b:s10+s3] =	stream.linear.scatter [tilespmem:s12], [sflag:$0x9], $0x4000, $0x38;
	[tilespmem:$0x18400] =	vst v63  }
0x4f4: {  	_ =	swait.ge [sflag:s25], $0x4000  }
0x4f5: {  	[sflag:s25] =	ssyncset.done $0x0  }
0x4f6: {  	[sflag:s25] =	ssyncadd.s32 $0xFFFFC000  }
0x4f7: {  	v3 =	vld [tilespmem:$0x2B0];
	_ =	sdelay $0x4  }
0x4f8: {  	v43 =	vshll.u32 v3, $0x3  }
0x4f9: {  	v3 =	vand.u32 $0x7, v3;
	v4 =	vand.u32 $0xFFFFFFC0, v43  }
0x4fa: {  	v3 =	vor.u32 v3, v4  }
0x4fb: {  	v4 =	vperm.xlane v3, v0;
	_ =	sdelay $0x1  }
0x4fc: {  	v4 =	vadd.s32 v1, v4;
	_ =	sdelay $0x4  }
0x4fd: {  	[tilespmem:s21], [sflag:$0x2] =	stream.indirect_vreg.gather [hbm4b:s2+s3], $0x80, v4, vm0, $0xb8;
	[tilespmem:$0x18400] =	vst v63  }
0x4fe: {  	s11 =	simm.s32 $0x4C00;
	v3 =	vperm.xlane v3, v2  }
0x4ff: {  	[tilespmem:s11], [sflag:$0x2] =	stream.indirect_vreg.gather [hbm4b:s5+s3], $0x80, v4, vm0, $0xb8;
	[tilespmem:$0x18400] =	vst v63  }
0x500: {  	s4 =	simm.s32 $0x5400;
	v3 =	vadd.s32 v1, v3  }
0x501: {  	[tilespmem:s4], [sflag:$0x2] =	stream.indirect_vreg.gather [hbm4b:s6+s3], $0x80, v4, vm0, $0xb8;
	[tilespmem:$0x18400] =	vst v63  }
0x502: {  	s13 =	simm.s32 $0x5C00  }
0x503: {  	[tilespmem:s13], [sflag:$0x2] =	stream.indirect_vreg.gather [hbm4b:s7+s3], $0x80, v4, vm0, $0xb8;
	[tilespmem:$0x18400] =	vst v63  }
0x504: {  	s11 =	simm.s32 $0x6400  }
0x505: {  	[tilespmem:s11], [sflag:$0x2] =	stream.indirect_vreg.gather [hbm4b:s2+s3], $0x80, v3, vm0, $0xb8;
	[tilespmem:$0x18400] =	vst v63  }
0x506: {  	s13 =	simm.s32 $0x6C00  }
0x507: {  	[tilespmem:s13], [sflag:$0x2] =	stream.indirect_vreg.gather [hbm4b:s5+s3], $0x80, v3, vm0, $0xb8;
	[tilespmem:$0x18400] =	vst v63  }
0x508: {  	s11 =	simm.s32 $0x7400  }
0x509: {  	[tilespmem:s11], [sflag:$0x2] =	stream.indirect_vreg.gather [hbm4b:s6+s3], $0x80, v3, vm0, $0xb8;
	[tilespmem:$0x18400] =	vst v63  }
0x50a: {  	s13 =	simm.s32 $0x7C00  }
0x50b: {  	[tilespmem:s13], [sflag:$0x2] =	stream.indirect_vreg.gather [hbm4b:s7+s3], $0x80, v3, vm0, $0xb8;
	[tilespmem:$0x18400] =	vst v63  }
0x50c: {  	_ =	swait.ge [sflag:s28], $0x4000  }
0x50d: {  	s10 =	sld [smem:$0x7E4]  }
0x50e: {  	[sflag:s28] =	ssyncset.done $0x0  }
0x50f: {  	[sflag:s28] =	ssyncadd.s32 $0xFFFFC000  }
0x510: {  	[hbm4b:s10+s3] =	stream.linear.scatter [tilespmem:s17], [sflag:$0xA], $0x4000, $0x38;
	[tilespmem:$0x18400] =	vst v63  }
0x511: {  	_ =	swait.ge [sflag:s29], $0x4000  }
0x512: {  	[sflag:s29] =	ssyncset.done $0x0  }
0x513: {  	[sflag:s29] =	ssyncadd.s32 $0xFFFFC000  }
0x514: {  	v3 =	vld [tilespmem:$0x2C0];
	_ =	sdelay $0x4  }
0x515: {  	v44 =	vshll.u32 v3, $0x3  }
0x516: {  	v3 =	vand.u32 $0x7, v3;
	v4 =	vand.u32 $0xFFFFFFC0, v44  }
0x517: {  	v3 =	vor.u32 v3, v4  }
0x518: {  	v4 =	vperm.xlane v3, v0;
	_ =	sdelay $0x1  }
0x519: {  	v4 =	vadd.s32 v1, v4;
	_ =	sdelay $0x4  }
0x51a: {  	[tilespmem:s12], [sflag:$0x3] =	stream.indirect_vreg.gather [hbm4b:s2+s3], $0x80, v4, vm0, $0xb8;
	[tilespmem:$0x18400] =	vst v63  }
0x51b: {  	s8 =	simm.s32 $0x8C00;
	v3 =	vperm.xlane v3, v2  }
0x51c: {  	[tilespmem:s8], [sflag:$0x3] =	stream.indirect_vreg.gather [hbm4b:s5+s3], $0x80, v4, vm0, $0xb8;
	[tilespmem:$0x18400] =	vst v63  }
0x51d: {  	s11 =	simm.s32 $0x9400;
	v3 =	vadd.s32 v1, v3  }
0x51e: {  	[tilespmem:s11], [sflag:$0x3] =	stream.indirect_vreg.gather [hbm4b:s6+s3], $0x80, v4, vm0, $0xb8;
	[tilespmem:$0x18400] =	vst v63  }
0x51f: {  	s13 =	simm.s32 $0x9C00  }
0x520: {  	[tilespmem:s13], [sflag:$0x3] =	stream.indirect_vreg.gather [hbm4b:s7+s3], $0x80, v4, vm0, $0xb8;
	[tilespmem:$0x18400] =	vst v63  }
0x521: {  	s10 =	simm.s32 $0xA400  }
0x522: {  	[tilespmem:s10], [sflag:$0x3] =	stream.indirect_vreg.gather [hbm4b:s2+s3], $0x80, v3, vm0, $0xb8;
	[tilespmem:$0x18400] =	vst v63  }
0x523: {  	s11 =	simm.s32 $0xAC00  }
0x524: {  	[tilespmem:s11], [sflag:$0x3] =	stream.indirect_vreg.gather [hbm4b:s5+s3], $0x80, v3, vm0, $0xb8;
	[tilespmem:$0x18400] =	vst v63  }
0x525: {  	s13 =	simm.s32 $0xB400  }
0x526: {  	[tilespmem:s13], [sflag:$0x3] =	stream.indirect_vreg.gather [hbm4b:s6+s3], $0x80, v3, vm0, $0xb8;
	[tilespmem:$0x18400] =	vst v63  }
0x527: {  	s15 =	simm.s32 $0xBC00  }
0x528: {  	[tilespmem:s15], [sflag:$0x3] =	stream.indirect_vreg.gather [hbm4b:s7+s3], $0x80, v3, vm0, $0xb8;
	[tilespmem:$0x18400] =	vst v63  }
0x529: {  	_ =	swait.ge [sflag:s26], $0x4000  }
0x52a: {  	s15 =	sld [smem:$0x7E5]  }
0x52b: {  	[sflag:s26] =	ssyncset.done $0x0  }
0x52c: {  	[sflag:s26] =	ssyncadd.s32 $0xFFFFC000  }
0x52d: {  	[hbm4b:s15+s3] =	stream.linear.scatter [tilespmem:s18], [sflag:$0xB], $0x4000, $0x38;
	[tilespmem:$0x18400] =	vst v63  }
0x52e: {  	_ =	swait.ge [sflag:s31], $0x4000  }
0x52f: {  	[sflag:s31] =	ssyncset.done $0x0  }
0x530: {  	[sflag:s31] =	ssyncadd.s32 $0xFFFFC000  }
0x531: {  	v3 =	vld [tilespmem:$0x2D0];
	_ =	sdelay $0x4  }
0x532: {  	v45 =	vshll.u32 v3, $0x3  }
0x533: {  	v3 =	vand.u32 $0x7, v3;
	v4 =	vand.u32 $0xFFFFFFC0, v45  }
0x534: {  	v3 =	vor.u32 v3, v4  }
0x535: {  	v4 =	vperm.xlane v3, v0;
	_ =	sdelay $0x1  }
0x536: {  	v4 =	vadd.s32 v1, v4;
	_ =	sdelay $0x4  }
0x537: {  	[tilespmem:s17], [sflag:$0x4] =	stream.indirect_vreg.gather [hbm4b:s2+s3], $0x80, v4, vm0, $0xb8;
	[tilespmem:$0x18400] =	vst v63  }
0x538: {  	v3 =	vperm.xlane v3, v2;
	s17 =	simm.s32 $0xCC00  }
0x539: {  	[tilespmem:s17], [sflag:$0x4] =	stream.indirect_vreg.gather [hbm4b:s5+s3], $0x80, v4, vm0, $0xb8;
	[tilespmem:$0x18400] =	vst v63  }
0x53a: {  	s10 =	simm.s32 $0xD400;
	v3 =	vadd.s32 v1, v3  }
0x53b: {  	[tilespmem:s10], [sflag:$0x4] =	stream.indirect_vreg.gather [hbm4b:s6+s3], $0x80, v4, vm0, $0xb8;
	[tilespmem:$0x18400] =	vst v63  }
0x53c: {  	s11 =	simm.s32 $0xDC00  }
0x53d: {  	[tilespmem:s11], [sflag:$0x4] =	stream.indirect_vreg.gather [hbm4b:s7+s3], $0x80, v4, vm0, $0xb8;
	[tilespmem:$0x18400] =	vst v63  }
0x53e: {  	s13 =	simm.s32 $0xE400  }
0x53f: {  	[tilespmem:s13], [sflag:$0x4] =	stream.indirect_vreg.gather [hbm4b:s2+s3], $0x80, v3, vm0, $0xb8;
	[tilespmem:$0x18400] =	vst v63  }
0x540: {  	s17 =	simm.s32 $0xEC00  }
0x541: {  	[tilespmem:s17], [sflag:$0x4] =	stream.indirect_vreg.gather [hbm4b:s5+s3], $0x80, v3, vm0, $0xb8;
	[tilespmem:$0x18400] =	vst v63  }
0x542: {  	s17 =	simm.s32 $0xF400  }
0x543: {  	[tilespmem:s17], [sflag:$0x4] =	stream.indirect_vreg.gather [hbm4b:s6+s3], $0x80, v3, vm0, $0xb8;
	[tilespmem:$0x18400] =	vst v63  }
0x544: {  	s17 =	simm.s32 $0xFC00  }
0x545: {  	[tilespmem:s17], [sflag:$0x4] =	stream.indirect_vreg.gather [hbm4b:s7+s3], $0x80, v3, vm0, $0xb8;
	[tilespmem:$0x18400] =	vst v63  }
0x546: {  	_ =	swait.ge [sflag:s1], $0x4000  }
0x547: {  	s17 =	sld [smem:$0x7E6]  }
0x548: {  	[sflag:s1] =	ssyncset.done $0x0  }
0x549: {  	[sflag:s1] =	ssyncadd.s32 $0xFFFFC000  }
0x54a: {  	[hbm4b:s17+s3] =	stream.linear.scatter [tilespmem:s30], [sflag:$0xC], $0x4000, $0x38;
	[tilespmem:$0x18400] =	vst v63  }
0x54b: {  	_ =	swait.ge [sflag:s0], $0x4000  }
0x54c: {  	[sflag:s0] =	ssyncset.done $0x0  }
0x54d: {  	[sflag:s0] =	ssyncadd.s32 $0xFFFFC000  }
0x54e: {  	v3 =	vld [tilespmem:$0x2E0];
	_ =	sdelay $0x4  }
0x54f: {  	v46 =	vshll.u32 v3, $0x3  }
0x550: {  	v3 =	vand.u32 $0x7, v3;
	v4 =	vand.u32 $0xFFFFFFC0, v46  }
0x551: {  	v3 =	vor.u32 v3, v4  }
0x552: {  	v4 =	vperm.xlane v3, v0;
	_ =	sdelay $0x1  }
0x553: {  	v4 =	vadd.s32 v1, v4;
	_ =	sdelay $0x4  }
0x554: {  	[tilespmem:s18], [sflag:$0x5] =	stream.indirect_vreg.gather [hbm4b:s2+s3], $0x80, v4, vm0, $0xb8;
	[tilespmem:$0x18400] =	vst v63  }
0x555: {  	s17 =	simm.s32 $0x10C00;
	v3 =	vperm.xlane v3, v2  }
0x556: {  	[tilespmem:s17], [sflag:$0x5] =	stream.indirect_vreg.gather [hbm4b:s5+s3], $0x80, v4, vm0, $0xb8;
	[tilespmem:$0x18400] =	vst v63  }
0x557: {  	v3 =	vadd.s32 v1, v3;
	s17 =	simm.s32 $0x11400  }
0x558: {  	[tilespmem:s17], [sflag:$0x5] =	stream.indirect_vreg.gather [hbm4b:s6+s3], $0x80, v4, vm0, $0xb8;
	[tilespmem:$0x18400] =	vst v63  }
0x559: {  	s17 =	simm.s32 $0x11C00  }
0x55a: {  	[tilespmem:s17], [sflag:$0x5] =	stream.indirect_vreg.gather [hbm4b:s7+s3], $0x80, v4, vm0, $0xb8;
	[tilespmem:$0x18400] =	vst v63  }
0x55b: {  	s17 =	simm.s32 $0x12400  }
0x55c: {  	[tilespmem:s17], [sflag:$0x5] =	stream.indirect_vreg.gather [hbm4b:s2+s3], $0x80, v3, vm0, $0xb8;
	[tilespmem:$0x18400] =	vst v63  }
0x55d: {  	s17 =	simm.s32 $0x12C00  }
0x55e: {  	[tilespmem:s17], [sflag:$0x5] =	stream.indirect_vreg.gather [hbm4b:s5+s3], $0x80, v3, vm0, $0xb8;
	[tilespmem:$0x18400] =	vst v63  }
0x55f: {  	s17 =	simm.s32 $0x13400  }
0x560: {  	[tilespmem:s17], [sflag:$0x5] =	stream.indirect_vreg.gather [hbm4b:s6+s3], $0x80, v3, vm0, $0xb8;
	[tilespmem:$0x18400] =	vst v63  }
0x561: {  	s17 =	simm.s32 $0x13C00  }
0x562: {  	[tilespmem:s17], [sflag:$0x5] =	stream.indirect_vreg.gather [hbm4b:s7+s3], $0x80, v3, vm0, $0xb8;
	[tilespmem:$0x18400] =	vst v63  }
0x563: {  	_ =	swait.ge [sflag:s20], $0x4000  }
0x564: {  	s17 =	sld [smem:$0x7E7]  }
0x565: {  	[sflag:s20] =	ssyncset.done $0x0  }
0x566: {  	[sflag:s20] =	ssyncadd.s32 $0xFFFFC000  }
0x567: {  	[hbm4b:s17+s3] =	stream.linear.scatter [tilespmem:s19], [sflag:$0x7], $0x4000, $0x38;
	[tilespmem:$0x18400] =	vst v63  }
0x568: {  	_ =	swait.ge [sflag:s9], $0x4000  }
0x569: {  	[sflag:s9] =	ssyncset.done $0x0  }
0x56a: {  	[sflag:s9] =	ssyncadd.s32 $0xFFFFC000  }
0x56b: {  	v3 =	vld [tilespmem:$0x2F0];
	_ =	sdelay $0x4  }
0x56c: {  	v47 =	vshll.u32 v3, $0x3  }
0x56d: {  	v3 =	vand.u32 $0x7, v3;
	v4 =	vand.u32 $0xFFFFFFC0, v47  }
0x56e: {  	v3 =	vor.u32 v3, v4  }
0x56f: {  	v4 =	vperm.xlane v3, v0;
	_ =	sdelay $0x1  }
0x570: {  	v4 =	vadd.s32 v1, v4;
	_ =	sdelay $0x4  }
0x571: {  	[tilespmem:s30], [sflag:$0x6] =	stream.indirect_vreg.gather [hbm4b:s2+s3], $0x80, v4, vm0, $0xb8;
	[tilespmem:$0x18400] =	vst v63  }
0x572: {  	s14 =	simm.s32 $0x14C00;
	v3 =	vperm.xlane v3, v2  }
0x573: {  	[tilespmem:s14], [sflag:$0x6] =	stream.indirect_vreg.gather [hbm4b:s5+s3], $0x80, v4, vm0, $0xb8;
	[tilespmem:$0x18400] =	vst v63  }
0x574: {  	s16 =	simm.s32 $0x15400;
	v3 =	vadd.s32 v1, v3  }
0x575: {  	[tilespmem:s16], [sflag:$0x6] =	stream.indirect_vreg.gather [hbm4b:s6+s3], $0x80, v4, vm0, $0xb8;
	[tilespmem:$0x18400] =	vst v63  }
0x576: {  	s14 =	simm.s32 $0x15C00  }
0x577: {  	[tilespmem:s14], [sflag:$0x6] =	stream.indirect_vreg.gather [hbm4b:s7+s3], $0x80, v4, vm0, $0xb8;
	[tilespmem:$0x18400] =	vst v63  }
0x578: {  	s16 =	simm.s32 $0x16400  }
0x579: {  	[tilespmem:s16], [sflag:$0x6] =	stream.indirect_vreg.gather [hbm4b:s2+s3], $0x80, v3, vm0, $0xb8;
	[tilespmem:$0x18400] =	vst v63  }
0x57a: {  	s17 =	simm.s32 $0x16C00  }
0x57b: {  	[tilespmem:s17], [sflag:$0x6] =	stream.indirect_vreg.gather [hbm4b:s5+s3], $0x80, v3, vm0, $0xb8;
	[tilespmem:$0x18400] =	vst v63  }
0x57c: {  	s14 =	simm.s32 $0x17400  }
0x57d: {  	[tilespmem:s14], [sflag:$0x6] =	stream.indirect_vreg.gather [hbm4b:s6+s3], $0x80, v3, vm0, $0xb8;
	[tilespmem:$0x18400] =	vst v63  }
0x57e: {  	s16 =	simm.s32 $0x17C00  }
0x57f: {  	[tilespmem:s16], [sflag:$0x6] =	stream.indirect_vreg.gather [hbm4b:s7+s3], $0x80, v3, vm0, $0xb8;
	[tilespmem:$0x18400] =	vst v63  }
0x580: {  	_ =	swait.ge [sflag:s22], $0x4000  }
0x581: {  	s17 =	sld [smem:$0x7E8]  }
0x582: {  	[sflag:s22] =	ssyncset.done $0x0  }
0x583: {  	[sflag:s22] =	ssyncadd.s32 $0xFFFFC000  }
0x584: {  	[hbm4b:s17+s3] =	stream.linear.scatter [tilespmem:s21], [sflag:$0x8], $0x4000, $0x38;
	[tilespmem:$0x18400] =	vst v63  }
0x585: {  	_ =	swait.ge [sflag:s23], $0x4000  }
0x586: {  	[sflag:s23] =	ssyncset.done $0x0  }
0x587: {  	[sflag:s23] =	ssyncadd.s32 $0xFFFFC000  }
0x588: {  	v3 =	vld [tilespmem:$0x300];
	_ =	sdelay $0x4  }
0x589: {  	v48 =	vshll.u32 v3, $0x3  }
0x58a: {  	v3 =	vand.u32 $0x7, v3;
	v4 =	vand.u32 $0xFFFFFFC0, v48  }
0x58b: {  	v3 =	vor.u32 v3, v4  }
0x58c: {  	v4 =	vperm.xlane v3, v0;
	_ =	sdelay $0x1  }
0x58d: {  	v4 =	vadd.s32 v1, v4;
	_ =	sdelay $0x4  }
0x58e: {  	[tilespmem:s19], [sflag:$0x1] =	stream.indirect_vreg.gather [hbm4b:s2+s3], $0x80, v4, vm0, $0xb8;
	[tilespmem:$0x18400] =	vst v63  }
0x58f: {  	s14 =	simm.s32 $0xC00;
	v3 =	vperm.xlane v3, v2  }
0x590: {  	[tilespmem:s14], [sflag:$0x1] =	stream.indirect_vreg.gather [hbm4b:s5+s3], $0x80, v4, vm0, $0xb8;
	[tilespmem:$0x18400] =	vst v63  }
0x591: {  	s16 =	simm.s32 $0x1400;
	v3 =	vadd.s32 v1, v3  }
0x592: {  	[tilespmem:s16], [sflag:$0x1] =	stream.indirect_vreg.gather [hbm4b:s6+s3], $0x80, v4, vm0, $0xb8;
	[tilespmem:$0x18400] =	vst v63  }
0x593: {  	s17 =	simm.s32 $0x1C00  }
0x594: {  	[tilespmem:s17], [sflag:$0x1] =	stream.indirect_vreg.gather [hbm4b:s7+s3], $0x80, v4, vm0, $0xb8;
	[tilespmem:$0x18400] =	vst v63  }
0x595: {  	s14 =	simm.s32 $0x2400  }
0x596: {  	[tilespmem:s14], [sflag:$0x1] =	stream.indirect_vreg.gather [hbm4b:s2+s3], $0x80, v3, vm0, $0xb8;
	[tilespmem:$0x18400] =	vst v63  }
0x597: {  	s16 =	simm.s32 $0x2C00  }
0x598: {  	[tilespmem:s16], [sflag:$0x1] =	stream.indirect_vreg.gather [hbm4b:s5+s3], $0x80, v3, vm0, $0xb8;
	[tilespmem:$0x18400] =	vst v63  }
0x599: {  	s16 =	simm.s32 $0x3400  }
0x59a: {  	[tilespmem:s16], [sflag:$0x1] =	stream.indirect_vreg.gather [hbm4b:s6+s3], $0x80, v3, vm0, $0xb8;
	[tilespmem:$0x18400] =	vst v63  }
0x59b: {  	s16 =	simm.s32 $0x3C00  }
0x59c: {  	[tilespmem:s16], [sflag:$0x1] =	stream.indirect_vreg.gather [hbm4b:s7+s3], $0x80, v3, vm0, $0xb8;
	[tilespmem:$0x18400] =	vst v63  }
0x59d: {  	_ =	swait.ge [sflag:s24], $0x4000  }
0x59e: {  	s16 =	sld [smem:$0x7E9]  }
0x59f: {  	[sflag:s24] =	ssyncset.done $0x0  }
0x5a0: {  	[sflag:s24] =	ssyncadd.s32 $0xFFFFC000  }
0x5a1: {  	[hbm4b:s16+s3] =	stream.linear.scatter [tilespmem:s12], [sflag:$0x9], $0x4000, $0x38;
	[tilespmem:$0x18400] =	vst v63  }
0x5a2: {  	_ =	swait.ge [sflag:s25], $0x4000  }
0x5a3: {  	[sflag:s25] =	ssyncset.done $0x0  }
0x5a4: {  	[sflag:s25] =	ssyncadd.s32 $0xFFFFC000  }
0x5a5: {  	v3 =	vld [tilespmem:$0x310];
	_ =	sdelay $0x4  }
0x5a6: {  	v49 =	vshll.u32 v3, $0x3  }
0x5a7: {  	v3 =	vand.u32 $0x7, v3;
	v4 =	vand.u32 $0xFFFFFFC0, v49  }
0x5a8: {  	v3 =	vor.u32 v3, v4  }
0x5a9: {  	v4 =	vperm.xlane v3, v0;
	_ =	sdelay $0x1  }
0x5aa: {  	v4 =	vadd.s32 v1, v4;
	_ =	sdelay $0x4  }
0x5ab: {  	[tilespmem:s21], [sflag:$0x2] =	stream.indirect_vreg.gather [hbm4b:s2+s3], $0x80, v4, vm0, $0xb8;
	[tilespmem:$0x18400] =	vst v63  }
0x5ac: {  	s16 =	simm.s32 $0x4C00;
	v3 =	vperm.xlane v3, v2  }
0x5ad: {  	[tilespmem:s16], [sflag:$0x2] =	stream.indirect_vreg.gather [hbm4b:s5+s3], $0x80, v4, vm0, $0xb8;
	[tilespmem:$0x18400] =	vst v63  }
0x5ae: {  	s4 =	simm.s32 $0x5400;
	v3 =	vadd.s32 v1, v3  }
0x5af: {  	[tilespmem:s4], [sflag:$0x2] =	stream.indirect_vreg.gather [hbm4b:s6+s3], $0x80, v4, vm0, $0xb8;
	[tilespmem:$0x18400] =	vst v63  }
0x5b0: {  	s11 =	simm.s32 $0x5C00  }
0x5b1: {  	[tilespmem:s11], [sflag:$0x2] =	stream.indirect_vreg.gather [hbm4b:s7+s3], $0x80, v4, vm0, $0xb8;
	[tilespmem:$0x18400] =	vst v63  }
0x5b2: {  	s16 =	simm.s32 $0x6400  }
0x5b3: {  	[tilespmem:s16], [sflag:$0x2] =	stream.indirect_vreg.gather [hbm4b:s2+s3], $0x80, v3, vm0, $0xb8;
	[tilespmem:$0x18400] =	vst v63  }
0x5b4: {  	s11 =	simm.s32 $0x6C00  }
0x5b5: {  	[tilespmem:s11], [sflag:$0x2] =	stream.indirect_vreg.gather [hbm4b:s5+s3], $0x80, v3, vm0, $0xb8;
	[tilespmem:$0x18400] =	vst v63  }
0x5b6: {  	s16 =	simm.s32 $0x7400  }
0x5b7: {  	[tilespmem:s16], [sflag:$0x2] =	stream.indirect_vreg.gather [hbm4b:s6+s3], $0x80, v3, vm0, $0xb8;
	[tilespmem:$0x18400] =	vst v63  }
0x5b8: {  	s11 =	simm.s32 $0x7C00  }
0x5b9: {  	[tilespmem:s11], [sflag:$0x2] =	stream.indirect_vreg.gather [hbm4b:s7+s3], $0x80, v3, vm0, $0xb8;
	[tilespmem:$0x18400] =	vst v63  }
0x5ba: {  	_ =	swait.ge [sflag:s28], $0x4000  }
0x5bb: {  	s11 =	sld [smem:$0x7EA]  }
0x5bc: {  	[sflag:s28] =	ssyncset.done $0x0  }
0x5bd: {  	s4 =	simm.s32 $0xC400;
	[sflag:s28] =	ssyncadd.s32 $0xFFFFC000  }
0x5be: {  	[hbm4b:s11+s3] =	stream.linear.scatter [tilespmem:s4], [sflag:$0xA], $0x4000, $0x38;
	[tilespmem:$0x18400] =	vst v63  }
0x5bf: {  	_ =	swait.ge [sflag:s29], $0x4000  }
0x5c0: {  	[sflag:s29] =	ssyncset.done $0x0  }
0x5c1: {  	[sflag:s29] =	ssyncadd.s32 $0xFFFFC000  }
0x5c2: {  	v3 =	vld [tilespmem:$0x320];
	_ =	sdelay $0x4  }
0x5c3: {  	v50 =	vshll.u32 v3, $0x3  }
0x5c4: {  	v3 =	vand.u32 $0x7, v3;
	v4 =	vand.u32 $0xFFFFFFC0, v50  }
0x5c5: {  	v3 =	vor.u32 v3, v4  }
0x5c6: {  	v4 =	vperm.xlane v3, v0;
	_ =	sdelay $0x1  }
0x5c7: {  	v4 =	vadd.s32 v1, v4;
	_ =	sdelay $0x4  }
0x5c8: {  	[tilespmem:s12], [sflag:$0x3] =	stream.indirect_vreg.gather [hbm4b:s2+s3], $0x80, v4, vm0, $0xb8;
	[tilespmem:$0x18400] =	vst v63  }
0x5c9: {  	s11 =	simm.s32 $0x8C00;
	v3 =	vperm.xlane v3, v2  }
0x5ca: {  	[tilespmem:s11], [sflag:$0x3] =	stream.indirect_vreg.gather [hbm4b:s5+s3], $0x80, v4, vm0, $0xb8;
	[tilespmem:$0x18400] =	vst v63  }
0x5cb: {  	v3 =	vadd.s32 v1, v3;
	s11 =	simm.s32 $0x9400  }
0x5cc: {  	[tilespmem:s11], [sflag:$0x3] =	stream.indirect_vreg.gather [hbm4b:s6+s3], $0x80, v4, vm0, $0xb8;
	[tilespmem:$0x18400] =	vst v63  }
0x5cd: {  	s11 =	simm.s32 $0x9C00  }
0x5ce: {  	[tilespmem:s11], [sflag:$0x3] =	stream.indirect_vreg.gather [hbm4b:s7+s3], $0x80, v4, vm0, $0xb8;
	[tilespmem:$0x18400] =	vst v63  }
0x5cf: {  	s11 =	simm.s32 $0xA400  }
0x5d0: {  	[tilespmem:s11], [sflag:$0x3] =	stream.indirect_vreg.gather [hbm4b:s2+s3], $0x80, v3, vm0, $0xb8;
	[tilespmem:$0x18400] =	vst v63  }
0x5d1: {  	s11 =	simm.s32 $0xAC00  }
0x5d2: {  	[tilespmem:s11], [sflag:$0x3] =	stream.indirect_vreg.gather [hbm4b:s5+s3], $0x80, v3, vm0, $0xb8;
	[tilespmem:$0x18400] =	vst v63  }
0x5d3: {  	s11 =	simm.s32 $0xB400  }
0x5d4: {  	[tilespmem:s11], [sflag:$0x3] =	stream.indirect_vreg.gather [hbm4b:s6+s3], $0x80, v3, vm0, $0xb8;
	[tilespmem:$0x18400] =	vst v63  }
0x5d5: {  	s11 =	simm.s32 $0xBC00  }
0x5d6: {  	[tilespmem:s11], [sflag:$0x3] =	stream.indirect_vreg.gather [hbm4b:s7+s3], $0x80, v3, vm0, $0xb8;
	[tilespmem:$0x18400] =	vst v63  }
0x5d7: {  	_ =	swait.ge [sflag:s26], $0x4000  }
0x5d8: {  	s11 =	sld [smem:$0x7EB]  }
0x5d9: {  	[sflag:s26] =	ssyncset.done $0x0  }
0x5da: {  	[sflag:s26] =	ssyncadd.s32 $0xFFFFC000  }
0x5db: {  	[hbm4b:s11+s3] =	stream.linear.scatter [tilespmem:s18], [sflag:$0xB], $0x4000, $0x38;
	[tilespmem:$0x18400] =	vst v63  }
0x5dc: {  	_ =	swait.ge [sflag:s31], $0x4000  }
0x5dd: {  	[sflag:s31] =	ssyncset.done $0x0  }
0x5de: {  	[sflag:s31] =	ssyncadd.s32 $0xFFFFC000  }
0x5df: {  	v3 =	vld [tilespmem:$0x330];
	_ =	sdelay $0x4  }
0x5e0: {  	v51 =	vshll.u32 v3, $0x3  }
0x5e1: {  	v3 =	vand.u32 $0x7, v3;
	v4 =	vand.u32 $0xFFFFFFC0, v51  }
0x5e2: {  	v3 =	vor.u32 v3, v4  }
0x5e3: {  	v4 =	vperm.xlane v3, v0;
	_ =	sdelay $0x1  }
0x5e4: {  	v4 =	vadd.s32 v1, v4;
	_ =	sdelay $0x4  }
0x5e5: {  	[tilespmem:s4], [sflag:$0x4] =	stream.indirect_vreg.gather [hbm4b:s2+s3], $0x80, v4, vm0, $0xb8;
	[tilespmem:$0x18400] =	vst v63  }
0x5e6: {  	s15 =	simm.s32 $0xCC00;
	v3 =	vperm.xlane v3, v2  }
0x5e7: {  	[tilespmem:s15], [sflag:$0x4] =	stream.indirect_vreg.gather [hbm4b:s5+s3], $0x80, v4, vm0, $0xb8;
	[tilespmem:$0x18400] =	vst v63  }
0x5e8: {  	s8 =	simm.s32 $0xD400;
	v3 =	vadd.s32 v1, v3  }
0x5e9: {  	[tilespmem:s8], [sflag:$0x4] =	stream.indirect_vreg.gather [hbm4b:s6+s3], $0x80, v4, vm0, $0xb8;
	[tilespmem:$0x18400] =	vst v63  }
0x5ea: {  	s10 =	simm.s32 $0xDC00  }
0x5eb: {  	[tilespmem:s10], [sflag:$0x4] =	stream.indirect_vreg.gather [hbm4b:s7+s3], $0x80, v4, vm0, $0xb8;
	[tilespmem:$0x18400] =	vst v63  }
0x5ec: {  	s13 =	simm.s32 $0xE400  }
0x5ed: {  	[tilespmem:s13], [sflag:$0x4] =	stream.indirect_vreg.gather [hbm4b:s2+s3], $0x80, v3, vm0, $0xb8;
	[tilespmem:$0x18400] =	vst v63  }
0x5ee: {  	s8 =	simm.s32 $0xEC00  }
0x5ef: {  	[tilespmem:s8], [sflag:$0x4] =	stream.indirect_vreg.gather [hbm4b:s5+s3], $0x80, v3, vm0, $0xb8;
	[tilespmem:$0x18400] =	vst v63  }
0x5f0: {  	s10 =	simm.s32 $0xF400  }
0x5f1: {  	[tilespmem:s10], [sflag:$0x4] =	stream.indirect_vreg.gather [hbm4b:s6+s3], $0x80, v3, vm0, $0xb8;
	[tilespmem:$0x18400] =	vst v63  }
0x5f2: {  	s13 =	simm.s32 $0xFC00  }
0x5f3: {  	[tilespmem:s13], [sflag:$0x4] =	stream.indirect_vreg.gather [hbm4b:s7+s3], $0x80, v3, vm0, $0xb8;
	[tilespmem:$0x18400] =	vst v63  }
0x5f4: {  	_ =	swait.ge [sflag:s1], $0x4000  }
0x5f5: {  	s15 =	sld [smem:$0x7EC]  }
0x5f6: {  	[sflag:s1] =	ssyncset.done $0x0  }
0x5f7: {  	[sflag:s1] =	ssyncadd.s32 $0xFFFFC000  }
0x5f8: {  	[hbm4b:s15+s3] =	stream.linear.scatter [tilespmem:s30], [sflag:$0xC], $0x4000, $0x38;
	[tilespmem:$0x18400] =	vst v63  }
0x5f9: {  	_ =	swait.ge [sflag:s0], $0x4000  }
0x5fa: {  	[sflag:s0] =	ssyncset.done $0x0  }
0x5fb: {  	[sflag:s0] =	ssyncadd.s32 $0xFFFFC000  }
0x5fc: {  	v3 =	vld [tilespmem:$0x340];
	_ =	sdelay $0x4  }
0x5fd: {  	v52 =	vshll.u32 v3, $0x3  }
0x5fe: {  	v3 =	vand.u32 $0x7, v3;
	v4 =	vand.u32 $0xFFFFFFC0, v52  }
0x5ff: {  	v3 =	vor.u32 v3, v4  }
0x600: {  	v4 =	vperm.xlane v3, v0;
	_ =	sdelay $0x1  }
0x601: {  	v4 =	vadd.s32 v1, v4;
	_ =	sdelay $0x4  }
0x602: {  	[tilespmem:s18], [sflag:$0x5] =	stream.indirect_vreg.gather [hbm4b:s2+s3], $0x80, v4, vm0, $0xb8;
	[tilespmem:$0x18400] =	vst v63  }
0x603: {  	s15 =	simm.s32 $0x10C00;
	v3 =	vperm.xlane v3, v2  }
0x604: {  	[tilespmem:s15], [sflag:$0x5] =	stream.indirect_vreg.gather [hbm4b:s5+s3], $0x80, v4, vm0, $0xb8;
	[tilespmem:$0x18400] =	vst v63  }
0x605: {  	v3 =	vadd.s32 v1, v3;
	s18 =	simm.s32 $0x11400  }
0x606: {  	[tilespmem:s18], [sflag:$0x5] =	stream.indirect_vreg.gather [hbm4b:s6+s3], $0x80, v4, vm0, $0xb8;
	[tilespmem:$0x18400] =	vst v63  }
0x607: {  	s15 =	simm.s32 $0x11C00  }
0x608: {  	[tilespmem:s15], [sflag:$0x5] =	stream.indirect_vreg.gather [hbm4b:s7+s3], $0x80, v4, vm0, $0xb8;
	[tilespmem:$0x18400] =	vst v63  }
0x609: {  	s18 =	simm.s32 $0x12400  }
0x60a: {  	[tilespmem:s18], [sflag:$0x5] =	stream.indirect_vreg.gather [hbm4b:s2+s3], $0x80, v3, vm0, $0xb8;
	[tilespmem:$0x18400] =	vst v63  }
0x60b: {  	s15 =	simm.s32 $0x12C00  }
0x60c: {  	[tilespmem:s15], [sflag:$0x5] =	stream.indirect_vreg.gather [hbm4b:s5+s3], $0x80, v3, vm0, $0xb8;
	[tilespmem:$0x18400] =	vst v63  }
0x60d: {  	s18 =	simm.s32 $0x13400  }
0x60e: {  	[tilespmem:s18], [sflag:$0x5] =	stream.indirect_vreg.gather [hbm4b:s6+s3], $0x80, v3, vm0, $0xb8;
	[tilespmem:$0x18400] =	vst v63  }
0x60f: {  	s15 =	simm.s32 $0x13C00  }
0x610: {  	[tilespmem:s15], [sflag:$0x5] =	stream.indirect_vreg.gather [hbm4b:s7+s3], $0x80, v3, vm0, $0xb8;
	[tilespmem:$0x18400] =	vst v63  }
0x611: {  	_ =	swait.ge [sflag:s20], $0x4000  }
0x612: {  	s18 =	sld [smem:$0x7ED]  }
0x613: {  	[sflag:s20] =	ssyncset.done $0x0  }
0x614: {  	[sflag:s20] =	ssyncadd.s32 $0xFFFFC000  }
0x615: {  	[hbm4b:s18+s3] =	stream.linear.scatter [tilespmem:s19], [sflag:$0x7], $0x4000, $0x38;
	[tilespmem:$0x18400] =	vst v63  }
0x616: {  	_ =	swait.ge [sflag:s9], $0x4000  }
0x617: {  	[sflag:s9] =	ssyncset.done $0x0  }
0x618: {  	[sflag:s9] =	ssyncadd.s32 $0xFFFFC000  }
0x619: {  	v3 =	vld [tilespmem:$0x350];
	_ =	sdelay $0x4  }
0x61a: {  	v53 =	vshll.u32 v3, $0x3  }
0x61b: {  	v3 =	vand.u32 $0x7, v3;
	v4 =	vand.u32 $0xFFFFFFC0, v53  }
0x61c: {  	v3 =	vor.u32 v3, v4  }
0x61d: {  	v4 =	vperm.xlane v3, v0;
	_ =	sdelay $0x1  }
0x61e: {  	v4 =	vadd.s32 v1, v4;
	_ =	sdelay $0x4  }
0x61f: {  	[tilespmem:s30], [sflag:$0x6] =	stream.indirect_vreg.gather [hbm4b:s2+s3], $0x80, v4, vm0, $0xb8;
	[tilespmem:$0x18400] =	vst v63  }
0x620: {  	s15 =	simm.s32 $0x14C00;
	v3 =	vperm.xlane v3, v2  }
0x621: {  	[tilespmem:s15], [sflag:$0x6] =	stream.indirect_vreg.gather [hbm4b:s5+s3], $0x80, v4, vm0, $0xb8;
	[tilespmem:$0x18400] =	vst v63  }
0x622: {  	s18 =	simm.s32 $0x15400;
	v3 =	vadd.s32 v1, v3  }
0x623: {  	[tilespmem:s18], [sflag:$0x6] =	stream.indirect_vreg.gather [hbm4b:s6+s3], $0x80, v4, vm0, $0xb8;
	[tilespmem:$0x18400] =	vst v63  }
0x624: {  	s30 =	simm.s32 $0x15C00  }
0x625: {  	[tilespmem:s30], [sflag:$0x6] =	stream.indirect_vreg.gather [hbm4b:s7+s3], $0x80, v4, vm0, $0xb8;
	[tilespmem:$0x18400] =	vst v63  }
0x626: {  	s15 =	simm.s32 $0x16400  }
0x627: {  	[tilespmem:s15], [sflag:$0x6] =	stream.indirect_vreg.gather [hbm4b:s2+s3], $0x80, v3, vm0, $0xb8;
	[tilespmem:$0x18400] =	vst v63  }
0x628: {  	s18 =	simm.s32 $0x16C00  }
0x629: {  	[tilespmem:s18], [sflag:$0x6] =	stream.indirect_vreg.gather [hbm4b:s5+s3], $0x80, v3, vm0, $0xb8;
	[tilespmem:$0x18400] =	vst v63  }
0x62a: {  	s30 =	simm.s32 $0x17400  }
0x62b: {  	[tilespmem:s30], [sflag:$0x6] =	stream.indirect_vreg.gather [hbm4b:s6+s3], $0x80, v3, vm0, $0xb8;
	[tilespmem:$0x18400] =	vst v63  }
0x62c: {  	s15 =	simm.s32 $0x17C00  }
0x62d: {  	[tilespmem:s15], [sflag:$0x6] =	stream.indirect_vreg.gather [hbm4b:s7+s3], $0x80, v3, vm0, $0xb8;
	[tilespmem:$0x18400] =	vst v63  }
0x62e: {  	_ =	swait.ge [sflag:s22], $0x4000  }
0x62f: {  	s18 =	sld [smem:$0x7EE]  }
0x630: {  	[sflag:s22] =	ssyncset.done $0x0  }
0x631: {  	[sflag:s22] =	ssyncadd.s32 $0xFFFFC000  }
0x632: {  	[hbm4b:s18+s3] =	stream.linear.scatter [tilespmem:s21], [sflag:$0x8], $0x4000, $0x38;
	[tilespmem:$0x18400] =	vst v63  }
0x633: {  	_ =	swait.ge [sflag:s23], $0x4000  }
0x634: {  	[sflag:s23] =	ssyncset.done $0x0  }
0x635: {  	[sflag:s23] =	ssyncadd.s32 $0xFFFFC000  }
0x636: {  	v3 =	vld [tilespmem:$0x360];
	_ =	sdelay $0x4  }
0x637: {  	v54 =	vshll.u32 v3, $0x3  }
0x638: {  	v3 =	vand.u32 $0x7, v3;
	v4 =	vand.u32 $0xFFFFFFC0, v54  }
0x639: {  	v3 =	vor.u32 v3, v4  }
0x63a: {  	v4 =	vperm.xlane v3, v0;
	_ =	sdelay $0x1  }
0x63b: {  	v4 =	vadd.s32 v1, v4;
	_ =	sdelay $0x4  }
0x63c: {  	[tilespmem:s19], [sflag:$0x1] =	stream.indirect_vreg.gather [hbm4b:s2+s3], $0x80, v4, vm0, $0xb8;
	[tilespmem:$0x18400] =	vst v63  }
0x63d: {  	v3 =	vperm.xlane v3, v2;
	s19 =	simm.s32 $0xC00  }
0x63e: {  	[tilespmem:s19], [sflag:$0x1] =	stream.indirect_vreg.gather [hbm4b:s5+s3], $0x80, v4, vm0, $0xb8;
	[tilespmem:$0x18400] =	vst v63  }
0x63f: {  	s30 =	simm.s32 $0x1400;
	v3 =	vadd.s32 v1, v3  }
0x640: {  	[tilespmem:s30], [sflag:$0x1] =	stream.indirect_vreg.gather [hbm4b:s6+s3], $0x80, v4, vm0, $0xb8;
	[tilespmem:$0x18400] =	vst v63  }
0x641: {  	s17 =	simm.s32 $0x1C00  }
0x642: {  	[tilespmem:s17], [sflag:$0x1] =	stream.indirect_vreg.gather [hbm4b:s7+s3], $0x80, v4, vm0, $0xb8;
	[tilespmem:$0x18400] =	vst v63  }
0x643: {  	s14 =	simm.s32 $0x2400  }
0x644: {  	[tilespmem:s14], [sflag:$0x1] =	stream.indirect_vreg.gather [hbm4b:s2+s3], $0x80, v3, vm0, $0xb8;
	[tilespmem:$0x18400] =	vst v63  }
0x645: {  	s14 =	simm.s32 $0x2C00  }
0x646: {  	[tilespmem:s14], [sflag:$0x1] =	stream.indirect_vreg.gather [hbm4b:s5+s3], $0x80, v3, vm0, $0xb8;
	[tilespmem:$0x18400] =	vst v63  }
0x647: {  	s15 =	simm.s32 $0x3400  }
0x648: {  	[tilespmem:s15], [sflag:$0x1] =	stream.indirect_vreg.gather [hbm4b:s6+s3], $0x80, v3, vm0, $0xb8;
	[tilespmem:$0x18400] =	vst v63  }
0x649: {  	s17 =	simm.s32 $0x3C00  }
0x64a: {  	[tilespmem:s17], [sflag:$0x1] =	stream.indirect_vreg.gather [hbm4b:s7+s3], $0x80, v3, vm0, $0xb8;
	[tilespmem:$0x18400] =	vst v63  }
0x64b: {  	_ =	swait.ge [sflag:s24], $0x4000  }
0x64c: {  	s19 =	sld [smem:$0x7EF]  }
0x64d: {  	[sflag:s24] =	ssyncset.done $0x0  }
0x64e: {  	[sflag:s24] =	ssyncadd.s32 $0xFFFFC000  }
0x64f: {  	[hbm4b:s19+s3] =	stream.linear.scatter [tilespmem:s12], [sflag:$0x9], $0x4000, $0x38;
	[tilespmem:$0x18400] =	vst v63  }
0x650: {  	_ =	swait.ge [sflag:s25], $0x4000  }
0x651: {  	[sflag:s25] =	ssyncset.done $0x0  }
0x652: {  	[sflag:s25] =	ssyncadd.s32 $0xFFFFC000  }
0x653: {  	v3 =	vld [tilespmem:$0x370];
	_ =	sdelay $0x4  }
0x654: {  	v55 =	vshll.u32 v3, $0x3  }
0x655: {  	v3 =	vand.u32 $0x7, v3;
	v4 =	vand.u32 $0xFFFFFFC0, v55  }
0x656: {  	v3 =	vor.u32 v3, v4  }
0x657: {  	v4 =	vperm.xlane v3, v0;
	_ =	sdelay $0x1  }
0x658: {  	v4 =	vadd.s32 v1, v4;
	_ =	sdelay $0x4  }
0x659: {  	[tilespmem:s21], [sflag:$0x2] =	stream.indirect_vreg.gather [hbm4b:s2+s3], $0x80, v4, vm0, $0xb8;
	[tilespmem:$0x18400] =	vst v63  }
0x65a: {  	v3 =	vperm.xlane v3, v2;
	s21 =	simm.s32 $0x4C00  }
0x65b: {  	[tilespmem:s21], [sflag:$0x2] =	stream.indirect_vreg.gather [hbm4b:s5+s3], $0x80, v4, vm0, $0xb8;
	[tilespmem:$0x18400] =	vst v63  }
0x65c: {  	s30 =	simm.s32 $0x5400;
	v3 =	vadd.s32 v1, v3  }
0x65d: {  	[tilespmem:s30], [sflag:$0x2] =	stream.indirect_vreg.gather [hbm4b:s6+s3], $0x80, v4, vm0, $0xb8;
	[tilespmem:$0x18400] =	vst v63  }
0x65e: {  	s14 =	simm.s32 $0x5C00  }
0x65f: {  	[tilespmem:s14], [sflag:$0x2] =	stream.indirect_vreg.gather [hbm4b:s7+s3], $0x80, v4, vm0, $0xb8;
	[tilespmem:$0x18400] =	vst v63  }
0x660: {  	s15 =	simm.s32 $0x6400  }
0x661: {  	[tilespmem:s15], [sflag:$0x2] =	stream.indirect_vreg.gather [hbm4b:s2+s3], $0x80, v3, vm0, $0xb8;
	[tilespmem:$0x18400] =	vst v63  }
0x662: {  	s17 =	simm.s32 $0x6C00  }
0x663: {  	[tilespmem:s17], [sflag:$0x2] =	stream.indirect_vreg.gather [hbm4b:s5+s3], $0x80, v3, vm0, $0xb8;
	[tilespmem:$0x18400] =	vst v63  }
0x664: {  	s16 =	simm.s32 $0x7400  }
0x665: {  	[tilespmem:s16], [sflag:$0x2] =	stream.indirect_vreg.gather [hbm4b:s6+s3], $0x80, v3, vm0, $0xb8;
	[tilespmem:$0x18400] =	vst v63  }
0x666: {  	s19 =	simm.s32 $0x7C00  }
0x667: {  	[tilespmem:s19], [sflag:$0x2] =	stream.indirect_vreg.gather [hbm4b:s7+s3], $0x80, v3, vm0, $0xb8;
	[tilespmem:$0x18400] =	vst v63  }
0x668: {  	_ =	swait.ge [sflag:s28], $0x4000  }
0x669: {  	s21 =	sld [smem:$0x7F0]  }
0x66a: {  	[sflag:s28] =	ssyncset.done $0x0  }
0x66b: {  	s4 =	simm.s32 $0xC400;
	[sflag:s28] =	ssyncadd.s32 $0xFFFFC000  }
0x66c: {  	[hbm4b:s21+s3] =	stream.linear.scatter [tilespmem:s4], [sflag:$0xA], $0x4000, $0x38;
	[tilespmem:$0x18400] =	vst v63  }
0x66d: {  	_ =	swait.ge [sflag:s29], $0x4000  }
0x66e: {  	[sflag:s29] =	ssyncset.done $0x0  }
0x66f: {  	[sflag:s29] =	ssyncadd.s32 $0xFFFFC000  }
0x670: {  	v3 =	vld [tilespmem:$0x380];
	_ =	sdelay $0x4  }
0x671: {  	v56 =	vshll.u32 v3, $0x3  }
0x672: {  	v3 =	vand.u32 $0x7, v3;
	v4 =	vand.u32 $0xFFFFFFC0, v56  }
0x673: {  	v3 =	vor.u32 v3, v4  }
0x674: {  	v4 =	vperm.xlane v3, v0;
	_ =	sdelay $0x1  }
0x675: {  	v4 =	vadd.s32 v1, v4;
	_ =	sdelay $0x4  }
0x676: {  	[tilespmem:s12], [sflag:$0x3] =	stream.indirect_vreg.gather [hbm4b:s2+s3], $0x80, v4, vm0, $0xb8;
	[tilespmem:$0x18400] =	vst v63  }
0x677: {  	s30 =	simm.s32 $0x8C00;
	v3 =	vperm.xlane v3, v2  }
0x678: {  	[tilespmem:s30], [sflag:$0x3] =	stream.indirect_vreg.gather [hbm4b:s5+s3], $0x80, v4, vm0, $0xb8;
	[tilespmem:$0x18400] =	vst v63  }
0x679: {  	v3 =	vadd.s32 v1, v3;
	s12 =	simm.s32 $0x9400  }
0x67a: {  	[tilespmem:s12], [sflag:$0x3] =	stream.indirect_vreg.gather [hbm4b:s6+s3], $0x80, v4, vm0, $0xb8;
	[tilespmem:$0x18400] =	vst v63  }
0x67b: {  	s15 =	simm.s32 $0x9C00  }
0x67c: {  	[tilespmem:s15], [sflag:$0x3] =	stream.indirect_vreg.gather [hbm4b:s7+s3], $0x80, v4, vm0, $0xb8;
	[tilespmem:$0x18400] =	vst v63  }
0x67d: {  	s16 =	simm.s32 $0xA400  }
0x67e: {  	[tilespmem:s16], [sflag:$0x3] =	stream.indirect_vreg.gather [hbm4b:s2+s3], $0x80, v3, vm0, $0xb8;
	[tilespmem:$0x18400] =	vst v63  }
0x67f: {  	s17 =	simm.s32 $0xAC00  }
0x680: {  	[tilespmem:s17], [sflag:$0x3] =	stream.indirect_vreg.gather [hbm4b:s5+s3], $0x80, v3, vm0, $0xb8;
	[tilespmem:$0x18400] =	vst v63  }
0x681: {  	s19 =	simm.s32 $0xB400  }
0x682: {  	[tilespmem:s19], [sflag:$0x3] =	stream.indirect_vreg.gather [hbm4b:s6+s3], $0x80, v3, vm0, $0xb8;
	[tilespmem:$0x18400] =	vst v63  }
0x683: {  	s21 =	simm.s32 $0xBC00  }
0x684: {  	[tilespmem:s21], [sflag:$0x3] =	stream.indirect_vreg.gather [hbm4b:s7+s3], $0x80, v3, vm0, $0xb8;
	[tilespmem:$0x18400] =	vst v63  }
0x685: {  	_ =	swait.ge [sflag:s26], $0x4000  }
0x686: {  	s30 =	sld [smem:$0x7F1]  }
0x687: {  	[sflag:s26] =	ssyncset.done $0x0  }
0x688: {  	s12 =	simm.s32 $0x10400;
	[sflag:s26] =	ssyncadd.s32 $0xFFFFC000  }
0x689: {  	[hbm4b:s30+s3] =	stream.linear.scatter [tilespmem:s12], [sflag:$0xB], $0x4000, $0x38;
	[tilespmem:$0x18400] =	vst v63  }
0x68a: {  	_ =	swait.ge [sflag:s31], $0x4000  }
0x68b: {  	[sflag:s31] =	ssyncset.done $0x0  }
0x68c: {  	[sflag:s31] =	ssyncadd.s32 $0xFFFFC000  }
0x68d: {  	v3 =	vld [tilespmem:$0x390];
	_ =	sdelay $0x4  }
0x68e: {  	v57 =	vshll.u32 v3, $0x3  }
0x68f: {  	v3 =	vand.u32 $0x7, v3;
	v4 =	vand.u32 $0xFFFFFFC0, v57  }
0x690: {  	v3 =	vor.u32 v3, v4  }
0x691: {  	v4 =	vperm.xlane v3, v0;
	_ =	sdelay $0x1  }
0x692: {  	v4 =	vadd.s32 v1, v4;
	_ =	sdelay $0x4  }
0x693: {  	[tilespmem:s4], [sflag:$0x4] =	stream.indirect_vreg.gather [hbm4b:s2+s3], $0x80, v4, vm0, $0xb8;
	[tilespmem:$0x18400] =	vst v63  }
0x694: {  	s17 =	simm.s32 $0xCC00;
	v3 =	vperm.xlane v3, v2  }
0x695: {  	[tilespmem:s17], [sflag:$0x4] =	stream.indirect_vreg.gather [hbm4b:s5+s3], $0x80, v4, vm0, $0xb8;
	[tilespmem:$0x18400] =	vst v63  }
0x696: {  	s19 =	simm.s32 $0xD400;
	v3 =	vadd.s32 v1, v3  }
0x697: {  	[tilespmem:s19], [sflag:$0x4] =	stream.indirect_vreg.gather [hbm4b:s6+s3], $0x80, v4, vm0, $0xb8;
	[tilespmem:$0x18400] =	vst v63  }
0x698: {  	s21 =	simm.s32 $0xDC00  }
0x699: {  	[tilespmem:s21], [sflag:$0x4] =	stream.indirect_vreg.gather [hbm4b:s7+s3], $0x80, v4, vm0, $0xb8;
	[tilespmem:$0x18400] =	vst v63  }
0x69a: {  	s30 =	simm.s32 $0xE400  }
0x69b: {  	[tilespmem:s30], [sflag:$0x4] =	stream.indirect_vreg.gather [hbm4b:s2+s3], $0x80, v3, vm0, $0xb8;
	[tilespmem:$0x18400] =	vst v63  }
0x69c: {  	_ = 	snop  }
0x69d: {  	[tilespmem:s8], [sflag:$0x4] =	stream.indirect_vreg.gather [hbm4b:s5+s3], $0x80, v3, vm0, $0xb8;
	[tilespmem:$0x18400] =	vst v63  }
0x69e: {  	_ = 	snop  }
0x69f: {  	[tilespmem:s10], [sflag:$0x4] =	stream.indirect_vreg.gather [hbm4b:s6+s3], $0x80, v3, vm0, $0xb8;
	[tilespmem:$0x18400] =	vst v63  }
0x6a0: {  	_ = 	snop  }
0x6a1: {  	[tilespmem:s13], [sflag:$0x4] =	stream.indirect_vreg.gather [hbm4b:s7+s3], $0x80, v3, vm0, $0xb8;
	[tilespmem:$0x18400] =	vst v63  }
0x6a2: {  	_ =	swait.ge [sflag:s1], $0x4000  }
0x6a3: {  	s10 =	sld [smem:$0x7F2]  }
0x6a4: {  	[sflag:s1] =	ssyncset.done $0x0  }
0x6a5: {  	s8 =	simm.s32 $0x14400;
	[sflag:s1] =	ssyncadd.s32 $0xFFFFC000  }
0x6a6: {  	[hbm4b:s10+s3] =	stream.linear.scatter [tilespmem:s8], [sflag:$0xC], $0x4000, $0x38;
	[tilespmem:$0x18400] =	vst v63  }
0x6a7: {  	_ =	swait.ge [sflag:s0], $0x4000  }
0x6a8: {  	[sflag:s0] =	ssyncset.done $0x0  }
0x6a9: {  	[sflag:s0] =	ssyncadd.s32 $0xFFFFC000  }
0x6aa: {  	v3 =	vld [tilespmem:$0x3A0];
	_ =	sdelay $0x4  }
0x6ab: {  	v58 =	vshll.u32 v3, $0x3  }
0x6ac: {  	v3 =	vand.u32 $0x7, v3;
	v4 =	vand.u32 $0xFFFFFFC0, v58  }
0x6ad: {  	v3 =	vor.u32 v3, v4  }
0x6ae: {  	v4 =	vperm.xlane v3, v0;
	_ =	sdelay $0x1  }
0x6af: {  	v4 =	vadd.s32 v1, v4;
	_ =	sdelay $0x4  }
0x6b0: {  	[tilespmem:s12], [sflag:$0x5] =	stream.indirect_vreg.gather [hbm4b:s2+s3], $0x80, v4, vm0, $0xb8;
	[tilespmem:$0x18400] =	vst v63  }
0x6b1: {  	s11 =	simm.s32 $0x10C00;
	v3 =	vperm.xlane v3, v2  }
0x6b2: {  	[tilespmem:s11], [sflag:$0x5] =	stream.indirect_vreg.gather [hbm4b:s5+s3], $0x80, v4, vm0, $0xb8;
	[tilespmem:$0x18400] =	vst v63  }
0x6b3: {  	v3 =	vadd.s32 v1, v3;
	s12 =	simm.s32 $0x11400  }
0x6b4: {  	[tilespmem:s12], [sflag:$0x5] =	stream.indirect_vreg.gather [hbm4b:s6+s3], $0x80, v4, vm0, $0xb8;
	[tilespmem:$0x18400] =	vst v63  }
0x6b5: {  	s15 =	simm.s32 $0x11C00  }
0x6b6: {  	[tilespmem:s15], [sflag:$0x5] =	stream.indirect_vreg.gather [hbm4b:s7+s3], $0x80, v4, vm0, $0xb8;
	[tilespmem:$0x18400] =	vst v63  }
0x6b7: {  	s10 =	simm.s32 $0x12400  }
0x6b8: {  	[tilespmem:s10], [sflag:$0x5] =	stream.indirect_vreg.gather [hbm4b:s2+s3], $0x80, v3, vm0, $0xb8;
	[tilespmem:$0x18400] =	vst v63  }
0x6b9: {  	s11 =	simm.s32 $0x12C00  }
0x6ba: {  	[tilespmem:s11], [sflag:$0x5] =	stream.indirect_vreg.gather [hbm4b:s5+s3], $0x80, v3, vm0, $0xb8;
	[tilespmem:$0x18400] =	vst v63  }
0x6bb: {  	s12 =	simm.s32 $0x13400  }
0x6bc: {  	[tilespmem:s12], [sflag:$0x5] =	stream.indirect_vreg.gather [hbm4b:s6+s3], $0x80, v3, vm0, $0xb8;
	[tilespmem:$0x18400] =	vst v63  }
0x6bd: {  	s15 =	simm.s32 $0x13C00  }
0x6be: {  	[tilespmem:s15], [sflag:$0x5] =	stream.indirect_vreg.gather [hbm4b:s7+s3], $0x80, v3, vm0, $0xb8;
	[tilespmem:$0x18400] =	vst v63  }
0x6bf: {  	_ =	swait.ge [sflag:s20], $0x4000  }
0x6c0: {  	s4 =	sld [smem:$0x7F3]  }
0x6c1: {  	[sflag:s20] =	ssyncset.done $0x0  }
0x6c2: {  	s10 =	simm.s32 $0x400;
	[sflag:s20] =	ssyncadd.s32 $0xFFFFC000  }
0x6c3: {  	[hbm4b:s4+s3] =	stream.linear.scatter [tilespmem:s10], [sflag:$0x7], $0x4000, $0x38;
	[tilespmem:$0x18400] =	vst v63  }
0x6c4: {  	_ =	swait.ge [sflag:s9], $0x4000  }
0x6c5: {  	[sflag:s9] =	ssyncset.done $0x0  }
0x6c6: {  	[sflag:s9] =	ssyncadd.s32 $0xFFFFC000  }
0x6c7: {  	v3 =	vld [tilespmem:$0x3B0];
	_ =	sdelay $0x4  }
0x6c8: {  	v59 =	vshll.u32 v3, $0x3  }
0x6c9: {  	v3 =	vand.u32 $0x7, v3;
	v4 =	vand.u32 $0xFFFFFFC0, v59  }
0x6ca: {  	v3 =	vor.u32 v3, v4  }
0x6cb: {  	v4 =	vperm.xlane v3, v0;
	_ =	sdelay $0x1  }
0x6cc: {  	v4 =	vadd.s32 v1, v4;
	_ =	sdelay $0x4  }
0x6cd: {  	[tilespmem:s8], [sflag:$0x6] =	stream.indirect_vreg.gather [hbm4b:s2+s3], $0x80, v4, vm0, $0xb8;
	[tilespmem:$0x18400] =	vst v63  }
0x6ce: {  	s12 =	simm.s32 $0x14C00;
	v3 =	vperm.xlane v3, v2  }
0x6cf: {  	[tilespmem:s12], [sflag:$0x6] =	stream.indirect_vreg.gather [hbm4b:s5+s3], $0x80, v4, vm0, $0xb8;
	[tilespmem:$0x18400] =	vst v63  }
0x6d0: {  	v3 =	vadd.s32 v1, v3;
	s8 =	simm.s32 $0x15400  }
0x6d1: {  	[tilespmem:s8], [sflag:$0x6] =	stream.indirect_vreg.gather [hbm4b:s6+s3], $0x80, v4, vm0, $0xb8;
	[tilespmem:$0x18400] =	vst v63  }
0x6d2: {  	s11 =	simm.s32 $0x15C00  }
0x6d3: {  	[tilespmem:s11], [sflag:$0x6] =	stream.indirect_vreg.gather [hbm4b:s7+s3], $0x80, v4, vm0, $0xb8;
	[tilespmem:$0x18400] =	vst v63  }
0x6d4: {  	s12 =	simm.s32 $0x16400  }
0x6d5: {  	[tilespmem:s12], [sflag:$0x6] =	stream.indirect_vreg.gather [hbm4b:s2+s3], $0x80, v3, vm0, $0xb8;
	[tilespmem:$0x18400] =	vst v63  }
0x6d6: {  	s8 =	simm.s32 $0x16C00  }
0x6d7: {  	[tilespmem:s8], [sflag:$0x6] =	stream.indirect_vreg.gather [hbm4b:s5+s3], $0x80, v3, vm0, $0xb8;
	[tilespmem:$0x18400] =	vst v63  }
0x6d8: {  	s11 =	simm.s32 $0x17400  }
0x6d9: {  	[tilespmem:s11], [sflag:$0x6] =	stream.indirect_vreg.gather [hbm4b:s6+s3], $0x80, v3, vm0, $0xb8;
	[tilespmem:$0x18400] =	vst v63  }
0x6da: {  	s12 =	simm.s32 $0x17C00  }
0x6db: {  	[tilespmem:s12], [sflag:$0x6] =	stream.indirect_vreg.gather [hbm4b:s7+s3], $0x80, v3, vm0, $0xb8;
	[tilespmem:$0x18400] =	vst v63  }
0x6dc: {  	_ =	swait.ge [sflag:s22], $0x4000  }
0x6dd: {  	s4 =	sld [smem:$0x7F4]  }
0x6de: {  	[sflag:s22] =	ssyncset.done $0x0  }
0x6df: {  	s8 =	simm.s32 $0x4400;
	[sflag:s22] =	ssyncadd.s32 $0xFFFFC000  }
0x6e0: {  	[hbm4b:s4+s3] =	stream.linear.scatter [tilespmem:s8], [sflag:$0x8], $0x4000, $0x38;
	[tilespmem:$0x18400] =	vst v63  }
0x6e1: {  	_ =	swait.ge [sflag:s23], $0x4000  }
0x6e2: {  	[sflag:s23] =	ssyncset.done $0x0  }
0x6e3: {  	[sflag:s23] =	ssyncadd.s32 $0xFFFFC000  }
0x6e4: {  	v3 =	vld [tilespmem:$0x3C0];
	_ =	sdelay $0x4  }
0x6e5: {  	v60 =	vshll.u32 v3, $0x3  }
0x6e6: {  	v3 =	vand.u32 $0x7, v3;
	v4 =	vand.u32 $0xFFFFFFC0, v60  }
0x6e7: {  	v3 =	vor.u32 v3, v4  }
0x6e8: {  	v4 =	vperm.xlane v3, v0;
	_ =	sdelay $0x1  }
0x6e9: {  	v4 =	vadd.s32 v1, v4;
	_ =	sdelay $0x4  }
0x6ea: {  	[tilespmem:s10], [sflag:$0x1] =	stream.indirect_vreg.gather [hbm4b:s2+s3], $0x80, v4, vm0, $0xb8;
	[tilespmem:$0x18400] =	vst v63  }
0x6eb: {  	s12 =	simm.s32 $0xC00;
	v3 =	vperm.xlane v3, v2  }
0x6ec: {  	[tilespmem:s12], [sflag:$0x1] =	stream.indirect_vreg.gather [hbm4b:s5+s3], $0x80, v4, vm0, $0xb8;
	[tilespmem:$0x18400] =	vst v63  }
0x6ed: {  	s11 =	simm.s32 $0x1400;
	v3 =	vadd.s32 v1, v3  }
0x6ee: {  	[tilespmem:s11], [sflag:$0x1] =	stream.indirect_vreg.gather [hbm4b:s6+s3], $0x80, v4, vm0, $0xb8;
	[tilespmem:$0x18400] =	vst v63  }
0x6ef: {  	s12 =	simm.s32 $0x1C00  }
0x6f0: {  	[tilespmem:s12], [sflag:$0x1] =	stream.indirect_vreg.gather [hbm4b:s7+s3], $0x80, v4, vm0, $0xb8;
	[tilespmem:$0x18400] =	vst v63  }
0x6f1: {  	s18 =	simm.s32 $0x2400  }
0x6f2: {  	[tilespmem:s18], [sflag:$0x1] =	stream.indirect_vreg.gather [hbm4b:s2+s3], $0x80, v3, vm0, $0xb8;
	[tilespmem:$0x18400] =	vst v63  }
0x6f3: {  	s11 =	simm.s32 $0x2C00  }
0x6f4: {  	[tilespmem:s11], [sflag:$0x1] =	stream.indirect_vreg.gather [hbm4b:s5+s3], $0x80, v3, vm0, $0xb8;
	[tilespmem:$0x18400] =	vst v63  }
0x6f5: {  	s12 =	simm.s32 $0x3400  }
0x6f6: {  	[tilespmem:s12], [sflag:$0x1] =	stream.indirect_vreg.gather [hbm4b:s6+s3], $0x80, v3, vm0, $0xb8;
	[tilespmem:$0x18400] =	vst v63  }
0x6f7: {  	s18 =	simm.s32 $0x3C00  }
0x6f8: {  	[tilespmem:s18], [sflag:$0x1] =	stream.indirect_vreg.gather [hbm4b:s7+s3], $0x80, v3, vm0, $0xb8;
	[tilespmem:$0x18400] =	vst v63  }
0x6f9: {  	_ =	swait.ge [sflag:s24], $0x4000  }
0x6fa: {  	s10 =	sld [smem:$0x7F5]  }
0x6fb: {  	[sflag:s24] =	ssyncset.done $0x0  }
0x6fc: {  	s12 =	simm.s32 $0x8400;
	[sflag:s24] =	ssyncadd.s32 $0xFFFFC000  }
0x6fd: {  	[hbm4b:s10+s3] =	stream.linear.scatter [tilespmem:s12], [sflag:$0x9], $0x4000, $0x38;
	[tilespmem:$0x18400] =	vst v63  }
0x6fe: {  	_ =	swait.ge [sflag:s25], $0x4000  }
0x6ff: {  	[sflag:s25] =	ssyncset.done $0x0  }
0x700: {  	[sflag:s25] =	ssyncadd.s32 $0xFFFFC000  }
0x701: {  	v3 =	vld [tilespmem:$0x3D0];
	_ =	sdelay $0x4  }
0x702: {  	v61 =	vshll.u32 v3, $0x3  }
0x703: {  	v3 =	vand.u32 $0x7, v3;
	v4 =	vand.u32 $0xFFFFFFC0, v61  }
0x704: {  	v3 =	vor.u32 v3, v4  }
0x705: {  	v4 =	vperm.xlane v3, v0;
	_ =	sdelay $0x1  }
0x706: {  	v4 =	vadd.s32 v1, v4;
	_ =	sdelay $0x4  }
0x707: {  	[tilespmem:s8], [sflag:$0x2] =	stream.indirect_vreg.gather [hbm4b:s2+s3], $0x80, v4, vm0, $0xb8;
	[tilespmem:$0x18400] =	vst v63  }
0x708: {  	s11 =	simm.s32 $0x4C00;
	v3 =	vperm.xlane v3, v2  }
0x709: {  	[tilespmem:s11], [sflag:$0x2] =	stream.indirect_vreg.gather [hbm4b:s5+s3], $0x80, v4, vm0, $0xb8;
	[tilespmem:$0x18400] =	vst v63  }
0x70a: {  	s18 =	simm.s32 $0x5400;
	v3 =	vadd.s32 v1, v3  }
0x70b: {  	[tilespmem:s18], [sflag:$0x2] =	stream.indirect_vreg.gather [hbm4b:s6+s3], $0x80, v4, vm0, $0xb8;
	[tilespmem:$0x18400] =	vst v63  }
0x70c: {  	s11 =	simm.s32 $0x5C00  }
0x70d: {  	[tilespmem:s11], [sflag:$0x2] =	stream.indirect_vreg.gather [hbm4b:s7+s3], $0x80, v4, vm0, $0xb8;
	[tilespmem:$0x18400] =	vst v63  }
0x70e: {  	s18 =	simm.s32 $0x6400  }
0x70f: {  	[tilespmem:s18], [sflag:$0x2] =	stream.indirect_vreg.gather [hbm4b:s2+s3], $0x80, v3, vm0, $0xb8;
	[tilespmem:$0x18400] =	vst v63  }
0x710: {  	s11 =	simm.s32 $0x6C00  }
0x711: {  	[tilespmem:s11], [sflag:$0x2] =	stream.indirect_vreg.gather [hbm4b:s5+s3], $0x80, v3, vm0, $0xb8;
	[tilespmem:$0x18400] =	vst v63  }
0x712: {  	s14 =	simm.s32 $0x7400  }
0x713: {  	[tilespmem:s14], [sflag:$0x2] =	stream.indirect_vreg.gather [hbm4b:s6+s3], $0x80, v3, vm0, $0xb8;
	[tilespmem:$0x18400] =	vst v63  }
0x714: {  	s18 =	simm.s32 $0x7C00  }
0x715: {  	[tilespmem:s18], [sflag:$0x2] =	stream.indirect_vreg.gather [hbm4b:s7+s3], $0x80, v3, vm0, $0xb8;
	[tilespmem:$0x18400] =	vst v63  }
0x716: {  	_ =	swait.ge [sflag:s28], $0x4000  }
0x717: {  	s8 =	sld [smem:$0x7F6]  }
0x718: {  	[sflag:s28] =	ssyncset.done $0x0  }
0x719: {  	s18 =	simm.s32 $0xC400;
	[sflag:s28] =	ssyncadd.s32 $0xFFFFC000  }
0x71a: {  	[hbm4b:s8+s3] =	stream.linear.scatter [tilespmem:s18], [sflag:$0xA], $0x4000, $0x38;
	[tilespmem:$0x18400] =	vst v63  }
0x71b: {  	_ =	swait.ge [sflag:s29], $0x4000  }
0x71c: {  	[sflag:s29] =	ssyncset.done $0x0  }
0x71d: {  	[sflag:s29] =	ssyncadd.s32 $0xFFFFC000  }
0x71e: {  	v3 =	vld [tilespmem:$0x3E0];
	_ =	sdelay $0x4  }
0x71f: {  	v62 =	vshll.u32 v3, $0x3  }
0x720: {  	v3 =	vand.u32 $0x7, v3;
	v4 =	vand.u32 $0xFFFFFFC0, v62  }
0x721: {  	v3 =	vor.u32 v3, v4  }
0x722: {  	v4 =	vperm.xlane v3, v0;
	_ =	sdelay $0x1  }
0x723: {  	v4 =	vadd.s32 v1, v4;
	_ =	sdelay $0x4  }
0x724: {  	[tilespmem:s12], [sflag:$0x3] =	stream.indirect_vreg.gather [hbm4b:s2+s3], $0x80, v4, vm0, $0xb8;
	[tilespmem:$0x18400] =	vst v63  }
0x725: {  	s14 =	simm.s32 $0x8C00;
	v3 =	vperm.xlane v3, v2  }
0x726: {  	[tilespmem:s14], [sflag:$0x3] =	stream.indirect_vreg.gather [hbm4b:s5+s3], $0x80, v4, vm0, $0xb8;
	[tilespmem:$0x18400] =	vst v63  }
0x727: {  	s11 =	simm.s32 $0x9400;
	v3 =	vadd.s32 v1, v3  }
0x728: {  	[tilespmem:s11], [sflag:$0x3] =	stream.indirect_vreg.gather [hbm4b:s6+s3], $0x80, v4, vm0, $0xb8;
	[tilespmem:$0x18400] =	vst v63  }
0x729: {  	s14 =	simm.s32 $0x9C00  }
0x72a: {  	[tilespmem:s14], [sflag:$0x3] =	stream.indirect_vreg.gather [hbm4b:s7+s3], $0x80, v4, vm0, $0xb8;
	[tilespmem:$0x18400] =	vst v63  }
0x72b: {  	s11 =	simm.s32 $0xA400  }
0x72c: {  	[tilespmem:s11], [sflag:$0x3] =	stream.indirect_vreg.gather [hbm4b:s2+s3], $0x80, v3, vm0, $0xb8;
	[tilespmem:$0x18400] =	vst v63  }
0x72d: {  	s14 =	simm.s32 $0xAC00  }
0x72e: {  	[tilespmem:s14], [sflag:$0x3] =	stream.indirect_vreg.gather [hbm4b:s5+s3], $0x80, v3, vm0, $0xb8;
	[tilespmem:$0x18400] =	vst v63  }
0x72f: {  	s11 =	simm.s32 $0xB400  }
0x730: {  	[tilespmem:s11], [sflag:$0x3] =	stream.indirect_vreg.gather [hbm4b:s6+s3], $0x80, v3, vm0, $0xb8;
	[tilespmem:$0x18400] =	vst v63  }
0x731: {  	s14 =	simm.s32 $0xBC00  }
0x732: {  	[tilespmem:s14], [sflag:$0x3] =	stream.indirect_vreg.gather [hbm4b:s7+s3], $0x80, v3, vm0, $0xb8;
	[tilespmem:$0x18400] =	vst v63  }
0x733: {  	_ =	swait.ge [sflag:s26], $0x4000  }
0x734: {  	s8 =	sld [smem:$0x7F7]  }
0x735: {  	[sflag:s26] =	ssyncset.done $0x0  }
0x736: {  	s13 =	simm.s32 $0x10400;
	[sflag:s26] =	ssyncadd.s32 $0xFFFFC000  }
0x737: {  	[hbm4b:s8+s3] =	stream.linear.scatter [tilespmem:s13], [sflag:$0xB], $0x4000, $0x38;
	[tilespmem:$0x18400] =	vst v63  }
0x738: {  	_ =	swait.ge [sflag:s31], $0x4000  }
0x739: {  	[sflag:s31] =	ssyncset.done $0x0  }
0x73a: {  	[sflag:s31] =	ssyncadd.s32 $0xFFFFC000  }
0x73b: {  	v3 =	vld [tilespmem:$0x3F0];
	_ =	sdelay $0x4  }
0x73c: {  	v63 =	vshll.u32 v3, $0x3  }
0x73d: {  	v3 =	vand.u32 $0x7, v3;
	v4 =	vand.u32 $0xFFFFFFC0, v63  }
0x73e: {  	v3 =	vor.u32 v3, v4  }
0x73f: {  	v4 =	vperm.xlane v3, v0;
	_ =	sdelay $0x1  }
0x740: {  	v4 =	vadd.s32 v1, v4;
	_ =	sdelay $0x4  }
0x741: {  	[tilespmem:s18], [sflag:$0x4] =	stream.indirect_vreg.gather [hbm4b:s2+s3], $0x80, v4, vm0, $0xb8;
	[tilespmem:$0x18400] =	vst v63  }
0x742: {  	s11 =	simm.s32 $0xCC00;
	v3 =	vperm.xlane v3, v2  }
0x743: {  	[tilespmem:s11], [sflag:$0x4] =	stream.indirect_vreg.gather [hbm4b:s5+s3], $0x80, v4, vm0, $0xb8;
	[tilespmem:$0x18400] =	vst v63  }
0x744: {  	s16 =	simm.s32 $0xD400;
	v3 =	vadd.s32 v1, v3  }
0x745: {  	[tilespmem:s16], [sflag:$0x4] =	stream.indirect_vreg.gather [hbm4b:s6+s3], $0x80, v4, vm0, $0xb8;
	[tilespmem:$0x18400] =	vst v63  }
0x746: {  	s13 =	simm.s32 $0xDC00  }
0x747: {  	[tilespmem:s13], [sflag:$0x4] =	stream.indirect_vreg.gather [hbm4b:s7+s3], $0x80, v4, vm0, $0xb8;
	[tilespmem:$0x18400] =	vst v63  }
0x748: {  	s30 =	simm.s32 $0xE400  }
0x749: {  	[tilespmem:s30], [sflag:$0x4] =	stream.indirect_vreg.gather [hbm4b:s2+s3], $0x80, v3, vm0, $0xb8;
	[tilespmem:$0x18400] =	vst v63  }
0x74a: {  	s17 =	simm.s32 $0xEC00  }
0x74b: {  	[tilespmem:s17], [sflag:$0x4] =	stream.indirect_vreg.gather [hbm4b:s5+s3], $0x80, v3, vm0, $0xb8;
	[tilespmem:$0x18400] =	vst v63  }
0x74c: {  	s19 =	simm.s32 $0xF400  }
0x74d: {  	[tilespmem:s19], [sflag:$0x4] =	stream.indirect_vreg.gather [hbm4b:s6+s3], $0x80, v3, vm0, $0xb8;
	[tilespmem:$0x18400] =	vst v63  }
0x74e: {  	s21 =	simm.s32 $0xFC00  }
0x74f: {  	[tilespmem:s21], [sflag:$0x4] =	stream.indirect_vreg.gather [hbm4b:s7+s3], $0x80, v3, vm0, $0xb8;
	[tilespmem:$0x18400] =	vst v63  }
0x750: {  	s14 =	sld [smem:$0x7D8];
	_ =	swait.ge [sflag:s1], $0x4000  }
0x751: {  	s16 =	sld [smem:$0x7F8]  }
0x752: {  	[sflag:s1] =	ssyncset.done $0x0  }
0x753: {  	s15 =	simm.s32 $0x14400;
	[sflag:s1] =	ssyncadd.s32 $0xFFFFC000  }
0x754: {  	[hbm4b:s16+s3] =	stream.linear.scatter [tilespmem:s15], [sflag:$0xC], $0x4000, $0x38;
	[tilespmem:$0x18400] =	vst v63  }
0x755: {  	_ =	swait.ge [sflag:s20], $0x4000  }
0x756: {  	s17 =	sld [smem:$0x7F9]  }
0x757: {  	[sflag:s20] =	ssyncset.done $0x0  }
0x758: {  	s4 =	simm.s32 $0x400;
	[sflag:s20] =	ssyncadd.s32 $0xFFFFC000  }
0x759: {  	[hbm4b:s17+s3] =	stream.linear.scatter [tilespmem:s4], [sflag:$0x7], $0x4000, $0x38;
	[tilespmem:$0x18400] =	vst v63  }
0x75a: {  	_ =	swait.ge [sflag:s22], $0x4000  }
0x75b: {  	s19 =	sld [smem:$0x7FA]  }
0x75c: {  	[sflag:s22] =	ssyncset.done $0x0  }
0x75d: {  	s10 =	simm.s32 $0x4400;
	[sflag:s22] =	ssyncadd.s32 $0xFFFFC000  }
0x75e: {  	[hbm4b:s19+s3] =	stream.linear.scatter [tilespmem:s10], [sflag:$0x8], $0x4000, $0x38;
	[tilespmem:$0x18400] =	vst v63  }
0x75f: {  	_ =	swait.ge [sflag:s24], $0x4000  }
0x760: {  	s21 =	sld [smem:$0x7FB]  }
0x761: {  	[sflag:s24] =	ssyncset.done $0x0  }
0x762: {  	s12 =	simm.s32 $0x8400;
	[sflag:s24] =	ssyncadd.s32 $0xFFFFC000  }
0x763: {  	[hbm4b:s21+s3] =	stream.linear.scatter [tilespmem:s12], [sflag:$0x9], $0x4000, $0x38;
	[tilespmem:$0x18400] =	vst v63  }
0x764: {  	_ =	swait.ge [sflag:s28], $0x4000  }
0x765: {  	s30 =	sld [smem:$0x7FD]  }
0x766: {  	[sflag:s28] =	ssyncset.done $0x0  }
0x767: {  	[sflag:s28] =	ssyncadd.s32 $0xFFFFC000  }
0x768: {  	[hbm4b:s30+s3] =	stream.linear.scatter [tilespmem:s18], [sflag:$0xA], $0x4000, $0x38;
	[tilespmem:$0x18400] =	vst v63  }
0x769: {  	_ =	swait.ge [sflag:s0], $0x4000  }
0x76a: {  	[sflag:s0] =	ssyncset.done $0x0  }
0x76b: {  	[sflag:s0] =	ssyncadd.s32 $0xFFFFC000  }
0x76c: {  	_ =	swait.ge [sflag:s9], $0x4000  }
0x76d: {  	[sflag:s9] =	ssyncset.done $0x0  }
0x76e: {  	[sflag:s9] =	ssyncadd.s32 $0xFFFFC000  }
0x76f: {  	_ =	swait.ge [sflag:s23], $0x4000  }
0x770: {  	[sflag:s23] =	ssyncset.done $0x0  }
0x771: {  	[sflag:s23] =	ssyncadd.s32 $0xFFFFC000  }
0x772: {  	_ =	swait.ge [sflag:s25], $0x4000  }
0x773: {  	[sflag:s25] =	ssyncset.done $0x0  }
0x774: {  	[sflag:s25] =	ssyncadd.s32 $0xFFFFC000  }
0x775: {  	p0 =	sne.s32 s14, $0x1;
	_ =	swait.ge [sflag:s29], $0x4000  }
.Ltmp0:
0x776: {  	[sflag:s29] =	ssyncset.done $0x0;
	(pc) =	sbr.rel @p0 .LBB2_1-.Ltmp0, $4  }
0x777: {  	[sflag:s29] =	ssyncadd.s32 $0xFFFFC000  }
0x778: {  	_ =	swait.ge [sflag:s31], $0x4000  }
0x779: {  	[sflag:s31] =	ssyncset.done $0x0  }
0x77a: {  	s8 =	sadd.s32 $0xFFFFFFFF, s14;
	[sflag:s31] =	ssyncadd.s32 $0xFFFFC000  }
0x77b: {  	_ =	sfence.sel $0x180000  }
0x77c: {  	[bflag:$0x0] =	sbarrier.arrive $0xFFFF  }
0x77d: {  	_ =	strace $0x90000047  }
0x77e: {  	s0 =	stileid.u32;
	[bflag:$0x2] =	sbarrier.arrive $0xFFFF  }
0x77f: {  	p0 =	sne.s32 s0, $0x0;
	s0 =	rddreg [dreg:$0x3]  }
0x780: {  	s0 =	sadd.s32 @!p0 $0x100000, s0  }
0x781: {  	[sflag:s0] =	ssyncadd.tile.s32 @!p0 $0x1;
	_ =	shalt  }
.Lfunc_end2:
_tile_overlayer_lowered:
.L_overlay_start_2:
0x782: {  	(tag) =	ssettag $0x2  }
0x783: {  	s0 =	rddreg [dreg:$0x0];
	s2 =	stileid.u32  }
0x784: {  	s1 =	rddreg [dreg:$0x1];
	p0 =	sne.s32 s2, $0x0  }
0x785: {  	s3 =	rddreg [dreg:$0x2];
	[bflag:$0x3] =	sbarrier.arrive $0xFFFF;
	s2 =	simm.s32 @!p0 $0x1C0D  }
0x786: {  	[timem:s3], [sflag:s2] =	dma.local @!p0 [hbm:s0], s1  }
0x787: {  	s0 =	simm.s32 @!p0 $0xD  }
0x788: {  	_ =	swait.ge @!p0 [sflag:s0], s1  }
0x789: {  	s1 =	ssub.s32 @!p0 $0x0, s1;
	[sflag:s0] =	ssyncset.done @!p0 $0x0  }
0x78a: {  	[sflag:s0] =	ssyncadd.s32 @!p0 s1  }
0x78b: {  	[bflag:$0x3] =	sbarrier.arrive $0xFFFF  }
0x78c: {  	_ =	shalt  }

</sc_bundles>
